<compile_context>
chip_gen: v7x
topology: tpu7x:2x2x1
jax: 0.10.2.dev20260603
libtpu: 0.0.44.dev20260713+nightly
codegen_flags: <defaults>
</compile_context>

<pallas_src>
import functools

import jax
import jax.numpy as jnp
from jax import lax
from jax.experimental import pallas as pl
from jax.experimental.pallas import tpu as pltpu
from jax.experimental.pallas import tpu_sc as plsc

_LANES = 16


def _perm(vec, idx):
    return lax.gather(
        vec,
        idx.reshape(_LANES, 1),
        lax.GatherDimensionNumbers(
            offset_dims=(), collapsed_slice_dims=(0,), start_index_map=(0,)
        ),
        (1,),
        mode=lax.GatherScatterMode.PROMISE_IN_BOUNDS,
    )


def _bcast_lane(vec, k):
    return _perm(vec, jnp.full((_LANES,), k, jnp.int32))


def _allreduce_sum(vec, lane):
    for shift in (1, 2, 4, 8):
        vec = vec + _perm(vec, jnp.bitwise_xor(lane, shift))
    return vec


def _rsqrt_newton(x):
    i = plsc.bitcast(x, jnp.int32)
    y = plsc.bitcast(jnp.int32(0x5F3759DF) - (i >> 1), jnp.float32)
    for _ in range(3):
        y = y * (1.5 - 0.5 * x * y * y)
    return y


def kernel(indices, table, W, b):
    batch = indices.shape[0]
    vocab, d = table.shape
    info = plsc.get_sparse_core_info()
    nc, ns = info.num_cores, info.num_subcores
    nw = nc * ns
    bpw = batch // nw
    ngroups = bpw // _LANES

    tab_flat = table.reshape(vocab * d)
    w_flat = W.reshape(d * d)

    mesh = plsc.VectorSubcoreMesh(core_axis_name="c", subcore_axis_name="s")

    @functools.partial(
        pl.kernel,
        mesh=mesh,
        compiler_params=pltpu.CompilerParams(needs_layout_passes=False),
        out_type=jax.ShapeDtypeStruct((batch, d), jnp.float32),
        scratch_types=[
            pltpu.VMEM((vocab * d,), jnp.float32),
            pltpu.VMEM((d * d,), jnp.float32),
            pltpu.VMEM((d,), jnp.float32),
            pltpu.VMEM((vocab * d,), jnp.float32),
            pltpu.VMEM((bpw,), jnp.int32),
            pltpu.VMEM((bpw, d), jnp.float32),
        ],
    )
    def _enc(tab_hbm, w_hbm, b_hbm, idx_hbm, out_hbm,
             tabin_v, w_v, b_v, tab_v, idx_w, rows_v):
        wid = lax.axis_index("s") * nc + lax.axis_index("c")
        pltpu.sync_copy(tab_hbm, tabin_v)
        pltpu.sync_copy(w_hbm, w_v)
        pltpu.sync_copy(b_hbm, b_v)
        pltpu.sync_copy(idx_hbm.at[pl.ds(wid * bpw, bpw)], idx_w)

        lane = lax.iota(jnp.int32, _LANES)
        w_rows = [w_v[pl.ds(dd * d, d)] for dd in range(d)]
        wcols = []
        for k in range(d):
            col = jnp.zeros((_LANES,), jnp.float32)
            for dd in range(d):
                col = jnp.where(lane == dd, _bcast_lane(w_rows[dd], k), col)
            wcols.append(col)
        bvec = b_v[...]

        @plsc.parallel_loop(0, vocab, 1, unroll=2)
        def _fuse_body(v):
            off = pl.multiple_of(v * d, d)
            row = tabin_v[pl.ds(off, d)]
            acc = bvec
            for k in range(d):
                acc = acc + _bcast_lane(row, k) * wcols[k]
            tot = jnp.maximum(_allreduce_sum(acc * acc, lane), 1e-24)
            tab_v[pl.ds(off, d)] = acc * _rsqrt_newton(tot)

        @plsc.parallel_loop(0, ngroups, 1, unroll=4)
        def _gather_body(g):
            base = pl.multiple_of(g * _LANES, _LANES)
            ridx = idx_w[pl.ds(base, _LANES)]
            src_base = ridx * d
            dst_row = base + lane
            cols = [plsc.load_gather(tab_v, [src_base + dcol]) for dcol in range(d)]
            for dcol in range(d):
                plsc.store_scatter(
                    rows_v,
                    [dst_row, jnp.full((_LANES,), dcol, jnp.int32)],
                    cols[dcol],
                )
        pltpu.sync_copy(rows_v, out_hbm.at[pl.ds(wid * bpw, bpw)])

    return _enc(tab_flat, w_flat, b, indices)

# --- scband reference (transcript-rebuilt; emitter-appended) ---
"""Pipeline reference for scband-simple-text-encoder-438086664418 (READ-ONLY COPY).

The authoritative reference and input builder live on the scoring server;
editing this copy changes nothing except your own understanding.
"""

import jax, jax.numpy as jnp
import numpy as np

VOCAB = 20
EMBED_DIM = 16
BATCH = 16384


def setup_inputs(seed: int = 0) -> dict:
    key = jax.random.key(seed)
    k1, k2, k3, k4 = jax.random.split(key, 4)
    # forward arg: token indices (harness passes pre-tokenized indices in place of text strings)
    indices = jax.random.randint(k1, (BATCH,), 0, VOCAB, dtype=jnp.int32)
    # learned parameters
    table = jax.random.normal(k2, (VOCAB, EMBED_DIM), dtype=jnp.float32)
    # nn.Linear(embedding_dim, embedding_dim): weight [out, in], bias [out]
    bound = 1.0 / np.sqrt(EMBED_DIM)
    W = jax.random.uniform(k3, (EMBED_DIM, EMBED_DIM), dtype=jnp.float32, minval=-bound, maxval=bound)
    b = jax.random.uniform(k4, (EMBED_DIM,), dtype=jnp.float32, minval=-bound, maxval=bound)
    return {"indices": indices, "table": table, "W": W, "b": b}


def reference(indices, table, W, b):
    # embedding lookup (gather)
    emb = jnp.take(table, indices, axis=0)           # [B, D]
    # fc layer
    out = emb @ W.T + b                               # [B, D]
    # F.normalize(out, p=2, dim=1), torch eps=1e-12
    norm = jnp.linalg.norm(out, ord=2, axis=1, keepdims=True)
    out = out / jnp.maximum(norm, 1e-12)
    return out

if __name__ == "__main__":
    import jax
    _d = setup_inputs()
    print(jax.jit(kernel)(*tuple(_d.values())))

</pallas_src>

<mosaic_0001>
#map = affine_map<(d0, d1) -> (0)>
#map1 = affine_map<(d0, d1) -> (0, 0)>
module attributes {stable_mosaic.version = 14 : i64} {
  func.func @_enc(%arg0: i32, %arg1: i32, %arg2: memref<320xf32, #tpu.memory_space<hbm>>, %arg3: memref<256xf32, #tpu.memory_space<hbm>>, %arg4: memref<16xf32, #tpu.memory_space<hbm>>, %arg5: memref<16384xi32, #tpu.memory_space<hbm>>, %arg6: memref<16384x16xf32, #tpu.memory_space<hbm>>, %arg7: memref<320xf32, #tpu.memory_space<vmem>>, %arg8: memref<256xf32, #tpu.memory_space<vmem>>, %arg9: memref<16xf32, #tpu.memory_space<vmem>>, %arg10: memref<320xf32, #tpu.memory_space<vmem>>, %arg11: memref<512xi32, #tpu.memory_space<vmem>>, %arg12: memref<512x16xf32, #tpu.memory_space<vmem>>) attributes {dimension_semantics = [#tpu.dimension_semantics<core_parallel>, #tpu.dimension_semantics<subcore_parallel>], iteration_bounds = array<i64: 2, 16>, scalar_prefetch = 0 : i64, scratch_operands = 6 : i64, tpu.core_type = #tpu.core_type<sc_vector_subcore>, window_params = [{transform_indices = #map}, {transform_indices = #map}, {transform_indices = #map}, {transform_indices = #map}, {transform_indices = #map1}]} {
    %mul3A = arith.constant 2 : i32
    %mul3A_0 = arith.muli %arg1, %mul3A : i32
    %add3A = arith.addi %mul3A_0, %arg0 : i32
    "tpu.region"() ({
      %run_scoped3A = tpu.sem_alloc : memref<!tpu.dma_semaphore, #tpu.memory_space<semaphore_mem>>
      tpu.enqueue_dma source(%arg2 : memref<320xf32, #tpu.memory_space<hbm>>) target(%arg7 : memref<320xf32, #tpu.memory_space<vmem>>) target_semaphore(%run_scoped3A : memref<!tpu.dma_semaphore, #tpu.memory_space<semaphore_mem>>)
      tpu.wait_dma2 semaphore(%run_scoped3A : memref<!tpu.dma_semaphore, #tpu.memory_space<semaphore_mem>>) src(%arg2 : memref<320xf32, #tpu.memory_space<hbm>>) dst(%arg7 : memref<320xf32, #tpu.memory_space<vmem>>)
      tpu.yield
    }) : () -> ()
    "tpu.region"() ({
      %run_scoped3A = tpu.sem_alloc : memref<!tpu.dma_semaphore, #tpu.memory_space<semaphore_mem>>
      tpu.enqueue_dma source(%arg3 : memref<256xf32, #tpu.memory_space<hbm>>) target(%arg8 : memref<256xf32, #tpu.memory_space<vmem>>) target_semaphore(%run_scoped3A : memref<!tpu.dma_semaphore, #tpu.memory_space<semaphore_mem>>)
      tpu.wait_dma2 semaphore(%run_scoped3A : memref<!tpu.dma_semaphore, #tpu.memory_space<semaphore_mem>>) src(%arg3 : memref<256xf32, #tpu.memory_space<hbm>>) dst(%arg8 : memref<256xf32, #tpu.memory_space<vmem>>)
      tpu.yield
    }) : () -> ()
    "tpu.region"() ({
      %run_scoped3A = tpu.sem_alloc : memref<!tpu.dma_semaphore, #tpu.memory_space<semaphore_mem>>
      tpu.enqueue_dma source(%arg4 : memref<16xf32, #tpu.memory_space<hbm>>) target(%arg9 : memref<16xf32, #tpu.memory_space<vmem>>) target_semaphore(%run_scoped3A : memref<!tpu.dma_semaphore, #tpu.memory_space<semaphore_mem>>)
      tpu.wait_dma2 semaphore(%run_scoped3A : memref<!tpu.dma_semaphore, #tpu.memory_space<semaphore_mem>>) src(%arg4 : memref<16xf32, #tpu.memory_space<hbm>>) dst(%arg9 : memref<16xf32, #tpu.memory_space<vmem>>)
      tpu.yield
    }) : () -> ()
    %mul3A_1 = arith.constant 512 : i32
    %mul3A_2 = arith.muli %add3A, %mul3A_1 : i32
    "tpu.region"() ({
      %run_scoped3A = tpu.sem_alloc : memref<!tpu.dma_semaphore, #tpu.memory_space<semaphore_mem>>
      %dma_start3A = tpu.memref_slice %arg5[%mul3A_2] : memref<16384xi32, #tpu.memory_space<hbm>> -> memref<512xi32, #tpu.memory_space<hbm>>
      %dma_start3A_2374 = tpu.memref_slice %arg5[%mul3A_2] : memref<16384xi32, #tpu.memory_space<hbm>> -> memref<512xi32, #tpu.memory_space<hbm>>
      tpu.enqueue_dma source(%dma_start3A_2374 : memref<512xi32, #tpu.memory_space<hbm>>) target(%arg11 : memref<512xi32, #tpu.memory_space<vmem>>) target_semaphore(%run_scoped3A : memref<!tpu.dma_semaphore, #tpu.memory_space<semaphore_mem>>)
      %dma_wait3A = tpu.memref_slice %arg5[%mul3A_2] : memref<16384xi32, #tpu.memory_space<hbm>> -> memref<512xi32, #tpu.memory_space<hbm>>
      %dma_wait3A_2375 = tpu.memref_slice %arg5[%mul3A_2] : memref<16384xi32, #tpu.memory_space<hbm>> -> memref<512xi32, #tpu.memory_space<hbm>>
      tpu.wait_dma2 semaphore(%run_scoped3A : memref<!tpu.dma_semaphore, #tpu.memory_space<semaphore_mem>>) src(%dma_wait3A_2375 : memref<512xi32, #tpu.memory_space<hbm>>) dst(%arg11 : memref<512xi32, #tpu.memory_space<vmem>>)
      tpu.yield
    }) : () -> ()
    %iota3A = tpu.iota {dimensions = array<i32: 0>} : vector<16xi32>
    %get3A = arith.constant 0 : index
    %get3A_3 = tpu.vector_load %arg8[%get3A] {strides = array<i32>} : memref<256xf32, #tpu.memory_space<vmem>>, vector<16xf32>,
    %get3A_4 = arith.constant 16 : index
    %get3A_5 = tpu.vector_load %arg8[%get3A_4] {strides = array<i32>} : memref<256xf32, #tpu.memory_space<vmem>>, vector<16xf32>,
    %get3A_6 = arith.constant 32 : index
    %get3A_7 = tpu.vector_load %arg8[%get3A_6] {strides = array<i32>} : memref<256xf32, #tpu.memory_space<vmem>>, vector<16xf32>,
    %get3A_8 = arith.constant 48 : index
    %get3A_9 = tpu.vector_load %arg8[%get3A_8] {strides = array<i32>} : memref<256xf32, #tpu.memory_space<vmem>>, vector<16xf32>,
    %get3A_10 = arith.constant 64 : index
    %get3A_11 = tpu.vector_load %arg8[%get3A_10] {strides = array<i32>} : memref<256xf32, #tpu.memory_space<vmem>>, vector<16xf32>,
    %get3A_12 = arith.constant 80 : index
    %get3A_13 = tpu.vector_load %arg8[%get3A_12] {strides = array<i32>} : memref<256xf32, #tpu.memory_space<vmem>>, vector<16xf32>,
    %get3A_14 = arith.constant 96 : index
    %get3A_15 = tpu.vector_load %arg8[%get3A_14] {strides = array<i32>} : memref<256xf32, #tpu.memory_space<vmem>>, vector<16xf32>,
    %get3A_16 = arith.constant 112 : index
    %get3A_17 = tpu.vector_load %arg8[%get3A_16] {strides = array<i32>} : memref<256xf32, #tpu.memory_space<vmem>>, vector<16xf32>,
    %get3A_18 = arith.constant 128 : index
    %get3A_19 = tpu.vector_load %arg8[%get3A_18] {strides = array<i32>} : memref<256xf32, #tpu.memory_space<vmem>>, vector<16xf32>,
    %get3A_20 = arith.constant 144 : index
    %get3A_21 = tpu.vector_load %arg8[%get3A_20] {strides = array<i32>} : memref<256xf32, #tpu.memory_space<vmem>>, vector<16xf32>,
    %get3A_22 = arith.constant 160 : index
    %get3A_23 = tpu.vector_load %arg8[%get3A_22] {strides = array<i32>} : memref<256xf32, #tpu.memory_space<vmem>>, vector<16xf32>,
    %get3A_24 = arith.constant 176 : index
    %get3A_25 = tpu.vector_load %arg8[%get3A_24] {strides = array<i32>} : memref<256xf32, #tpu.memory_space<vmem>>, vector<16xf32>,
    %get3A_26 = arith.constant 192 : index
    %get3A_27 = tpu.vector_load %arg8[%get3A_26] {strides = array<i32>} : memref<256xf32, #tpu.memory_space<vmem>>, vector<16xf32>,
    %get3A_28 = arith.constant 208 : index
    %get3A_29 = tpu.vector_load %arg8[%get3A_28] {strides = array<i32>} : memref<256xf32, #tpu.memory_space<vmem>>, vector<16xf32>,
    %get3A_30 = arith.constant 224 : index
    %get3A_31 = tpu.vector_load %arg8[%get3A_30] {strides = array<i32>} : memref<256xf32, #tpu.memory_space<vmem>>, vector<16xf32>,
    %get3A_32 = arith.constant 240 : index
    %get3A_33 = tpu.vector_load %arg8[%get3A_32] {strides = array<i32>} : memref<256xf32, #tpu.memory_space<vmem>>, vector<16xf32>,
    %broadcast_in_dim3A = arith.constant 0.000000e+00 : f32
    %broadcast_in_dim3A_34 = vector.broadcast %broadcast_in_dim3A : f32 to vector<16xf32>
    %eq3A = arith.constant 0 : i32
    %eq3A_35 = vector.broadcast %eq3A : i32 to vector<16xi32>
    %eq3A_36 = arith.cmpi eq, %iota3A, %eq3A_35 : vector<16xi32>
    %broadcast_in_dim3A_37 = arith.constant 0 : i32
    %broadcast_in_dim3A_38 = vector.broadcast %broadcast_in_dim3A_37 : i32 to vector<16xi32>
    %reshape3A = vector.shape_cast %broadcast_in_dim3A_38 : vector<16xi32> to vector<16x1xi32>
    %gather3A = vector.shape_cast %reshape3A : vector<16x1xi32> to vector<16xi32>
    %gather3A_39 = tpu.dynamic_gather %get3A_3[%gather3A] in [0] : vector<16xf32>, vector<16xi32> -> vector<16xf32>
    %select_n3A = arith.select %eq3A_36, %gather3A_39, %broadcast_in_dim3A_34 : vector<16xi1>, vector<16xf32>
    %eq3A_40 = arith.constant 1 : i32
    %eq3A_41 = vector.broadcast %eq3A_40 : i32 to vector<16xi32>
    %eq3A_42 = arith.cmpi eq, %iota3A, %eq3A_41 : vector<16xi32>
    %broadcast_in_dim3A_43 = arith.constant 0 : i32
    %broadcast_in_dim3A_44 = vector.broadcast %broadcast_in_dim3A_43 : i32 to vector<16xi32>
    %reshape3A_45 = vector.shape_cast %broadcast_in_dim3A_44 : vector<16xi32> to vector<16x1xi32>
    %gather3A_46 = vector.shape_cast %reshape3A_45 : vector<16x1xi32> to vector<16xi32>
    %gather3A_47 = tpu.dynamic_gather %get3A_5[%gather3A_46] in [0] : vector<16xf32>, vector<16xi32> -> vector<16xf32>
    %select_n3A_48 = arith.select %eq3A_42, %gather3A_47, %select_n3A : vector<16xi1>, vector<16xf32>
    %eq3A_49 = arith.constant 2 : i32
    %eq3A_50 = vector.broadcast %eq3A_49 : i32 to vector<16xi32>
    %eq3A_51 = arith.cmpi eq, %iota3A, %eq3A_50 : vector<16xi32>
    %broadcast_in_dim3A_52 = arith.constant 0 : i32
    %broadcast_in_dim3A_53 = vector.broadcast %broadcast_in_dim3A_52 : i32 to vector<16xi32>
    %reshape3A_54 = vector.shape_cast %broadcast_in_dim3A_53 : vector<16xi32> to vector<16x1xi32>
    %gather3A_55 = vector.shape_cast %reshape3A_54 : vector<16x1xi32> to vector<16xi32>
    %gather3A_56 = tpu.dynamic_gather %get3A_7[%gather3A_55] in [0] : vector<16xf32>, vector<16xi32> -> vector<16xf32>
    %select_n3A_57 = arith.select %eq3A_51, %gather3A_56, %select_n3A_48 : vector<16xi1>, vector<16xf32>
    %eq3A_58 = arith.constant 3 : i32
    %eq3A_59 = vector.broadcast %eq3A_58 : i32 to vector<16xi32>
    %eq3A_60 = arith.cmpi eq, %iota3A, %eq3A_59 : vector<16xi32>
    %broadcast_in_dim3A_61 = arith.constant 0 : i32
    %broadcast_in_dim3A_62 = vector.broadcast %broadcast_in_dim3A_61 : i32 to vector<16xi32>
    %reshape3A_63 = vector.shape_cast %broadcast_in_dim3A_62 : vector<16xi32> to vector<16x1xi32>
    %gather3A_64 = vector.shape_cast %reshape3A_63 : vector<16x1xi32> to vector<16xi32>
    %gather3A_65 = tpu.dynamic_gather %get3A_9[%gather3A_64] in [0] : vector<16xf32>, vector<16xi32> -> vector<16xf32>
    %select_n3A_66 = arith.select %eq3A_60, %gather3A_65, %select_n3A_57 : vector<16xi1>, vector<16xf32>
    %eq3A_67 = arith.constant 4 : i32
    %eq3A_68 = vector.broadcast %eq3A_67 : i32 to vector<16xi32>
    %eq3A_69 = arith.cmpi eq, %iota3A, %eq3A_68 : vector<16xi32>
    %broadcast_in_dim3A_70 = arith.constant 0 : i32
    %broadcast_in_dim3A_71 = vector.broadcast %broadcast_in_dim3A_70 : i32 to vector<16xi32>
    %reshape3A_72 = vector.shape_cast %broadcast_in_dim3A_71 : vector<16xi32> to vector<16x1xi32>
    %gather3A_73 = vector.shape_cast %reshape3A_72 : vector<16x1xi32> to vector<16xi32>
    %gather3A_74 = tpu.dynamic_gather %get3A_11[%gather3A_73] in [0] : vector<16xf32>, vector<16xi32> -> vector<16xf32>
    %select_n3A_75 = arith.select %eq3A_69, %gather3A_74, %select_n3A_66 : vector<16xi1>, vector<16xf32>
    %eq3A_76 = arith.constant 5 : i32
    %eq3A_77 = vector.broadcast %eq3A_76 : i32 to vector<16xi32>
    %eq3A_78 = arith.cmpi eq, %iota3A, %eq3A_77 : vector<16xi32>
    %broadcast_in_dim3A_79 = arith.constant 0 : i32
    %broadcast_in_dim3A_80 = vector.broadcast %broadcast_in_dim3A_79 : i32 to vector<16xi32>
    %reshape3A_81 = vector.shape_cast %broadcast_in_dim3A_80 : vector<16xi32> to vector<16x1xi32>
    %gather3A_82 = vector.shape_cast %reshape3A_81 : vector<16x1xi32> to vector<16xi32>
    %gather3A_83 = tpu.dynamic_gather %get3A_13[%gather3A_82] in [0] : vector<16xf32>, vector<16xi32> -> vector<16xf32>
    %select_n3A_84 = arith.select %eq3A_78, %gather3A_83, %select_n3A_75 : vector<16xi1>, vector<16xf32>
    %eq3A_85 = arith.constant 6 : i32
    %eq3A_86 = vector.broadcast %eq3A_85 : i32 to vector<16xi32>
    %eq3A_87 = arith.cmpi eq, %iota3A, %eq3A_86 : vector<16xi32>
    %broadcast_in_dim3A_88 = arith.constant 0 : i32
    %broadcast_in_dim3A_89 = vector.broadcast %broadcast_in_dim3A_88 : i32 to vector<16xi32>
    %reshape3A_90 = vector.shape_cast %broadcast_in_dim3A_89 : vector<16xi32> to vector<16x1xi32>
    %gather3A_91 = vector.shape_cast %reshape3A_90 : vector<16x1xi32> to vector<16xi32>
    %gather3A_92 = tpu.dynamic_gather %get3A_15[%gather3A_91] in [0] : vector<16xf32>, vector<16xi32> -> vector<16xf32>
    %select_n3A_93 = arith.select %eq3A_87, %gather3A_92, %select_n3A_84 : vector<16xi1>, vector<16xf32>
    %eq3A_94 = arith.constant 7 : i32
    %eq3A_95 = vector.broadcast %eq3A_94 : i32 to vector<16xi32>
    %eq3A_96 = arith.cmpi eq, %iota3A, %eq3A_95 : vector<16xi32>
    %broadcast_in_dim3A_97 = arith.constant 0 : i32
    %broadcast_in_dim3A_98 = vector.broadcast %broadcast_in_dim3A_97 : i32 to vector<16xi32>
    %reshape3A_99 = vector.shape_cast %broadcast_in_dim3A_98 : vector<16xi32> to vector<16x1xi32>
    %gather3A_100 = vector.shape_cast %reshape3A_99 : vector<16x1xi32> to vector<16xi32>
    %gather3A_101 = tpu.dynamic_gather %get3A_17[%gather3A_100] in [0] : vector<16xf32>, vector<16xi32> -> vector<16xf32>
    %select_n3A_102 = arith.select %eq3A_96, %gather3A_101, %select_n3A_93 : vector<16xi1>, vector<16xf32>
    %eq3A_103 = arith.constant 8 : i32
    %eq3A_104 = vector.broadcast %eq3A_103 : i32 to vector<16xi32>
    %eq3A_105 = arith.cmpi eq, %iota3A, %eq3A_104 : vector<16xi32>
    %broadcast_in_dim3A_106 = arith.constant 0 : i32
    %broadcast_in_dim3A_107 = vector.broadcast %broadcast_in_dim3A_106 : i32 to vector<16xi32>
    %reshape3A_108 = vector.shape_cast %broadcast_in_dim3A_107 : vector<16xi32> to vector<16x1xi32>
    %gather3A_109 = vector.shape_cast %reshape3A_108 : vector<16x1xi32> to vector<16xi32>
    %gather3A_110 = tpu.dynamic_gather %get3A_19[%gather3A_109] in [0] : vector<16xf32>, vector<16xi32> -> vector<16xf32>
    %select_n3A_111 = arith.select %eq3A_105, %gather3A_110, %select_n3A_102 : vector<16xi1>, vector<16xf32>
    %eq3A_112 = arith.constant 9 : i32
    %eq3A_113 = vector.broadcast %eq3A_112 : i32 to vector<16xi32>
    %eq3A_114 = arith.cmpi eq, %iota3A, %eq3A_113 : vector<16xi32>
    %broadcast_in_dim3A_115 = arith.constant 0 : i32
    %broadcast_in_dim3A_116 = vector.broadcast %broadcast_in_dim3A_115 : i32 to vector<16xi32>
    %reshape3A_117 = vector.shape_cast %broadcast_in_dim3A_116 : vector<16xi32> to vector<16x1xi32>
    %gather3A_118 = vector.shape_cast %reshape3A_117 : vector<16x1xi32> to vector<16xi32>
    %gather3A_119 = tpu.dynamic_gather %get3A_21[%gather3A_118] in [0] : vector<16xf32>, vector<16xi32> -> vector<16xf32>
    %select_n3A_120 = arith.select %eq3A_114, %gather3A_119, %select_n3A_111 : vector<16xi1>, vector<16xf32>
    %eq3A_121 = arith.constant 10 : i32
    %eq3A_122 = vector.broadcast %eq3A_121 : i32 to vector<16xi32>
    %eq3A_123 = arith.cmpi eq, %iota3A, %eq3A_122 : vector<16xi32>
    %broadcast_in_dim3A_124 = arith.constant 0 : i32
    %broadcast_in_dim3A_125 = vector.broadcast %broadcast_in_dim3A_124 : i32 to vector<16xi32>
    %reshape3A_126 = vector.shape_cast %broadcast_in_dim3A_125 : vector<16xi32> to vector<16x1xi32>
    %gather3A_127 = vector.shape_cast %reshape3A_126 : vector<16x1xi32> to vector<16xi32>
    %gather3A_128 = tpu.dynamic_gather %get3A_23[%gather3A_127] in [0] : vector<16xf32>, vector<16xi32> -> vector<16xf32>
    %select_n3A_129 = arith.select %eq3A_123, %gather3A_128, %select_n3A_120 : vector<16xi1>, vector<16xf32>
    %eq3A_130 = arith.constant 11 : i32
    %eq3A_131 = vector.broadcast %eq3A_130 : i32 to vector<16xi32>
    %eq3A_132 = arith.cmpi eq, %iota3A, %eq3A_131 : vector<16xi32>
    %broadcast_in_dim3A_133 = arith.constant 0 : i32
    %broadcast_in_dim3A_134 = vector.broadcast %broadcast_in_dim3A_133 : i32 to vector<16xi32>
    %reshape3A_135 = vector.shape_cast %broadcast_in_dim3A_134 : vector<16xi32> to vector<16x1xi32>
    %gather3A_136 = vector.shape_cast %reshape3A_135 : vector<16x1xi32> to vector<16xi32>
    %gather3A_137 = tpu.dynamic_gather %get3A_25[%gather3A_136] in [0] : vector<16xf32>, vector<16xi32> -> vector<16xf32>
    %select_n3A_138 = arith.select %eq3A_132, %gather3A_137, %select_n3A_129 : vector<16xi1>, vector<16xf32>
    %eq3A_139 = arith.constant 12 : i32
    %eq3A_140 = vector.broadcast %eq3A_139 : i32 to vector<16xi32>
    %eq3A_141 = arith.cmpi eq, %iota3A, %eq3A_140 : vector<16xi32>
    %broadcast_in_dim3A_142 = arith.constant 0 : i32
    %broadcast_in_dim3A_143 = vector.broadcast %broadcast_in_dim3A_142 : i32 to vector<16xi32>
    %reshape3A_144 = vector.shape_cast %broadcast_in_dim3A_143 : vector<16xi32> to vector<16x1xi32>
    %gather3A_145 = vector.shape_cast %reshape3A_144 : vector<16x1xi32> to vector<16xi32>
    %gather3A_146 = tpu.dynamic_gather %get3A_27[%gather3A_145] in [0] : vector<16xf32>, vector<16xi32> -> vector<16xf32>
    %select_n3A_147 = arith.select %eq3A_141, %gather3A_146, %select_n3A_138 : vector<16xi1>, vector<16xf32>
    %eq3A_148 = arith.constant 13 : i32
    %eq3A_149 = vector.broadcast %eq3A_148 : i32 to vector<16xi32>
    %eq3A_150 = arith.cmpi eq, %iota3A, %eq3A_149 : vector<16xi32>
    %broadcast_in_dim3A_151 = arith.constant 0 : i32
    %broadcast_in_dim3A_152 = vector.broadcast %broadcast_in_dim3A_151 : i32 to vector<16xi32>
    %reshape3A_153 = vector.shape_cast %broadcast_in_dim3A_152 : vector<16xi32> to vector<16x1xi32>
    %gather3A_154 = vector.shape_cast %reshape3A_153 : vector<16x1xi32> to vector<16xi32>
    %gather3A_155 = tpu.dynamic_gather %get3A_29[%gather3A_154] in [0] : vector<16xf32>, vector<16xi32> -> vector<16xf32>
    %select_n3A_156 = arith.select %eq3A_150, %gather3A_155, %select_n3A_147 : vector<16xi1>, vector<16xf32>
    %eq3A_157 = arith.constant 14 : i32
    %eq3A_158 = vector.broadcast %eq3A_157 : i32 to vector<16xi32>
    %eq3A_159 = arith.cmpi eq, %iota3A, %eq3A_158 : vector<16xi32>
    %broadcast_in_dim3A_160 = arith.constant 0 : i32
    %broadcast_in_dim3A_161 = vector.broadcast %broadcast_in_dim3A_160 : i32 to vector<16xi32>
    %reshape3A_162 = vector.shape_cast %broadcast_in_dim3A_161 : vector<16xi32> to vector<16x1xi32>
    %gather3A_163 = vector.shape_cast %reshape3A_162 : vector<16x1xi32> to vector<16xi32>
    %gather3A_164 = tpu.dynamic_gather %get3A_31[%gather3A_163] in [0] : vector<16xf32>, vector<16xi32> -> vector<16xf32>
    %select_n3A_165 = arith.select %eq3A_159, %gather3A_164, %select_n3A_156 : vector<16xi1>, vector<16xf32>
    %eq3A_166 = arith.constant 15 : i32
    %eq3A_167 = vector.broadcast %eq3A_166 : i32 to vector<16xi32>
    %eq3A_168 = arith.cmpi eq, %iota3A, %eq3A_167 : vector<16xi32>
    %broadcast_in_dim3A_169 = arith.constant 0 : i32
    %broadcast_in_dim3A_170 = vector.broadcast %broadcast_in_dim3A_169 : i32 to vector<16xi32>
    %reshape3A_171 = vector.shape_cast %broadcast_in_dim3A_170 : vector<16xi32> to vector<16x1xi32>
    %gather3A_172 = vector.shape_cast %reshape3A_171 : vector<16x1xi32> to vector<16xi32>
    %gather3A_173 = tpu.dynamic_gather %get3A_33[%gather3A_172] in [0] : vector<16xf32>, vector<16xi32> -> vector<16xf32>
    %select_n3A_174 = arith.select %eq3A_168, %gather3A_173, %select_n3A_165 : vector<16xi1>, vector<16xf32>
    %broadcast_in_dim3A_175 = arith.constant 0.000000e+00 : f32
    %broadcast_in_dim3A_176 = vector.broadcast %broadcast_in_dim3A_175 : f32 to vector<16xf32>
    %eq3A_177 = arith.constant 0 : i32
    %eq3A_178 = vector.broadcast %eq3A_177 : i32 to vector<16xi32>
    %eq3A_179 = arith.cmpi eq, %iota3A, %eq3A_178 : vector<16xi32>
    %broadcast_in_dim3A_180 = arith.constant 1 : i32
    %broadcast_in_dim3A_181 = vector.broadcast %broadcast_in_dim3A_180 : i32 to vector<16xi32>
    %reshape3A_182 = vector.shape_cast %broadcast_in_dim3A_181 : vector<16xi32> to vector<16x1xi32>
    %gather3A_183 = vector.shape_cast %reshape3A_182 : vector<16x1xi32> to vector<16xi32>
    %gather3A_184 = tpu.dynamic_gather %get3A_3[%gather3A_183] in [0] : vector<16xf32>, vector<16xi32> -> vector<16xf32>
    %select_n3A_185 = arith.select %eq3A_179, %gather3A_184, %broadcast_in_dim3A_176 : vector<16xi1>, vector<16xf32>
    %eq3A_186 = arith.constant 1 : i32
    %eq3A_187 = vector.broadcast %eq3A_186 : i32 to vector<16xi32>
    %eq3A_188 = arith.cmpi eq, %iota3A, %eq3A_187 : vector<16xi32>
    %broadcast_in_dim3A_189 = arith.constant 1 : i32
    %broadcast_in_dim3A_190 = vector.broadcast %broadcast_in_dim3A_189 : i32 to vector<16xi32>
    %reshape3A_191 = vector.shape_cast %broadcast_in_dim3A_190 : vector<16xi32> to vector<16x1xi32>
    %gather3A_192 = vector.shape_cast %reshape3A_191 : vector<16x1xi32> to vector<16xi32>
    %gather3A_193 = tpu.dynamic_gather %get3A_5[%gather3A_192] in [0] : vector<16xf32>, vector<16xi32> -> vector<16xf32>
    %select_n3A_194 = arith.select %eq3A_188, %gather3A_193, %select_n3A_185 : vector<16xi1>, vector<16xf32>
    %eq3A_195 = arith.constant 2 : i32
    %eq3A_196 = vector.broadcast %eq3A_195 : i32 to vector<16xi32>
    %eq3A_197 = arith.cmpi eq, %iota3A, %eq3A_196 : vector<16xi32>
    %broadcast_in_dim3A_198 = arith.constant 1 : i32
    %broadcast_in_dim3A_199 = vector.broadcast %broadcast_in_dim3A_198 : i32 to vector<16xi32>
    %reshape3A_200 = vector.shape_cast %broadcast_in_dim3A_199 : vector<16xi32> to vector<16x1xi32>
    %gather3A_201 = vector.shape_cast %reshape3A_200 : vector<16x1xi32> to vector<16xi32>
    %gather3A_202 = tpu.dynamic_gather %get3A_7[%gather3A_201] in [0] : vector<16xf32>, vector<16xi32> -> vector<16xf32>
    %select_n3A_203 = arith.select %eq3A_197, %gather3A_202, %select_n3A_194 : vector<16xi1>, vector<16xf32>
    %eq3A_204 = arith.constant 3 : i32
    %eq3A_205 = vector.broadcast %eq3A_204 : i32 to vector<16xi32>
    %eq3A_206 = arith.cmpi eq, %iota3A, %eq3A_205 : vector<16xi32>
    %broadcast_in_dim3A_207 = arith.constant 1 : i32
    %broadcast_in_dim3A_208 = vector.broadcast %broadcast_in_dim3A_207 : i32 to vector<16xi32>
    %reshape3A_209 = vector.shape_cast %broadcast_in_dim3A_208 : vector<16xi32> to vector<16x1xi32>
    %gather3A_210 = vector.shape_cast %reshape3A_209 : vector<16x1xi32> to vector<16xi32>
    %gather3A_211 = tpu.dynamic_gather %get3A_9[%gather3A_210] in [0] : vector<16xf32>, vector<16xi32> -> vector<16xf32>
    %select_n3A_212 = arith.select %eq3A_206, %gather3A_211, %select_n3A_203 : vector<16xi1>, vector<16xf32>
    %eq3A_213 = arith.constant 4 : i32
    %eq3A_214 = vector.broadcast %eq3A_213 : i32 to vector<16xi32>
    %eq3A_215 = arith.cmpi eq, %iota3A, %eq3A_214 : vector<16xi32>
    %broadcast_in_dim3A_216 = arith.constant 1 : i32
    %broadcast_in_dim3A_217 = vector.broadcast %broadcast_in_dim3A_216 : i32 to vector<16xi32>
    %reshape3A_218 = vector.shape_cast %broadcast_in_dim3A_217 : vector<16xi32> to vector<16x1xi32>
    %gather3A_219 = vector.shape_cast %reshape3A_218 : vector<16x1xi32> to vector<16xi32>
    %gather3A_220 = tpu.dynamic_gather %get3A_11[%gather3A_219] in [0] : vector<16xf32>, vector<16xi32> -> vector<16xf32>
    %select_n3A_221 = arith.select %eq3A_215, %gather3A_220, %select_n3A_212 : vector<16xi1>, vector<16xf32>
    %eq3A_222 = arith.constant 5 : i32
    %eq3A_223 = vector.broadcast %eq3A_222 : i32 to vector<16xi32>
    %eq3A_224 = arith.cmpi eq, %iota3A, %eq3A_223 : vector<16xi32>
    %broadcast_in_dim3A_225 = arith.constant 1 : i32
    %broadcast_in_dim3A_226 = vector.broadcast %broadcast_in_dim3A_225 : i32 to vector<16xi32>
    %reshape3A_227 = vector.shape_cast %broadcast_in_dim3A_226 : vector<16xi32> to vector<16x1xi32>
    %gather3A_228 = vector.shape_cast %reshape3A_227 : vector<16x1xi32> to vector<16xi32>
    %gather3A_229 = tpu.dynamic_gather %get3A_13[%gather3A_228] in [0] : vector<16xf32>, vector<16xi32> -> vector<16xf32>
    %select_n3A_230 = arith.select %eq3A_224, %gather3A_229, %select_n3A_221 : vector<16xi1>, vector<16xf32>
    %eq3A_231 = arith.constant 6 : i32
    %eq3A_232 = vector.broadcast %eq3A_231 : i32 to vector<16xi32>
    %eq3A_233 = arith.cmpi eq, %iota3A, %eq3A_232 : vector<16xi32>
    %broadcast_in_dim3A_234 = arith.constant 1 : i32
    %broadcast_in_dim3A_235 = vector.broadcast %broadcast_in_dim3A_234 : i32 to vector<16xi32>
    %reshape3A_236 = vector.shape_cast %broadcast_in_dim3A_235 : vector<16xi32> to vector<16x1xi32>
    %gather3A_237 = vector.shape_cast %reshape3A_236 : vector<16x1xi32> to vector<16xi32>
    %gather3A_238 = tpu.dynamic_gather %get3A_15[%gather3A_237] in [0] : vector<16xf32>, vector<16xi32> -> vector<16xf32>
    %select_n3A_239 = arith.select %eq3A_233, %gather3A_238, %select_n3A_230 : vector<16xi1>, vector<16xf32>
    %eq3A_240 = arith.constant 7 : i32
    %eq3A_241 = vector.broadcast %eq3A_240 : i32 to vector<16xi32>
    %eq3A_242 = arith.cmpi eq, %iota3A, %eq3A_241 : vector<16xi32>
    %broadcast_in_dim3A_243 = arith.constant 1 : i32
    %broadcast_in_dim3A_244 = vector.broadcast %broadcast_in_dim3A_243 : i32 to vector<16xi32>
    %reshape3A_245 = vector.shape_cast %broadcast_in_dim3A_244 : vector<16xi32> to vector<16x1xi32>
    %gather3A_246 = vector.shape_cast %reshape3A_245 : vector<16x1xi32> to vector<16xi32>
    %gather3A_247 = tpu.dynamic_gather %get3A_17[%gather3A_246] in [0] : vector<16xf32>, vector<16xi32> -> vector<16xf32>
    %select_n3A_248 = arith.select %eq3A_242, %gather3A_247, %select_n3A_239 : vector<16xi1>, vector<16xf32>
    %eq3A_249 = arith.constant 8 : i32
    %eq3A_250 = vector.broadcast %eq3A_249 : i32 to vector<16xi32>
    %eq3A_251 = arith.cmpi eq, %iota3A, %eq3A_250 : vector<16xi32>
    %broadcast_in_dim3A_252 = arith.constant 1 : i32
    %broadcast_in_dim3A_253 = vector.broadcast %broadcast_in_dim3A_252 : i32 to vector<16xi32>
    %reshape3A_254 = vector.shape_cast %broadcast_in_dim3A_253 : vector<16xi32> to vector<16x1xi32>
    %gather3A_255 = vector.shape_cast %reshape3A_254 : vector<16x1xi32> to vector<16xi32>
    %gather3A_256 = tpu.dynamic_gather %get3A_19[%gather3A_255] in [0] : vector<16xf32>, vector<16xi32> -> vector<16xf32>
    %select_n3A_257 = arith.select %eq3A_251, %gather3A_256, %select_n3A_248 : vector<16xi1>, vector<16xf32>
    %eq3A_258 = arith.constant 9 : i32
    %eq3A_259 = vector.broadcast %eq3A_258 : i32 to vector<16xi32>
    %eq3A_260 = arith.cmpi eq, %iota3A, %eq3A_259 : vector<16xi32>
    %broadcast_in_dim3A_261 = arith.constant 1 : i32
    %broadcast_in_dim3A_262 = vector.broadcast %broadcast_in_dim3A_261 : i32 to vector<16xi32>
    %reshape3A_263 = vector.shape_cast %broadcast_in_dim3A_262 : vector<16xi32> to vector<16x1xi32>
    %gather3A_264 = vector.shape_cast %reshape3A_263 : vector<16x1xi32> to vector<16xi32>
    %gather3A_265 = tpu.dynamic_gather %get3A_21[%gather3A_264] in [0] : vector<16xf32>, vector<16xi32> -> vector<16xf32>
    %select_n3A_266 = arith.select %eq3A_260, %gather3A_265, %select_n3A_257 : vector<16xi1>, vector<16xf32>
    %eq3A_267 = arith.constant 10 : i32
    %eq3A_268 = vector.broadcast %eq3A_267 : i32 to vector<16xi32>
    %eq3A_269 = arith.cmpi eq, %iota3A, %eq3A_268 : vector<16xi32>
    %broadcast_in_dim3A_270 = arith.constant 1 : i32
    %broadcast_in_dim3A_271 = vector.broadcast %broadcast_in_dim3A_270 : i32 to vector<16xi32>
    %reshape3A_272 = vector.shape_cast %broadcast_in_dim3A_271 : vector<16xi32> to vector<16x1xi32>
    %gather3A_273 = vector.shape_cast %reshape3A_272 : vector<16x1xi32> to vector<16xi32>
    %gather3A_274 = tpu.dynamic_gather %get3A_23[%gather3A_273] in [0] : vector<16xf32>, vector<16xi32> -> vector<16xf32>
    %select_n3A_275 = arith.select %eq3A_269, %gather3A_274, %select_n3A_266 : vector<16xi1>, vector<16xf32>
    %eq3A_276 = arith.constant 11 : i32
    %eq3A_277 = vector.broadcast %eq3A_276 : i32 to vector<16xi32>
    %eq3A_278 = arith.cmpi eq, %iota3A, %eq3A_277 : vector<16xi32>
    %broadcast_in_dim3A_279 = arith.constant 1 : i32
    %broadcast_in_dim3A_280 = vector.broadcast %broadcast_in_dim3A_279 : i32 to vector<16xi32>
    %reshape3A_281 = vector.shape_cast %broadcast_in_dim3A_280 : vector<16xi32> to vector<16x1xi32>
    %gather3A_282 = vector.shape_cast %reshape3A_281 : vector<16x1xi32> to vector<16xi32>
    %gather3A_283 = tpu.dynamic_gather %get3A_25[%gather3A_282] in [0] : vector<16xf32>, vector<16xi32> -> vector<16xf32>
    %select_n3A_284 = arith.select %eq3A_278, %gather3A_283, %select_n3A_275 : vector<16xi1>, vector<16xf32>
    %eq3A_285 = arith.constant 12 : i32
    %eq3A_286 = vector.broadcast %eq3A_285 : i32 to vector<16xi32>
    %eq3A_287 = arith.cmpi eq, %iota3A, %eq3A_286 : vector<16xi32>
    %broadcast_in_dim3A_288 = arith.constant 1 : i32
    %broadcast_in_dim3A_289 = vector.broadcast %broadcast_in_dim3A_288 : i32 to vector<16xi32>
    %reshape3A_290 = vector.shape_cast %broadcast_in_dim3A_289 : vector<16xi32> to vector<16x1xi32>
    %gather3A_291 = vector.shape_cast %reshape3A_290 : vector<16x1xi32> to vector<16xi32>
    %gather3A_292 = tpu.dynamic_gather %get3A_27[%gather3A_291] in [0] : vector<16xf32>, vector<16xi32> -> vector<16xf32>
    %select_n3A_293 = arith.select %eq3A_287, %gather3A_292, %select_n3A_284 : vector<16xi1>, vector<16xf32>
    %eq3A_294 = arith.constant 13 : i32
    %eq3A_295 = vector.broadcast %eq3A_294 : i32 to vector<16xi32>
    %eq3A_296 = arith.cmpi eq, %iota3A, %eq3A_295 : vector<16xi32>
    %broadcast_in_dim3A_297 = arith.constant 1 : i32
    %broadcast_in_dim3A_298 = vector.broadcast %broadcast_in_dim3A_297 : i32 to vector<16xi32>
    %reshape3A_299 = vector.shape_cast %broadcast_in_dim3A_298 : vector<16xi32> to vector<16x1xi32>
    %gather3A_300 = vector.shape_cast %reshape3A_299 : vector<16x1xi32> to vector<16xi32>
    %gather3A_301 = tpu.dynamic_gather %get3A_29[%gather3A_300] in [0] : vector<16xf32>, vector<16xi32> -> vector<16xf32>
    %select_n3A_302 = arith.select %eq3A_296, %gather3A_301, %select_n3A_293 : vector<16xi1>, vector<16xf32>
    %eq3A_303 = arith.constant 14 : i32
    %eq3A_304 = vector.broadcast %eq3A_303 : i32 to vector<16xi32>
    %eq3A_305 = arith.cmpi eq, %iota3A, %eq3A_304 : vector<16xi32>
    %broadcast_in_dim3A_306 = arith.constant 1 : i32
    %broadcast_in_dim3A_307 = vector.broadcast %broadcast_in_dim3A_306 : i32 to vector<16xi32>
    %reshape3A_308 = vector.shape_cast %broadcast_in_dim3A_307 : vector<16xi32> to vector<16x1xi32>
    %gather3A_309 = vector.shape_cast %reshape3A_308 : vector<16x1xi32> to vector<16xi32>
    %gather3A_310 = tpu.dynamic_gather %get3A_31[%gather3A_309] in [0] : vector<16xf32>, vector<16xi32> -> vector<16xf32>
    %select_n3A_311 = arith.select %eq3A_305, %gather3A_310, %select_n3A_302 : vector<16xi1>, vector<16xf32>
    %eq3A_312 = arith.constant 15 : i32
    %eq3A_313 = vector.broadcast %eq3A_312 : i32 to vector<16xi32>
    %eq3A_314 = arith.cmpi eq, %iota3A, %eq3A_313 : vector<16xi32>
    %broadcast_in_dim3A_315 = arith.constant 1 : i32
    %broadcast_in_dim3A_316 = vector.broadcast %broadcast_in_dim3A_315 : i32 to vector<16xi32>
    %reshape3A_317 = vector.shape_cast %broadcast_in_dim3A_316 : vector<16xi32> to vector<16x1xi32>
    %gather3A_318 = vector.shape_cast %reshape3A_317 : vector<16x1xi32> to vector<16xi32>
    %gather3A_319 = tpu.dynamic_gather %get3A_33[%gather3A_318] in [0] : vector<16xf32>, vector<16xi32> -> vector<16xf32>
    %select_n3A_320 = arith.select %eq3A_314, %gather3A_319, %select_n3A_311 : vector<16xi1>, vector<16xf32>
    %broadcast_in_dim3A_321 = arith.constant 0.000000e+00 : f32
    %broadcast_in_dim3A_322 = vector.broadcast %broadcast_in_dim3A_321 : f32 to vector<16xf32>
    %eq3A_323 = arith.constant 0 : i32
    %eq3A_324 = vector.broadcast %eq3A_323 : i32 to vector<16xi32>
    %eq3A_325 = arith.cmpi eq, %iota3A, %eq3A_324 : vector<16xi32>
    %broadcast_in_dim3A_326 = arith.constant 2 : i32
    %broadcast_in_dim3A_327 = vector.broadcast %broadcast_in_dim3A_326 : i32 to vector<16xi32>
    %reshape3A_328 = vector.shape_cast %broadcast_in_dim3A_327 : vector<16xi32> to vector<16x1xi32>
    %gather3A_329 = vector.shape_cast %reshape3A_328 : vector<16x1xi32> to vector<16xi32>
    %gather3A_330 = tpu.dynamic_gather %get3A_3[%gather3A_329] in [0] : vector<16xf32>, vector<16xi32> -> vector<16xf32>
    %select_n3A_331 = arith.select %eq3A_325, %gather3A_330, %broadcast_in_dim3A_322 : vector<16xi1>, vector<16xf32>
    %eq3A_332 = arith.constant 1 : i32
    %eq3A_333 = vector.broadcast %eq3A_332 : i32 to vector<16xi32>
    %eq3A_334 = arith.cmpi eq, %iota3A, %eq3A_333 : vector<16xi32>
    %broadcast_in_dim3A_335 = arith.constant 2 : i32
    %broadcast_in_dim3A_336 = vector.broadcast %broadcast_in_dim3A_335 : i32 to vector<16xi32>
    %reshape3A_337 = vector.shape_cast %broadcast_in_dim3A_336 : vector<16xi32> to vector<16x1xi32>
    %gather3A_338 = vector.shape_cast %reshape3A_337 : vector<16x1xi32> to vector<16xi32>
    %gather3A_339 = tpu.dynamic_gather %get3A_5[%gather3A_338] in [0] : vector<16xf32>, vector<16xi32> -> vector<16xf32>
    %select_n3A_340 = arith.select %eq3A_334, %gather3A_339, %select_n3A_331 : vector<16xi1>, vector<16xf32>
    %eq3A_341 = arith.constant 2 : i32
    %eq3A_342 = vector.broadcast %eq3A_341 : i32 to vector<16xi32>
    %eq3A_343 = arith.cmpi eq, %iota3A, %eq3A_342 : vector<16xi32>
    %broadcast_in_dim3A_344 = arith.constant 2 : i32
    %broadcast_in_dim3A_345 = vector.broadcast %broadcast_in_dim3A_344 : i32 to vector<16xi32>
    %reshape3A_346 = vector.shape_cast %broadcast_in_dim3A_345 : vector<16xi32> to vector<16x1xi32>
    %gather3A_347 = vector.shape_cast %reshape3A_346 : vector<16x1xi32> to vector<16xi32>
    %gather3A_348 = tpu.dynamic_gather %get3A_7[%gather3A_347] in [0] : vector<16xf32>, vector<16xi32> -> vector<16xf32>
    %select_n3A_349 = arith.select %eq3A_343, %gather3A_348, %select_n3A_340 : vector<16xi1>, vector<16xf32>
    %eq3A_350 = arith.constant 3 : i32
    %eq3A_351 = vector.broadcast %eq3A_350 : i32 to vector<16xi32>
    %eq3A_352 = arith.cmpi eq, %iota3A, %eq3A_351 : vector<16xi32>
    %broadcast_in_dim3A_353 = arith.constant 2 : i32
    %broadcast_in_dim3A_354 = vector.broadcast %broadcast_in_dim3A_353 : i32 to vector<16xi32>
    %reshape3A_355 = vector.shape_cast %broadcast_in_dim3A_354 : vector<16xi32> to vector<16x1xi32>
    %gather3A_356 = vector.shape_cast %reshape3A_355 : vector<16x1xi32> to vector<16xi32>
    %gather3A_357 = tpu.dynamic_gather %get3A_9[%gather3A_356] in [0] : vector<16xf32>, vector<16xi32> -> vector<16xf32>
    %select_n3A_358 = arith.select %eq3A_352, %gather3A_357, %select_n3A_349 : vector<16xi1>, vector<16xf32>
    %eq3A_359 = arith.constant 4 : i32
    %eq3A_360 = vector.broadcast %eq3A_359 : i32 to vector<16xi32>
    %eq3A_361 = arith.cmpi eq, %iota3A, %eq3A_360 : vector<16xi32>
    %broadcast_in_dim3A_362 = arith.constant 2 : i32
    %broadcast_in_dim3A_363 = vector.broadcast %broadcast_in_dim3A_362 : i32 to vector<16xi32>
    %reshape3A_364 = vector.shape_cast %broadcast_in_dim3A_363 : vector<16xi32> to vector<16x1xi32>
    %gather3A_365 = vector.shape_cast %reshape3A_364 : vector<16x1xi32> to vector<16xi32>
    %gather3A_366 = tpu.dynamic_gather %get3A_11[%gather3A_365] in [0] : vector<16xf32>, vector<16xi32> -> vector<16xf32>
    %select_n3A_367 = arith.select %eq3A_361, %gather3A_366, %select_n3A_358 : vector<16xi1>, vector<16xf32>
    %eq3A_368 = arith.constant 5 : i32
    %eq3A_369 = vector.broadcast %eq3A_368 : i32 to vector<16xi32>
    %eq3A_370 = arith.cmpi eq, %iota3A, %eq3A_369 : vector<16xi32>
    %broadcast_in_dim3A_371 = arith.constant 2 : i32
    %broadcast_in_dim3A_372 = vector.broadcast %broadcast_in_dim3A_371 : i32 to vector<16xi32>
    %reshape3A_373 = vector.shape_cast %broadcast_in_dim3A_372 : vector<16xi32> to vector<16x1xi32>
    %gather3A_374 = vector.shape_cast %reshape3A_373 : vector<16x1xi32> to vector<16xi32>
    %gather3A_375 = tpu.dynamic_gather %get3A_13[%gather3A_374] in [0] : vector<16xf32>, vector<16xi32> -> vector<16xf32>
    %select_n3A_376 = arith.select %eq3A_370, %gather3A_375, %select_n3A_367 : vector<16xi1>, vector<16xf32>
    %eq3A_377 = arith.constant 6 : i32
    %eq3A_378 = vector.broadcast %eq3A_377 : i32 to vector<16xi32>
    %eq3A_379 = arith.cmpi eq, %iota3A, %eq3A_378 : vector<16xi32>
    %broadcast_in_dim3A_380 = arith.constant 2 : i32
    %broadcast_in_dim3A_381 = vector.broadcast %broadcast_in_dim3A_380 : i32 to vector<16xi32>
    %reshape3A_382 = vector.shape_cast %broadcast_in_dim3A_381 : vector<16xi32> to vector<16x1xi32>
    %gather3A_383 = vector.shape_cast %reshape3A_382 : vector<16x1xi32> to vector<16xi32>
    %gather3A_384 = tpu.dynamic_gather %get3A_15[%gather3A_383] in [0] : vector<16xf32>, vector<16xi32> -> vector<16xf32>
    %select_n3A_385 = arith.select %eq3A_379, %gather3A_384, %select_n3A_376 : vector<16xi1>, vector<16xf32>
    %eq3A_386 = arith.constant 7 : i32
    %eq3A_387 = vector.broadcast %eq3A_386 : i32 to vector<16xi32>
    %eq3A_388 = arith.cmpi eq, %iota3A, %eq3A_387 : vector<16xi32>
    %broadcast_in_dim3A_389 = arith.constant 2 : i32
    %broadcast_in_dim3A_390 = vector.broadcast %broadcast_in_dim3A_389 : i32 to vector<16xi32>
    %reshape3A_391 = vector.shape_cast %broadcast_in_dim3A_390 : vector<16xi32> to vector<16x1xi32>
    %gather3A_392 = vector.shape_cast %reshape3A_391 : vector<16x1xi32> to vector<16xi32>
    %gather3A_393 = tpu.dynamic_gather %get3A_17[%gather3A_392] in [0] : vector<16xf32>, vector<16xi32> -> vector<16xf32>
    %select_n3A_394 = arith.select %eq3A_388, %gather3A_393, %select_n3A_385 : vector<16xi1>, vector<16xf32>
    %eq3A_395 = arith.constant 8 : i32
    %eq3A_396 = vector.broadcast %eq3A_395 : i32 to vector<16xi32>
    %eq3A_397 = arith.cmpi eq, %iota3A, %eq3A_396 : vector<16xi32>
    %broadcast_in_dim3A_398 = arith.constant 2 : i32
    %broadcast_in_dim3A_399 = vector.broadcast %broadcast_in_dim3A_398 : i32 to vector<16xi32>
    %reshape3A_400 = vector.shape_cast %broadcast_in_dim3A_399 : vector<16xi32> to vector<16x1xi32>
    %gather3A_401 = vector.shape_cast %reshape3A_400 : vector<16x1xi32> to vector<16xi32>
    %gather3A_402 = tpu.dynamic_gather %get3A_19[%gather3A_401] in [0] : vector<16xf32>, vector<16xi32> -> vector<16xf32>
    %select_n3A_403 = arith.select %eq3A_397, %gather3A_402, %select_n3A_394 : vector<16xi1>, vector<16xf32>
    %eq3A_404 = arith.constant 9 : i32
    %eq3A_405 = vector.broadcast %eq3A_404 : i32 to vector<16xi32>
    %eq3A_406 = arith.cmpi eq, %iota3A, %eq3A_405 : vector<16xi32>
    %broadcast_in_dim3A_407 = arith.constant 2 : i32
    %broadcast_in_dim3A_408 = vector.broadcast %broadcast_in_dim3A_407 : i32 to vector<16xi32>
    %reshape3A_409 = vector.shape_cast %broadcast_in_dim3A_408 : vector<16xi32> to vector<16x1xi32>
    %gather3A_410 = vector.shape_cast %reshape3A_409 : vector<16x1xi32> to vector<16xi32>
    %gather3A_411 = tpu.dynamic_gather %get3A_21[%gather3A_410] in [0] : vector<16xf32>, vector<16xi32> -> vector<16xf32>
    %select_n3A_412 = arith.select %eq3A_406, %gather3A_411, %select_n3A_403 : vector<16xi1>, vector<16xf32>
    %eq3A_413 = arith.constant 10 : i32
    %eq3A_414 = vector.broadcast %eq3A_413 : i32 to vector<16xi32>
    %eq3A_415 = arith.cmpi eq, %iota3A, %eq3A_414 : vector<16xi32>
    %broadcast_in_dim3A_416 = arith.constant 2 : i32
    %broadcast_in_dim3A_417 = vector.broadcast %broadcast_in_dim3A_416 : i32 to vector<16xi32>
    %reshape3A_418 = vector.shape_cast %broadcast_in_dim3A_417 : vector<16xi32> to vector<16x1xi32>
    %gather3A_419 = vector.shape_cast %reshape3A_418 : vector<16x1xi32> to vector<16xi32>
    %gather3A_420 = tpu.dynamic_gather %get3A_23[%gather3A_419] in [0] : vector<16xf32>, vector<16xi32> -> vector<16xf32>
    %select_n3A_421 = arith.select %eq3A_415, %gather3A_420, %select_n3A_412 : vector<16xi1>, vector<16xf32>
    %eq3A_422 = arith.constant 11 : i32
    %eq3A_423 = vector.broadcast %eq3A_422 : i32 to vector<16xi32>
    %eq3A_424 = arith.cmpi eq, %iota3A, %eq3A_423 : vector<16xi32>
    %broadcast_in_dim3A_425 = arith.constant 2 : i32
    %broadcast_in_dim3A_426 = vector.broadcast %broadcast_in_dim3A_425 : i32 to vector<16xi32>
    %reshape3A_427 = vector.shape_cast %broadcast_in_dim3A_426 : vector<16xi32> to vector<16x1xi32>
    %gather3A_428 = vector.shape_cast %reshape3A_427 : vector<16x1xi32> to vector<16xi32>
    %gather3A_429 = tpu.dynamic_gather %get3A_25[%gather3A_428] in [0] : vector<16xf32>, vector<16xi32> -> vector<16xf32>
    %select_n3A_430 = arith.select %eq3A_424, %gather3A_429, %select_n3A_421 : vector<16xi1>, vector<16xf32>
    %eq3A_431 = arith.constant 12 : i32
    %eq3A_432 = vector.broadcast %eq3A_431 : i32 to vector<16xi32>
    %eq3A_433 = arith.cmpi eq, %iota3A, %eq3A_432 : vector<16xi32>
    %broadcast_in_dim3A_434 = arith.constant 2 : i32
    %broadcast_in_dim3A_435 = vector.broadcast %broadcast_in_dim3A_434 : i32 to vector<16xi32>
    %reshape3A_436 = vector.shape_cast %broadcast_in_dim3A_435 : vector<16xi32> to vector<16x1xi32>
    %gather3A_437 = vector.shape_cast %reshape3A_436 : vector<16x1xi32> to vector<16xi32>
    %gather3A_438 = tpu.dynamic_gather %get3A_27[%gather3A_437] in [0] : vector<16xf32>, vector<16xi32> -> vector<16xf32>
    %select_n3A_439 = arith.select %eq3A_433, %gather3A_438, %select_n3A_430 : vector<16xi1>, vector<16xf32>
    %eq3A_440 = arith.constant 13 : i32
    %eq3A_441 = vector.broadcast %eq3A_440 : i32 to vector<16xi32>
    %eq3A_442 = arith.cmpi eq, %iota3A, %eq3A_441 : vector<16xi32>
    %broadcast_in_dim3A_443 = arith.constant 2 : i32
    %broadcast_in_dim3A_444 = vector.broadcast %broadcast_in_dim3A_443 : i32 to vector<16xi32>
    %reshape3A_445 = vector.shape_cast %broadcast_in_dim3A_444 : vector<16xi32> to vector<16x1xi32>
    %gather3A_446 = vector.shape_cast %reshape3A_445 : vector<16x1xi32> to vector<16xi32>
    %gather3A_447 = tpu.dynamic_gather %get3A_29[%gather3A_446] in [0] : vector<16xf32>, vector<16xi32> -> vector<16xf32>
    %select_n3A_448 = arith.select %eq3A_442, %gather3A_447, %select_n3A_439 : vector<16xi1>, vector<16xf32>
    %eq3A_449 = arith.constant 14 : i32
    %eq3A_450 = vector.broadcast %eq3A_449 : i32 to vector<16xi32>
    %eq3A_451 = arith.cmpi eq, %iota3A, %eq3A_450 : vector<16xi32>
    %broadcast_in_dim3A_452 = arith.constant 2 : i32
    %broadcast_in_dim3A_453 = vector.broadcast %broadcast_in_dim3A_452 : i32 to vector<16xi32>
    %reshape3A_454 = vector.shape_cast %broadcast_in_dim3A_453 : vector<16xi32> to vector<16x1xi32>
    %gather3A_455 = vector.shape_cast %reshape3A_454 : vector<16x1xi32> to vector<16xi32>
    %gather3A_456 = tpu.dynamic_gather %get3A_31[%gather3A_455] in [0] : vector<16xf32>, vector<16xi32> -> vector<16xf32>
    %select_n3A_457 = arith.select %eq3A_451, %gather3A_456, %select_n3A_448 : vector<16xi1>, vector<16xf32>
    %eq3A_458 = arith.constant 15 : i32
    %eq3A_459 = vector.broadcast %eq3A_458 : i32 to vector<16xi32>
    %eq3A_460 = arith.cmpi eq, %iota3A, %eq3A_459 : vector<16xi32>
    %broadcast_in_dim3A_461 = arith.constant 2 : i32
    %broadcast_in_dim3A_462 = vector.broadcast %broadcast_in_dim3A_461 : i32 to vector<16xi32>
    %reshape3A_463 = vector.shape_cast %broadcast_in_dim3A_462 : vector<16xi32> to vector<16x1xi32>
    %gather3A_464 = vector.shape_cast %reshape3A_463 : vector<16x1xi32> to vector<16xi32>
    %gather3A_465 = tpu.dynamic_gather %get3A_33[%gather3A_464] in [0] : vector<16xf32>, vector<16xi32> -> vector<16xf32>
    %select_n3A_466 = arith.select %eq3A_460, %gather3A_465, %select_n3A_457 : vector<16xi1>, vector<16xf32>
    %broadcast_in_dim3A_467 = arith.constant 0.000000e+00 : f32
    %broadcast_in_dim3A_468 = vector.broadcast %broadcast_in_dim3A_467 : f32 to vector<16xf32>
    %eq3A_469 = arith.constant 0 : i32
    %eq3A_470 = vector.broadcast %eq3A_469 : i32 to vector<16xi32>
    %eq3A_471 = arith.cmpi eq, %iota3A, %eq3A_470 : vector<16xi32>
    %broadcast_in_dim3A_472 = arith.constant 3 : i32
    %broadcast_in_dim3A_473 = vector.broadcast %broadcast_in_dim3A_472 : i32 to vector<16xi32>
    %reshape3A_474 = vector.shape_cast %broadcast_in_dim3A_473 : vector<16xi32> to vector<16x1xi32>
    %gather3A_475 = vector.shape_cast %reshape3A_474 : vector<16x1xi32> to vector<16xi32>
    %gather3A_476 = tpu.dynamic_gather %get3A_3[%gather3A_475] in [0] : vector<16xf32>, vector<16xi32> -> vector<16xf32>
    %select_n3A_477 = arith.select %eq3A_471, %gather3A_476, %broadcast_in_dim3A_468 : vector<16xi1>, vector<16xf32>
    %eq3A_478 = arith.constant 1 : i32
    %eq3A_479 = vector.broadcast %eq3A_478 : i32 to vector<16xi32>
    %eq3A_480 = arith.cmpi eq, %iota3A, %eq3A_479 : vector<16xi32>
    %broadcast_in_dim3A_481 = arith.constant 3 : i32
    %broadcast_in_dim3A_482 = vector.broadcast %broadcast_in_dim3A_481 : i32 to vector<16xi32>
    %reshape3A_483 = vector.shape_cast %broadcast_in_dim3A_482 : vector<16xi32> to vector<16x1xi32>
    %gather3A_484 = vector.shape_cast %reshape3A_483 : vector<16x1xi32> to vector<16xi32>
    %gather3A_485 = tpu.dynamic_gather %get3A_5[%gather3A_484] in [0] : vector<16xf32>, vector<16xi32> -> vector<16xf32>
    %select_n3A_486 = arith.select %eq3A_480, %gather3A_485, %select_n3A_477 : vector<16xi1>, vector<16xf32>
    %eq3A_487 = arith.constant 2 : i32
    %eq3A_488 = vector.broadcast %eq3A_487 : i32 to vector<16xi32>
    %eq3A_489 = arith.cmpi eq, %iota3A, %eq3A_488 : vector<16xi32>
    %broadcast_in_dim3A_490 = arith.constant 3 : i32
    %broadcast_in_dim3A_491 = vector.broadcast %broadcast_in_dim3A_490 : i32 to vector<16xi32>
    %reshape3A_492 = vector.shape_cast %broadcast_in_dim3A_491 : vector<16xi32> to vector<16x1xi32>
    %gather3A_493 = vector.shape_cast %reshape3A_492 : vector<16x1xi32> to vector<16xi32>
    %gather3A_494 = tpu.dynamic_gather %get3A_7[%gather3A_493] in [0] : vector<16xf32>, vector<16xi32> -> vector<16xf32>
    %select_n3A_495 = arith.select %eq3A_489, %gather3A_494, %select_n3A_486 : vector<16xi1>, vector<16xf32>
    %eq3A_496 = arith.constant 3 : i32
    %eq3A_497 = vector.broadcast %eq3A_496 : i32 to vector<16xi32>
    %eq3A_498 = arith.cmpi eq, %iota3A, %eq3A_497 : vector<16xi32>
    %broadcast_in_dim3A_499 = arith.constant 3 : i32
    %broadcast_in_dim3A_500 = vector.broadcast %broadcast_in_dim3A_499 : i32 to vector<16xi32>
    %reshape3A_501 = vector.shape_cast %broadcast_in_dim3A_500 : vector<16xi32> to vector<16x1xi32>
    %gather3A_502 = vector.shape_cast %reshape3A_501 : vector<16x1xi32> to vector<16xi32>
    %gather3A_503 = tpu.dynamic_gather %get3A_9[%gather3A_502] in [0] : vector<16xf32>, vector<16xi32> -> vector<16xf32>
    %select_n3A_504 = arith.select %eq3A_498, %gather3A_503, %select_n3A_495 : vector<16xi1>, vector<16xf32>
    %eq3A_505 = arith.constant 4 : i32
    %eq3A_506 = vector.broadcast %eq3A_505 : i32 to vector<16xi32>
    %eq3A_507 = arith.cmpi eq, %iota3A, %eq3A_506 : vector<16xi32>
    %broadcast_in_dim3A_508 = arith.constant 3 : i32
    %broadcast_in_dim3A_509 = vector.broadcast %broadcast_in_dim3A_508 : i32 to vector<16xi32>
    %reshape3A_510 = vector.shape_cast %broadcast_in_dim3A_509 : vector<16xi32> to vector<16x1xi32>
    %gather3A_511 = vector.shape_cast %reshape3A_510 : vector<16x1xi32> to vector<16xi32>
    %gather3A_512 = tpu.dynamic_gather %get3A_11[%gather3A_511] in [0] : vector<16xf32>, vector<16xi32> -> vector<16xf32>
    %select_n3A_513 = arith.select %eq3A_507, %gather3A_512, %select_n3A_504 : vector<16xi1>, vector<16xf32>
    %eq3A_514 = arith.constant 5 : i32
    %eq3A_515 = vector.broadcast %eq3A_514 : i32 to vector<16xi32>
    %eq3A_516 = arith.cmpi eq, %iota3A, %eq3A_515 : vector<16xi32>
    %broadcast_in_dim3A_517 = arith.constant 3 : i32
    %broadcast_in_dim3A_518 = vector.broadcast %broadcast_in_dim3A_517 : i32 to vector<16xi32>
    %reshape3A_519 = vector.shape_cast %broadcast_in_dim3A_518 : vector<16xi32> to vector<16x1xi32>
    %gather3A_520 = vector.shape_cast %reshape3A_519 : vector<16x1xi32> to vector<16xi32>
    %gather3A_521 = tpu.dynamic_gather %get3A_13[%gather3A_520] in [0] : vector<16xf32>, vector<16xi32> -> vector<16xf32>
    %select_n3A_522 = arith.select %eq3A_516, %gather3A_521, %select_n3A_513 : vector<16xi1>, vector<16xf32>
    %eq3A_523 = arith.constant 6 : i32
    %eq3A_524 = vector.broadcast %eq3A_523 : i32 to vector<16xi32>
    %eq3A_525 = arith.cmpi eq, %iota3A, %eq3A_524 : vector<16xi32>
    %broadcast_in_dim3A_526 = arith.constant 3 : i32
    %broadcast_in_dim3A_527 = vector.broadcast %broadcast_in_dim3A_526 : i32 to vector<16xi32>
    %reshape3A_528 = vector.shape_cast %broadcast_in_dim3A_527 : vector<16xi32> to vector<16x1xi32>
    %gather3A_529 = vector.shape_cast %reshape3A_528 : vector<16x1xi32> to vector<16xi32>
    %gather3A_530 = tpu.dynamic_gather %get3A_15[%gather3A_529] in [0] : vector<16xf32>, vector<16xi32> -> vector<16xf32>
    %select_n3A_531 = arith.select %eq3A_525, %gather3A_530, %select_n3A_522 : vector<16xi1>, vector<16xf32>
    %eq3A_532 = arith.constant 7 : i32
    %eq3A_533 = vector.broadcast %eq3A_532 : i32 to vector<16xi32>
    %eq3A_534 = arith.cmpi eq, %iota3A, %eq3A_533 : vector<16xi32>
    %broadcast_in_dim3A_535 = arith.constant 3 : i32
    %broadcast_in_dim3A_536 = vector.broadcast %broadcast_in_dim3A_535 : i32 to vector<16xi32>
    %reshape3A_537 = vector.shape_cast %broadcast_in_dim3A_536 : vector<16xi32> to vector<16x1xi32>
    %gather3A_538 = vector.shape_cast %reshape3A_537 : vector<16x1xi32> to vector<16xi32>
    %gather3A_539 = tpu.dynamic_gather %get3A_17[%gather3A_538] in [0] : vector<16xf32>, vector<16xi32> -> vector<16xf32>
    %select_n3A_540 = arith.select %eq3A_534, %gather3A_539, %select_n3A_531 : vector<16xi1>, vector<16xf32>
    %eq3A_541 = arith.constant 8 : i32
    %eq3A_542 = vector.broadcast %eq3A_541 : i32 to vector<16xi32>
    %eq3A_543 = arith.cmpi eq, %iota3A, %eq3A_542 : vector<16xi32>
    %broadcast_in_dim3A_544 = arith.constant 3 : i32
    %broadcast_in_dim3A_545 = vector.broadcast %broadcast_in_dim3A_544 : i32 to vector<16xi32>
    %reshape3A_546 = vector.shape_cast %broadcast_in_dim3A_545 : vector<16xi32> to vector<16x1xi32>
    %gather3A_547 = vector.shape_cast %reshape3A_546 : vector<16x1xi32> to vector<16xi32>
    %gather3A_548 = tpu.dynamic_gather %get3A_19[%gather3A_547] in [0] : vector<16xf32>, vector<16xi32> -> vector<16xf32>
    %select_n3A_549 = arith.select %eq3A_543, %gather3A_548, %select_n3A_540 : vector<16xi1>, vector<16xf32>
    %eq3A_550 = arith.constant 9 : i32
    %eq3A_551 = vector.broadcast %eq3A_550 : i32 to vector<16xi32>
    %eq3A_552 = arith.cmpi eq, %iota3A, %eq3A_551 : vector<16xi32>
    %broadcast_in_dim3A_553 = arith.constant 3 : i32
    %broadcast_in_dim3A_554 = vector.broadcast %broadcast_in_dim3A_553 : i32 to vector<16xi32>
    %reshape3A_555 = vector.shape_cast %broadcast_in_dim3A_554 : vector<16xi32> to vector<16x1xi32>
    %gather3A_556 = vector.shape_cast %reshape3A_555 : vector<16x1xi32> to vector<16xi32>
    %gather3A_557 = tpu.dynamic_gather %get3A_21[%gather3A_556] in [0] : vector<16xf32>, vector<16xi32> -> vector<16xf32>
    %select_n3A_558 = arith.select %eq3A_552, %gather3A_557, %select_n3A_549 : vector<16xi1>, vector<16xf32>
    %eq3A_559 = arith.constant 10 : i32
    %eq3A_560 = vector.broadcast %eq3A_559 : i32 to vector<16xi32>
    %eq3A_561 = arith.cmpi eq, %iota3A, %eq3A_560 : vector<16xi32>
    %broadcast_in_dim3A_562 = arith.constant 3 : i32
    %broadcast_in_dim3A_563 = vector.broadcast %broadcast_in_dim3A_562 : i32 to vector<16xi32>
    %reshape3A_564 = vector.shape_cast %broadcast_in_dim3A_563 : vector<16xi32> to vector<16x1xi32>
    %gather3A_565 = vector.shape_cast %reshape3A_564 : vector<16x1xi32> to vector<16xi32>
    %gather3A_566 = tpu.dynamic_gather %get3A_23[%gather3A_565] in [0] : vector<16xf32>, vector<16xi32> -> vector<16xf32>
    %select_n3A_567 = arith.select %eq3A_561, %gather3A_566, %select_n3A_558 : vector<16xi1>, vector<16xf32>
    %eq3A_568 = arith.constant 11 : i32
    %eq3A_569 = vector.broadcast %eq3A_568 : i32 to vector<16xi32>
    %eq3A_570 = arith.cmpi eq, %iota3A, %eq3A_569 : vector<16xi32>
    %broadcast_in_dim3A_571 = arith.constant 3 : i32
    %broadcast_in_dim3A_572 = vector.broadcast %broadcast_in_dim3A_571 : i32 to vector<16xi32>
    %reshape3A_573 = vector.shape_cast %broadcast_in_dim3A_572 : vector<16xi32> to vector<16x1xi32>
    %gather3A_574 = vector.shape_cast %reshape3A_573 : vector<16x1xi32> to vector<16xi32>
    %gather3A_575 = tpu.dynamic_gather %get3A_25[%gather3A_574] in [0] : vector<16xf32>, vector<16xi32> -> vector<16xf32>
    %select_n3A_576 = arith.select %eq3A_570, %gather3A_575, %select_n3A_567 : vector<16xi1>, vector<16xf32>
    %eq3A_577 = arith.constant 12 : i32
    %eq3A_578 = vector.broadcast %eq3A_577 : i32 to vector<16xi32>
    %eq3A_579 = arith.cmpi eq, %iota3A, %eq3A_578 : vector<16xi32>
    %broadcast_in_dim3A_580 = arith.constant 3 : i32
    %broadcast_in_dim3A_581 = vector.broadcast %broadcast_in_dim3A_580 : i32 to vector<16xi32>
    %reshape3A_582 = vector.shape_cast %broadcast_in_dim3A_581 : vector<16xi32> to vector<16x1xi32>
    %gather3A_583 = vector.shape_cast %reshape3A_582 : vector<16x1xi32> to vector<16xi32>
    %gather3A_584 = tpu.dynamic_gather %get3A_27[%gather3A_583] in [0] : vector<16xf32>, vector<16xi32> -> vector<16xf32>
    %select_n3A_585 = arith.select %eq3A_579, %gather3A_584, %select_n3A_576 : vector<16xi1>, vector<16xf32>
    %eq3A_586 = arith.constant 13 : i32
    %eq3A_587 = vector.broadcast %eq3A_586 : i32 to vector<16xi32>
    %eq3A_588 = arith.cmpi eq, %iota3A, %eq3A_587 : vector<16xi32>
    %broadcast_in_dim3A_589 = arith.constant 3 : i32
    %broadcast_in_dim3A_590 = vector.broadcast %broadcast_in_dim3A_589 : i32 to vector<16xi32>
    %reshape3A_591 = vector.shape_cast %broadcast_in_dim3A_590 : vector<16xi32> to vector<16x1xi32>
    %gather3A_592 = vector.shape_cast %reshape3A_591 : vector<16x1xi32> to vector<16xi32>
    %gather3A_593 = tpu.dynamic_gather %get3A_29[%gather3A_592] in [0] : vector<16xf32>, vector<16xi32> -> vector<16xf32>
    %select_n3A_594 = arith.select %eq3A_588, %gather3A_593, %select_n3A_585 : vector<16xi1>, vector<16xf32>
    %eq3A_595 = arith.constant 14 : i32
    %eq3A_596 = vector.broadcast %eq3A_595 : i32 to vector<16xi32>
    %eq3A_597 = arith.cmpi eq, %iota3A, %eq3A_596 : vector<16xi32>
    %broadcast_in_dim3A_598 = arith.constant 3 : i32
    %broadcast_in_dim3A_599 = vector.broadcast %broadcast_in_dim3A_598 : i32 to vector<16xi32>
    %reshape3A_600 = vector.shape_cast %broadcast_in_dim3A_599 : vector<16xi32> to vector<16x1xi32>
    %gather3A_601 = vector.shape_cast %reshape3A_600 : vector<16x1xi32> to vector<16xi32>
    %gather3A_602 = tpu.dynamic_gather %get3A_31[%gather3A_601] in [0] : vector<16xf32>, vector<16xi32> -> vector<16xf32>
    %select_n3A_603 = arith.select %eq3A_597, %gather3A_602, %select_n3A_594 : vector<16xi1>, vector<16xf32>
    %eq3A_604 = arith.constant 15 : i32
    %eq3A_605 = vector.broadcast %eq3A_604 : i32 to vector<16xi32>
    %eq3A_606 = arith.cmpi eq, %iota3A, %eq3A_605 : vector<16xi32>
    %broadcast_in_dim3A_607 = arith.constant 3 : i32
    %broadcast_in_dim3A_608 = vector.broadcast %broadcast_in_dim3A_607 : i32 to vector<16xi32>
    %reshape3A_609 = vector.shape_cast %broadcast_in_dim3A_608 : vector<16xi32> to vector<16x1xi32>
    %gather3A_610 = vector.shape_cast %reshape3A_609 : vector<16x1xi32> to vector<16xi32>
    %gather3A_611 = tpu.dynamic_gather %get3A_33[%gather3A_610] in [0] : vector<16xf32>, vector<16xi32> -> vector<16xf32>
    %select_n3A_612 = arith.select %eq3A_606, %gather3A_611, %select_n3A_603 : vector<16xi1>, vector<16xf32>
    %broadcast_in_dim3A_613 = arith.constant 0.000000e+00 : f32
    %broadcast_in_dim3A_614 = vector.broadcast %broadcast_in_dim3A_613 : f32 to vector<16xf32>
    %eq3A_615 = arith.constant 0 : i32
    %eq3A_616 = vector.broadcast %eq3A_615 : i32 to vector<16xi32>
    %eq3A_617 = arith.cmpi eq, %iota3A, %eq3A_616 : vector<16xi32>
    %broadcast_in_dim3A_618 = arith.constant 4 : i32
    %broadcast_in_dim3A_619 = vector.broadcast %broadcast_in_dim3A_618 : i32 to vector<16xi32>
    %reshape3A_620 = vector.shape_cast %broadcast_in_dim3A_619 : vector<16xi32> to vector<16x1xi32>
    %gather3A_621 = vector.shape_cast %reshape3A_620 : vector<16x1xi32> to vector<16xi32>
    %gather3A_622 = tpu.dynamic_gather %get3A_3[%gather3A_621] in [0] : vector<16xf32>, vector<16xi32> -> vector<16xf32>
    %select_n3A_623 = arith.select %eq3A_617, %gather3A_622, %broadcast_in_dim3A_614 : vector<16xi1>, vector<16xf32>
    %eq3A_624 = arith.constant 1 : i32
    %eq3A_625 = vector.broadcast %eq3A_624 : i32 to vector<16xi32>
    %eq3A_626 = arith.cmpi eq, %iota3A, %eq3A_625 : vector<16xi32>
    %broadcast_in_dim3A_627 = arith.constant 4 : i32
    %broadcast_in_dim3A_628 = vector.broadcast %broadcast_in_dim3A_627 : i32 to vector<16xi32>
    %reshape3A_629 = vector.shape_cast %broadcast_in_dim3A_628 : vector<16xi32> to vector<16x1xi32>
    %gather3A_630 = vector.shape_cast %reshape3A_629 : vector<16x1xi32> to vector<16xi32>
    %gather3A_631 = tpu.dynamic_gather %get3A_5[%gather3A_630] in [0] : vector<16xf32>, vector<16xi32> -> vector<16xf32>
    %select_n3A_632 = arith.select %eq3A_626, %gather3A_631, %select_n3A_623 : vector<16xi1>, vector<16xf32>
    %eq3A_633 = arith.constant 2 : i32
    %eq3A_634 = vector.broadcast %eq3A_633 : i32 to vector<16xi32>
    %eq3A_635 = arith.cmpi eq, %iota3A, %eq3A_634 : vector<16xi32>
    %broadcast_in_dim3A_636 = arith.constant 4 : i32
    %broadcast_in_dim3A_637 = vector.broadcast %broadcast_in_dim3A_636 : i32 to vector<16xi32>
    %reshape3A_638 = vector.shape_cast %broadcast_in_dim3A_637 : vector<16xi32> to vector<16x1xi32>
    %gather3A_639 = vector.shape_cast %reshape3A_638 : vector<16x1xi32> to vector<16xi32>
    %gather3A_640 = tpu.dynamic_gather %get3A_7[%gather3A_639] in [0] : vector<16xf32>, vector<16xi32> -> vector<16xf32>
    %select_n3A_641 = arith.select %eq3A_635, %gather3A_640, %select_n3A_632 : vector<16xi1>, vector<16xf32>
    %eq3A_642 = arith.constant 3 : i32
    %eq3A_643 = vector.broadcast %eq3A_642 : i32 to vector<16xi32>
    %eq3A_644 = arith.cmpi eq, %iota3A, %eq3A_643 : vector<16xi32>
    %broadcast_in_dim3A_645 = arith.constant 4 : i32
    %broadcast_in_dim3A_646 = vector.broadcast %broadcast_in_dim3A_645 : i32 to vector<16xi32>
    %reshape3A_647 = vector.shape_cast %broadcast_in_dim3A_646 : vector<16xi32> to vector<16x1xi32>
    %gather3A_648 = vector.shape_cast %reshape3A_647 : vector<16x1xi32> to vector<16xi32>
    %gather3A_649 = tpu.dynamic_gather %get3A_9[%gather3A_648] in [0] : vector<16xf32>, vector<16xi32> -> vector<16xf32>
    %select_n3A_650 = arith.select %eq3A_644, %gather3A_649, %select_n3A_641 : vector<16xi1>, vector<16xf32>
    %eq3A_651 = arith.constant 4 : i32
    %eq3A_652 = vector.broadcast %eq3A_651 : i32 to vector<16xi32>
    %eq3A_653 = arith.cmpi eq, %iota3A, %eq3A_652 : vector<16xi32>
    %broadcast_in_dim3A_654 = arith.constant 4 : i32
    %broadcast_in_dim3A_655 = vector.broadcast %broadcast_in_dim3A_654 : i32 to vector<16xi32>
    %reshape3A_656 = vector.shape_cast %broadcast_in_dim3A_655 : vector<16xi32> to vector<16x1xi32>
    %gather3A_657 = vector.shape_cast %reshape3A_656 : vector<16x1xi32> to vector<16xi32>
    %gather3A_658 = tpu.dynamic_gather %get3A_11[%gather3A_657] in [0] : vector<16xf32>, vector<16xi32> -> vector<16xf32>
    %select_n3A_659 = arith.select %eq3A_653, %gather3A_658, %select_n3A_650 : vector<16xi1>, vector<16xf32>
    %eq3A_660 = arith.constant 5 : i32
    %eq3A_661 = vector.broadcast %eq3A_660 : i32 to vector<16xi32>
    %eq3A_662 = arith.cmpi eq, %iota3A, %eq3A_661 : vector<16xi32>
    %broadcast_in_dim3A_663 = arith.constant 4 : i32
    %broadcast_in_dim3A_664 = vector.broadcast %broadcast_in_dim3A_663 : i32 to vector<16xi32>
    %reshape3A_665 = vector.shape_cast %broadcast_in_dim3A_664 : vector<16xi32> to vector<16x1xi32>
    %gather3A_666 = vector.shape_cast %reshape3A_665 : vector<16x1xi32> to vector<16xi32>
    %gather3A_667 = tpu.dynamic_gather %get3A_13[%gather3A_666] in [0] : vector<16xf32>, vector<16xi32> -> vector<16xf32>
    %select_n3A_668 = arith.select %eq3A_662, %gather3A_667, %select_n3A_659 : vector<16xi1>, vector<16xf32>
    %eq3A_669 = arith.constant 6 : i32
    %eq3A_670 = vector.broadcast %eq3A_669 : i32 to vector<16xi32>
    %eq3A_671 = arith.cmpi eq, %iota3A, %eq3A_670 : vector<16xi32>
    %broadcast_in_dim3A_672 = arith.constant 4 : i32
    %broadcast_in_dim3A_673 = vector.broadcast %broadcast_in_dim3A_672 : i32 to vector<16xi32>
    %reshape3A_674 = vector.shape_cast %broadcast_in_dim3A_673 : vector<16xi32> to vector<16x1xi32>
    %gather3A_675 = vector.shape_cast %reshape3A_674 : vector<16x1xi32> to vector<16xi32>
    %gather3A_676 = tpu.dynamic_gather %get3A_15[%gather3A_675] in [0] : vector<16xf32>, vector<16xi32> -> vector<16xf32>
    %select_n3A_677 = arith.select %eq3A_671, %gather3A_676, %select_n3A_668 : vector<16xi1>, vector<16xf32>
    %eq3A_678 = arith.constant 7 : i32
    %eq3A_679 = vector.broadcast %eq3A_678 : i32 to vector<16xi32>
    %eq3A_680 = arith.cmpi eq, %iota3A, %eq3A_679 : vector<16xi32>
    %broadcast_in_dim3A_681 = arith.constant 4 : i32
    %broadcast_in_dim3A_682 = vector.broadcast %broadcast_in_dim3A_681 : i32 to vector<16xi32>
    %reshape3A_683 = vector.shape_cast %broadcast_in_dim3A_682 : vector<16xi32> to vector<16x1xi32>
    %gather3A_684 = vector.shape_cast %reshape3A_683 : vector<16x1xi32> to vector<16xi32>
    %gather3A_685 = tpu.dynamic_gather %get3A_17[%gather3A_684] in [0] : vector<16xf32>, vector<16xi32> -> vector<16xf32>
    %select_n3A_686 = arith.select %eq3A_680, %gather3A_685, %select_n3A_677 : vector<16xi1>, vector<16xf32>
    %eq3A_687 = arith.constant 8 : i32
    %eq3A_688 = vector.broadcast %eq3A_687 : i32 to vector<16xi32>
    %eq3A_689 = arith.cmpi eq, %iota3A, %eq3A_688 : vector<16xi32>
    %broadcast_in_dim3A_690 = arith.constant 4 : i32
    %broadcast_in_dim3A_691 = vector.broadcast %broadcast_in_dim3A_690 : i32 to vector<16xi32>
    %reshape3A_692 = vector.shape_cast %broadcast_in_dim3A_691 : vector<16xi32> to vector<16x1xi32>
    %gather3A_693 = vector.shape_cast %reshape3A_692 : vector<16x1xi32> to vector<16xi32>
    %gather3A_694 = tpu.dynamic_gather %get3A_19[%gather3A_693] in [0] : vector<16xf32>, vector<16xi32> -> vector<16xf32>
    %select_n3A_695 = arith.select %eq3A_689, %gather3A_694, %select_n3A_686 : vector<16xi1>, vector<16xf32>
    %eq3A_696 = arith.constant 9 : i32
    %eq3A_697 = vector.broadcast %eq3A_696 : i32 to vector<16xi32>
    %eq3A_698 = arith.cmpi eq, %iota3A, %eq3A_697 : vector<16xi32>
    %broadcast_in_dim3A_699 = arith.constant 4 : i32
    %broadcast_in_dim3A_700 = vector.broadcast %broadcast_in_dim3A_699 : i32 to vector<16xi32>
    %reshape3A_701 = vector.shape_cast %broadcast_in_dim3A_700 : vector<16xi32> to vector<16x1xi32>
    %gather3A_702 = vector.shape_cast %reshape3A_701 : vector<16x1xi32> to vector<16xi32>
    %gather3A_703 = tpu.dynamic_gather %get3A_21[%gather3A_702] in [0] : vector<16xf32>, vector<16xi32> -> vector<16xf32>
    %select_n3A_704 = arith.select %eq3A_698, %gather3A_703, %select_n3A_695 : vector<16xi1>, vector<16xf32>
    %eq3A_705 = arith.constant 10 : i32
    %eq3A_706 = vector.broadcast %eq3A_705 : i32 to vector<16xi32>
    %eq3A_707 = arith.cmpi eq, %iota3A, %eq3A_706 : vector<16xi32>
    %broadcast_in_dim3A_708 = arith.constant 4 : i32
    %broadcast_in_dim3A_709 = vector.broadcast %broadcast_in_dim3A_708 : i32 to vector<16xi32>
    %reshape3A_710 = vector.shape_cast %broadcast_in_dim3A_709 : vector<16xi32> to vector<16x1xi32>
    %gather3A_711 = vector.shape_cast %reshape3A_710 : vector<16x1xi32> to vector<16xi32>
    %gather3A_712 = tpu.dynamic_gather %get3A_23[%gather3A_711] in [0] : vector<16xf32>, vector<16xi32> -> vector<16xf32>
    %select_n3A_713 = arith.select %eq3A_707, %gather3A_712, %select_n3A_704 : vector<16xi1>, vector<16xf32>
    %eq3A_714 = arith.constant 11 : i32
    %eq3A_715 = vector.broadcast %eq3A_714 : i32 to vector<16xi32>
    %eq3A_716 = arith.cmpi eq, %iota3A, %eq3A_715 : vector<16xi32>
    %broadcast_in_dim3A_717 = arith.constant 4 : i32
    %broadcast_in_dim3A_718 = vector.broadcast %broadcast_in_dim3A_717 : i32 to vector<16xi32>
    %reshape3A_719 = vector.shape_cast %broadcast_in_dim3A_718 : vector<16xi32> to vector<16x1xi32>
    %gather3A_720 = vector.shape_cast %reshape3A_719 : vector<16x1xi32> to vector<16xi32>
    %gather3A_721 = tpu.dynamic_gather %get3A_25[%gather3A_720] in [0] : vector<16xf32>, vector<16xi32> -> vector<16xf32>
    %select_n3A_722 = arith.select %eq3A_716, %gather3A_721, %select_n3A_713 : vector<16xi1>, vector<16xf32>
    %eq3A_723 = arith.constant 12 : i32
    %eq3A_724 = vector.broadcast %eq3A_723 : i32 to vector<16xi32>
    %eq3A_725 = arith.cmpi eq, %iota3A, %eq3A_724 : vector<16xi32>
    %broadcast_in_dim3A_726 = arith.constant 4 : i32
    %broadcast_in_dim3A_727 = vector.broadcast %broadcast_in_dim3A_726 : i32 to vector<16xi32>
    %reshape3A_728 = vector.shape_cast %broadcast_in_dim3A_727 : vector<16xi32> to vector<16x1xi32>
    %gather3A_729 = vector.shape_cast %reshape3A_728 : vector<16x1xi32> to vector<16xi32>
    %gather3A_730 = tpu.dynamic_gather %get3A_27[%gather3A_729] in [0] : vector<16xf32>, vector<16xi32> -> vector<16xf32>
    %select_n3A_731 = arith.select %eq3A_725, %gather3A_730, %select_n3A_722 : vector<16xi1>, vector<16xf32>
    %eq3A_732 = arith.constant 13 : i32
    %eq3A_733 = vector.broadcast %eq3A_732 : i32 to vector<16xi32>
    %eq3A_734 = arith.cmpi eq, %iota3A, %eq3A_733 : vector<16xi32>
    %broadcast_in_dim3A_735 = arith.constant 4 : i32
    %broadcast_in_dim3A_736 = vector.broadcast %broadcast_in_dim3A_735 : i32 to vector<16xi32>
    %reshape3A_737 = vector.shape_cast %broadcast_in_dim3A_736 : vector<16xi32> to vector<16x1xi32>
    %gather3A_738 = vector.shape_cast %reshape3A_737 : vector<16x1xi32> to vector<16xi32>
    %gather3A_739 = tpu.dynamic_gather %get3A_29[%gather3A_738] in [0] : vector<16xf32>, vector<16xi32> -> vector<16xf32>
    %select_n3A_740 = arith.select %eq3A_734, %gather3A_739, %select_n3A_731 : vector<16xi1>, vector<16xf32>
    %eq3A_741 = arith.constant 14 : i32
    %eq3A_742 = vector.broadcast %eq3A_741 : i32 to vector<16xi32>
    %eq3A_743 = arith.cmpi eq, %iota3A, %eq3A_742 : vector<16xi32>
    %broadcast_in_dim3A_744 = arith.constant 4 : i32
    %broadcast_in_dim3A_745 = vector.broadcast %broadcast_in_dim3A_744 : i32 to vector<16xi32>
    %reshape3A_746 = vector.shape_cast %broadcast_in_dim3A_745 : vector<16xi32> to vector<16x1xi32>
    %gather3A_747 = vector.shape_cast %reshape3A_746 : vector<16x1xi32> to vector<16xi32>
    %gather3A_748 = tpu.dynamic_gather %get3A_31[%gather3A_747] in [0] : vector<16xf32>, vector<16xi32> -> vector<16xf32>
    %select_n3A_749 = arith.select %eq3A_743, %gather3A_748, %select_n3A_740 : vector<16xi1>, vector<16xf32>
    %eq3A_750 = arith.constant 15 : i32
    %eq3A_751 = vector.broadcast %eq3A_750 : i32 to vector<16xi32>
    %eq3A_752 = arith.cmpi eq, %iota3A, %eq3A_751 : vector<16xi32>
    %broadcast_in_dim3A_753 = arith.constant 4 : i32
    %broadcast_in_dim3A_754 = vector.broadcast %broadcast_in_dim3A_753 : i32 to vector<16xi32>
    %reshape3A_755 = vector.shape_cast %broadcast_in_dim3A_754 : vector<16xi32> to vector<16x1xi32>
    %gather3A_756 = vector.shape_cast %reshape3A_755 : vector<16x1xi32> to vector<16xi32>
    %gather3A_757 = tpu.dynamic_gather %get3A_33[%gather3A_756] in [0] : vector<16xf32>, vector<16xi32> -> vector<16xf32>
    %select_n3A_758 = arith.select %eq3A_752, %gather3A_757, %select_n3A_749 : vector<16xi1>, vector<16xf32>
    %broadcast_in_dim3A_759 = arith.constant 0.000000e+00 : f32
    %broadcast_in_dim3A_760 = vector.broadcast %broadcast_in_dim3A_759 : f32 to vector<16xf32>
    %eq3A_761 = arith.constant 0 : i32
    %eq3A_762 = vector.broadcast %eq3A_761 : i32 to vector<16xi32>
    %eq3A_763 = arith.cmpi eq, %iota3A, %eq3A_762 : vector<16xi32>
    %broadcast_in_dim3A_764 = arith.constant 5 : i32
    %broadcast_in_dim3A_765 = vector.broadcast %broadcast_in_dim3A_764 : i32 to vector<16xi32>
    %reshape3A_766 = vector.shape_cast %broadcast_in_dim3A_765 : vector<16xi32> to vector<16x1xi32>
    %gather3A_767 = vector.shape_cast %reshape3A_766 : vector<16x1xi32> to vector<16xi32>
    %gather3A_768 = tpu.dynamic_gather %get3A_3[%gather3A_767] in [0] : vector<16xf32>, vector<16xi32> -> vector<16xf32>
    %select_n3A_769 = arith.select %eq3A_763, %gather3A_768, %broadcast_in_dim3A_760 : vector<16xi1>, vector<16xf32>
    %eq3A_770 = arith.constant 1 : i32
    %eq3A_771 = vector.broadcast %eq3A_770 : i32 to vector<16xi32>
    %eq3A_772 = arith.cmpi eq, %iota3A, %eq3A_771 : vector<16xi32>
    %broadcast_in_dim3A_773 = arith.constant 5 : i32
    %broadcast_in_dim3A_774 = vector.broadcast %broadcast_in_dim3A_773 : i32 to vector<16xi32>
    %reshape3A_775 = vector.shape_cast %broadcast_in_dim3A_774 : vector<16xi32> to vector<16x1xi32>
    %gather3A_776 = vector.shape_cast %reshape3A_775 : vector<16x1xi32> to vector<16xi32>
    %gather3A_777 = tpu.dynamic_gather %get3A_5[%gather3A_776] in [0] : vector<16xf32>, vector<16xi32> -> vector<16xf32>
    %select_n3A_778 = arith.select %eq3A_772, %gather3A_777, %select_n3A_769 : vector<16xi1>, vector<16xf32>
    %eq3A_779 = arith.constant 2 : i32
    %eq3A_780 = vector.broadcast %eq3A_779 : i32 to vector<16xi32>
    %eq3A_781 = arith.cmpi eq, %iota3A, %eq3A_780 : vector<16xi32>
    %broadcast_in_dim3A_782 = arith.constant 5 : i32
    %broadcast_in_dim3A_783 = vector.broadcast %broadcast_in_dim3A_782 : i32 to vector<16xi32>
    %reshape3A_784 = vector.shape_cast %broadcast_in_dim3A_783 : vector<16xi32> to vector<16x1xi32>
    %gather3A_785 = vector.shape_cast %reshape3A_784 : vector<16x1xi32> to vector<16xi32>
    %gather3A_786 = tpu.dynamic_gather %get3A_7[%gather3A_785] in [0] : vector<16xf32>, vector<16xi32> -> vector<16xf32>
    %select_n3A_787 = arith.select %eq3A_781, %gather3A_786, %select_n3A_778 : vector<16xi1>, vector<16xf32>
    %eq3A_788 = arith.constant 3 : i32
    %eq3A_789 = vector.broadcast %eq3A_788 : i32 to vector<16xi32>
    %eq3A_790 = arith.cmpi eq, %iota3A, %eq3A_789 : vector<16xi32>
    %broadcast_in_dim3A_791 = arith.constant 5 : i32
    %broadcast_in_dim3A_792 = vector.broadcast %broadcast_in_dim3A_791 : i32 to vector<16xi32>
    %reshape3A_793 = vector.shape_cast %broadcast_in_dim3A_792 : vector<16xi32> to vector<16x1xi32>
    %gather3A_794 = vector.shape_cast %reshape3A_793 : vector<16x1xi32> to vector<16xi32>
    %gather3A_795 = tpu.dynamic_gather %get3A_9[%gather3A_794] in [0] : vector<16xf32>, vector<16xi32> -> vector<16xf32>
    %select_n3A_796 = arith.select %eq3A_790, %gather3A_795, %select_n3A_787 : vector<16xi1>, vector<16xf32>
    %eq3A_797 = arith.constant 4 : i32
    %eq3A_798 = vector.broadcast %eq3A_797 : i32 to vector<16xi32>
    %eq3A_799 = arith.cmpi eq, %iota3A, %eq3A_798 : vector<16xi32>
    %broadcast_in_dim3A_800 = arith.constant 5 : i32
    %broadcast_in_dim3A_801 = vector.broadcast %broadcast_in_dim3A_800 : i32 to vector<16xi32>
    %reshape3A_802 = vector.shape_cast %broadcast_in_dim3A_801 : vector<16xi32> to vector<16x1xi32>
    %gather3A_803 = vector.shape_cast %reshape3A_802 : vector<16x1xi32> to vector<16xi32>
    %gather3A_804 = tpu.dynamic_gather %get3A_11[%gather3A_803] in [0] : vector<16xf32>, vector<16xi32> -> vector<16xf32>
    %select_n3A_805 = arith.select %eq3A_799, %gather3A_804, %select_n3A_796 : vector<16xi1>, vector<16xf32>
    %eq3A_806 = arith.constant 5 : i32
    %eq3A_807 = vector.broadcast %eq3A_806 : i32 to vector<16xi32>
    %eq3A_808 = arith.cmpi eq, %iota3A, %eq3A_807 : vector<16xi32>
    %broadcast_in_dim3A_809 = arith.constant 5 : i32
    %broadcast_in_dim3A_810 = vector.broadcast %broadcast_in_dim3A_809 : i32 to vector<16xi32>
    %reshape3A_811 = vector.shape_cast %broadcast_in_dim3A_810 : vector<16xi32> to vector<16x1xi32>
    %gather3A_812 = vector.shape_cast %reshape3A_811 : vector<16x1xi32> to vector<16xi32>
    %gather3A_813 = tpu.dynamic_gather %get3A_13[%gather3A_812] in [0] : vector<16xf32>, vector<16xi32> -> vector<16xf32>
    %select_n3A_814 = arith.select %eq3A_808, %gather3A_813, %select_n3A_805 : vector<16xi1>, vector<16xf32>
    %eq3A_815 = arith.constant 6 : i32
    %eq3A_816 = vector.broadcast %eq3A_815 : i32 to vector<16xi32>
    %eq3A_817 = arith.cmpi eq, %iota3A, %eq3A_816 : vector<16xi32>
    %broadcast_in_dim3A_818 = arith.constant 5 : i32
    %broadcast_in_dim3A_819 = vector.broadcast %broadcast_in_dim3A_818 : i32 to vector<16xi32>
    %reshape3A_820 = vector.shape_cast %broadcast_in_dim3A_819 : vector<16xi32> to vector<16x1xi32>
    %gather3A_821 = vector.shape_cast %reshape3A_820 : vector<16x1xi32> to vector<16xi32>
    %gather3A_822 = tpu.dynamic_gather %get3A_15[%gather3A_821] in [0] : vector<16xf32>, vector<16xi32> -> vector<16xf32>
    %select_n3A_823 = arith.select %eq3A_817, %gather3A_822, %select_n3A_814 : vector<16xi1>, vector<16xf32>
    %eq3A_824 = arith.constant 7 : i32
    %eq3A_825 = vector.broadcast %eq3A_824 : i32 to vector<16xi32>
    %eq3A_826 = arith.cmpi eq, %iota3A, %eq3A_825 : vector<16xi32>
    %broadcast_in_dim3A_827 = arith.constant 5 : i32
    %broadcast_in_dim3A_828 = vector.broadcast %broadcast_in_dim3A_827 : i32 to vector<16xi32>
    %reshape3A_829 = vector.shape_cast %broadcast_in_dim3A_828 : vector<16xi32> to vector<16x1xi32>
    %gather3A_830 = vector.shape_cast %reshape3A_829 : vector<16x1xi32> to vector<16xi32>
    %gather3A_831 = tpu.dynamic_gather %get3A_17[%gather3A_830] in [0] : vector<16xf32>, vector<16xi32> -> vector<16xf32>
    %select_n3A_832 = arith.select %eq3A_826, %gather3A_831, %select_n3A_823 : vector<16xi1>, vector<16xf32>
    %eq3A_833 = arith.constant 8 : i32
    %eq3A_834 = vector.broadcast %eq3A_833 : i32 to vector<16xi32>
    %eq3A_835 = arith.cmpi eq, %iota3A, %eq3A_834 : vector<16xi32>
    %broadcast_in_dim3A_836 = arith.constant 5 : i32
    %broadcast_in_dim3A_837 = vector.broadcast %broadcast_in_dim3A_836 : i32 to vector<16xi32>
    %reshape3A_838 = vector.shape_cast %broadcast_in_dim3A_837 : vector<16xi32> to vector<16x1xi32>
    %gather3A_839 = vector.shape_cast %reshape3A_838 : vector<16x1xi32> to vector<16xi32>
    %gather3A_840 = tpu.dynamic_gather %get3A_19[%gather3A_839] in [0] : vector<16xf32>, vector<16xi32> -> vector<16xf32>
    %select_n3A_841 = arith.select %eq3A_835, %gather3A_840, %select_n3A_832 : vector<16xi1>, vector<16xf32>
    %eq3A_842 = arith.constant 9 : i32
    %eq3A_843 = vector.broadcast %eq3A_842 : i32 to vector<16xi32>
    %eq3A_844 = arith.cmpi eq, %iota3A, %eq3A_843 : vector<16xi32>
    %broadcast_in_dim3A_845 = arith.constant 5 : i32
    %broadcast_in_dim3A_846 = vector.broadcast %broadcast_in_dim3A_845 : i32 to vector<16xi32>
    %reshape3A_847 = vector.shape_cast %broadcast_in_dim3A_846 : vector<16xi32> to vector<16x1xi32>
    %gather3A_848 = vector.shape_cast %reshape3A_847 : vector<16x1xi32> to vector<16xi32>
    %gather3A_849 = tpu.dynamic_gather %get3A_21[%gather3A_848] in [0] : vector<16xf32>, vector<16xi32> -> vector<16xf32>
    %select_n3A_850 = arith.select %eq3A_844, %gather3A_849, %select_n3A_841 : vector<16xi1>, vector<16xf32>
    %eq3A_851 = arith.constant 10 : i32
    %eq3A_852 = vector.broadcast %eq3A_851 : i32 to vector<16xi32>
    %eq3A_853 = arith.cmpi eq, %iota3A, %eq3A_852 : vector<16xi32>
    %broadcast_in_dim3A_854 = arith.constant 5 : i32
    %broadcast_in_dim3A_855 = vector.broadcast %broadcast_in_dim3A_854 : i32 to vector<16xi32>
    %reshape3A_856 = vector.shape_cast %broadcast_in_dim3A_855 : vector<16xi32> to vector<16x1xi32>
    %gather3A_857 = vector.shape_cast %reshape3A_856 : vector<16x1xi32> to vector<16xi32>
    %gather3A_858 = tpu.dynamic_gather %get3A_23[%gather3A_857] in [0] : vector<16xf32>, vector<16xi32> -> vector<16xf32>
    %select_n3A_859 = arith.select %eq3A_853, %gather3A_858, %select_n3A_850 : vector<16xi1>, vector<16xf32>
    %eq3A_860 = arith.constant 11 : i32
    %eq3A_861 = vector.broadcast %eq3A_860 : i32 to vector<16xi32>
    %eq3A_862 = arith.cmpi eq, %iota3A, %eq3A_861 : vector<16xi32>
    %broadcast_in_dim3A_863 = arith.constant 5 : i32
    %broadcast_in_dim3A_864 = vector.broadcast %broadcast_in_dim3A_863 : i32 to vector<16xi32>
    %reshape3A_865 = vector.shape_cast %broadcast_in_dim3A_864 : vector<16xi32> to vector<16x1xi32>
    %gather3A_866 = vector.shape_cast %reshape3A_865 : vector<16x1xi32> to vector<16xi32>
    %gather3A_867 = tpu.dynamic_gather %get3A_25[%gather3A_866] in [0] : vector<16xf32>, vector<16xi32> -> vector<16xf32>
    %select_n3A_868 = arith.select %eq3A_862, %gather3A_867, %select_n3A_859 : vector<16xi1>, vector<16xf32>
    %eq3A_869 = arith.constant 12 : i32
    %eq3A_870 = vector.broadcast %eq3A_869 : i32 to vector<16xi32>
    %eq3A_871 = arith.cmpi eq, %iota3A, %eq3A_870 : vector<16xi32>
    %broadcast_in_dim3A_872 = arith.constant 5 : i32
    %broadcast_in_dim3A_873 = vector.broadcast %broadcast_in_dim3A_872 : i32 to vector<16xi32>
    %reshape3A_874 = vector.shape_cast %broadcast_in_dim3A_873 : vector<16xi32> to vector<16x1xi32>
    %gather3A_875 = vector.shape_cast %reshape3A_874 : vector<16x1xi32> to vector<16xi32>
    %gather3A_876 = tpu.dynamic_gather %get3A_27[%gather3A_875] in [0] : vector<16xf32>, vector<16xi32> -> vector<16xf32>
    %select_n3A_877 = arith.select %eq3A_871, %gather3A_876, %select_n3A_868 : vector<16xi1>, vector<16xf32>
    %eq3A_878 = arith.constant 13 : i32
    %eq3A_879 = vector.broadcast %eq3A_878 : i32 to vector<16xi32>
    %eq3A_880 = arith.cmpi eq, %iota3A, %eq3A_879 : vector<16xi32>
    %broadcast_in_dim3A_881 = arith.constant 5 : i32
    %broadcast_in_dim3A_882 = vector.broadcast %broadcast_in_dim3A_881 : i32 to vector<16xi32>
    %reshape3A_883 = vector.shape_cast %broadcast_in_dim3A_882 : vector<16xi32> to vector<16x1xi32>
    %gather3A_884 = vector.shape_cast %reshape3A_883 : vector<16x1xi32> to vector<16xi32>
    %gather3A_885 = tpu.dynamic_gather %get3A_29[%gather3A_884] in [0] : vector<16xf32>, vector<16xi32> -> vector<16xf32>
    %select_n3A_886 = arith.select %eq3A_880, %gather3A_885, %select_n3A_877 : vector<16xi1>, vector<16xf32>
    %eq3A_887 = arith.constant 14 : i32
    %eq3A_888 = vector.broadcast %eq3A_887 : i32 to vector<16xi32>
    %eq3A_889 = arith.cmpi eq, %iota3A, %eq3A_888 : vector<16xi32>
    %broadcast_in_dim3A_890 = arith.constant 5 : i32
    %broadcast_in_dim3A_891 = vector.broadcast %broadcast_in_dim3A_890 : i32 to vector<16xi32>
    %reshape3A_892 = vector.shape_cast %broadcast_in_dim3A_891 : vector<16xi32> to vector<16x1xi32>
    %gather3A_893 = vector.shape_cast %reshape3A_892 : vector<16x1xi32> to vector<16xi32>
    %gather3A_894 = tpu.dynamic_gather %get3A_31[%gather3A_893] in [0] : vector<16xf32>, vector<16xi32> -> vector<16xf32>
    %select_n3A_895 = arith.select %eq3A_889, %gather3A_894, %select_n3A_886 : vector<16xi1>, vector<16xf32>
    %eq3A_896 = arith.constant 15 : i32
    %eq3A_897 = vector.broadcast %eq3A_896 : i32 to vector<16xi32>
    %eq3A_898 = arith.cmpi eq, %iota3A, %eq3A_897 : vector<16xi32>
    %broadcast_in_dim3A_899 = arith.constant 5 : i32
    %broadcast_in_dim3A_900 = vector.broadcast %broadcast_in_dim3A_899 : i32 to vector<16xi32>
    %reshape3A_901 = vector.shape_cast %broadcast_in_dim3A_900 : vector<16xi32> to vector<16x1xi32>
    %gather3A_902 = vector.shape_cast %reshape3A_901 : vector<16x1xi32> to vector<16xi32>
    %gather3A_903 = tpu.dynamic_gather %get3A_33[%gather3A_902] in [0] : vector<16xf32>, vector<16xi32> -> vector<16xf32>
    %select_n3A_904 = arith.select %eq3A_898, %gather3A_903, %select_n3A_895 : vector<16xi1>, vector<16xf32>
    %broadcast_in_dim3A_905 = arith.constant 0.000000e+00 : f32
    %broadcast_in_dim3A_906 = vector.broadcast %broadcast_in_dim3A_905 : f32 to vector<16xf32>
    %eq3A_907 = arith.constant 0 : i32
    %eq3A_908 = vector.broadcast %eq3A_907 : i32 to vector<16xi32>
    %eq3A_909 = arith.cmpi eq, %iota3A, %eq3A_908 : vector<16xi32>
    %broadcast_in_dim3A_910 = arith.constant 6 : i32
    %broadcast_in_dim3A_911 = vector.broadcast %broadcast_in_dim3A_910 : i32 to vector<16xi32>
    %reshape3A_912 = vector.shape_cast %broadcast_in_dim3A_911 : vector<16xi32> to vector<16x1xi32>
    %gather3A_913 = vector.shape_cast %reshape3A_912 : vector<16x1xi32> to vector<16xi32>
    %gather3A_914 = tpu.dynamic_gather %get3A_3[%gather3A_913] in [0] : vector<16xf32>, vector<16xi32> -> vector<16xf32>
    %select_n3A_915 = arith.select %eq3A_909, %gather3A_914, %broadcast_in_dim3A_906 : vector<16xi1>, vector<16xf32>
    %eq3A_916 = arith.constant 1 : i32
    %eq3A_917 = vector.broadcast %eq3A_916 : i32 to vector<16xi32>
    %eq3A_918 = arith.cmpi eq, %iota3A, %eq3A_917 : vector<16xi32>
    %broadcast_in_dim3A_919 = arith.constant 6 : i32
    %broadcast_in_dim3A_920 = vector.broadcast %broadcast_in_dim3A_919 : i32 to vector<16xi32>
    %reshape3A_921 = vector.shape_cast %broadcast_in_dim3A_920 : vector<16xi32> to vector<16x1xi32>
    %gather3A_922 = vector.shape_cast %reshape3A_921 : vector<16x1xi32> to vector<16xi32>
    %gather3A_923 = tpu.dynamic_gather %get3A_5[%gather3A_922] in [0] : vector<16xf32>, vector<16xi32> -> vector<16xf32>
    %select_n3A_924 = arith.select %eq3A_918, %gather3A_923, %select_n3A_915 : vector<16xi1>, vector<16xf32>
    %eq3A_925 = arith.constant 2 : i32
    %eq3A_926 = vector.broadcast %eq3A_925 : i32 to vector<16xi32>
    %eq3A_927 = arith.cmpi eq, %iota3A, %eq3A_926 : vector<16xi32>
    %broadcast_in_dim3A_928 = arith.constant 6 : i32
    %broadcast_in_dim3A_929 = vector.broadcast %broadcast_in_dim3A_928 : i32 to vector<16xi32>
    %reshape3A_930 = vector.shape_cast %broadcast_in_dim3A_929 : vector<16xi32> to vector<16x1xi32>
    %gather3A_931 = vector.shape_cast %reshape3A_930 : vector<16x1xi32> to vector<16xi32>
    %gather3A_932 = tpu.dynamic_gather %get3A_7[%gather3A_931] in [0] : vector<16xf32>, vector<16xi32> -> vector<16xf32>
    %select_n3A_933 = arith.select %eq3A_927, %gather3A_932, %select_n3A_924 : vector<16xi1>, vector<16xf32>
    %eq3A_934 = arith.constant 3 : i32
    %eq3A_935 = vector.broadcast %eq3A_934 : i32 to vector<16xi32>
    %eq3A_936 = arith.cmpi eq, %iota3A, %eq3A_935 : vector<16xi32>
    %broadcast_in_dim3A_937 = arith.constant 6 : i32
    %broadcast_in_dim3A_938 = vector.broadcast %broadcast_in_dim3A_937 : i32 to vector<16xi32>
    %reshape3A_939 = vector.shape_cast %broadcast_in_dim3A_938 : vector<16xi32> to vector<16x1xi32>
    %gather3A_940 = vector.shape_cast %reshape3A_939 : vector<16x1xi32> to vector<16xi32>
    %gather3A_941 = tpu.dynamic_gather %get3A_9[%gather3A_940] in [0] : vector<16xf32>, vector<16xi32> -> vector<16xf32>
    %select_n3A_942 = arith.select %eq3A_936, %gather3A_941, %select_n3A_933 : vector<16xi1>, vector<16xf32>
    %eq3A_943 = arith.constant 4 : i32
    %eq3A_944 = vector.broadcast %eq3A_943 : i32 to vector<16xi32>
    %eq3A_945 = arith.cmpi eq, %iota3A, %eq3A_944 : vector<16xi32>
    %broadcast_in_dim3A_946 = arith.constant 6 : i32
    %broadcast_in_dim3A_947 = vector.broadcast %broadcast_in_dim3A_946 : i32 to vector<16xi32>
    %reshape3A_948 = vector.shape_cast %broadcast_in_dim3A_947 : vector<16xi32> to vector<16x1xi32>
    %gather3A_949 = vector.shape_cast %reshape3A_948 : vector<16x1xi32> to vector<16xi32>
    %gather3A_950 = tpu.dynamic_gather %get3A_11[%gather3A_949] in [0] : vector<16xf32>, vector<16xi32> -> vector<16xf32>
    %select_n3A_951 = arith.select %eq3A_945, %gather3A_950, %select_n3A_942 : vector<16xi1>, vector<16xf32>
    %eq3A_952 = arith.constant 5 : i32
    %eq3A_953 = vector.broadcast %eq3A_952 : i32 to vector<16xi32>
    %eq3A_954 = arith.cmpi eq, %iota3A, %eq3A_953 : vector<16xi32>
    %broadcast_in_dim3A_955 = arith.constant 6 : i32
    %broadcast_in_dim3A_956 = vector.broadcast %broadcast_in_dim3A_955 : i32 to vector<16xi32>
    %reshape3A_957 = vector.shape_cast %broadcast_in_dim3A_956 : vector<16xi32> to vector<16x1xi32>
    %gather3A_958 = vector.shape_cast %reshape3A_957 : vector<16x1xi32> to vector<16xi32>
    %gather3A_959 = tpu.dynamic_gather %get3A_13[%gather3A_958] in [0] : vector<16xf32>, vector<16xi32> -> vector<16xf32>
    %select_n3A_960 = arith.select %eq3A_954, %gather3A_959, %select_n3A_951 : vector<16xi1>, vector<16xf32>
    %eq3A_961 = arith.constant 6 : i32
    %eq3A_962 = vector.broadcast %eq3A_961 : i32 to vector<16xi32>
    %eq3A_963 = arith.cmpi eq, %iota3A, %eq3A_962 : vector<16xi32>
    %broadcast_in_dim3A_964 = arith.constant 6 : i32
    %broadcast_in_dim3A_965 = vector.broadcast %broadcast_in_dim3A_964 : i32 to vector<16xi32>
    %reshape3A_966 = vector.shape_cast %broadcast_in_dim3A_965 : vector<16xi32> to vector<16x1xi32>
    %gather3A_967 = vector.shape_cast %reshape3A_966 : vector<16x1xi32> to vector<16xi32>
    %gather3A_968 = tpu.dynamic_gather %get3A_15[%gather3A_967] in [0] : vector<16xf32>, vector<16xi32> -> vector<16xf32>
    %select_n3A_969 = arith.select %eq3A_963, %gather3A_968, %select_n3A_960 : vector<16xi1>, vector<16xf32>
    %eq3A_970 = arith.constant 7 : i32
    %eq3A_971 = vector.broadcast %eq3A_970 : i32 to vector<16xi32>
    %eq3A_972 = arith.cmpi eq, %iota3A, %eq3A_971 : vector<16xi32>
    %broadcast_in_dim3A_973 = arith.constant 6 : i32
    %broadcast_in_dim3A_974 = vector.broadcast %broadcast_in_dim3A_973 : i32 to vector<16xi32>
    %reshape3A_975 = vector.shape_cast %broadcast_in_dim3A_974 : vector<16xi32> to vector<16x1xi32>
    %gather3A_976 = vector.shape_cast %reshape3A_975 : vector<16x1xi32> to vector<16xi32>
    %gather3A_977 = tpu.dynamic_gather %get3A_17[%gather3A_976] in [0] : vector<16xf32>, vector<16xi32> -> vector<16xf32>
    %select_n3A_978 = arith.select %eq3A_972, %gather3A_977, %select_n3A_969 : vector<16xi1>, vector<16xf32>
    %eq3A_979 = arith.constant 8 : i32
    %eq3A_980 = vector.broadcast %eq3A_979 : i32 to vector<16xi32>
    %eq3A_981 = arith.cmpi eq, %iota3A, %eq3A_980 : vector<16xi32>
    %broadcast_in_dim3A_982 = arith.constant 6 : i32
    %broadcast_in_dim3A_983 = vector.broadcast %broadcast_in_dim3A_982 : i32 to vector<16xi32>
    %reshape3A_984 = vector.shape_cast %broadcast_in_dim3A_983 : vector<16xi32> to vector<16x1xi32>
    %gather3A_985 = vector.shape_cast %reshape3A_984 : vector<16x1xi32> to vector<16xi32>
    %gather3A_986 = tpu.dynamic_gather %get3A_19[%gather3A_985] in [0] : vector<16xf32>, vector<16xi32> -> vector<16xf32>
    %select_n3A_987 = arith.select %eq3A_981, %gather3A_986, %select_n3A_978 : vector<16xi1>, vector<16xf32>
    %eq3A_988 = arith.constant 9 : i32
    %eq3A_989 = vector.broadcast %eq3A_988 : i32 to vector<16xi32>
    %eq3A_990 = arith.cmpi eq, %iota3A, %eq3A_989 : vector<16xi32>
    %broadcast_in_dim3A_991 = arith.constant 6 : i32
    %broadcast_in_dim3A_992 = vector.broadcast %broadcast_in_dim3A_991 : i32 to vector<16xi32>
    %reshape3A_993 = vector.shape_cast %broadcast_in_dim3A_992 : vector<16xi32> to vector<16x1xi32>
    %gather3A_994 = vector.shape_cast %reshape3A_993 : vector<16x1xi32> to vector<16xi32>
    %gather3A_995 = tpu.dynamic_gather %get3A_21[%gather3A_994] in [0] : vector<16xf32>, vector<16xi32> -> vector<16xf32>
    %select_n3A_996 = arith.select %eq3A_990, %gather3A_995, %select_n3A_987 : vector<16xi1>, vector<16xf32>
    %eq3A_997 = arith.constant 10 : i32
    %eq3A_998 = vector.broadcast %eq3A_997 : i32 to vector<16xi32>
    %eq3A_999 = arith.cmpi eq, %iota3A, %eq3A_998 : vector<16xi32>
    %broadcast_in_dim3A_1000 = arith.constant 6 : i32
    %broadcast_in_dim3A_1001 = vector.broadcast %broadcast_in_dim3A_1000 : i32 to vector<16xi32>
    %reshape3A_1002 = vector.shape_cast %broadcast_in_dim3A_1001 : vector<16xi32> to vector<16x1xi32>
    %gather3A_1003 = vector.shape_cast %reshape3A_1002 : vector<16x1xi32> to vector<16xi32>
    %gather3A_1004 = tpu.dynamic_gather %get3A_23[%gather3A_1003] in [0] : vector<16xf32>, vector<16xi32> -> vector<16xf32>
    %select_n3A_1005 = arith.select %eq3A_999, %gather3A_1004, %select_n3A_996 : vector<16xi1>, vector<16xf32>
    %eq3A_1006 = arith.constant 11 : i32
    %eq3A_1007 = vector.broadcast %eq3A_1006 : i32 to vector<16xi32>
    %eq3A_1008 = arith.cmpi eq, %iota3A, %eq3A_1007 : vector<16xi32>
    %broadcast_in_dim3A_1009 = arith.constant 6 : i32
    %broadcast_in_dim3A_1010 = vector.broadcast %broadcast_in_dim3A_1009 : i32 to vector<16xi32>
    %reshape3A_1011 = vector.shape_cast %broadcast_in_dim3A_1010 : vector<16xi32> to vector<16x1xi32>
    %gather3A_1012 = vector.shape_cast %reshape3A_1011 : vector<16x1xi32> to vector<16xi32>
    %gather3A_1013 = tpu.dynamic_gather %get3A_25[%gather3A_1012] in [0] : vector<16xf32>, vector<16xi32> -> vector<16xf32>
    %select_n3A_1014 = arith.select %eq3A_1008, %gather3A_1013, %select_n3A_1005 : vector<16xi1>, vector<16xf32>
    %eq3A_1015 = arith.constant 12 : i32
    %eq3A_1016 = vector.broadcast %eq3A_1015 : i32 to vector<16xi32>
    %eq3A_1017 = arith.cmpi eq, %iota3A, %eq3A_1016 : vector<16xi32>
    %broadcast_in_dim3A_1018 = arith.constant 6 : i32
    %broadcast_in_dim3A_1019 = vector.broadcast %broadcast_in_dim3A_1018 : i32 to vector<16xi32>
    %reshape3A_1020 = vector.shape_cast %broadcast_in_dim3A_1019 : vector<16xi32> to vector<16x1xi32>
    %gather3A_1021 = vector.shape_cast %reshape3A_1020 : vector<16x1xi32> to vector<16xi32>
    %gather3A_1022 = tpu.dynamic_gather %get3A_27[%gather3A_1021] in [0] : vector<16xf32>, vector<16xi32> -> vector<16xf32>
    %select_n3A_1023 = arith.select %eq3A_1017, %gather3A_1022, %select_n3A_1014 : vector<16xi1>, vector<16xf32>
    %eq3A_1024 = arith.constant 13 : i32
    %eq3A_1025 = vector.broadcast %eq3A_1024 : i32 to vector<16xi32>
    %eq3A_1026 = arith.cmpi eq, %iota3A, %eq3A_1025 : vector<16xi32>
    %broadcast_in_dim3A_1027 = arith.constant 6 : i32
    %broadcast_in_dim3A_1028 = vector.broadcast %broadcast_in_dim3A_1027 : i32 to vector<16xi32>
    %reshape3A_1029 = vector.shape_cast %broadcast_in_dim3A_1028 : vector<16xi32> to vector<16x1xi32>
    %gather3A_1030 = vector.shape_cast %reshape3A_1029 : vector<16x1xi32> to vector<16xi32>
    %gather3A_1031 = tpu.dynamic_gather %get3A_29[%gather3A_1030] in [0] : vector<16xf32>, vector<16xi32> -> vector<16xf32>
    %select_n3A_1032 = arith.select %eq3A_1026, %gather3A_1031, %select_n3A_1023 : vector<16xi1>, vector<16xf32>
    %eq3A_1033 = arith.constant 14 : i32
    %eq3A_1034 = vector.broadcast %eq3A_1033 : i32 to vector<16xi32>
    %eq3A_1035 = arith.cmpi eq, %iota3A, %eq3A_1034 : vector<16xi32>
    %broadcast_in_dim3A_1036 = arith.constant 6 : i32
    %broadcast_in_dim3A_1037 = vector.broadcast %broadcast_in_dim3A_1036 : i32 to vector<16xi32>
    %reshape3A_1038 = vector.shape_cast %broadcast_in_dim3A_1037 : vector<16xi32> to vector<16x1xi32>
    %gather3A_1039 = vector.shape_cast %reshape3A_1038 : vector<16x1xi32> to vector<16xi32>
    %gather3A_1040 = tpu.dynamic_gather %get3A_31[%gather3A_1039] in [0] : vector<16xf32>, vector<16xi32> -> vector<16xf32>
    %select_n3A_1041 = arith.select %eq3A_1035, %gather3A_1040, %select_n3A_1032 : vector<16xi1>, vector<16xf32>
    %eq3A_1042 = arith.constant 15 : i32
    %eq3A_1043 = vector.broadcast %eq3A_1042 : i32 to vector<16xi32>
    %eq3A_1044 = arith.cmpi eq, %iota3A, %eq3A_1043 : vector<16xi32>
    %broadcast_in_dim3A_1045 = arith.constant 6 : i32
    %broadcast_in_dim3A_1046 = vector.broadcast %broadcast_in_dim3A_1045 : i32 to vector<16xi32>
    %reshape3A_1047 = vector.shape_cast %broadcast_in_dim3A_1046 : vector<16xi32> to vector<16x1xi32>
    %gather3A_1048 = vector.shape_cast %reshape3A_1047 : vector<16x1xi32> to vector<16xi32>
    %gather3A_1049 = tpu.dynamic_gather %get3A_33[%gather3A_1048] in [0] : vector<16xf32>, vector<16xi32> -> vector<16xf32>
    %select_n3A_1050 = arith.select %eq3A_1044, %gather3A_1049, %select_n3A_1041 : vector<16xi1>, vector<16xf32>
    %broadcast_in_dim3A_1051 = arith.constant 0.000000e+00 : f32
    %broadcast_in_dim3A_1052 = vector.broadcast %broadcast_in_dim3A_1051 : f32 to vector<16xf32>
    %eq3A_1053 = arith.constant 0 : i32
    %eq3A_1054 = vector.broadcast %eq3A_1053 : i32 to vector<16xi32>
    %eq3A_1055 = arith.cmpi eq, %iota3A, %eq3A_1054 : vector<16xi32>
    %broadcast_in_dim3A_1056 = arith.constant 7 : i32
    %broadcast_in_dim3A_1057 = vector.broadcast %broadcast_in_dim3A_1056 : i32 to vector<16xi32>
    %reshape3A_1058 = vector.shape_cast %broadcast_in_dim3A_1057 : vector<16xi32> to vector<16x1xi32>
    %gather3A_1059 = vector.shape_cast %reshape3A_1058 : vector<16x1xi32> to vector<16xi32>
    %gather3A_1060 = tpu.dynamic_gather %get3A_3[%gather3A_1059] in [0] : vector<16xf32>, vector<16xi32> -> vector<16xf32>
    %select_n3A_1061 = arith.select %eq3A_1055, %gather3A_1060, %broadcast_in_dim3A_1052 : vector<16xi1>, vector<16xf32>
    %eq3A_1062 = arith.constant 1 : i32
    %eq3A_1063 = vector.broadcast %eq3A_1062 : i32 to vector<16xi32>
    %eq3A_1064 = arith.cmpi eq, %iota3A, %eq3A_1063 : vector<16xi32>
    %broadcast_in_dim3A_1065 = arith.constant 7 : i32
    %broadcast_in_dim3A_1066 = vector.broadcast %broadcast_in_dim3A_1065 : i32 to vector<16xi32>
    %reshape3A_1067 = vector.shape_cast %broadcast_in_dim3A_1066 : vector<16xi32> to vector<16x1xi32>
    %gather3A_1068 = vector.shape_cast %reshape3A_1067 : vector<16x1xi32> to vector<16xi32>
    %gather3A_1069 = tpu.dynamic_gather %get3A_5[%gather3A_1068] in [0] : vector<16xf32>, vector<16xi32> -> vector<16xf32>
    %select_n3A_1070 = arith.select %eq3A_1064, %gather3A_1069, %select_n3A_1061 : vector<16xi1>, vector<16xf32>
    %eq3A_1071 = arith.constant 2 : i32
    %eq3A_1072 = vector.broadcast %eq3A_1071 : i32 to vector<16xi32>
    %eq3A_1073 = arith.cmpi eq, %iota3A, %eq3A_1072 : vector<16xi32>
    %broadcast_in_dim3A_1074 = arith.constant 7 : i32
    %broadcast_in_dim3A_1075 = vector.broadcast %broadcast_in_dim3A_1074 : i32 to vector<16xi32>
    %reshape3A_1076 = vector.shape_cast %broadcast_in_dim3A_1075 : vector<16xi32> to vector<16x1xi32>
    %gather3A_1077 = vector.shape_cast %reshape3A_1076 : vector<16x1xi32> to vector<16xi32>
    %gather3A_1078 = tpu.dynamic_gather %get3A_7[%gather3A_1077] in [0] : vector<16xf32>, vector<16xi32> -> vector<16xf32>
    %select_n3A_1079 = arith.select %eq3A_1073, %gather3A_1078, %select_n3A_1070 : vector<16xi1>, vector<16xf32>
    %eq3A_1080 = arith.constant 3 : i32
    %eq3A_1081 = vector.broadcast %eq3A_1080 : i32 to vector<16xi32>
    %eq3A_1082 = arith.cmpi eq, %iota3A, %eq3A_1081 : vector<16xi32>
    %broadcast_in_dim3A_1083 = arith.constant 7 : i32
    %broadcast_in_dim3A_1084 = vector.broadcast %broadcast_in_dim3A_1083 : i32 to vector<16xi32>
    %reshape3A_1085 = vector.shape_cast %broadcast_in_dim3A_1084 : vector<16xi32> to vector<16x1xi32>
    %gather3A_1086 = vector.shape_cast %reshape3A_1085 : vector<16x1xi32> to vector<16xi32>
    %gather3A_1087 = tpu.dynamic_gather %get3A_9[%gather3A_1086] in [0] : vector<16xf32>, vector<16xi32> -> vector<16xf32>
    %select_n3A_1088 = arith.select %eq3A_1082, %gather3A_1087, %select_n3A_1079 : vector<16xi1>, vector<16xf32>
    %eq3A_1089 = arith.constant 4 : i32
    %eq3A_1090 = vector.broadcast %eq3A_1089 : i32 to vector<16xi32>
    %eq3A_1091 = arith.cmpi eq, %iota3A, %eq3A_1090 : vector<16xi32>
    %broadcast_in_dim3A_1092 = arith.constant 7 : i32
    %broadcast_in_dim3A_1093 = vector.broadcast %broadcast_in_dim3A_1092 : i32 to vector<16xi32>
    %reshape3A_1094 = vector.shape_cast %broadcast_in_dim3A_1093 : vector<16xi32> to vector<16x1xi32>
    %gather3A_1095 = vector.shape_cast %reshape3A_1094 : vector<16x1xi32> to vector<16xi32>
    %gather3A_1096 = tpu.dynamic_gather %get3A_11[%gather3A_1095] in [0] : vector<16xf32>, vector<16xi32> -> vector<16xf32>
    %select_n3A_1097 = arith.select %eq3A_1091, %gather3A_1096, %select_n3A_1088 : vector<16xi1>, vector<16xf32>
    %eq3A_1098 = arith.constant 5 : i32
    %eq3A_1099 = vector.broadcast %eq3A_1098 : i32 to vector<16xi32>
    %eq3A_1100 = arith.cmpi eq, %iota3A, %eq3A_1099 : vector<16xi32>
    %broadcast_in_dim3A_1101 = arith.constant 7 : i32
    %broadcast_in_dim3A_1102 = vector.broadcast %broadcast_in_dim3A_1101 : i32 to vector<16xi32>
    %reshape3A_1103 = vector.shape_cast %broadcast_in_dim3A_1102 : vector<16xi32> to vector<16x1xi32>
    %gather3A_1104 = vector.shape_cast %reshape3A_1103 : vector<16x1xi32> to vector<16xi32>
    %gather3A_1105 = tpu.dynamic_gather %get3A_13[%gather3A_1104] in [0] : vector<16xf32>, vector<16xi32> -> vector<16xf32>
    %select_n3A_1106 = arith.select %eq3A_1100, %gather3A_1105, %select_n3A_1097 : vector<16xi1>, vector<16xf32>
    %eq3A_1107 = arith.constant 6 : i32
    %eq3A_1108 = vector.broadcast %eq3A_1107 : i32 to vector<16xi32>
    %eq3A_1109 = arith.cmpi eq, %iota3A, %eq3A_1108 : vector<16xi32>
    %broadcast_in_dim3A_1110 = arith.constant 7 : i32
    %broadcast_in_dim3A_1111 = vector.broadcast %broadcast_in_dim3A_1110 : i32 to vector<16xi32>
    %reshape3A_1112 = vector.shape_cast %broadcast_in_dim3A_1111 : vector<16xi32> to vector<16x1xi32>
    %gather3A_1113 = vector.shape_cast %reshape3A_1112 : vector<16x1xi32> to vector<16xi32>
    %gather3A_1114 = tpu.dynamic_gather %get3A_15[%gather3A_1113] in [0] : vector<16xf32>, vector<16xi32> -> vector<16xf32>
    %select_n3A_1115 = arith.select %eq3A_1109, %gather3A_1114, %select_n3A_1106 : vector<16xi1>, vector<16xf32>
    %eq3A_1116 = arith.constant 7 : i32
    %eq3A_1117 = vector.broadcast %eq3A_1116 : i32 to vector<16xi32>
    %eq3A_1118 = arith.cmpi eq, %iota3A, %eq3A_1117 : vector<16xi32>
    %broadcast_in_dim3A_1119 = arith.constant 7 : i32
    %broadcast_in_dim3A_1120 = vector.broadcast %broadcast_in_dim3A_1119 : i32 to vector<16xi32>
    %reshape3A_1121 = vector.shape_cast %broadcast_in_dim3A_1120 : vector<16xi32> to vector<16x1xi32>
    %gather3A_1122 = vector.shape_cast %reshape3A_1121 : vector<16x1xi32> to vector<16xi32>
    %gather3A_1123 = tpu.dynamic_gather %get3A_17[%gather3A_1122] in [0] : vector<16xf32>, vector<16xi32> -> vector<16xf32>
    %select_n3A_1124 = arith.select %eq3A_1118, %gather3A_1123, %select_n3A_1115 : vector<16xi1>, vector<16xf32>
    %eq3A_1125 = arith.constant 8 : i32
    %eq3A_1126 = vector.broadcast %eq3A_1125 : i32 to vector<16xi32>
    %eq3A_1127 = arith.cmpi eq, %iota3A, %eq3A_1126 : vector<16xi32>
    %broadcast_in_dim3A_1128 = arith.constant 7 : i32
    %broadcast_in_dim3A_1129 = vector.broadcast %broadcast_in_dim3A_1128 : i32 to vector<16xi32>
    %reshape3A_1130 = vector.shape_cast %broadcast_in_dim3A_1129 : vector<16xi32> to vector<16x1xi32>
    %gather3A_1131 = vector.shape_cast %reshape3A_1130 : vector<16x1xi32> to vector<16xi32>
    %gather3A_1132 = tpu.dynamic_gather %get3A_19[%gather3A_1131] in [0] : vector<16xf32>, vector<16xi32> -> vector<16xf32>
    %select_n3A_1133 = arith.select %eq3A_1127, %gather3A_1132, %select_n3A_1124 : vector<16xi1>, vector<16xf32>
    %eq3A_1134 = arith.constant 9 : i32
    %eq3A_1135 = vector.broadcast %eq3A_1134 : i32 to vector<16xi32>
    %eq3A_1136 = arith.cmpi eq, %iota3A, %eq3A_1135 : vector<16xi32>
    %broadcast_in_dim3A_1137 = arith.constant 7 : i32
    %broadcast_in_dim3A_1138 = vector.broadcast %broadcast_in_dim3A_1137 : i32 to vector<16xi32>
    %reshape3A_1139 = vector.shape_cast %broadcast_in_dim3A_1138 : vector<16xi32> to vector<16x1xi32>
    %gather3A_1140 = vector.shape_cast %reshape3A_1139 : vector<16x1xi32> to vector<16xi32>
    %gather3A_1141 = tpu.dynamic_gather %get3A_21[%gather3A_1140] in [0] : vector<16xf32>, vector<16xi32> -> vector<16xf32>
    %select_n3A_1142 = arith.select %eq3A_1136, %gather3A_1141, %select_n3A_1133 : vector<16xi1>, vector<16xf32>
    %eq3A_1143 = arith.constant 10 : i32
    %eq3A_1144 = vector.broadcast %eq3A_1143 : i32 to vector<16xi32>
    %eq3A_1145 = arith.cmpi eq, %iota3A, %eq3A_1144 : vector<16xi32>
    %broadcast_in_dim3A_1146 = arith.constant 7 : i32
    %broadcast_in_dim3A_1147 = vector.broadcast %broadcast_in_dim3A_1146 : i32 to vector<16xi32>
    %reshape3A_1148 = vector.shape_cast %broadcast_in_dim3A_1147 : vector<16xi32> to vector<16x1xi32>
    %gather3A_1149 = vector.shape_cast %reshape3A_1148 : vector<16x1xi32> to vector<16xi32>
    %gather3A_1150 = tpu.dynamic_gather %get3A_23[%gather3A_1149] in [0] : vector<16xf32>, vector<16xi32> -> vector<16xf32>
    %select_n3A_1151 = arith.select %eq3A_1145, %gather3A_1150, %select_n3A_1142 : vector<16xi1>, vector<16xf32>
    %eq3A_1152 = arith.constant 11 : i32
    %eq3A_1153 = vector.broadcast %eq3A_1152 : i32 to vector<16xi32>
    %eq3A_1154 = arith.cmpi eq, %iota3A, %eq3A_1153 : vector<16xi32>
    %broadcast_in_dim3A_1155 = arith.constant 7 : i32
    %broadcast_in_dim3A_1156 = vector.broadcast %broadcast_in_dim3A_1155 : i32 to vector<16xi32>
    %reshape3A_1157 = vector.shape_cast %broadcast_in_dim3A_1156 : vector<16xi32> to vector<16x1xi32>
    %gather3A_1158 = vector.shape_cast %reshape3A_1157 : vector<16x1xi32> to vector<16xi32>
    %gather3A_1159 = tpu.dynamic_gather %get3A_25[%gather3A_1158] in [0] : vector<16xf32>, vector<16xi32> -> vector<16xf32>
    %select_n3A_1160 = arith.select %eq3A_1154, %gather3A_1159, %select_n3A_1151 : vector<16xi1>, vector<16xf32>
    %eq3A_1161 = arith.constant 12 : i32
    %eq3A_1162 = vector.broadcast %eq3A_1161 : i32 to vector<16xi32>
    %eq3A_1163 = arith.cmpi eq, %iota3A, %eq3A_1162 : vector<16xi32>
    %broadcast_in_dim3A_1164 = arith.constant 7 : i32
    %broadcast_in_dim3A_1165 = vector.broadcast %broadcast_in_dim3A_1164 : i32 to vector<16xi32>
    %reshape3A_1166 = vector.shape_cast %broadcast_in_dim3A_1165 : vector<16xi32> to vector<16x1xi32>
    %gather3A_1167 = vector.shape_cast %reshape3A_1166 : vector<16x1xi32> to vector<16xi32>
    %gather3A_1168 = tpu.dynamic_gather %get3A_27[%gather3A_1167] in [0] : vector<16xf32>, vector<16xi32> -> vector<16xf32>
    %select_n3A_1169 = arith.select %eq3A_1163, %gather3A_1168, %select_n3A_1160 : vector<16xi1>, vector<16xf32>
    %eq3A_1170 = arith.constant 13 : i32
    %eq3A_1171 = vector.broadcast %eq3A_1170 : i32 to vector<16xi32>
    %eq3A_1172 = arith.cmpi eq, %iota3A, %eq3A_1171 : vector<16xi32>
    %broadcast_in_dim3A_1173 = arith.constant 7 : i32
    %broadcast_in_dim3A_1174 = vector.broadcast %broadcast_in_dim3A_1173 : i32 to vector<16xi32>
    %reshape3A_1175 = vector.shape_cast %broadcast_in_dim3A_1174 : vector<16xi32> to vector<16x1xi32>
    %gather3A_1176 = vector.shape_cast %reshape3A_1175 : vector<16x1xi32> to vector<16xi32>
    %gather3A_1177 = tpu.dynamic_gather %get3A_29[%gather3A_1176] in [0] : vector<16xf32>, vector<16xi32> -> vector<16xf32>
    %select_n3A_1178 = arith.select %eq3A_1172, %gather3A_1177, %select_n3A_1169 : vector<16xi1>, vector<16xf32>
    %eq3A_1179 = arith.constant 14 : i32
    %eq3A_1180 = vector.broadcast %eq3A_1179 : i32 to vector<16xi32>
    %eq3A_1181 = arith.cmpi eq, %iota3A, %eq3A_1180 : vector<16xi32>
    %broadcast_in_dim3A_1182 = arith.constant 7 : i32
    %broadcast_in_dim3A_1183 = vector.broadcast %broadcast_in_dim3A_1182 : i32 to vector<16xi32>
    %reshape3A_1184 = vector.shape_cast %broadcast_in_dim3A_1183 : vector<16xi32> to vector<16x1xi32>
    %gather3A_1185 = vector.shape_cast %reshape3A_1184 : vector<16x1xi32> to vector<16xi32>
    %gather3A_1186 = tpu.dynamic_gather %get3A_31[%gather3A_1185] in [0] : vector<16xf32>, vector<16xi32> -> vector<16xf32>
    %select_n3A_1187 = arith.select %eq3A_1181, %gather3A_1186, %select_n3A_1178 : vector<16xi1>, vector<16xf32>
    %eq3A_1188 = arith.constant 15 : i32
    %eq3A_1189 = vector.broadcast %eq3A_1188 : i32 to vector<16xi32>
    %eq3A_1190 = arith.cmpi eq, %iota3A, %eq3A_1189 : vector<16xi32>
    %broadcast_in_dim3A_1191 = arith.constant 7 : i32
    %broadcast_in_dim3A_1192 = vector.broadcast %broadcast_in_dim3A_1191 : i32 to vector<16xi32>
    %reshape3A_1193 = vector.shape_cast %broadcast_in_dim3A_1192 : vector<16xi32> to vector<16x1xi32>
    %gather3A_1194 = vector.shape_cast %reshape3A_1193 : vector<16x1xi32> to vector<16xi32>
    %gather3A_1195 = tpu.dynamic_gather %get3A_33[%gather3A_1194] in [0] : vector<16xf32>, vector<16xi32> -> vector<16xf32>
    %select_n3A_1196 = arith.select %eq3A_1190, %gather3A_1195, %select_n3A_1187 : vector<16xi1>, vector<16xf32>
    %broadcast_in_dim3A_1197 = arith.constant 0.000000e+00 : f32
    %broadcast_in_dim3A_1198 = vector.broadcast %broadcast_in_dim3A_1197 : f32 to vector<16xf32>
    %eq3A_1199 = arith.constant 0 : i32
    %eq3A_1200 = vector.broadcast %eq3A_1199 : i32 to vector<16xi32>
    %eq3A_1201 = arith.cmpi eq, %iota3A, %eq3A_1200 : vector<16xi32>
    %broadcast_in_dim3A_1202 = arith.constant 8 : i32
    %broadcast_in_dim3A_1203 = vector.broadcast %broadcast_in_dim3A_1202 : i32 to vector<16xi32>
    %reshape3A_1204 = vector.shape_cast %broadcast_in_dim3A_1203 : vector<16xi32> to vector<16x1xi32>
    %gather3A_1205 = vector.shape_cast %reshape3A_1204 : vector<16x1xi32> to vector<16xi32>
    %gather3A_1206 = tpu.dynamic_gather %get3A_3[%gather3A_1205] in [0] : vector<16xf32>, vector<16xi32> -> vector<16xf32>
    %select_n3A_1207 = arith.select %eq3A_1201, %gather3A_1206, %broadcast_in_dim3A_1198 : vector<16xi1>, vector<16xf32>
    %eq3A_1208 = arith.constant 1 : i32
    %eq3A_1209 = vector.broadcast %eq3A_1208 : i32 to vector<16xi32>
    %eq3A_1210 = arith.cmpi eq, %iota3A, %eq3A_1209 : vector<16xi32>
    %broadcast_in_dim3A_1211 = arith.constant 8 : i32
    %broadcast_in_dim3A_1212 = vector.broadcast %broadcast_in_dim3A_1211 : i32 to vector<16xi32>
    %reshape3A_1213 = vector.shape_cast %broadcast_in_dim3A_1212 : vector<16xi32> to vector<16x1xi32>
    %gather3A_1214 = vector.shape_cast %reshape3A_1213 : vector<16x1xi32> to vector<16xi32>
    %gather3A_1215 = tpu.dynamic_gather %get3A_5[%gather3A_1214] in [0] : vector<16xf32>, vector<16xi32> -> vector<16xf32>
    %select_n3A_1216 = arith.select %eq3A_1210, %gather3A_1215, %select_n3A_1207 : vector<16xi1>, vector<16xf32>
    %eq3A_1217 = arith.constant 2 : i32
    %eq3A_1218 = vector.broadcast %eq3A_1217 : i32 to vector<16xi32>
    %eq3A_1219 = arith.cmpi eq, %iota3A, %eq3A_1218 : vector<16xi32>
    %broadcast_in_dim3A_1220 = arith.constant 8 : i32
    %broadcast_in_dim3A_1221 = vector.broadcast %broadcast_in_dim3A_1220 : i32 to vector<16xi32>
    %reshape3A_1222 = vector.shape_cast %broadcast_in_dim3A_1221 : vector<16xi32> to vector<16x1xi32>
    %gather3A_1223 = vector.shape_cast %reshape3A_1222 : vector<16x1xi32> to vector<16xi32>
    %gather3A_1224 = tpu.dynamic_gather %get3A_7[%gather3A_1223] in [0] : vector<16xf32>, vector<16xi32> -> vector<16xf32>
    %select_n3A_1225 = arith.select %eq3A_1219, %gather3A_1224, %select_n3A_1216 : vector<16xi1>, vector<16xf32>
    %eq3A_1226 = arith.constant 3 : i32
    %eq3A_1227 = vector.broadcast %eq3A_1226 : i32 to vector<16xi32>
    %eq3A_1228 = arith.cmpi eq, %iota3A, %eq3A_1227 : vector<16xi32>
    %broadcast_in_dim3A_1229 = arith.constant 8 : i32
    %broadcast_in_dim3A_1230 = vector.broadcast %broadcast_in_dim3A_1229 : i32 to vector<16xi32>
    %reshape3A_1231 = vector.shape_cast %broadcast_in_dim3A_1230 : vector<16xi32> to vector<16x1xi32>
    %gather3A_1232 = vector.shape_cast %reshape3A_1231 : vector<16x1xi32> to vector<16xi32>
    %gather3A_1233 = tpu.dynamic_gather %get3A_9[%gather3A_1232] in [0] : vector<16xf32>, vector<16xi32> -> vector<16xf32>
    %select_n3A_1234 = arith.select %eq3A_1228, %gather3A_1233, %select_n3A_1225 : vector<16xi1>, vector<16xf32>
    %eq3A_1235 = arith.constant 4 : i32
    %eq3A_1236 = vector.broadcast %eq3A_1235 : i32 to vector<16xi32>
    %eq3A_1237 = arith.cmpi eq, %iota3A, %eq3A_1236 : vector<16xi32>
    %broadcast_in_dim3A_1238 = arith.constant 8 : i32
    %broadcast_in_dim3A_1239 = vector.broadcast %broadcast_in_dim3A_1238 : i32 to vector<16xi32>
    %reshape3A_1240 = vector.shape_cast %broadcast_in_dim3A_1239 : vector<16xi32> to vector<16x1xi32>
    %gather3A_1241 = vector.shape_cast %reshape3A_1240 : vector<16x1xi32> to vector<16xi32>
    %gather3A_1242 = tpu.dynamic_gather %get3A_11[%gather3A_1241] in [0] : vector<16xf32>, vector<16xi32> -> vector<16xf32>
    %select_n3A_1243 = arith.select %eq3A_1237, %gather3A_1242, %select_n3A_1234 : vector<16xi1>, vector<16xf32>
    %eq3A_1244 = arith.constant 5 : i32
    %eq3A_1245 = vector.broadcast %eq3A_1244 : i32 to vector<16xi32>
    %eq3A_1246 = arith.cmpi eq, %iota3A, %eq3A_1245 : vector<16xi32>
    %broadcast_in_dim3A_1247 = arith.constant 8 : i32
    %broadcast_in_dim3A_1248 = vector.broadcast %broadcast_in_dim3A_1247 : i32 to vector<16xi32>
    %reshape3A_1249 = vector.shape_cast %broadcast_in_dim3A_1248 : vector<16xi32> to vector<16x1xi32>
    %gather3A_1250 = vector.shape_cast %reshape3A_1249 : vector<16x1xi32> to vector<16xi32>
    %gather3A_1251 = tpu.dynamic_gather %get3A_13[%gather3A_1250] in [0] : vector<16xf32>, vector<16xi32> -> vector<16xf32>
    %select_n3A_1252 = arith.select %eq3A_1246, %gather3A_1251, %select_n3A_1243 : vector<16xi1>, vector<16xf32>
    %eq3A_1253 = arith.constant 6 : i32
    %eq3A_1254 = vector.broadcast %eq3A_1253 : i32 to vector<16xi32>
    %eq3A_1255 = arith.cmpi eq, %iota3A, %eq3A_1254 : vector<16xi32>
    %broadcast_in_dim3A_1256 = arith.constant 8 : i32
    %broadcast_in_dim3A_1257 = vector.broadcast %broadcast_in_dim3A_1256 : i32 to vector<16xi32>
    %reshape3A_1258 = vector.shape_cast %broadcast_in_dim3A_1257 : vector<16xi32> to vector<16x1xi32>
    %gather3A_1259 = vector.shape_cast %reshape3A_1258 : vector<16x1xi32> to vector<16xi32>
    %gather3A_1260 = tpu.dynamic_gather %get3A_15[%gather3A_1259] in [0] : vector<16xf32>, vector<16xi32> -> vector<16xf32>
    %select_n3A_1261 = arith.select %eq3A_1255, %gather3A_1260, %select_n3A_1252 : vector<16xi1>, vector<16xf32>
    %eq3A_1262 = arith.constant 7 : i32
    %eq3A_1263 = vector.broadcast %eq3A_1262 : i32 to vector<16xi32>
    %eq3A_1264 = arith.cmpi eq, %iota3A, %eq3A_1263 : vector<16xi32>
    %broadcast_in_dim3A_1265 = arith.constant 8 : i32
    %broadcast_in_dim3A_1266 = vector.broadcast %broadcast_in_dim3A_1265 : i32 to vector<16xi32>
    %reshape3A_1267 = vector.shape_cast %broadcast_in_dim3A_1266 : vector<16xi32> to vector<16x1xi32>
    %gather3A_1268 = vector.shape_cast %reshape3A_1267 : vector<16x1xi32> to vector<16xi32>
    %gather3A_1269 = tpu.dynamic_gather %get3A_17[%gather3A_1268] in [0] : vector<16xf32>, vector<16xi32> -> vector<16xf32>
    %select_n3A_1270 = arith.select %eq3A_1264, %gather3A_1269, %select_n3A_1261 : vector<16xi1>, vector<16xf32>
    %eq3A_1271 = arith.constant 8 : i32
    %eq3A_1272 = vector.broadcast %eq3A_1271 : i32 to vector<16xi32>
    %eq3A_1273 = arith.cmpi eq, %iota3A, %eq3A_1272 : vector<16xi32>
    %broadcast_in_dim3A_1274 = arith.constant 8 : i32
    %broadcast_in_dim3A_1275 = vector.broadcast %broadcast_in_dim3A_1274 : i32 to vector<16xi32>
    %reshape3A_1276 = vector.shape_cast %broadcast_in_dim3A_1275 : vector<16xi32> to vector<16x1xi32>
    %gather3A_1277 = vector.shape_cast %reshape3A_1276 : vector<16x1xi32> to vector<16xi32>
    %gather3A_1278 = tpu.dynamic_gather %get3A_19[%gather3A_1277] in [0] : vector<16xf32>, vector<16xi32> -> vector<16xf32>
    %select_n3A_1279 = arith.select %eq3A_1273, %gather3A_1278, %select_n3A_1270 : vector<16xi1>, vector<16xf32>
    %eq3A_1280 = arith.constant 9 : i32
    %eq3A_1281 = vector.broadcast %eq3A_1280 : i32 to vector<16xi32>
    %eq3A_1282 = arith.cmpi eq, %iota3A, %eq3A_1281 : vector<16xi32>
    %broadcast_in_dim3A_1283 = arith.constant 8 : i32
    %broadcast_in_dim3A_1284 = vector.broadcast %broadcast_in_dim3A_1283 : i32 to vector<16xi32>
    %reshape3A_1285 = vector.shape_cast %broadcast_in_dim3A_1284 : vector<16xi32> to vector<16x1xi32>
    %gather3A_1286 = vector.shape_cast %reshape3A_1285 : vector<16x1xi32> to vector<16xi32>
    %gather3A_1287 = tpu.dynamic_gather %get3A_21[%gather3A_1286] in [0] : vector<16xf32>, vector<16xi32> -> vector<16xf32>
    %select_n3A_1288 = arith.select %eq3A_1282, %gather3A_1287, %select_n3A_1279 : vector<16xi1>, vector<16xf32>
    %eq3A_1289 = arith.constant 10 : i32
    %eq3A_1290 = vector.broadcast %eq3A_1289 : i32 to vector<16xi32>
    %eq3A_1291 = arith.cmpi eq, %iota3A, %eq3A_1290 : vector<16xi32>
    %broadcast_in_dim3A_1292 = arith.constant 8 : i32
    %broadcast_in_dim3A_1293 = vector.broadcast %broadcast_in_dim3A_1292 : i32 to vector<16xi32>
    %reshape3A_1294 = vector.shape_cast %broadcast_in_dim3A_1293 : vector<16xi32> to vector<16x1xi32>
    %gather3A_1295 = vector.shape_cast %reshape3A_1294 : vector<16x1xi32> to vector<16xi32>
    %gather3A_1296 = tpu.dynamic_gather %get3A_23[%gather3A_1295] in [0] : vector<16xf32>, vector<16xi32> -> vector<16xf32>
    %select_n3A_1297 = arith.select %eq3A_1291, %gather3A_1296, %select_n3A_1288 : vector<16xi1>, vector<16xf32>
    %eq3A_1298 = arith.constant 11 : i32
    %eq3A_1299 = vector.broadcast %eq3A_1298 : i32 to vector<16xi32>
    %eq3A_1300 = arith.cmpi eq, %iota3A, %eq3A_1299 : vector<16xi32>
    %broadcast_in_dim3A_1301 = arith.constant 8 : i32
    %broadcast_in_dim3A_1302 = vector.broadcast %broadcast_in_dim3A_1301 : i32 to vector<16xi32>
    %reshape3A_1303 = vector.shape_cast %broadcast_in_dim3A_1302 : vector<16xi32> to vector<16x1xi32>
    %gather3A_1304 = vector.shape_cast %reshape3A_1303 : vector<16x1xi32> to vector<16xi32>
    %gather3A_1305 = tpu.dynamic_gather %get3A_25[%gather3A_1304] in [0] : vector<16xf32>, vector<16xi32> -> vector<16xf32>
    %select_n3A_1306 = arith.select %eq3A_1300, %gather3A_1305, %select_n3A_1297 : vector<16xi1>, vector<16xf32>
    %eq3A_1307 = arith.constant 12 : i32
    %eq3A_1308 = vector.broadcast %eq3A_1307 : i32 to vector<16xi32>
    %eq3A_1309 = arith.cmpi eq, %iota3A, %eq3A_1308 : vector<16xi32>
    %broadcast_in_dim3A_1310 = arith.constant 8 : i32
    %broadcast_in_dim3A_1311 = vector.broadcast %broadcast_in_dim3A_1310 : i32 to vector<16xi32>
    %reshape3A_1312 = vector.shape_cast %broadcast_in_dim3A_1311 : vector<16xi32> to vector<16x1xi32>
    %gather3A_1313 = vector.shape_cast %reshape3A_1312 : vector<16x1xi32> to vector<16xi32>
    %gather3A_1314 = tpu.dynamic_gather %get3A_27[%gather3A_1313] in [0] : vector<16xf32>, vector<16xi32> -> vector<16xf32>
    %select_n3A_1315 = arith.select %eq3A_1309, %gather3A_1314, %select_n3A_1306 : vector<16xi1>, vector<16xf32>
    %eq3A_1316 = arith.constant 13 : i32
    %eq3A_1317 = vector.broadcast %eq3A_1316 : i32 to vector<16xi32>
    %eq3A_1318 = arith.cmpi eq, %iota3A, %eq3A_1317 : vector<16xi32>
    %broadcast_in_dim3A_1319 = arith.constant 8 : i32
    %broadcast_in_dim3A_1320 = vector.broadcast %broadcast_in_dim3A_1319 : i32 to vector<16xi32>
    %reshape3A_1321 = vector.shape_cast %broadcast_in_dim3A_1320 : vector<16xi32> to vector<16x1xi32>
    %gather3A_1322 = vector.shape_cast %reshape3A_1321 : vector<16x1xi32> to vector<16xi32>
    %gather3A_1323 = tpu.dynamic_gather %get3A_29[%gather3A_1322] in [0] : vector<16xf32>, vector<16xi32> -> vector<16xf32>
    %select_n3A_1324 = arith.select %eq3A_1318, %gather3A_1323, %select_n3A_1315 : vector<16xi1>, vector<16xf32>
    %eq3A_1325 = arith.constant 14 : i32
    %eq3A_1326 = vector.broadcast %eq3A_1325 : i32 to vector<16xi32>
    %eq3A_1327 = arith.cmpi eq, %iota3A, %eq3A_1326 : vector<16xi32>
    %broadcast_in_dim3A_1328 = arith.constant 8 : i32
    %broadcast_in_dim3A_1329 = vector.broadcast %broadcast_in_dim3A_1328 : i32 to vector<16xi32>
    %reshape3A_1330 = vector.shape_cast %broadcast_in_dim3A_1329 : vector<16xi32> to vector<16x1xi32>
    %gather3A_1331 = vector.shape_cast %reshape3A_1330 : vector<16x1xi32> to vector<16xi32>
    %gather3A_1332 = tpu.dynamic_gather %get3A_31[%gather3A_1331] in [0] : vector<16xf32>, vector<16xi32> -> vector<16xf32>
    %select_n3A_1333 = arith.select %eq3A_1327, %gather3A_1332, %select_n3A_1324 : vector<16xi1>, vector<16xf32>
    %eq3A_1334 = arith.constant 15 : i32
    %eq3A_1335 = vector.broadcast %eq3A_1334 : i32 to vector<16xi32>
    %eq3A_1336 = arith.cmpi eq, %iota3A, %eq3A_1335 : vector<16xi32>
    %broadcast_in_dim3A_1337 = arith.constant 8 : i32
    %broadcast_in_dim3A_1338 = vector.broadcast %broadcast_in_dim3A_1337 : i32 to vector<16xi32>
    %reshape3A_1339 = vector.shape_cast %broadcast_in_dim3A_1338 : vector<16xi32> to vector<16x1xi32>
    %gather3A_1340 = vector.shape_cast %reshape3A_1339 : vector<16x1xi32> to vector<16xi32>
    %gather3A_1341 = tpu.dynamic_gather %get3A_33[%gather3A_1340] in [0] : vector<16xf32>, vector<16xi32> -> vector<16xf32>
    %select_n3A_1342 = arith.select %eq3A_1336, %gather3A_1341, %select_n3A_1333 : vector<16xi1>, vector<16xf32>
    %broadcast_in_dim3A_1343 = arith.constant 0.000000e+00 : f32
    %broadcast_in_dim3A_1344 = vector.broadcast %broadcast_in_dim3A_1343 : f32 to vector<16xf32>
    %eq3A_1345 = arith.constant 0 : i32
    %eq3A_1346 = vector.broadcast %eq3A_1345 : i32 to vector<16xi32>
    %eq3A_1347 = arith.cmpi eq, %iota3A, %eq3A_1346 : vector<16xi32>
    %broadcast_in_dim3A_1348 = arith.constant 9 : i32
    %broadcast_in_dim3A_1349 = vector.broadcast %broadcast_in_dim3A_1348 : i32 to vector<16xi32>
    %reshape3A_1350 = vector.shape_cast %broadcast_in_dim3A_1349 : vector<16xi32> to vector<16x1xi32>
    %gather3A_1351 = vector.shape_cast %reshape3A_1350 : vector<16x1xi32> to vector<16xi32>
    %gather3A_1352 = tpu.dynamic_gather %get3A_3[%gather3A_1351] in [0] : vector<16xf32>, vector<16xi32> -> vector<16xf32>
    %select_n3A_1353 = arith.select %eq3A_1347, %gather3A_1352, %broadcast_in_dim3A_1344 : vector<16xi1>, vector<16xf32>
    %eq3A_1354 = arith.constant 1 : i32
    %eq3A_1355 = vector.broadcast %eq3A_1354 : i32 to vector<16xi32>
    %eq3A_1356 = arith.cmpi eq, %iota3A, %eq3A_1355 : vector<16xi32>
    %broadcast_in_dim3A_1357 = arith.constant 9 : i32
    %broadcast_in_dim3A_1358 = vector.broadcast %broadcast_in_dim3A_1357 : i32 to vector<16xi32>
    %reshape3A_1359 = vector.shape_cast %broadcast_in_dim3A_1358 : vector<16xi32> to vector<16x1xi32>
    %gather3A_1360 = vector.shape_cast %reshape3A_1359 : vector<16x1xi32> to vector<16xi32>
    %gather3A_1361 = tpu.dynamic_gather %get3A_5[%gather3A_1360] in [0] : vector<16xf32>, vector<16xi32> -> vector<16xf32>
    %select_n3A_1362 = arith.select %eq3A_1356, %gather3A_1361, %select_n3A_1353 : vector<16xi1>, vector<16xf32>
    %eq3A_1363 = arith.constant 2 : i32
    %eq3A_1364 = vector.broadcast %eq3A_1363 : i32 to vector<16xi32>
    %eq3A_1365 = arith.cmpi eq, %iota3A, %eq3A_1364 : vector<16xi32>
    %broadcast_in_dim3A_1366 = arith.constant 9 : i32
    %broadcast_in_dim3A_1367 = vector.broadcast %broadcast_in_dim3A_1366 : i32 to vector<16xi32>
    %reshape3A_1368 = vector.shape_cast %broadcast_in_dim3A_1367 : vector<16xi32> to vector<16x1xi32>
    %gather3A_1369 = vector.shape_cast %reshape3A_1368 : vector<16x1xi32> to vector<16xi32>
    %gather3A_1370 = tpu.dynamic_gather %get3A_7[%gather3A_1369] in [0] : vector<16xf32>, vector<16xi32> -> vector<16xf32>
    %select_n3A_1371 = arith.select %eq3A_1365, %gather3A_1370, %select_n3A_1362 : vector<16xi1>, vector<16xf32>
    %eq3A_1372 = arith.constant 3 : i32
    %eq3A_1373 = vector.broadcast %eq3A_1372 : i32 to vector<16xi32>
    %eq3A_1374 = arith.cmpi eq, %iota3A, %eq3A_1373 : vector<16xi32>
    %broadcast_in_dim3A_1375 = arith.constant 9 : i32
    %broadcast_in_dim3A_1376 = vector.broadcast %broadcast_in_dim3A_1375 : i32 to vector<16xi32>
    %reshape3A_1377 = vector.shape_cast %broadcast_in_dim3A_1376 : vector<16xi32> to vector<16x1xi32>
    %gather3A_1378 = vector.shape_cast %reshape3A_1377 : vector<16x1xi32> to vector<16xi32>
    %gather3A_1379 = tpu.dynamic_gather %get3A_9[%gather3A_1378] in [0] : vector<16xf32>, vector<16xi32> -> vector<16xf32>
    %select_n3A_1380 = arith.select %eq3A_1374, %gather3A_1379, %select_n3A_1371 : vector<16xi1>, vector<16xf32>
    %eq3A_1381 = arith.constant 4 : i32
    %eq3A_1382 = vector.broadcast %eq3A_1381 : i32 to vector<16xi32>
    %eq3A_1383 = arith.cmpi eq, %iota3A, %eq3A_1382 : vector<16xi32>
    %broadcast_in_dim3A_1384 = arith.constant 9 : i32
    %broadcast_in_dim3A_1385 = vector.broadcast %broadcast_in_dim3A_1384 : i32 to vector<16xi32>
    %reshape3A_1386 = vector.shape_cast %broadcast_in_dim3A_1385 : vector<16xi32> to vector<16x1xi32>
    %gather3A_1387 = vector.shape_cast %reshape3A_1386 : vector<16x1xi32> to vector<16xi32>
    %gather3A_1388 = tpu.dynamic_gather %get3A_11[%gather3A_1387] in [0] : vector<16xf32>, vector<16xi32> -> vector<16xf32>
    %select_n3A_1389 = arith.select %eq3A_1383, %gather3A_1388, %select_n3A_1380 : vector<16xi1>, vector<16xf32>
    %eq3A_1390 = arith.constant 5 : i32
    %eq3A_1391 = vector.broadcast %eq3A_1390 : i32 to vector<16xi32>
    %eq3A_1392 = arith.cmpi eq, %iota3A, %eq3A_1391 : vector<16xi32>
    %broadcast_in_dim3A_1393 = arith.constant 9 : i32
    %broadcast_in_dim3A_1394 = vector.broadcast %broadcast_in_dim3A_1393 : i32 to vector<16xi32>
    %reshape3A_1395 = vector.shape_cast %broadcast_in_dim3A_1394 : vector<16xi32> to vector<16x1xi32>
    %gather3A_1396 = vector.shape_cast %reshape3A_1395 : vector<16x1xi32> to vector<16xi32>
    %gather3A_1397 = tpu.dynamic_gather %get3A_13[%gather3A_1396] in [0] : vector<16xf32>, vector<16xi32> -> vector<16xf32>
    %select_n3A_1398 = arith.select %eq3A_1392, %gather3A_1397, %select_n3A_1389 : vector<16xi1>, vector<16xf32>
    %eq3A_1399 = arith.constant 6 : i32
    %eq3A_1400 = vector.broadcast %eq3A_1399 : i32 to vector<16xi32>
    %eq3A_1401 = arith.cmpi eq, %iota3A, %eq3A_1400 : vector<16xi32>
    %broadcast_in_dim3A_1402 = arith.constant 9 : i32
    %broadcast_in_dim3A_1403 = vector.broadcast %broadcast_in_dim3A_1402 : i32 to vector<16xi32>
    %reshape3A_1404 = vector.shape_cast %broadcast_in_dim3A_1403 : vector<16xi32> to vector<16x1xi32>
    %gather3A_1405 = vector.shape_cast %reshape3A_1404 : vector<16x1xi32> to vector<16xi32>
    %gather3A_1406 = tpu.dynamic_gather %get3A_15[%gather3A_1405] in [0] : vector<16xf32>, vector<16xi32> -> vector<16xf32>
    %select_n3A_1407 = arith.select %eq3A_1401, %gather3A_1406, %select_n3A_1398 : vector<16xi1>, vector<16xf32>
    %eq3A_1408 = arith.constant 7 : i32
    %eq3A_1409 = vector.broadcast %eq3A_1408 : i32 to vector<16xi32>
    %eq3A_1410 = arith.cmpi eq, %iota3A, %eq3A_1409 : vector<16xi32>
    %broadcast_in_dim3A_1411 = arith.constant 9 : i32
    %broadcast_in_dim3A_1412 = vector.broadcast %broadcast_in_dim3A_1411 : i32 to vector<16xi32>
    %reshape3A_1413 = vector.shape_cast %broadcast_in_dim3A_1412 : vector<16xi32> to vector<16x1xi32>
    %gather3A_1414 = vector.shape_cast %reshape3A_1413 : vector<16x1xi32> to vector<16xi32>
    %gather3A_1415 = tpu.dynamic_gather %get3A_17[%gather3A_1414] in [0] : vector<16xf32>, vector<16xi32> -> vector<16xf32>
    %select_n3A_1416 = arith.select %eq3A_1410, %gather3A_1415, %select_n3A_1407 : vector<16xi1>, vector<16xf32>
    %eq3A_1417 = arith.constant 8 : i32
    %eq3A_1418 = vector.broadcast %eq3A_1417 : i32 to vector<16xi32>
    %eq3A_1419 = arith.cmpi eq, %iota3A, %eq3A_1418 : vector<16xi32>
    %broadcast_in_dim3A_1420 = arith.constant 9 : i32
    %broadcast_in_dim3A_1421 = vector.broadcast %broadcast_in_dim3A_1420 : i32 to vector<16xi32>
    %reshape3A_1422 = vector.shape_cast %broadcast_in_dim3A_1421 : vector<16xi32> to vector<16x1xi32>
    %gather3A_1423 = vector.shape_cast %reshape3A_1422 : vector<16x1xi32> to vector<16xi32>
    %gather3A_1424 = tpu.dynamic_gather %get3A_19[%gather3A_1423] in [0] : vector<16xf32>, vector<16xi32> -> vector<16xf32>
    %select_n3A_1425 = arith.select %eq3A_1419, %gather3A_1424, %select_n3A_1416 : vector<16xi1>, vector<16xf32>
    %eq3A_1426 = arith.constant 9 : i32
    %eq3A_1427 = vector.broadcast %eq3A_1426 : i32 to vector<16xi32>
    %eq3A_1428 = arith.cmpi eq, %iota3A, %eq3A_1427 : vector<16xi32>
    %broadcast_in_dim3A_1429 = arith.constant 9 : i32
    %broadcast_in_dim3A_1430 = vector.broadcast %broadcast_in_dim3A_1429 : i32 to vector<16xi32>
    %reshape3A_1431 = vector.shape_cast %broadcast_in_dim3A_1430 : vector<16xi32> to vector<16x1xi32>
    %gather3A_1432 = vector.shape_cast %reshape3A_1431 : vector<16x1xi32> to vector<16xi32>
    %gather3A_1433 = tpu.dynamic_gather %get3A_21[%gather3A_1432] in [0] : vector<16xf32>, vector<16xi32> -> vector<16xf32>
    %select_n3A_1434 = arith.select %eq3A_1428, %gather3A_1433, %select_n3A_1425 : vector<16xi1>, vector<16xf32>
    %eq3A_1435 = arith.constant 10 : i32
    %eq3A_1436 = vector.broadcast %eq3A_1435 : i32 to vector<16xi32>
    %eq3A_1437 = arith.cmpi eq, %iota3A, %eq3A_1436 : vector<16xi32>
    %broadcast_in_dim3A_1438 = arith.constant 9 : i32
    %broadcast_in_dim3A_1439 = vector.broadcast %broadcast_in_dim3A_1438 : i32 to vector<16xi32>
    %reshape3A_1440 = vector.shape_cast %broadcast_in_dim3A_1439 : vector<16xi32> to vector<16x1xi32>
    %gather3A_1441 = vector.shape_cast %reshape3A_1440 : vector<16x1xi32> to vector<16xi32>
    %gather3A_1442 = tpu.dynamic_gather %get3A_23[%gather3A_1441] in [0] : vector<16xf32>, vector<16xi32> -> vector<16xf32>
    %select_n3A_1443 = arith.select %eq3A_1437, %gather3A_1442, %select_n3A_1434 : vector<16xi1>, vector<16xf32>
    %eq3A_1444 = arith.constant 11 : i32
    %eq3A_1445 = vector.broadcast %eq3A_1444 : i32 to vector<16xi32>
    %eq3A_1446 = arith.cmpi eq, %iota3A, %eq3A_1445 : vector<16xi32>
    %broadcast_in_dim3A_1447 = arith.constant 9 : i32
    %broadcast_in_dim3A_1448 = vector.broadcast %broadcast_in_dim3A_1447 : i32 to vector<16xi32>
    %reshape3A_1449 = vector.shape_cast %broadcast_in_dim3A_1448 : vector<16xi32> to vector<16x1xi32>
    %gather3A_1450 = vector.shape_cast %reshape3A_1449 : vector<16x1xi32> to vector<16xi32>
    %gather3A_1451 = tpu.dynamic_gather %get3A_25[%gather3A_1450] in [0] : vector<16xf32>, vector<16xi32> -> vector<16xf32>
    %select_n3A_1452 = arith.select %eq3A_1446, %gather3A_1451, %select_n3A_1443 : vector<16xi1>, vector<16xf32>
    %eq3A_1453 = arith.constant 12 : i32
    %eq3A_1454 = vector.broadcast %eq3A_1453 : i32 to vector<16xi32>
    %eq3A_1455 = arith.cmpi eq, %iota3A, %eq3A_1454 : vector<16xi32>
    %broadcast_in_dim3A_1456 = arith.constant 9 : i32
    %broadcast_in_dim3A_1457 = vector.broadcast %broadcast_in_dim3A_1456 : i32 to vector<16xi32>
    %reshape3A_1458 = vector.shape_cast %broadcast_in_dim3A_1457 : vector<16xi32> to vector<16x1xi32>
    %gather3A_1459 = vector.shape_cast %reshape3A_1458 : vector<16x1xi32> to vector<16xi32>
    %gather3A_1460 = tpu.dynamic_gather %get3A_27[%gather3A_1459] in [0] : vector<16xf32>, vector<16xi32> -> vector<16xf32>
    %select_n3A_1461 = arith.select %eq3A_1455, %gather3A_1460, %select_n3A_1452 : vector<16xi1>, vector<16xf32>
    %eq3A_1462 = arith.constant 13 : i32
    %eq3A_1463 = vector.broadcast %eq3A_1462 : i32 to vector<16xi32>
    %eq3A_1464 = arith.cmpi eq, %iota3A, %eq3A_1463 : vector<16xi32>
    %broadcast_in_dim3A_1465 = arith.constant 9 : i32
    %broadcast_in_dim3A_1466 = vector.broadcast %broadcast_in_dim3A_1465 : i32 to vector<16xi32>
    %reshape3A_1467 = vector.shape_cast %broadcast_in_dim3A_1466 : vector<16xi32> to vector<16x1xi32>
    %gather3A_1468 = vector.shape_cast %reshape3A_1467 : vector<16x1xi32> to vector<16xi32>
    %gather3A_1469 = tpu.dynamic_gather %get3A_29[%gather3A_1468] in [0] : vector<16xf32>, vector<16xi32> -> vector<16xf32>
    %select_n3A_1470 = arith.select %eq3A_1464, %gather3A_1469, %select_n3A_1461 : vector<16xi1>, vector<16xf32>
    %eq3A_1471 = arith.constant 14 : i32
    %eq3A_1472 = vector.broadcast %eq3A_1471 : i32 to vector<16xi32>
    %eq3A_1473 = arith.cmpi eq, %iota3A, %eq3A_1472 : vector<16xi32>
    %broadcast_in_dim3A_1474 = arith.constant 9 : i32
    %broadcast_in_dim3A_1475 = vector.broadcast %broadcast_in_dim3A_1474 : i32 to vector<16xi32>
    %reshape3A_1476 = vector.shape_cast %broadcast_in_dim3A_1475 : vector<16xi32> to vector<16x1xi32>
    %gather3A_1477 = vector.shape_cast %reshape3A_1476 : vector<16x1xi32> to vector<16xi32>
    %gather3A_1478 = tpu.dynamic_gather %get3A_31[%gather3A_1477] in [0] : vector<16xf32>, vector<16xi32> -> vector<16xf32>
    %select_n3A_1479 = arith.select %eq3A_1473, %gather3A_1478, %select_n3A_1470 : vector<16xi1>, vector<16xf32>
    %eq3A_1480 = arith.constant 15 : i32
    %eq3A_1481 = vector.broadcast %eq3A_1480 : i32 to vector<16xi32>
    %eq3A_1482 = arith.cmpi eq, %iota3A, %eq3A_1481 : vector<16xi32>
    %broadcast_in_dim3A_1483 = arith.constant 9 : i32
    %broadcast_in_dim3A_1484 = vector.broadcast %broadcast_in_dim3A_1483 : i32 to vector<16xi32>
    %reshape3A_1485 = vector.shape_cast %broadcast_in_dim3A_1484 : vector<16xi32> to vector<16x1xi32>
    %gather3A_1486 = vector.shape_cast %reshape3A_1485 : vector<16x1xi32> to vector<16xi32>
    %gather3A_1487 = tpu.dynamic_gather %get3A_33[%gather3A_1486] in [0] : vector<16xf32>, vector<16xi32> -> vector<16xf32>
    %select_n3A_1488 = arith.select %eq3A_1482, %gather3A_1487, %select_n3A_1479 : vector<16xi1>, vector<16xf32>
    %broadcast_in_dim3A_1489 = arith.constant 0.000000e+00 : f32
    %broadcast_in_dim3A_1490 = vector.broadcast %broadcast_in_dim3A_1489 : f32 to vector<16xf32>
    %eq3A_1491 = arith.constant 0 : i32
    %eq3A_1492 = vector.broadcast %eq3A_1491 : i32 to vector<16xi32>
    %eq3A_1493 = arith.cmpi eq, %iota3A, %eq3A_1492 : vector<16xi32>
    %broadcast_in_dim3A_1494 = arith.constant 10 : i32
    %broadcast_in_dim3A_1495 = vector.broadcast %broadcast_in_dim3A_1494 : i32 to vector<16xi32>
    %reshape3A_1496 = vector.shape_cast %broadcast_in_dim3A_1495 : vector<16xi32> to vector<16x1xi32>
    %gather3A_1497 = vector.shape_cast %reshape3A_1496 : vector<16x1xi32> to vector<16xi32>
    %gather3A_1498 = tpu.dynamic_gather %get3A_3[%gather3A_1497] in [0] : vector<16xf32>, vector<16xi32> -> vector<16xf32>
    %select_n3A_1499 = arith.select %eq3A_1493, %gather3A_1498, %broadcast_in_dim3A_1490 : vector<16xi1>, vector<16xf32>
    %eq3A_1500 = arith.constant 1 : i32
    %eq3A_1501 = vector.broadcast %eq3A_1500 : i32 to vector<16xi32>
    %eq3A_1502 = arith.cmpi eq, %iota3A, %eq3A_1501 : vector<16xi32>
    %broadcast_in_dim3A_1503 = arith.constant 10 : i32
    %broadcast_in_dim3A_1504 = vector.broadcast %broadcast_in_dim3A_1503 : i32 to vector<16xi32>
    %reshape3A_1505 = vector.shape_cast %broadcast_in_dim3A_1504 : vector<16xi32> to vector<16x1xi32>
    %gather3A_1506 = vector.shape_cast %reshape3A_1505 : vector<16x1xi32> to vector<16xi32>
    %gather3A_1507 = tpu.dynamic_gather %get3A_5[%gather3A_1506] in [0] : vector<16xf32>, vector<16xi32> -> vector<16xf32>
    %select_n3A_1508 = arith.select %eq3A_1502, %gather3A_1507, %select_n3A_1499 : vector<16xi1>, vector<16xf32>
    %eq3A_1509 = arith.constant 2 : i32
    %eq3A_1510 = vector.broadcast %eq3A_1509 : i32 to vector<16xi32>
    %eq3A_1511 = arith.cmpi eq, %iota3A, %eq3A_1510 : vector<16xi32>
    %broadcast_in_dim3A_1512 = arith.constant 10 : i32
    %broadcast_in_dim3A_1513 = vector.broadcast %broadcast_in_dim3A_1512 : i32 to vector<16xi32>
    %reshape3A_1514 = vector.shape_cast %broadcast_in_dim3A_1513 : vector<16xi32> to vector<16x1xi32>
    %gather3A_1515 = vector.shape_cast %reshape3A_1514 : vector<16x1xi32> to vector<16xi32>
    %gather3A_1516 = tpu.dynamic_gather %get3A_7[%gather3A_1515] in [0] : vector<16xf32>, vector<16xi32> -> vector<16xf32>
    %select_n3A_1517 = arith.select %eq3A_1511, %gather3A_1516, %select_n3A_1508 : vector<16xi1>, vector<16xf32>
    %eq3A_1518 = arith.constant 3 : i32
    %eq3A_1519 = vector.broadcast %eq3A_1518 : i32 to vector<16xi32>
    %eq3A_1520 = arith.cmpi eq, %iota3A, %eq3A_1519 : vector<16xi32>
    %broadcast_in_dim3A_1521 = arith.constant 10 : i32
    %broadcast_in_dim3A_1522 = vector.broadcast %broadcast_in_dim3A_1521 : i32 to vector<16xi32>
    %reshape3A_1523 = vector.shape_cast %broadcast_in_dim3A_1522 : vector<16xi32> to vector<16x1xi32>
    %gather3A_1524 = vector.shape_cast %reshape3A_1523 : vector<16x1xi32> to vector<16xi32>
    %gather3A_1525 = tpu.dynamic_gather %get3A_9[%gather3A_1524] in [0] : vector<16xf32>, vector<16xi32> -> vector<16xf32>
    %select_n3A_1526 = arith.select %eq3A_1520, %gather3A_1525, %select_n3A_1517 : vector<16xi1>, vector<16xf32>
    %eq3A_1527 = arith.constant 4 : i32
    %eq3A_1528 = vector.broadcast %eq3A_1527 : i32 to vector<16xi32>
    %eq3A_1529 = arith.cmpi eq, %iota3A, %eq3A_1528 : vector<16xi32>
    %broadcast_in_dim3A_1530 = arith.constant 10 : i32
    %broadcast_in_dim3A_1531 = vector.broadcast %broadcast_in_dim3A_1530 : i32 to vector<16xi32>
    %reshape3A_1532 = vector.shape_cast %broadcast_in_dim3A_1531 : vector<16xi32> to vector<16x1xi32>
    %gather3A_1533 = vector.shape_cast %reshape3A_1532 : vector<16x1xi32> to vector<16xi32>
    %gather3A_1534 = tpu.dynamic_gather %get3A_11[%gather3A_1533] in [0] : vector<16xf32>, vector<16xi32> -> vector<16xf32>
    %select_n3A_1535 = arith.select %eq3A_1529, %gather3A_1534, %select_n3A_1526 : vector<16xi1>, vector<16xf32>
    %eq3A_1536 = arith.constant 5 : i32
    %eq3A_1537 = vector.broadcast %eq3A_1536 : i32 to vector<16xi32>
    %eq3A_1538 = arith.cmpi eq, %iota3A, %eq3A_1537 : vector<16xi32>
    %broadcast_in_dim3A_1539 = arith.constant 10 : i32
    %broadcast_in_dim3A_1540 = vector.broadcast %broadcast_in_dim3A_1539 : i32 to vector<16xi32>
    %reshape3A_1541 = vector.shape_cast %broadcast_in_dim3A_1540 : vector<16xi32> to vector<16x1xi32>
    %gather3A_1542 = vector.shape_cast %reshape3A_1541 : vector<16x1xi32> to vector<16xi32>
    %gather3A_1543 = tpu.dynamic_gather %get3A_13[%gather3A_1542] in [0] : vector<16xf32>, vector<16xi32> -> vector<16xf32>
    %select_n3A_1544 = arith.select %eq3A_1538, %gather3A_1543, %select_n3A_1535 : vector<16xi1>, vector<16xf32>
    %eq3A_1545 = arith.constant 6 : i32
    %eq3A_1546 = vector.broadcast %eq3A_1545 : i32 to vector<16xi32>
    %eq3A_1547 = arith.cmpi eq, %iota3A, %eq3A_1546 : vector<16xi32>
    %broadcast_in_dim3A_1548 = arith.constant 10 : i32
    %broadcast_in_dim3A_1549 = vector.broadcast %broadcast_in_dim3A_1548 : i32 to vector<16xi32>
    %reshape3A_1550 = vector.shape_cast %broadcast_in_dim3A_1549 : vector<16xi32> to vector<16x1xi32>
    %gather3A_1551 = vector.shape_cast %reshape3A_1550 : vector<16x1xi32> to vector<16xi32>
    %gather3A_1552 = tpu.dynamic_gather %get3A_15[%gather3A_1551] in [0] : vector<16xf32>, vector<16xi32> -> vector<16xf32>
    %select_n3A_1553 = arith.select %eq3A_1547, %gather3A_1552, %select_n3A_1544 : vector<16xi1>, vector<16xf32>
    %eq3A_1554 = arith.constant 7 : i32
    %eq3A_1555 = vector.broadcast %eq3A_1554 : i32 to vector<16xi32>
    %eq3A_1556 = arith.cmpi eq, %iota3A, %eq3A_1555 : vector<16xi32>
    %broadcast_in_dim3A_1557 = arith.constant 10 : i32
    %broadcast_in_dim3A_1558 = vector.broadcast %broadcast_in_dim3A_1557 : i32 to vector<16xi32>
    %reshape3A_1559 = vector.shape_cast %broadcast_in_dim3A_1558 : vector<16xi32> to vector<16x1xi32>
    %gather3A_1560 = vector.shape_cast %reshape3A_1559 : vector<16x1xi32> to vector<16xi32>
    %gather3A_1561 = tpu.dynamic_gather %get3A_17[%gather3A_1560] in [0] : vector<16xf32>, vector<16xi32> -> vector<16xf32>
    %select_n3A_1562 = arith.select %eq3A_1556, %gather3A_1561, %select_n3A_1553 : vector<16xi1>, vector<16xf32>
    %eq3A_1563 = arith.constant 8 : i32
    %eq3A_1564 = vector.broadcast %eq3A_1563 : i32 to vector<16xi32>
    %eq3A_1565 = arith.cmpi eq, %iota3A, %eq3A_1564 : vector<16xi32>
    %broadcast_in_dim3A_1566 = arith.constant 10 : i32
    %broadcast_in_dim3A_1567 = vector.broadcast %broadcast_in_dim3A_1566 : i32 to vector<16xi32>
    %reshape3A_1568 = vector.shape_cast %broadcast_in_dim3A_1567 : vector<16xi32> to vector<16x1xi32>
    %gather3A_1569 = vector.shape_cast %reshape3A_1568 : vector<16x1xi32> to vector<16xi32>
    %gather3A_1570 = tpu.dynamic_gather %get3A_19[%gather3A_1569] in [0] : vector<16xf32>, vector<16xi32> -> vector<16xf32>
    %select_n3A_1571 = arith.select %eq3A_1565, %gather3A_1570, %select_n3A_1562 : vector<16xi1>, vector<16xf32>
    %eq3A_1572 = arith.constant 9 : i32
    %eq3A_1573 = vector.broadcast %eq3A_1572 : i32 to vector<16xi32>
    %eq3A_1574 = arith.cmpi eq, %iota3A, %eq3A_1573 : vector<16xi32>
    %broadcast_in_dim3A_1575 = arith.constant 10 : i32
    %broadcast_in_dim3A_1576 = vector.broadcast %broadcast_in_dim3A_1575 : i32 to vector<16xi32>
    %reshape3A_1577 = vector.shape_cast %broadcast_in_dim3A_1576 : vector<16xi32> to vector<16x1xi32>
    %gather3A_1578 = vector.shape_cast %reshape3A_1577 : vector<16x1xi32> to vector<16xi32>
    %gather3A_1579 = tpu.dynamic_gather %get3A_21[%gather3A_1578] in [0] : vector<16xf32>, vector<16xi32> -> vector<16xf32>
    %select_n3A_1580 = arith.select %eq3A_1574, %gather3A_1579, %select_n3A_1571 : vector<16xi1>, vector<16xf32>
    %eq3A_1581 = arith.constant 10 : i32
    %eq3A_1582 = vector.broadcast %eq3A_1581 : i32 to vector<16xi32>
    %eq3A_1583 = arith.cmpi eq, %iota3A, %eq3A_1582 : vector<16xi32>
    %broadcast_in_dim3A_1584 = arith.constant 10 : i32
    %broadcast_in_dim3A_1585 = vector.broadcast %broadcast_in_dim3A_1584 : i32 to vector<16xi32>
    %reshape3A_1586 = vector.shape_cast %broadcast_in_dim3A_1585 : vector<16xi32> to vector<16x1xi32>
    %gather3A_1587 = vector.shape_cast %reshape3A_1586 : vector<16x1xi32> to vector<16xi32>
    %gather3A_1588 = tpu.dynamic_gather %get3A_23[%gather3A_1587] in [0] : vector<16xf32>, vector<16xi32> -> vector<16xf32>
    %select_n3A_1589 = arith.select %eq3A_1583, %gather3A_1588, %select_n3A_1580 : vector<16xi1>, vector<16xf32>
    %eq3A_1590 = arith.constant 11 : i32
    %eq3A_1591 = vector.broadcast %eq3A_1590 : i32 to vector<16xi32>
    %eq3A_1592 = arith.cmpi eq, %iota3A, %eq3A_1591 : vector<16xi32>
    %broadcast_in_dim3A_1593 = arith.constant 10 : i32
    %broadcast_in_dim3A_1594 = vector.broadcast %broadcast_in_dim3A_1593 : i32 to vector<16xi32>
    %reshape3A_1595 = vector.shape_cast %broadcast_in_dim3A_1594 : vector<16xi32> to vector<16x1xi32>
    %gather3A_1596 = vector.shape_cast %reshape3A_1595 : vector<16x1xi32> to vector<16xi32>
    %gather3A_1597 = tpu.dynamic_gather %get3A_25[%gather3A_1596] in [0] : vector<16xf32>, vector<16xi32> -> vector<16xf32>
    %select_n3A_1598 = arith.select %eq3A_1592, %gather3A_1597, %select_n3A_1589 : vector<16xi1>, vector<16xf32>
    %eq3A_1599 = arith.constant 12 : i32
    %eq3A_1600 = vector.broadcast %eq3A_1599 : i32 to vector<16xi32>
    %eq3A_1601 = arith.cmpi eq, %iota3A, %eq3A_1600 : vector<16xi32>
    %broadcast_in_dim3A_1602 = arith.constant 10 : i32
    %broadcast_in_dim3A_1603 = vector.broadcast %broadcast_in_dim3A_1602 : i32 to vector<16xi32>
    %reshape3A_1604 = vector.shape_cast %broadcast_in_dim3A_1603 : vector<16xi32> to vector<16x1xi32>
    %gather3A_1605 = vector.shape_cast %reshape3A_1604 : vector<16x1xi32> to vector<16xi32>
    %gather3A_1606 = tpu.dynamic_gather %get3A_27[%gather3A_1605] in [0] : vector<16xf32>, vector<16xi32> -> vector<16xf32>
    %select_n3A_1607 = arith.select %eq3A_1601, %gather3A_1606, %select_n3A_1598 : vector<16xi1>, vector<16xf32>
    %eq3A_1608 = arith.constant 13 : i32
    %eq3A_1609 = vector.broadcast %eq3A_1608 : i32 to vector<16xi32>
    %eq3A_1610 = arith.cmpi eq, %iota3A, %eq3A_1609 : vector<16xi32>
    %broadcast_in_dim3A_1611 = arith.constant 10 : i32
    %broadcast_in_dim3A_1612 = vector.broadcast %broadcast_in_dim3A_1611 : i32 to vector<16xi32>
    %reshape3A_1613 = vector.shape_cast %broadcast_in_dim3A_1612 : vector<16xi32> to vector<16x1xi32>
    %gather3A_1614 = vector.shape_cast %reshape3A_1613 : vector<16x1xi32> to vector<16xi32>
    %gather3A_1615 = tpu.dynamic_gather %get3A_29[%gather3A_1614] in [0] : vector<16xf32>, vector<16xi32> -> vector<16xf32>
    %select_n3A_1616 = arith.select %eq3A_1610, %gather3A_1615, %select_n3A_1607 : vector<16xi1>, vector<16xf32>
    %eq3A_1617 = arith.constant 14 : i32
    %eq3A_1618 = vector.broadcast %eq3A_1617 : i32 to vector<16xi32>
    %eq3A_1619 = arith.cmpi eq, %iota3A, %eq3A_1618 : vector<16xi32>
    %broadcast_in_dim3A_1620 = arith.constant 10 : i32
    %broadcast_in_dim3A_1621 = vector.broadcast %broadcast_in_dim3A_1620 : i32 to vector<16xi32>
    %reshape3A_1622 = vector.shape_cast %broadcast_in_dim3A_1621 : vector<16xi32> to vector<16x1xi32>
    %gather3A_1623 = vector.shape_cast %reshape3A_1622 : vector<16x1xi32> to vector<16xi32>
    %gather3A_1624 = tpu.dynamic_gather %get3A_31[%gather3A_1623] in [0] : vector<16xf32>, vector<16xi32> -> vector<16xf32>
    %select_n3A_1625 = arith.select %eq3A_1619, %gather3A_1624, %select_n3A_1616 : vector<16xi1>, vector<16xf32>
    %eq3A_1626 = arith.constant 15 : i32
    %eq3A_1627 = vector.broadcast %eq3A_1626 : i32 to vector<16xi32>
    %eq3A_1628 = arith.cmpi eq, %iota3A, %eq3A_1627 : vector<16xi32>
    %broadcast_in_dim3A_1629 = arith.constant 10 : i32
    %broadcast_in_dim3A_1630 = vector.broadcast %broadcast_in_dim3A_1629 : i32 to vector<16xi32>
    %reshape3A_1631 = vector.shape_cast %broadcast_in_dim3A_1630 : vector<16xi32> to vector<16x1xi32>
    %gather3A_1632 = vector.shape_cast %reshape3A_1631 : vector<16x1xi32> to vector<16xi32>
    %gather3A_1633 = tpu.dynamic_gather %get3A_33[%gather3A_1632] in [0] : vector<16xf32>, vector<16xi32> -> vector<16xf32>
    %select_n3A_1634 = arith.select %eq3A_1628, %gather3A_1633, %select_n3A_1625 : vector<16xi1>, vector<16xf32>
    %broadcast_in_dim3A_1635 = arith.constant 0.000000e+00 : f32
    %broadcast_in_dim3A_1636 = vector.broadcast %broadcast_in_dim3A_1635 : f32 to vector<16xf32>
    %eq3A_1637 = arith.constant 0 : i32
    %eq3A_1638 = vector.broadcast %eq3A_1637 : i32 to vector<16xi32>
    %eq3A_1639 = arith.cmpi eq, %iota3A, %eq3A_1638 : vector<16xi32>
    %broadcast_in_dim3A_1640 = arith.constant 11 : i32
    %broadcast_in_dim3A_1641 = vector.broadcast %broadcast_in_dim3A_1640 : i32 to vector<16xi32>
    %reshape3A_1642 = vector.shape_cast %broadcast_in_dim3A_1641 : vector<16xi32> to vector<16x1xi32>
    %gather3A_1643 = vector.shape_cast %reshape3A_1642 : vector<16x1xi32> to vector<16xi32>
    %gather3A_1644 = tpu.dynamic_gather %get3A_3[%gather3A_1643] in [0] : vector<16xf32>, vector<16xi32> -> vector<16xf32>
    %select_n3A_1645 = arith.select %eq3A_1639, %gather3A_1644, %broadcast_in_dim3A_1636 : vector<16xi1>, vector<16xf32>
    %eq3A_1646 = arith.constant 1 : i32
    %eq3A_1647 = vector.broadcast %eq3A_1646 : i32 to vector<16xi32>
    %eq3A_1648 = arith.cmpi eq, %iota3A, %eq3A_1647 : vector<16xi32>
    %broadcast_in_dim3A_1649 = arith.constant 11 : i32
    %broadcast_in_dim3A_1650 = vector.broadcast %broadcast_in_dim3A_1649 : i32 to vector<16xi32>
    %reshape3A_1651 = vector.shape_cast %broadcast_in_dim3A_1650 : vector<16xi32> to vector<16x1xi32>
    %gather3A_1652 = vector.shape_cast %reshape3A_1651 : vector<16x1xi32> to vector<16xi32>
    %gather3A_1653 = tpu.dynamic_gather %get3A_5[%gather3A_1652] in [0] : vector<16xf32>, vector<16xi32> -> vector<16xf32>
    %select_n3A_1654 = arith.select %eq3A_1648, %gather3A_1653, %select_n3A_1645 : vector<16xi1>, vector<16xf32>
    %eq3A_1655 = arith.constant 2 : i32
    %eq3A_1656 = vector.broadcast %eq3A_1655 : i32 to vector<16xi32>
    %eq3A_1657 = arith.cmpi eq, %iota3A, %eq3A_1656 : vector<16xi32>
    %broadcast_in_dim3A_1658 = arith.constant 11 : i32
    %broadcast_in_dim3A_1659 = vector.broadcast %broadcast_in_dim3A_1658 : i32 to vector<16xi32>
    %reshape3A_1660 = vector.shape_cast %broadcast_in_dim3A_1659 : vector<16xi32> to vector<16x1xi32>
    %gather3A_1661 = vector.shape_cast %reshape3A_1660 : vector<16x1xi32> to vector<16xi32>
    %gather3A_1662 = tpu.dynamic_gather %get3A_7[%gather3A_1661] in [0] : vector<16xf32>, vector<16xi32> -> vector<16xf32>
    %select_n3A_1663 = arith.select %eq3A_1657, %gather3A_1662, %select_n3A_1654 : vector<16xi1>, vector<16xf32>
    %eq3A_1664 = arith.constant 3 : i32
    %eq3A_1665 = vector.broadcast %eq3A_1664 : i32 to vector<16xi32>
    %eq3A_1666 = arith.cmpi eq, %iota3A, %eq3A_1665 : vector<16xi32>
    %broadcast_in_dim3A_1667 = arith.constant 11 : i32
    %broadcast_in_dim3A_1668 = vector.broadcast %broadcast_in_dim3A_1667 : i32 to vector<16xi32>
    %reshape3A_1669 = vector.shape_cast %broadcast_in_dim3A_1668 : vector<16xi32> to vector<16x1xi32>
    %gather3A_1670 = vector.shape_cast %reshape3A_1669 : vector<16x1xi32> to vector<16xi32>
    %gather3A_1671 = tpu.dynamic_gather %get3A_9[%gather3A_1670] in [0] : vector<16xf32>, vector<16xi32> -> vector<16xf32>
    %select_n3A_1672 = arith.select %eq3A_1666, %gather3A_1671, %select_n3A_1663 : vector<16xi1>, vector<16xf32>
    %eq3A_1673 = arith.constant 4 : i32
    %eq3A_1674 = vector.broadcast %eq3A_1673 : i32 to vector<16xi32>
    %eq3A_1675 = arith.cmpi eq, %iota3A, %eq3A_1674 : vector<16xi32>
    %broadcast_in_dim3A_1676 = arith.constant 11 : i32
    %broadcast_in_dim3A_1677 = vector.broadcast %broadcast_in_dim3A_1676 : i32 to vector<16xi32>
    %reshape3A_1678 = vector.shape_cast %broadcast_in_dim3A_1677 : vector<16xi32> to vector<16x1xi32>
    %gather3A_1679 = vector.shape_cast %reshape3A_1678 : vector<16x1xi32> to vector<16xi32>
    %gather3A_1680 = tpu.dynamic_gather %get3A_11[%gather3A_1679] in [0] : vector<16xf32>, vector<16xi32> -> vector<16xf32>
    %select_n3A_1681 = arith.select %eq3A_1675, %gather3A_1680, %select_n3A_1672 : vector<16xi1>, vector<16xf32>
    %eq3A_1682 = arith.constant 5 : i32
    %eq3A_1683 = vector.broadcast %eq3A_1682 : i32 to vector<16xi32>
    %eq3A_1684 = arith.cmpi eq, %iota3A, %eq3A_1683 : vector<16xi32>
    %broadcast_in_dim3A_1685 = arith.constant 11 : i32
    %broadcast_in_dim3A_1686 = vector.broadcast %broadcast_in_dim3A_1685 : i32 to vector<16xi32>
    %reshape3A_1687 = vector.shape_cast %broadcast_in_dim3A_1686 : vector<16xi32> to vector<16x1xi32>
    %gather3A_1688 = vector.shape_cast %reshape3A_1687 : vector<16x1xi32> to vector<16xi32>
    %gather3A_1689 = tpu.dynamic_gather %get3A_13[%gather3A_1688] in [0] : vector<16xf32>, vector<16xi32> -> vector<16xf32>
    %select_n3A_1690 = arith.select %eq3A_1684, %gather3A_1689, %select_n3A_1681 : vector<16xi1>, vector<16xf32>
    %eq3A_1691 = arith.constant 6 : i32
    %eq3A_1692 = vector.broadcast %eq3A_1691 : i32 to vector<16xi32>
    %eq3A_1693 = arith.cmpi eq, %iota3A, %eq3A_1692 : vector<16xi32>
    %broadcast_in_dim3A_1694 = arith.constant 11 : i32
    %broadcast_in_dim3A_1695 = vector.broadcast %broadcast_in_dim3A_1694 : i32 to vector<16xi32>
    %reshape3A_1696 = vector.shape_cast %broadcast_in_dim3A_1695 : vector<16xi32> to vector<16x1xi32>
    %gather3A_1697 = vector.shape_cast %reshape3A_1696 : vector<16x1xi32> to vector<16xi32>
    %gather3A_1698 = tpu.dynamic_gather %get3A_15[%gather3A_1697] in [0] : vector<16xf32>, vector<16xi32> -> vector<16xf32>
    %select_n3A_1699 = arith.select %eq3A_1693, %gather3A_1698, %select_n3A_1690 : vector<16xi1>, vector<16xf32>
    %eq3A_1700 = arith.constant 7 : i32
    %eq3A_1701 = vector.broadcast %eq3A_1700 : i32 to vector<16xi32>
    %eq3A_1702 = arith.cmpi eq, %iota3A, %eq3A_1701 : vector<16xi32>
    %broadcast_in_dim3A_1703 = arith.constant 11 : i32
    %broadcast_in_dim3A_1704 = vector.broadcast %broadcast_in_dim3A_1703 : i32 to vector<16xi32>
    %reshape3A_1705 = vector.shape_cast %broadcast_in_dim3A_1704 : vector<16xi32> to vector<16x1xi32>
    %gather3A_1706 = vector.shape_cast %reshape3A_1705 : vector<16x1xi32> to vector<16xi32>
    %gather3A_1707 = tpu.dynamic_gather %get3A_17[%gather3A_1706] in [0] : vector<16xf32>, vector<16xi32> -> vector<16xf32>
    %select_n3A_1708 = arith.select %eq3A_1702, %gather3A_1707, %select_n3A_1699 : vector<16xi1>, vector<16xf32>
    %eq3A_1709 = arith.constant 8 : i32
    %eq3A_1710 = vector.broadcast %eq3A_1709 : i32 to vector<16xi32>
    %eq3A_1711 = arith.cmpi eq, %iota3A, %eq3A_1710 : vector<16xi32>
    %broadcast_in_dim3A_1712 = arith.constant 11 : i32
    %broadcast_in_dim3A_1713 = vector.broadcast %broadcast_in_dim3A_1712 : i32 to vector<16xi32>
    %reshape3A_1714 = vector.shape_cast %broadcast_in_dim3A_1713 : vector<16xi32> to vector<16x1xi32>
    %gather3A_1715 = vector.shape_cast %reshape3A_1714 : vector<16x1xi32> to vector<16xi32>
    %gather3A_1716 = tpu.dynamic_gather %get3A_19[%gather3A_1715] in [0] : vector<16xf32>, vector<16xi32> -> vector<16xf32>
    %select_n3A_1717 = arith.select %eq3A_1711, %gather3A_1716, %select_n3A_1708 : vector<16xi1>, vector<16xf32>
    %eq3A_1718 = arith.constant 9 : i32
    %eq3A_1719 = vector.broadcast %eq3A_1718 : i32 to vector<16xi32>
    %eq3A_1720 = arith.cmpi eq, %iota3A, %eq3A_1719 : vector<16xi32>
    %broadcast_in_dim3A_1721 = arith.constant 11 : i32
    %broadcast_in_dim3A_1722 = vector.broadcast %broadcast_in_dim3A_1721 : i32 to vector<16xi32>
    %reshape3A_1723 = vector.shape_cast %broadcast_in_dim3A_1722 : vector<16xi32> to vector<16x1xi32>
    %gather3A_1724 = vector.shape_cast %reshape3A_1723 : vector<16x1xi32> to vector<16xi32>
    %gather3A_1725 = tpu.dynamic_gather %get3A_21[%gather3A_1724] in [0] : vector<16xf32>, vector<16xi32> -> vector<16xf32>
    %select_n3A_1726 = arith.select %eq3A_1720, %gather3A_1725, %select_n3A_1717 : vector<16xi1>, vector<16xf32>
    %eq3A_1727 = arith.constant 10 : i32
    %eq3A_1728 = vector.broadcast %eq3A_1727 : i32 to vector<16xi32>
    %eq3A_1729 = arith.cmpi eq, %iota3A, %eq3A_1728 : vector<16xi32>
    %broadcast_in_dim3A_1730 = arith.constant 11 : i32
    %broadcast_in_dim3A_1731 = vector.broadcast %broadcast_in_dim3A_1730 : i32 to vector<16xi32>
    %reshape3A_1732 = vector.shape_cast %broadcast_in_dim3A_1731 : vector<16xi32> to vector<16x1xi32>
    %gather3A_1733 = vector.shape_cast %reshape3A_1732 : vector<16x1xi32> to vector<16xi32>
    %gather3A_1734 = tpu.dynamic_gather %get3A_23[%gather3A_1733] in [0] : vector<16xf32>, vector<16xi32> -> vector<16xf32>
    %select_n3A_1735 = arith.select %eq3A_1729, %gather3A_1734, %select_n3A_1726 : vector<16xi1>, vector<16xf32>
    %eq3A_1736 = arith.constant 11 : i32
    %eq3A_1737 = vector.broadcast %eq3A_1736 : i32 to vector<16xi32>
    %eq3A_1738 = arith.cmpi eq, %iota3A, %eq3A_1737 : vector<16xi32>
    %broadcast_in_dim3A_1739 = arith.constant 11 : i32
    %broadcast_in_dim3A_1740 = vector.broadcast %broadcast_in_dim3A_1739 : i32 to vector<16xi32>
    %reshape3A_1741 = vector.shape_cast %broadcast_in_dim3A_1740 : vector<16xi32> to vector<16x1xi32>
    %gather3A_1742 = vector.shape_cast %reshape3A_1741 : vector<16x1xi32> to vector<16xi32>
    %gather3A_1743 = tpu.dynamic_gather %get3A_25[%gather3A_1742] in [0] : vector<16xf32>, vector<16xi32> -> vector<16xf32>
    %select_n3A_1744 = arith.select %eq3A_1738, %gather3A_1743, %select_n3A_1735 : vector<16xi1>, vector<16xf32>
    %eq3A_1745 = arith.constant 12 : i32
    %eq3A_1746 = vector.broadcast %eq3A_1745 : i32 to vector<16xi32>
    %eq3A_1747 = arith.cmpi eq, %iota3A, %eq3A_1746 : vector<16xi32>
    %broadcast_in_dim3A_1748 = arith.constant 11 : i32
    %broadcast_in_dim3A_1749 = vector.broadcast %broadcast_in_dim3A_1748 : i32 to vector<16xi32>
    %reshape3A_1750 = vector.shape_cast %broadcast_in_dim3A_1749 : vector<16xi32> to vector<16x1xi32>
    %gather3A_1751 = vector.shape_cast %reshape3A_1750 : vector<16x1xi32> to vector<16xi32>
    %gather3A_1752 = tpu.dynamic_gather %get3A_27[%gather3A_1751] in [0] : vector<16xf32>, vector<16xi32> -> vector<16xf32>
    %select_n3A_1753 = arith.select %eq3A_1747, %gather3A_1752, %select_n3A_1744 : vector<16xi1>, vector<16xf32>
    %eq3A_1754 = arith.constant 13 : i32
    %eq3A_1755 = vector.broadcast %eq3A_1754 : i32 to vector<16xi32>
    %eq3A_1756 = arith.cmpi eq, %iota3A, %eq3A_1755 : vector<16xi32>
    %broadcast_in_dim3A_1757 = arith.constant 11 : i32
    %broadcast_in_dim3A_1758 = vector.broadcast %broadcast_in_dim3A_1757 : i32 to vector<16xi32>
    %reshape3A_1759 = vector.shape_cast %broadcast_in_dim3A_1758 : vector<16xi32> to vector<16x1xi32>
    %gather3A_1760 = vector.shape_cast %reshape3A_1759 : vector<16x1xi32> to vector<16xi32>
    %gather3A_1761 = tpu.dynamic_gather %get3A_29[%gather3A_1760] in [0] : vector<16xf32>, vector<16xi32> -> vector<16xf32>
    %select_n3A_1762 = arith.select %eq3A_1756, %gather3A_1761, %select_n3A_1753 : vector<16xi1>, vector<16xf32>
    %eq3A_1763 = arith.constant 14 : i32
    %eq3A_1764 = vector.broadcast %eq3A_1763 : i32 to vector<16xi32>
    %eq3A_1765 = arith.cmpi eq, %iota3A, %eq3A_1764 : vector<16xi32>
    %broadcast_in_dim3A_1766 = arith.constant 11 : i32
    %broadcast_in_dim3A_1767 = vector.broadcast %broadcast_in_dim3A_1766 : i32 to vector<16xi32>
    %reshape3A_1768 = vector.shape_cast %broadcast_in_dim3A_1767 : vector<16xi32> to vector<16x1xi32>
    %gather3A_1769 = vector.shape_cast %reshape3A_1768 : vector<16x1xi32> to vector<16xi32>
    %gather3A_1770 = tpu.dynamic_gather %get3A_31[%gather3A_1769] in [0] : vector<16xf32>, vector<16xi32> -> vector<16xf32>
    %select_n3A_1771 = arith.select %eq3A_1765, %gather3A_1770, %select_n3A_1762 : vector<16xi1>, vector<16xf32>
    %eq3A_1772 = arith.constant 15 : i32
    %eq3A_1773 = vector.broadcast %eq3A_1772 : i32 to vector<16xi32>
    %eq3A_1774 = arith.cmpi eq, %iota3A, %eq3A_1773 : vector<16xi32>
    %broadcast_in_dim3A_1775 = arith.constant 11 : i32
    %broadcast_in_dim3A_1776 = vector.broadcast %broadcast_in_dim3A_1775 : i32 to vector<16xi32>
    %reshape3A_1777 = vector.shape_cast %broadcast_in_dim3A_1776 : vector<16xi32> to vector<16x1xi32>
    %gather3A_1778 = vector.shape_cast %reshape3A_1777 : vector<16x1xi32> to vector<16xi32>
    %gather3A_1779 = tpu.dynamic_gather %get3A_33[%gather3A_1778] in [0] : vector<16xf32>, vector<16xi32> -> vector<16xf32>
    %select_n3A_1780 = arith.select %eq3A_1774, %gather3A_1779, %select_n3A_1771 : vector<16xi1>, vector<16xf32>
    %broadcast_in_dim3A_1781 = arith.constant 0.000000e+00 : f32
    %broadcast_in_dim3A_1782 = vector.broadcast %broadcast_in_dim3A_1781 : f32 to vector<16xf32>
    %eq3A_1783 = arith.constant 0 : i32
    %eq3A_1784 = vector.broadcast %eq3A_1783 : i32 to vector<16xi32>
    %eq3A_1785 = arith.cmpi eq, %iota3A, %eq3A_1784 : vector<16xi32>
    %broadcast_in_dim3A_1786 = arith.constant 12 : i32
    %broadcast_in_dim3A_1787 = vector.broadcast %broadcast_in_dim3A_1786 : i32 to vector<16xi32>
    %reshape3A_1788 = vector.shape_cast %broadcast_in_dim3A_1787 : vector<16xi32> to vector<16x1xi32>
    %gather3A_1789 = vector.shape_cast %reshape3A_1788 : vector<16x1xi32> to vector<16xi32>
    %gather3A_1790 = tpu.dynamic_gather %get3A_3[%gather3A_1789] in [0] : vector<16xf32>, vector<16xi32> -> vector<16xf32>
    %select_n3A_1791 = arith.select %eq3A_1785, %gather3A_1790, %broadcast_in_dim3A_1782 : vector<16xi1>, vector<16xf32>
    %eq3A_1792 = arith.constant 1 : i32
    %eq3A_1793 = vector.broadcast %eq3A_1792 : i32 to vector<16xi32>
    %eq3A_1794 = arith.cmpi eq, %iota3A, %eq3A_1793 : vector<16xi32>
    %broadcast_in_dim3A_1795 = arith.constant 12 : i32
    %broadcast_in_dim3A_1796 = vector.broadcast %broadcast_in_dim3A_1795 : i32 to vector<16xi32>
    %reshape3A_1797 = vector.shape_cast %broadcast_in_dim3A_1796 : vector<16xi32> to vector<16x1xi32>
    %gather3A_1798 = vector.shape_cast %reshape3A_1797 : vector<16x1xi32> to vector<16xi32>
    %gather3A_1799 = tpu.dynamic_gather %get3A_5[%gather3A_1798] in [0] : vector<16xf32>, vector<16xi32> -> vector<16xf32>
    %select_n3A_1800 = arith.select %eq3A_1794, %gather3A_1799, %select_n3A_1791 : vector<16xi1>, vector<16xf32>
    %eq3A_1801 = arith.constant 2 : i32
    %eq3A_1802 = vector.broadcast %eq3A_1801 : i32 to vector<16xi32>
    %eq3A_1803 = arith.cmpi eq, %iota3A, %eq3A_1802 : vector<16xi32>
    %broadcast_in_dim3A_1804 = arith.constant 12 : i32
    %broadcast_in_dim3A_1805 = vector.broadcast %broadcast_in_dim3A_1804 : i32 to vector<16xi32>
    %reshape3A_1806 = vector.shape_cast %broadcast_in_dim3A_1805 : vector<16xi32> to vector<16x1xi32>
    %gather3A_1807 = vector.shape_cast %reshape3A_1806 : vector<16x1xi32> to vector<16xi32>
    %gather3A_1808 = tpu.dynamic_gather %get3A_7[%gather3A_1807] in [0] : vector<16xf32>, vector<16xi32> -> vector<16xf32>
    %select_n3A_1809 = arith.select %eq3A_1803, %gather3A_1808, %select_n3A_1800 : vector<16xi1>, vector<16xf32>
    %eq3A_1810 = arith.constant 3 : i32
    %eq3A_1811 = vector.broadcast %eq3A_1810 : i32 to vector<16xi32>
    %eq3A_1812 = arith.cmpi eq, %iota3A, %eq3A_1811 : vector<16xi32>
    %broadcast_in_dim3A_1813 = arith.constant 12 : i32
    %broadcast_in_dim3A_1814 = vector.broadcast %broadcast_in_dim3A_1813 : i32 to vector<16xi32>
    %reshape3A_1815 = vector.shape_cast %broadcast_in_dim3A_1814 : vector<16xi32> to vector<16x1xi32>
    %gather3A_1816 = vector.shape_cast %reshape3A_1815 : vector<16x1xi32> to vector<16xi32>
    %gather3A_1817 = tpu.dynamic_gather %get3A_9[%gather3A_1816] in [0] : vector<16xf32>, vector<16xi32> -> vector<16xf32>
    %select_n3A_1818 = arith.select %eq3A_1812, %gather3A_1817, %select_n3A_1809 : vector<16xi1>, vector<16xf32>
    %eq3A_1819 = arith.constant 4 : i32
    %eq3A_1820 = vector.broadcast %eq3A_1819 : i32 to vector<16xi32>
    %eq3A_1821 = arith.cmpi eq, %iota3A, %eq3A_1820 : vector<16xi32>
    %broadcast_in_dim3A_1822 = arith.constant 12 : i32
    %broadcast_in_dim3A_1823 = vector.broadcast %broadcast_in_dim3A_1822 : i32 to vector<16xi32>
    %reshape3A_1824 = vector.shape_cast %broadcast_in_dim3A_1823 : vector<16xi32> to vector<16x1xi32>
    %gather3A_1825 = vector.shape_cast %reshape3A_1824 : vector<16x1xi32> to vector<16xi32>
    %gather3A_1826 = tpu.dynamic_gather %get3A_11[%gather3A_1825] in [0] : vector<16xf32>, vector<16xi32> -> vector<16xf32>
    %select_n3A_1827 = arith.select %eq3A_1821, %gather3A_1826, %select_n3A_1818 : vector<16xi1>, vector<16xf32>
    %eq3A_1828 = arith.constant 5 : i32
    %eq3A_1829 = vector.broadcast %eq3A_1828 : i32 to vector<16xi32>
    %eq3A_1830 = arith.cmpi eq, %iota3A, %eq3A_1829 : vector<16xi32>
    %broadcast_in_dim3A_1831 = arith.constant 12 : i32
    %broadcast_in_dim3A_1832 = vector.broadcast %broadcast_in_dim3A_1831 : i32 to vector<16xi32>
    %reshape3A_1833 = vector.shape_cast %broadcast_in_dim3A_1832 : vector<16xi32> to vector<16x1xi32>
    %gather3A_1834 = vector.shape_cast %reshape3A_1833 : vector<16x1xi32> to vector<16xi32>
    %gather3A_1835 = tpu.dynamic_gather %get3A_13[%gather3A_1834] in [0] : vector<16xf32>, vector<16xi32> -> vector<16xf32>
    %select_n3A_1836 = arith.select %eq3A_1830, %gather3A_1835, %select_n3A_1827 : vector<16xi1>, vector<16xf32>
    %eq3A_1837 = arith.constant 6 : i32
    %eq3A_1838 = vector.broadcast %eq3A_1837 : i32 to vector<16xi32>
    %eq3A_1839 = arith.cmpi eq, %iota3A, %eq3A_1838 : vector<16xi32>
    %broadcast_in_dim3A_1840 = arith.constant 12 : i32
    %broadcast_in_dim3A_1841 = vector.broadcast %broadcast_in_dim3A_1840 : i32 to vector<16xi32>
    %reshape3A_1842 = vector.shape_cast %broadcast_in_dim3A_1841 : vector<16xi32> to vector<16x1xi32>
    %gather3A_1843 = vector.shape_cast %reshape3A_1842 : vector<16x1xi32> to vector<16xi32>
    %gather3A_1844 = tpu.dynamic_gather %get3A_15[%gather3A_1843] in [0] : vector<16xf32>, vector<16xi32> -> vector<16xf32>
    %select_n3A_1845 = arith.select %eq3A_1839, %gather3A_1844, %select_n3A_1836 : vector<16xi1>, vector<16xf32>
    %eq3A_1846 = arith.constant 7 : i32
    %eq3A_1847 = vector.broadcast %eq3A_1846 : i32 to vector<16xi32>
    %eq3A_1848 = arith.cmpi eq, %iota3A, %eq3A_1847 : vector<16xi32>
    %broadcast_in_dim3A_1849 = arith.constant 12 : i32
    %broadcast_in_dim3A_1850 = vector.broadcast %broadcast_in_dim3A_1849 : i32 to vector<16xi32>
    %reshape3A_1851 = vector.shape_cast %broadcast_in_dim3A_1850 : vector<16xi32> to vector<16x1xi32>
    %gather3A_1852 = vector.shape_cast %reshape3A_1851 : vector<16x1xi32> to vector<16xi32>
    %gather3A_1853 = tpu.dynamic_gather %get3A_17[%gather3A_1852] in [0] : vector<16xf32>, vector<16xi32> -> vector<16xf32>
    %select_n3A_1854 = arith.select %eq3A_1848, %gather3A_1853, %select_n3A_1845 : vector<16xi1>, vector<16xf32>
    %eq3A_1855 = arith.constant 8 : i32
    %eq3A_1856 = vector.broadcast %eq3A_1855 : i32 to vector<16xi32>
    %eq3A_1857 = arith.cmpi eq, %iota3A, %eq3A_1856 : vector<16xi32>
    %broadcast_in_dim3A_1858 = arith.constant 12 : i32
    %broadcast_in_dim3A_1859 = vector.broadcast %broadcast_in_dim3A_1858 : i32 to vector<16xi32>
    %reshape3A_1860 = vector.shape_cast %broadcast_in_dim3A_1859 : vector<16xi32> to vector<16x1xi32>
    %gather3A_1861 = vector.shape_cast %reshape3A_1860 : vector<16x1xi32> to vector<16xi32>
    %gather3A_1862 = tpu.dynamic_gather %get3A_19[%gather3A_1861] in [0] : vector<16xf32>, vector<16xi32> -> vector<16xf32>
    %select_n3A_1863 = arith.select %eq3A_1857, %gather3A_1862, %select_n3A_1854 : vector<16xi1>, vector<16xf32>
    %eq3A_1864 = arith.constant 9 : i32
    %eq3A_1865 = vector.broadcast %eq3A_1864 : i32 to vector<16xi32>
    %eq3A_1866 = arith.cmpi eq, %iota3A, %eq3A_1865 : vector<16xi32>
    %broadcast_in_dim3A_1867 = arith.constant 12 : i32
    %broadcast_in_dim3A_1868 = vector.broadcast %broadcast_in_dim3A_1867 : i32 to vector<16xi32>
    %reshape3A_1869 = vector.shape_cast %broadcast_in_dim3A_1868 : vector<16xi32> to vector<16x1xi32>
    %gather3A_1870 = vector.shape_cast %reshape3A_1869 : vector<16x1xi32> to vector<16xi32>
    %gather3A_1871 = tpu.dynamic_gather %get3A_21[%gather3A_1870] in [0] : vector<16xf32>, vector<16xi32> -> vector<16xf32>
    %select_n3A_1872 = arith.select %eq3A_1866, %gather3A_1871, %select_n3A_1863 : vector<16xi1>, vector<16xf32>
    %eq3A_1873 = arith.constant 10 : i32
    %eq3A_1874 = vector.broadcast %eq3A_1873 : i32 to vector<16xi32>
    %eq3A_1875 = arith.cmpi eq, %iota3A, %eq3A_1874 : vector<16xi32>
    %broadcast_in_dim3A_1876 = arith.constant 12 : i32
    %broadcast_in_dim3A_1877 = vector.broadcast %broadcast_in_dim3A_1876 : i32 to vector<16xi32>
    %reshape3A_1878 = vector.shape_cast %broadcast_in_dim3A_1877 : vector<16xi32> to vector<16x1xi32>
    %gather3A_1879 = vector.shape_cast %reshape3A_1878 : vector<16x1xi32> to vector<16xi32>
    %gather3A_1880 = tpu.dynamic_gather %get3A_23[%gather3A_1879] in [0] : vector<16xf32>, vector<16xi32> -> vector<16xf32>
    %select_n3A_1881 = arith.select %eq3A_1875, %gather3A_1880, %select_n3A_1872 : vector<16xi1>, vector<16xf32>
    %eq3A_1882 = arith.constant 11 : i32
    %eq3A_1883 = vector.broadcast %eq3A_1882 : i32 to vector<16xi32>
    %eq3A_1884 = arith.cmpi eq, %iota3A, %eq3A_1883 : vector<16xi32>
    %broadcast_in_dim3A_1885 = arith.constant 12 : i32
    %broadcast_in_dim3A_1886 = vector.broadcast %broadcast_in_dim3A_1885 : i32 to vector<16xi32>
    %reshape3A_1887 = vector.shape_cast %broadcast_in_dim3A_1886 : vector<16xi32> to vector<16x1xi32>
    %gather3A_1888 = vector.shape_cast %reshape3A_1887 : vector<16x1xi32> to vector<16xi32>
    %gather3A_1889 = tpu.dynamic_gather %get3A_25[%gather3A_1888] in [0] : vector<16xf32>, vector<16xi32> -> vector<16xf32>
    %select_n3A_1890 = arith.select %eq3A_1884, %gather3A_1889, %select_n3A_1881 : vector<16xi1>, vector<16xf32>
    %eq3A_1891 = arith.constant 12 : i32
    %eq3A_1892 = vector.broadcast %eq3A_1891 : i32 to vector<16xi32>
    %eq3A_1893 = arith.cmpi eq, %iota3A, %eq3A_1892 : vector<16xi32>
    %broadcast_in_dim3A_1894 = arith.constant 12 : i32
    %broadcast_in_dim3A_1895 = vector.broadcast %broadcast_in_dim3A_1894 : i32 to vector<16xi32>
    %reshape3A_1896 = vector.shape_cast %broadcast_in_dim3A_1895 : vector<16xi32> to vector<16x1xi32>
    %gather3A_1897 = vector.shape_cast %reshape3A_1896 : vector<16x1xi32> to vector<16xi32>
    %gather3A_1898 = tpu.dynamic_gather %get3A_27[%gather3A_1897] in [0] : vector<16xf32>, vector<16xi32> -> vector<16xf32>
    %select_n3A_1899 = arith.select %eq3A_1893, %gather3A_1898, %select_n3A_1890 : vector<16xi1>, vector<16xf32>
    %eq3A_1900 = arith.constant 13 : i32
    %eq3A_1901 = vector.broadcast %eq3A_1900 : i32 to vector<16xi32>
    %eq3A_1902 = arith.cmpi eq, %iota3A, %eq3A_1901 : vector<16xi32>
    %broadcast_in_dim3A_1903 = arith.constant 12 : i32
    %broadcast_in_dim3A_1904 = vector.broadcast %broadcast_in_dim3A_1903 : i32 to vector<16xi32>
    %reshape3A_1905 = vector.shape_cast %broadcast_in_dim3A_1904 : vector<16xi32> to vector<16x1xi32>
    %gather3A_1906 = vector.shape_cast %reshape3A_1905 : vector<16x1xi32> to vector<16xi32>
    %gather3A_1907 = tpu.dynamic_gather %get3A_29[%gather3A_1906] in [0] : vector<16xf32>, vector<16xi32> -> vector<16xf32>
    %select_n3A_1908 = arith.select %eq3A_1902, %gather3A_1907, %select_n3A_1899 : vector<16xi1>, vector<16xf32>
    %eq3A_1909 = arith.constant 14 : i32
    %eq3A_1910 = vector.broadcast %eq3A_1909 : i32 to vector<16xi32>
    %eq3A_1911 = arith.cmpi eq, %iota3A, %eq3A_1910 : vector<16xi32>
    %broadcast_in_dim3A_1912 = arith.constant 12 : i32
    %broadcast_in_dim3A_1913 = vector.broadcast %broadcast_in_dim3A_1912 : i32 to vector<16xi32>
    %reshape3A_1914 = vector.shape_cast %broadcast_in_dim3A_1913 : vector<16xi32> to vector<16x1xi32>
    %gather3A_1915 = vector.shape_cast %reshape3A_1914 : vector<16x1xi32> to vector<16xi32>
    %gather3A_1916 = tpu.dynamic_gather %get3A_31[%gather3A_1915] in [0] : vector<16xf32>, vector<16xi32> -> vector<16xf32>
    %select_n3A_1917 = arith.select %eq3A_1911, %gather3A_1916, %select_n3A_1908 : vector<16xi1>, vector<16xf32>
    %eq3A_1918 = arith.constant 15 : i32
    %eq3A_1919 = vector.broadcast %eq3A_1918 : i32 to vector<16xi32>
    %eq3A_1920 = arith.cmpi eq, %iota3A, %eq3A_1919 : vector<16xi32>
    %broadcast_in_dim3A_1921 = arith.constant 12 : i32
    %broadcast_in_dim3A_1922 = vector.broadcast %broadcast_in_dim3A_1921 : i32 to vector<16xi32>
    %reshape3A_1923 = vector.shape_cast %broadcast_in_dim3A_1922 : vector<16xi32> to vector<16x1xi32>
    %gather3A_1924 = vector.shape_cast %reshape3A_1923 : vector<16x1xi32> to vector<16xi32>
    %gather3A_1925 = tpu.dynamic_gather %get3A_33[%gather3A_1924] in [0] : vector<16xf32>, vector<16xi32> -> vector<16xf32>
    %select_n3A_1926 = arith.select %eq3A_1920, %gather3A_1925, %select_n3A_1917 : vector<16xi1>, vector<16xf32>
    %broadcast_in_dim3A_1927 = arith.constant 0.000000e+00 : f32
    %broadcast_in_dim3A_1928 = vector.broadcast %broadcast_in_dim3A_1927 : f32 to vector<16xf32>
    %eq3A_1929 = arith.constant 0 : i32
    %eq3A_1930 = vector.broadcast %eq3A_1929 : i32 to vector<16xi32>
    %eq3A_1931 = arith.cmpi eq, %iota3A, %eq3A_1930 : vector<16xi32>
    %broadcast_in_dim3A_1932 = arith.constant 13 : i32
    %broadcast_in_dim3A_1933 = vector.broadcast %broadcast_in_dim3A_1932 : i32 to vector<16xi32>
    %reshape3A_1934 = vector.shape_cast %broadcast_in_dim3A_1933 : vector<16xi32> to vector<16x1xi32>
    %gather3A_1935 = vector.shape_cast %reshape3A_1934 : vector<16x1xi32> to vector<16xi32>
    %gather3A_1936 = tpu.dynamic_gather %get3A_3[%gather3A_1935] in [0] : vector<16xf32>, vector<16xi32> -> vector<16xf32>
    %select_n3A_1937 = arith.select %eq3A_1931, %gather3A_1936, %broadcast_in_dim3A_1928 : vector<16xi1>, vector<16xf32>
    %eq3A_1938 = arith.constant 1 : i32
    %eq3A_1939 = vector.broadcast %eq3A_1938 : i32 to vector<16xi32>
    %eq3A_1940 = arith.cmpi eq, %iota3A, %eq3A_1939 : vector<16xi32>
    %broadcast_in_dim3A_1941 = arith.constant 13 : i32
    %broadcast_in_dim3A_1942 = vector.broadcast %broadcast_in_dim3A_1941 : i32 to vector<16xi32>
    %reshape3A_1943 = vector.shape_cast %broadcast_in_dim3A_1942 : vector<16xi32> to vector<16x1xi32>
    %gather3A_1944 = vector.shape_cast %reshape3A_1943 : vector<16x1xi32> to vector<16xi32>
    %gather3A_1945 = tpu.dynamic_gather %get3A_5[%gather3A_1944] in [0] : vector<16xf32>, vector<16xi32> -> vector<16xf32>
    %select_n3A_1946 = arith.select %eq3A_1940, %gather3A_1945, %select_n3A_1937 : vector<16xi1>, vector<16xf32>
    %eq3A_1947 = arith.constant 2 : i32
    %eq3A_1948 = vector.broadcast %eq3A_1947 : i32 to vector<16xi32>
    %eq3A_1949 = arith.cmpi eq, %iota3A, %eq3A_1948 : vector<16xi32>
    %broadcast_in_dim3A_1950 = arith.constant 13 : i32
    %broadcast_in_dim3A_1951 = vector.broadcast %broadcast_in_dim3A_1950 : i32 to vector<16xi32>
    %reshape3A_1952 = vector.shape_cast %broadcast_in_dim3A_1951 : vector<16xi32> to vector<16x1xi32>
    %gather3A_1953 = vector.shape_cast %reshape3A_1952 : vector<16x1xi32> to vector<16xi32>
    %gather3A_1954 = tpu.dynamic_gather %get3A_7[%gather3A_1953] in [0] : vector<16xf32>, vector<16xi32> -> vector<16xf32>
    %select_n3A_1955 = arith.select %eq3A_1949, %gather3A_1954, %select_n3A_1946 : vector<16xi1>, vector<16xf32>
    %eq3A_1956 = arith.constant 3 : i32
    %eq3A_1957 = vector.broadcast %eq3A_1956 : i32 to vector<16xi32>
    %eq3A_1958 = arith.cmpi eq, %iota3A, %eq3A_1957 : vector<16xi32>
    %broadcast_in_dim3A_1959 = arith.constant 13 : i32
    %broadcast_in_dim3A_1960 = vector.broadcast %broadcast_in_dim3A_1959 : i32 to vector<16xi32>
    %reshape3A_1961 = vector.shape_cast %broadcast_in_dim3A_1960 : vector<16xi32> to vector<16x1xi32>
    %gather3A_1962 = vector.shape_cast %reshape3A_1961 : vector<16x1xi32> to vector<16xi32>
    %gather3A_1963 = tpu.dynamic_gather %get3A_9[%gather3A_1962] in [0] : vector<16xf32>, vector<16xi32> -> vector<16xf32>
    %select_n3A_1964 = arith.select %eq3A_1958, %gather3A_1963, %select_n3A_1955 : vector<16xi1>, vector<16xf32>
    %eq3A_1965 = arith.constant 4 : i32
    %eq3A_1966 = vector.broadcast %eq3A_1965 : i32 to vector<16xi32>
    %eq3A_1967 = arith.cmpi eq, %iota3A, %eq3A_1966 : vector<16xi32>
    %broadcast_in_dim3A_1968 = arith.constant 13 : i32
    %broadcast_in_dim3A_1969 = vector.broadcast %broadcast_in_dim3A_1968 : i32 to vector<16xi32>
    %reshape3A_1970 = vector.shape_cast %broadcast_in_dim3A_1969 : vector<16xi32> to vector<16x1xi32>
    %gather3A_1971 = vector.shape_cast %reshape3A_1970 : vector<16x1xi32> to vector<16xi32>
    %gather3A_1972 = tpu.dynamic_gather %get3A_11[%gather3A_1971] in [0] : vector<16xf32>, vector<16xi32> -> vector<16xf32>
    %select_n3A_1973 = arith.select %eq3A_1967, %gather3A_1972, %select_n3A_1964 : vector<16xi1>, vector<16xf32>
    %eq3A_1974 = arith.constant 5 : i32
    %eq3A_1975 = vector.broadcast %eq3A_1974 : i32 to vector<16xi32>
    %eq3A_1976 = arith.cmpi eq, %iota3A, %eq3A_1975 : vector<16xi32>
    %broadcast_in_dim3A_1977 = arith.constant 13 : i32
    %broadcast_in_dim3A_1978 = vector.broadcast %broadcast_in_dim3A_1977 : i32 to vector<16xi32>
    %reshape3A_1979 = vector.shape_cast %broadcast_in_dim3A_1978 : vector<16xi32> to vector<16x1xi32>
    %gather3A_1980 = vector.shape_cast %reshape3A_1979 : vector<16x1xi32> to vector<16xi32>
    %gather3A_1981 = tpu.dynamic_gather %get3A_13[%gather3A_1980] in [0] : vector<16xf32>, vector<16xi32> -> vector<16xf32>
    %select_n3A_1982 = arith.select %eq3A_1976, %gather3A_1981, %select_n3A_1973 : vector<16xi1>, vector<16xf32>
    %eq3A_1983 = arith.constant 6 : i32
    %eq3A_1984 = vector.broadcast %eq3A_1983 : i32 to vector<16xi32>
    %eq3A_1985 = arith.cmpi eq, %iota3A, %eq3A_1984 : vector<16xi32>
    %broadcast_in_dim3A_1986 = arith.constant 13 : i32
    %broadcast_in_dim3A_1987 = vector.broadcast %broadcast_in_dim3A_1986 : i32 to vector<16xi32>
    %reshape3A_1988 = vector.shape_cast %broadcast_in_dim3A_1987 : vector<16xi32> to vector<16x1xi32>
    %gather3A_1989 = vector.shape_cast %reshape3A_1988 : vector<16x1xi32> to vector<16xi32>
    %gather3A_1990 = tpu.dynamic_gather %get3A_15[%gather3A_1989] in [0] : vector<16xf32>, vector<16xi32> -> vector<16xf32>
    %select_n3A_1991 = arith.select %eq3A_1985, %gather3A_1990, %select_n3A_1982 : vector<16xi1>, vector<16xf32>
    %eq3A_1992 = arith.constant 7 : i32
    %eq3A_1993 = vector.broadcast %eq3A_1992 : i32 to vector<16xi32>
    %eq3A_1994 = arith.cmpi eq, %iota3A, %eq3A_1993 : vector<16xi32>
    %broadcast_in_dim3A_1995 = arith.constant 13 : i32
    %broadcast_in_dim3A_1996 = vector.broadcast %broadcast_in_dim3A_1995 : i32 to vector<16xi32>
    %reshape3A_1997 = vector.shape_cast %broadcast_in_dim3A_1996 : vector<16xi32> to vector<16x1xi32>
    %gather3A_1998 = vector.shape_cast %reshape3A_1997 : vector<16x1xi32> to vector<16xi32>
    %gather3A_1999 = tpu.dynamic_gather %get3A_17[%gather3A_1998] in [0] : vector<16xf32>, vector<16xi32> -> vector<16xf32>
    %select_n3A_2000 = arith.select %eq3A_1994, %gather3A_1999, %select_n3A_1991 : vector<16xi1>, vector<16xf32>
    %eq3A_2001 = arith.constant 8 : i32
    %eq3A_2002 = vector.broadcast %eq3A_2001 : i32 to vector<16xi32>
    %eq3A_2003 = arith.cmpi eq, %iota3A, %eq3A_2002 : vector<16xi32>
    %broadcast_in_dim3A_2004 = arith.constant 13 : i32
    %broadcast_in_dim3A_2005 = vector.broadcast %broadcast_in_dim3A_2004 : i32 to vector<16xi32>
    %reshape3A_2006 = vector.shape_cast %broadcast_in_dim3A_2005 : vector<16xi32> to vector<16x1xi32>
    %gather3A_2007 = vector.shape_cast %reshape3A_2006 : vector<16x1xi32> to vector<16xi32>
    %gather3A_2008 = tpu.dynamic_gather %get3A_19[%gather3A_2007] in [0] : vector<16xf32>, vector<16xi32> -> vector<16xf32>
    %select_n3A_2009 = arith.select %eq3A_2003, %gather3A_2008, %select_n3A_2000 : vector<16xi1>, vector<16xf32>
    %eq3A_2010 = arith.constant 9 : i32
    %eq3A_2011 = vector.broadcast %eq3A_2010 : i32 to vector<16xi32>
    %eq3A_2012 = arith.cmpi eq, %iota3A, %eq3A_2011 : vector<16xi32>
    %broadcast_in_dim3A_2013 = arith.constant 13 : i32
    %broadcast_in_dim3A_2014 = vector.broadcast %broadcast_in_dim3A_2013 : i32 to vector<16xi32>
    %reshape3A_2015 = vector.shape_cast %broadcast_in_dim3A_2014 : vector<16xi32> to vector<16x1xi32>
    %gather3A_2016 = vector.shape_cast %reshape3A_2015 : vector<16x1xi32> to vector<16xi32>
    %gather3A_2017 = tpu.dynamic_gather %get3A_21[%gather3A_2016] in [0] : vector<16xf32>, vector<16xi32> -> vector<16xf32>
    %select_n3A_2018 = arith.select %eq3A_2012, %gather3A_2017, %select_n3A_2009 : vector<16xi1>, vector<16xf32>
    %eq3A_2019 = arith.constant 10 : i32
    %eq3A_2020 = vector.broadcast %eq3A_2019 : i32 to vector<16xi32>
    %eq3A_2021 = arith.cmpi eq, %iota3A, %eq3A_2020 : vector<16xi32>
    %broadcast_in_dim3A_2022 = arith.constant 13 : i32
    %broadcast_in_dim3A_2023 = vector.broadcast %broadcast_in_dim3A_2022 : i32 to vector<16xi32>
    %reshape3A_2024 = vector.shape_cast %broadcast_in_dim3A_2023 : vector<16xi32> to vector<16x1xi32>
    %gather3A_2025 = vector.shape_cast %reshape3A_2024 : vector<16x1xi32> to vector<16xi32>
    %gather3A_2026 = tpu.dynamic_gather %get3A_23[%gather3A_2025] in [0] : vector<16xf32>, vector<16xi32> -> vector<16xf32>
    %select_n3A_2027 = arith.select %eq3A_2021, %gather3A_2026, %select_n3A_2018 : vector<16xi1>, vector<16xf32>
    %eq3A_2028 = arith.constant 11 : i32
    %eq3A_2029 = vector.broadcast %eq3A_2028 : i32 to vector<16xi32>
    %eq3A_2030 = arith.cmpi eq, %iota3A, %eq3A_2029 : vector<16xi32>
    %broadcast_in_dim3A_2031 = arith.constant 13 : i32
    %broadcast_in_dim3A_2032 = vector.broadcast %broadcast_in_dim3A_2031 : i32 to vector<16xi32>
    %reshape3A_2033 = vector.shape_cast %broadcast_in_dim3A_2032 : vector<16xi32> to vector<16x1xi32>
    %gather3A_2034 = vector.shape_cast %reshape3A_2033 : vector<16x1xi32> to vector<16xi32>
    %gather3A_2035 = tpu.dynamic_gather %get3A_25[%gather3A_2034] in [0] : vector<16xf32>, vector<16xi32> -> vector<16xf32>
    %select_n3A_2036 = arith.select %eq3A_2030, %gather3A_2035, %select_n3A_2027 : vector<16xi1>, vector<16xf32>
    %eq3A_2037 = arith.constant 12 : i32
    %eq3A_2038 = vector.broadcast %eq3A_2037 : i32 to vector<16xi32>
    %eq3A_2039 = arith.cmpi eq, %iota3A, %eq3A_2038 : vector<16xi32>
    %broadcast_in_dim3A_2040 = arith.constant 13 : i32
    %broadcast_in_dim3A_2041 = vector.broadcast %broadcast_in_dim3A_2040 : i32 to vector<16xi32>
    %reshape3A_2042 = vector.shape_cast %broadcast_in_dim3A_2041 : vector<16xi32> to vector<16x1xi32>
    %gather3A_2043 = vector.shape_cast %reshape3A_2042 : vector<16x1xi32> to vector<16xi32>
    %gather3A_2044 = tpu.dynamic_gather %get3A_27[%gather3A_2043] in [0] : vector<16xf32>, vector<16xi32> -> vector<16xf32>
    %select_n3A_2045 = arith.select %eq3A_2039, %gather3A_2044, %select_n3A_2036 : vector<16xi1>, vector<16xf32>
    %eq3A_2046 = arith.constant 13 : i32
    %eq3A_2047 = vector.broadcast %eq3A_2046 : i32 to vector<16xi32>
    %eq3A_2048 = arith.cmpi eq, %iota3A, %eq3A_2047 : vector<16xi32>
    %broadcast_in_dim3A_2049 = arith.constant 13 : i32
    %broadcast_in_dim3A_2050 = vector.broadcast %broadcast_in_dim3A_2049 : i32 to vector<16xi32>
    %reshape3A_2051 = vector.shape_cast %broadcast_in_dim3A_2050 : vector<16xi32> to vector<16x1xi32>
    %gather3A_2052 = vector.shape_cast %reshape3A_2051 : vector<16x1xi32> to vector<16xi32>
    %gather3A_2053 = tpu.dynamic_gather %get3A_29[%gather3A_2052] in [0] : vector<16xf32>, vector<16xi32> -> vector<16xf32>
    %select_n3A_2054 = arith.select %eq3A_2048, %gather3A_2053, %select_n3A_2045 : vector<16xi1>, vector<16xf32>
    %eq3A_2055 = arith.constant 14 : i32
    %eq3A_2056 = vector.broadcast %eq3A_2055 : i32 to vector<16xi32>
    %eq3A_2057 = arith.cmpi eq, %iota3A, %eq3A_2056 : vector<16xi32>
    %broadcast_in_dim3A_2058 = arith.constant 13 : i32
    %broadcast_in_dim3A_2059 = vector.broadcast %broadcast_in_dim3A_2058 : i32 to vector<16xi32>
    %reshape3A_2060 = vector.shape_cast %broadcast_in_dim3A_2059 : vector<16xi32> to vector<16x1xi32>
    %gather3A_2061 = vector.shape_cast %reshape3A_2060 : vector<16x1xi32> to vector<16xi32>
    %gather3A_2062 = tpu.dynamic_gather %get3A_31[%gather3A_2061] in [0] : vector<16xf32>, vector<16xi32> -> vector<16xf32>
    %select_n3A_2063 = arith.select %eq3A_2057, %gather3A_2062, %select_n3A_2054 : vector<16xi1>, vector<16xf32>
    %eq3A_2064 = arith.constant 15 : i32
    %eq3A_2065 = vector.broadcast %eq3A_2064 : i32 to vector<16xi32>
    %eq3A_2066 = arith.cmpi eq, %iota3A, %eq3A_2065 : vector<16xi32>
    %broadcast_in_dim3A_2067 = arith.constant 13 : i32
    %broadcast_in_dim3A_2068 = vector.broadcast %broadcast_in_dim3A_2067 : i32 to vector<16xi32>
    %reshape3A_2069 = vector.shape_cast %broadcast_in_dim3A_2068 : vector<16xi32> to vector<16x1xi32>
    %gather3A_2070 = vector.shape_cast %reshape3A_2069 : vector<16x1xi32> to vector<16xi32>
    %gather3A_2071 = tpu.dynamic_gather %get3A_33[%gather3A_2070] in [0] : vector<16xf32>, vector<16xi32> -> vector<16xf32>
    %select_n3A_2072 = arith.select %eq3A_2066, %gather3A_2071, %select_n3A_2063 : vector<16xi1>, vector<16xf32>
    %broadcast_in_dim3A_2073 = arith.constant 0.000000e+00 : f32
    %broadcast_in_dim3A_2074 = vector.broadcast %broadcast_in_dim3A_2073 : f32 to vector<16xf32>
    %eq3A_2075 = arith.constant 0 : i32
    %eq3A_2076 = vector.broadcast %eq3A_2075 : i32 to vector<16xi32>
    %eq3A_2077 = arith.cmpi eq, %iota3A, %eq3A_2076 : vector<16xi32>
    %broadcast_in_dim3A_2078 = arith.constant 14 : i32
    %broadcast_in_dim3A_2079 = vector.broadcast %broadcast_in_dim3A_2078 : i32 to vector<16xi32>
    %reshape3A_2080 = vector.shape_cast %broadcast_in_dim3A_2079 : vector<16xi32> to vector<16x1xi32>
    %gather3A_2081 = vector.shape_cast %reshape3A_2080 : vector<16x1xi32> to vector<16xi32>
    %gather3A_2082 = tpu.dynamic_gather %get3A_3[%gather3A_2081] in [0] : vector<16xf32>, vector<16xi32> -> vector<16xf32>
    %select_n3A_2083 = arith.select %eq3A_2077, %gather3A_2082, %broadcast_in_dim3A_2074 : vector<16xi1>, vector<16xf32>
    %eq3A_2084 = arith.constant 1 : i32
    %eq3A_2085 = vector.broadcast %eq3A_2084 : i32 to vector<16xi32>
    %eq3A_2086 = arith.cmpi eq, %iota3A, %eq3A_2085 : vector<16xi32>
    %broadcast_in_dim3A_2087 = arith.constant 14 : i32
    %broadcast_in_dim3A_2088 = vector.broadcast %broadcast_in_dim3A_2087 : i32 to vector<16xi32>
    %reshape3A_2089 = vector.shape_cast %broadcast_in_dim3A_2088 : vector<16xi32> to vector<16x1xi32>
    %gather3A_2090 = vector.shape_cast %reshape3A_2089 : vector<16x1xi32> to vector<16xi32>
    %gather3A_2091 = tpu.dynamic_gather %get3A_5[%gather3A_2090] in [0] : vector<16xf32>, vector<16xi32> -> vector<16xf32>
    %select_n3A_2092 = arith.select %eq3A_2086, %gather3A_2091, %select_n3A_2083 : vector<16xi1>, vector<16xf32>
    %eq3A_2093 = arith.constant 2 : i32
    %eq3A_2094 = vector.broadcast %eq3A_2093 : i32 to vector<16xi32>
    %eq3A_2095 = arith.cmpi eq, %iota3A, %eq3A_2094 : vector<16xi32>
    %broadcast_in_dim3A_2096 = arith.constant 14 : i32
    %broadcast_in_dim3A_2097 = vector.broadcast %broadcast_in_dim3A_2096 : i32 to vector<16xi32>
    %reshape3A_2098 = vector.shape_cast %broadcast_in_dim3A_2097 : vector<16xi32> to vector<16x1xi32>
    %gather3A_2099 = vector.shape_cast %reshape3A_2098 : vector<16x1xi32> to vector<16xi32>
    %gather3A_2100 = tpu.dynamic_gather %get3A_7[%gather3A_2099] in [0] : vector<16xf32>, vector<16xi32> -> vector<16xf32>
    %select_n3A_2101 = arith.select %eq3A_2095, %gather3A_2100, %select_n3A_2092 : vector<16xi1>, vector<16xf32>
    %eq3A_2102 = arith.constant 3 : i32
    %eq3A_2103 = vector.broadcast %eq3A_2102 : i32 to vector<16xi32>
    %eq3A_2104 = arith.cmpi eq, %iota3A, %eq3A_2103 : vector<16xi32>
    %broadcast_in_dim3A_2105 = arith.constant 14 : i32
    %broadcast_in_dim3A_2106 = vector.broadcast %broadcast_in_dim3A_2105 : i32 to vector<16xi32>
    %reshape3A_2107 = vector.shape_cast %broadcast_in_dim3A_2106 : vector<16xi32> to vector<16x1xi32>
    %gather3A_2108 = vector.shape_cast %reshape3A_2107 : vector<16x1xi32> to vector<16xi32>
    %gather3A_2109 = tpu.dynamic_gather %get3A_9[%gather3A_2108] in [0] : vector<16xf32>, vector<16xi32> -> vector<16xf32>
    %select_n3A_2110 = arith.select %eq3A_2104, %gather3A_2109, %select_n3A_2101 : vector<16xi1>, vector<16xf32>
    %eq3A_2111 = arith.constant 4 : i32
    %eq3A_2112 = vector.broadcast %eq3A_2111 : i32 to vector<16xi32>
    %eq3A_2113 = arith.cmpi eq, %iota3A, %eq3A_2112 : vector<16xi32>
    %broadcast_in_dim3A_2114 = arith.constant 14 : i32
    %broadcast_in_dim3A_2115 = vector.broadcast %broadcast_in_dim3A_2114 : i32 to vector<16xi32>
    %reshape3A_2116 = vector.shape_cast %broadcast_in_dim3A_2115 : vector<16xi32> to vector<16x1xi32>
    %gather3A_2117 = vector.shape_cast %reshape3A_2116 : vector<16x1xi32> to vector<16xi32>
    %gather3A_2118 = tpu.dynamic_gather %get3A_11[%gather3A_2117] in [0] : vector<16xf32>, vector<16xi32> -> vector<16xf32>
    %select_n3A_2119 = arith.select %eq3A_2113, %gather3A_2118, %select_n3A_2110 : vector<16xi1>, vector<16xf32>
    %eq3A_2120 = arith.constant 5 : i32
    %eq3A_2121 = vector.broadcast %eq3A_2120 : i32 to vector<16xi32>
    %eq3A_2122 = arith.cmpi eq, %iota3A, %eq3A_2121 : vector<16xi32>
    %broadcast_in_dim3A_2123 = arith.constant 14 : i32
    %broadcast_in_dim3A_2124 = vector.broadcast %broadcast_in_dim3A_2123 : i32 to vector<16xi32>
    %reshape3A_2125 = vector.shape_cast %broadcast_in_dim3A_2124 : vector<16xi32> to vector<16x1xi32>
    %gather3A_2126 = vector.shape_cast %reshape3A_2125 : vector<16x1xi32> to vector<16xi32>
    %gather3A_2127 = tpu.dynamic_gather %get3A_13[%gather3A_2126] in [0] : vector<16xf32>, vector<16xi32> -> vector<16xf32>
    %select_n3A_2128 = arith.select %eq3A_2122, %gather3A_2127, %select_n3A_2119 : vector<16xi1>, vector<16xf32>
    %eq3A_2129 = arith.constant 6 : i32
    %eq3A_2130 = vector.broadcast %eq3A_2129 : i32 to vector<16xi32>
    %eq3A_2131 = arith.cmpi eq, %iota3A, %eq3A_2130 : vector<16xi32>
    %broadcast_in_dim3A_2132 = arith.constant 14 : i32
    %broadcast_in_dim3A_2133 = vector.broadcast %broadcast_in_dim3A_2132 : i32 to vector<16xi32>
    %reshape3A_2134 = vector.shape_cast %broadcast_in_dim3A_2133 : vector<16xi32> to vector<16x1xi32>
    %gather3A_2135 = vector.shape_cast %reshape3A_2134 : vector<16x1xi32> to vector<16xi32>
    %gather3A_2136 = tpu.dynamic_gather %get3A_15[%gather3A_2135] in [0] : vector<16xf32>, vector<16xi32> -> vector<16xf32>
    %select_n3A_2137 = arith.select %eq3A_2131, %gather3A_2136, %select_n3A_2128 : vector<16xi1>, vector<16xf32>
    %eq3A_2138 = arith.constant 7 : i32
    %eq3A_2139 = vector.broadcast %eq3A_2138 : i32 to vector<16xi32>
    %eq3A_2140 = arith.cmpi eq, %iota3A, %eq3A_2139 : vector<16xi32>
    %broadcast_in_dim3A_2141 = arith.constant 14 : i32
    %broadcast_in_dim3A_2142 = vector.broadcast %broadcast_in_dim3A_2141 : i32 to vector<16xi32>
    %reshape3A_2143 = vector.shape_cast %broadcast_in_dim3A_2142 : vector<16xi32> to vector<16x1xi32>
    %gather3A_2144 = vector.shape_cast %reshape3A_2143 : vector<16x1xi32> to vector<16xi32>
    %gather3A_2145 = tpu.dynamic_gather %get3A_17[%gather3A_2144] in [0] : vector<16xf32>, vector<16xi32> -> vector<16xf32>
    %select_n3A_2146 = arith.select %eq3A_2140, %gather3A_2145, %select_n3A_2137 : vector<16xi1>, vector<16xf32>
    %eq3A_2147 = arith.constant 8 : i32
    %eq3A_2148 = vector.broadcast %eq3A_2147 : i32 to vector<16xi32>
    %eq3A_2149 = arith.cmpi eq, %iota3A, %eq3A_2148 : vector<16xi32>
    %broadcast_in_dim3A_2150 = arith.constant 14 : i32
    %broadcast_in_dim3A_2151 = vector.broadcast %broadcast_in_dim3A_2150 : i32 to vector<16xi32>
    %reshape3A_2152 = vector.shape_cast %broadcast_in_dim3A_2151 : vector<16xi32> to vector<16x1xi32>
    %gather3A_2153 = vector.shape_cast %reshape3A_2152 : vector<16x1xi32> to vector<16xi32>
    %gather3A_2154 = tpu.dynamic_gather %get3A_19[%gather3A_2153] in [0] : vector<16xf32>, vector<16xi32> -> vector<16xf32>
    %select_n3A_2155 = arith.select %eq3A_2149, %gather3A_2154, %select_n3A_2146 : vector<16xi1>, vector<16xf32>
    %eq3A_2156 = arith.constant 9 : i32
    %eq3A_2157 = vector.broadcast %eq3A_2156 : i32 to vector<16xi32>
    %eq3A_2158 = arith.cmpi eq, %iota3A, %eq3A_2157 : vector<16xi32>
    %broadcast_in_dim3A_2159 = arith.constant 14 : i32
    %broadcast_in_dim3A_2160 = vector.broadcast %broadcast_in_dim3A_2159 : i32 to vector<16xi32>
    %reshape3A_2161 = vector.shape_cast %broadcast_in_dim3A_2160 : vector<16xi32> to vector<16x1xi32>
    %gather3A_2162 = vector.shape_cast %reshape3A_2161 : vector<16x1xi32> to vector<16xi32>
    %gather3A_2163 = tpu.dynamic_gather %get3A_21[%gather3A_2162] in [0] : vector<16xf32>, vector<16xi32> -> vector<16xf32>
    %select_n3A_2164 = arith.select %eq3A_2158, %gather3A_2163, %select_n3A_2155 : vector<16xi1>, vector<16xf32>
    %eq3A_2165 = arith.constant 10 : i32
    %eq3A_2166 = vector.broadcast %eq3A_2165 : i32 to vector<16xi32>
    %eq3A_2167 = arith.cmpi eq, %iota3A, %eq3A_2166 : vector<16xi32>
    %broadcast_in_dim3A_2168 = arith.constant 14 : i32
    %broadcast_in_dim3A_2169 = vector.broadcast %broadcast_in_dim3A_2168 : i32 to vector<16xi32>
    %reshape3A_2170 = vector.shape_cast %broadcast_in_dim3A_2169 : vector<16xi32> to vector<16x1xi32>
    %gather3A_2171 = vector.shape_cast %reshape3A_2170 : vector<16x1xi32> to vector<16xi32>
    %gather3A_2172 = tpu.dynamic_gather %get3A_23[%gather3A_2171] in [0] : vector<16xf32>, vector<16xi32> -> vector<16xf32>
    %select_n3A_2173 = arith.select %eq3A_2167, %gather3A_2172, %select_n3A_2164 : vector<16xi1>, vector<16xf32>
    %eq3A_2174 = arith.constant 11 : i32
    %eq3A_2175 = vector.broadcast %eq3A_2174 : i32 to vector<16xi32>
    %eq3A_2176 = arith.cmpi eq, %iota3A, %eq3A_2175 : vector<16xi32>
    %broadcast_in_dim3A_2177 = arith.constant 14 : i32
    %broadcast_in_dim3A_2178 = vector.broadcast %broadcast_in_dim3A_2177 : i32 to vector<16xi32>
    %reshape3A_2179 = vector.shape_cast %broadcast_in_dim3A_2178 : vector<16xi32> to vector<16x1xi32>
    %gather3A_2180 = vector.shape_cast %reshape3A_2179 : vector<16x1xi32> to vector<16xi32>
    %gather3A_2181 = tpu.dynamic_gather %get3A_25[%gather3A_2180] in [0] : vector<16xf32>, vector<16xi32> -> vector<16xf32>
    %select_n3A_2182 = arith.select %eq3A_2176, %gather3A_2181, %select_n3A_2173 : vector<16xi1>, vector<16xf32>
    %eq3A_2183 = arith.constant 12 : i32
    %eq3A_2184 = vector.broadcast %eq3A_2183 : i32 to vector<16xi32>
    %eq3A_2185 = arith.cmpi eq, %iota3A, %eq3A_2184 : vector<16xi32>
    %broadcast_in_dim3A_2186 = arith.constant 14 : i32
    %broadcast_in_dim3A_2187 = vector.broadcast %broadcast_in_dim3A_2186 : i32 to vector<16xi32>
    %reshape3A_2188 = vector.shape_cast %broadcast_in_dim3A_2187 : vector<16xi32> to vector<16x1xi32>
    %gather3A_2189 = vector.shape_cast %reshape3A_2188 : vector<16x1xi32> to vector<16xi32>
    %gather3A_2190 = tpu.dynamic_gather %get3A_27[%gather3A_2189] in [0] : vector<16xf32>, vector<16xi32> -> vector<16xf32>
    %select_n3A_2191 = arith.select %eq3A_2185, %gather3A_2190, %select_n3A_2182 : vector<16xi1>, vector<16xf32>
    %eq3A_2192 = arith.constant 13 : i32
    %eq3A_2193 = vector.broadcast %eq3A_2192 : i32 to vector<16xi32>
    %eq3A_2194 = arith.cmpi eq, %iota3A, %eq3A_2193 : vector<16xi32>
    %broadcast_in_dim3A_2195 = arith.constant 14 : i32
    %broadcast_in_dim3A_2196 = vector.broadcast %broadcast_in_dim3A_2195 : i32 to vector<16xi32>
    %reshape3A_2197 = vector.shape_cast %broadcast_in_dim3A_2196 : vector<16xi32> to vector<16x1xi32>
    %gather3A_2198 = vector.shape_cast %reshape3A_2197 : vector<16x1xi32> to vector<16xi32>
    %gather3A_2199 = tpu.dynamic_gather %get3A_29[%gather3A_2198] in [0] : vector<16xf32>, vector<16xi32> -> vector<16xf32>
    %select_n3A_2200 = arith.select %eq3A_2194, %gather3A_2199, %select_n3A_2191 : vector<16xi1>, vector<16xf32>
    %eq3A_2201 = arith.constant 14 : i32
    %eq3A_2202 = vector.broadcast %eq3A_2201 : i32 to vector<16xi32>
    %eq3A_2203 = arith.cmpi eq, %iota3A, %eq3A_2202 : vector<16xi32>
    %broadcast_in_dim3A_2204 = arith.constant 14 : i32
    %broadcast_in_dim3A_2205 = vector.broadcast %broadcast_in_dim3A_2204 : i32 to vector<16xi32>
    %reshape3A_2206 = vector.shape_cast %broadcast_in_dim3A_2205 : vector<16xi32> to vector<16x1xi32>
    %gather3A_2207 = vector.shape_cast %reshape3A_2206 : vector<16x1xi32> to vector<16xi32>
    %gather3A_2208 = tpu.dynamic_gather %get3A_31[%gather3A_2207] in [0] : vector<16xf32>, vector<16xi32> -> vector<16xf32>
    %select_n3A_2209 = arith.select %eq3A_2203, %gather3A_2208, %select_n3A_2200 : vector<16xi1>, vector<16xf32>
    %eq3A_2210 = arith.constant 15 : i32
    %eq3A_2211 = vector.broadcast %eq3A_2210 : i32 to vector<16xi32>
    %eq3A_2212 = arith.cmpi eq, %iota3A, %eq3A_2211 : vector<16xi32>
    %broadcast_in_dim3A_2213 = arith.constant 14 : i32
    %broadcast_in_dim3A_2214 = vector.broadcast %broadcast_in_dim3A_2213 : i32 to vector<16xi32>
    %reshape3A_2215 = vector.shape_cast %broadcast_in_dim3A_2214 : vector<16xi32> to vector<16x1xi32>
    %gather3A_2216 = vector.shape_cast %reshape3A_2215 : vector<16x1xi32> to vector<16xi32>
    %gather3A_2217 = tpu.dynamic_gather %get3A_33[%gather3A_2216] in [0] : vector<16xf32>, vector<16xi32> -> vector<16xf32>
    %select_n3A_2218 = arith.select %eq3A_2212, %gather3A_2217, %select_n3A_2209 : vector<16xi1>, vector<16xf32>
    %broadcast_in_dim3A_2219 = arith.constant 0.000000e+00 : f32
    %broadcast_in_dim3A_2220 = vector.broadcast %broadcast_in_dim3A_2219 : f32 to vector<16xf32>
    %eq3A_2221 = arith.constant 0 : i32
    %eq3A_2222 = vector.broadcast %eq3A_2221 : i32 to vector<16xi32>
    %eq3A_2223 = arith.cmpi eq, %iota3A, %eq3A_2222 : vector<16xi32>
    %broadcast_in_dim3A_2224 = arith.constant 15 : i32
    %broadcast_in_dim3A_2225 = vector.broadcast %broadcast_in_dim3A_2224 : i32 to vector<16xi32>
    %reshape3A_2226 = vector.shape_cast %broadcast_in_dim3A_2225 : vector<16xi32> to vector<16x1xi32>
    %gather3A_2227 = vector.shape_cast %reshape3A_2226 : vector<16x1xi32> to vector<16xi32>
    %gather3A_2228 = tpu.dynamic_gather %get3A_3[%gather3A_2227] in [0] : vector<16xf32>, vector<16xi32> -> vector<16xf32>
    %select_n3A_2229 = arith.select %eq3A_2223, %gather3A_2228, %broadcast_in_dim3A_2220 : vector<16xi1>, vector<16xf32>
    %eq3A_2230 = arith.constant 1 : i32
    %eq3A_2231 = vector.broadcast %eq3A_2230 : i32 to vector<16xi32>
    %eq3A_2232 = arith.cmpi eq, %iota3A, %eq3A_2231 : vector<16xi32>
    %broadcast_in_dim3A_2233 = arith.constant 15 : i32
    %broadcast_in_dim3A_2234 = vector.broadcast %broadcast_in_dim3A_2233 : i32 to vector<16xi32>
    %reshape3A_2235 = vector.shape_cast %broadcast_in_dim3A_2234 : vector<16xi32> to vector<16x1xi32>
    %gather3A_2236 = vector.shape_cast %reshape3A_2235 : vector<16x1xi32> to vector<16xi32>
    %gather3A_2237 = tpu.dynamic_gather %get3A_5[%gather3A_2236] in [0] : vector<16xf32>, vector<16xi32> -> vector<16xf32>
    %select_n3A_2238 = arith.select %eq3A_2232, %gather3A_2237, %select_n3A_2229 : vector<16xi1>, vector<16xf32>
    %eq3A_2239 = arith.constant 2 : i32
    %eq3A_2240 = vector.broadcast %eq3A_2239 : i32 to vector<16xi32>
    %eq3A_2241 = arith.cmpi eq, %iota3A, %eq3A_2240 : vector<16xi32>
    %broadcast_in_dim3A_2242 = arith.constant 15 : i32
    %broadcast_in_dim3A_2243 = vector.broadcast %broadcast_in_dim3A_2242 : i32 to vector<16xi32>
    %reshape3A_2244 = vector.shape_cast %broadcast_in_dim3A_2243 : vector<16xi32> to vector<16x1xi32>
    %gather3A_2245 = vector.shape_cast %reshape3A_2244 : vector<16x1xi32> to vector<16xi32>
    %gather3A_2246 = tpu.dynamic_gather %get3A_7[%gather3A_2245] in [0] : vector<16xf32>, vector<16xi32> -> vector<16xf32>
    %select_n3A_2247 = arith.select %eq3A_2241, %gather3A_2246, %select_n3A_2238 : vector<16xi1>, vector<16xf32>
    %eq3A_2248 = arith.constant 3 : i32
    %eq3A_2249 = vector.broadcast %eq3A_2248 : i32 to vector<16xi32>
    %eq3A_2250 = arith.cmpi eq, %iota3A, %eq3A_2249 : vector<16xi32>
    %broadcast_in_dim3A_2251 = arith.constant 15 : i32
    %broadcast_in_dim3A_2252 = vector.broadcast %broadcast_in_dim3A_2251 : i32 to vector<16xi32>
    %reshape3A_2253 = vector.shape_cast %broadcast_in_dim3A_2252 : vector<16xi32> to vector<16x1xi32>
    %gather3A_2254 = vector.shape_cast %reshape3A_2253 : vector<16x1xi32> to vector<16xi32>
    %gather3A_2255 = tpu.dynamic_gather %get3A_9[%gather3A_2254] in [0] : vector<16xf32>, vector<16xi32> -> vector<16xf32>
    %select_n3A_2256 = arith.select %eq3A_2250, %gather3A_2255, %select_n3A_2247 : vector<16xi1>, vector<16xf32>
    %eq3A_2257 = arith.constant 4 : i32
    %eq3A_2258 = vector.broadcast %eq3A_2257 : i32 to vector<16xi32>
    %eq3A_2259 = arith.cmpi eq, %iota3A, %eq3A_2258 : vector<16xi32>
    %broadcast_in_dim3A_2260 = arith.constant 15 : i32
    %broadcast_in_dim3A_2261 = vector.broadcast %broadcast_in_dim3A_2260 : i32 to vector<16xi32>
    %reshape3A_2262 = vector.shape_cast %broadcast_in_dim3A_2261 : vector<16xi32> to vector<16x1xi32>
    %gather3A_2263 = vector.shape_cast %reshape3A_2262 : vector<16x1xi32> to vector<16xi32>
    %gather3A_2264 = tpu.dynamic_gather %get3A_11[%gather3A_2263] in [0] : vector<16xf32>, vector<16xi32> -> vector<16xf32>
    %select_n3A_2265 = arith.select %eq3A_2259, %gather3A_2264, %select_n3A_2256 : vector<16xi1>, vector<16xf32>
    %eq3A_2266 = arith.constant 5 : i32
    %eq3A_2267 = vector.broadcast %eq3A_2266 : i32 to vector<16xi32>
    %eq3A_2268 = arith.cmpi eq, %iota3A, %eq3A_2267 : vector<16xi32>
    %broadcast_in_dim3A_2269 = arith.constant 15 : i32
    %broadcast_in_dim3A_2270 = vector.broadcast %broadcast_in_dim3A_2269 : i32 to vector<16xi32>
    %reshape3A_2271 = vector.shape_cast %broadcast_in_dim3A_2270 : vector<16xi32> to vector<16x1xi32>
    %gather3A_2272 = vector.shape_cast %reshape3A_2271 : vector<16x1xi32> to vector<16xi32>
    %gather3A_2273 = tpu.dynamic_gather %get3A_13[%gather3A_2272] in [0] : vector<16xf32>, vector<16xi32> -> vector<16xf32>
    %select_n3A_2274 = arith.select %eq3A_2268, %gather3A_2273, %select_n3A_2265 : vector<16xi1>, vector<16xf32>
    %eq3A_2275 = arith.constant 6 : i32
    %eq3A_2276 = vector.broadcast %eq3A_2275 : i32 to vector<16xi32>
    %eq3A_2277 = arith.cmpi eq, %iota3A, %eq3A_2276 : vector<16xi32>
    %broadcast_in_dim3A_2278 = arith.constant 15 : i32
    %broadcast_in_dim3A_2279 = vector.broadcast %broadcast_in_dim3A_2278 : i32 to vector<16xi32>
    %reshape3A_2280 = vector.shape_cast %broadcast_in_dim3A_2279 : vector<16xi32> to vector<16x1xi32>
    %gather3A_2281 = vector.shape_cast %reshape3A_2280 : vector<16x1xi32> to vector<16xi32>
    %gather3A_2282 = tpu.dynamic_gather %get3A_15[%gather3A_2281] in [0] : vector<16xf32>, vector<16xi32> -> vector<16xf32>
    %select_n3A_2283 = arith.select %eq3A_2277, %gather3A_2282, %select_n3A_2274 : vector<16xi1>, vector<16xf32>
    %eq3A_2284 = arith.constant 7 : i32
    %eq3A_2285 = vector.broadcast %eq3A_2284 : i32 to vector<16xi32>
    %eq3A_2286 = arith.cmpi eq, %iota3A, %eq3A_2285 : vector<16xi32>
    %broadcast_in_dim3A_2287 = arith.constant 15 : i32
    %broadcast_in_dim3A_2288 = vector.broadcast %broadcast_in_dim3A_2287 : i32 to vector<16xi32>
    %reshape3A_2289 = vector.shape_cast %broadcast_in_dim3A_2288 : vector<16xi32> to vector<16x1xi32>
    %gather3A_2290 = vector.shape_cast %reshape3A_2289 : vector<16x1xi32> to vector<16xi32>
    %gather3A_2291 = tpu.dynamic_gather %get3A_17[%gather3A_2290] in [0] : vector<16xf32>, vector<16xi32> -> vector<16xf32>
    %select_n3A_2292 = arith.select %eq3A_2286, %gather3A_2291, %select_n3A_2283 : vector<16xi1>, vector<16xf32>
    %eq3A_2293 = arith.constant 8 : i32
    %eq3A_2294 = vector.broadcast %eq3A_2293 : i32 to vector<16xi32>
    %eq3A_2295 = arith.cmpi eq, %iota3A, %eq3A_2294 : vector<16xi32>
    %broadcast_in_dim3A_2296 = arith.constant 15 : i32
    %broadcast_in_dim3A_2297 = vector.broadcast %broadcast_in_dim3A_2296 : i32 to vector<16xi32>
    %reshape3A_2298 = vector.shape_cast %broadcast_in_dim3A_2297 : vector<16xi32> to vector<16x1xi32>
    %gather3A_2299 = vector.shape_cast %reshape3A_2298 : vector<16x1xi32> to vector<16xi32>
    %gather3A_2300 = tpu.dynamic_gather %get3A_19[%gather3A_2299] in [0] : vector<16xf32>, vector<16xi32> -> vector<16xf32>
    %select_n3A_2301 = arith.select %eq3A_2295, %gather3A_2300, %select_n3A_2292 : vector<16xi1>, vector<16xf32>
    %eq3A_2302 = arith.constant 9 : i32
    %eq3A_2303 = vector.broadcast %eq3A_2302 : i32 to vector<16xi32>
    %eq3A_2304 = arith.cmpi eq, %iota3A, %eq3A_2303 : vector<16xi32>
    %broadcast_in_dim3A_2305 = arith.constant 15 : i32
    %broadcast_in_dim3A_2306 = vector.broadcast %broadcast_in_dim3A_2305 : i32 to vector<16xi32>
    %reshape3A_2307 = vector.shape_cast %broadcast_in_dim3A_2306 : vector<16xi32> to vector<16x1xi32>
    %gather3A_2308 = vector.shape_cast %reshape3A_2307 : vector<16x1xi32> to vector<16xi32>
    %gather3A_2309 = tpu.dynamic_gather %get3A_21[%gather3A_2308] in [0] : vector<16xf32>, vector<16xi32> -> vector<16xf32>
    %select_n3A_2310 = arith.select %eq3A_2304, %gather3A_2309, %select_n3A_2301 : vector<16xi1>, vector<16xf32>
    %eq3A_2311 = arith.constant 10 : i32
    %eq3A_2312 = vector.broadcast %eq3A_2311 : i32 to vector<16xi32>
    %eq3A_2313 = arith.cmpi eq, %iota3A, %eq3A_2312 : vector<16xi32>
    %broadcast_in_dim3A_2314 = arith.constant 15 : i32
    %broadcast_in_dim3A_2315 = vector.broadcast %broadcast_in_dim3A_2314 : i32 to vector<16xi32>
    %reshape3A_2316 = vector.shape_cast %broadcast_in_dim3A_2315 : vector<16xi32> to vector<16x1xi32>
    %gather3A_2317 = vector.shape_cast %reshape3A_2316 : vector<16x1xi32> to vector<16xi32>
    %gather3A_2318 = tpu.dynamic_gather %get3A_23[%gather3A_2317] in [0] : vector<16xf32>, vector<16xi32> -> vector<16xf32>
    %select_n3A_2319 = arith.select %eq3A_2313, %gather3A_2318, %select_n3A_2310 : vector<16xi1>, vector<16xf32>
    %eq3A_2320 = arith.constant 11 : i32
    %eq3A_2321 = vector.broadcast %eq3A_2320 : i32 to vector<16xi32>
    %eq3A_2322 = arith.cmpi eq, %iota3A, %eq3A_2321 : vector<16xi32>
    %broadcast_in_dim3A_2323 = arith.constant 15 : i32
    %broadcast_in_dim3A_2324 = vector.broadcast %broadcast_in_dim3A_2323 : i32 to vector<16xi32>
    %reshape3A_2325 = vector.shape_cast %broadcast_in_dim3A_2324 : vector<16xi32> to vector<16x1xi32>
    %gather3A_2326 = vector.shape_cast %reshape3A_2325 : vector<16x1xi32> to vector<16xi32>
    %gather3A_2327 = tpu.dynamic_gather %get3A_25[%gather3A_2326] in [0] : vector<16xf32>, vector<16xi32> -> vector<16xf32>
    %select_n3A_2328 = arith.select %eq3A_2322, %gather3A_2327, %select_n3A_2319 : vector<16xi1>, vector<16xf32>
    %eq3A_2329 = arith.constant 12 : i32
    %eq3A_2330 = vector.broadcast %eq3A_2329 : i32 to vector<16xi32>
    %eq3A_2331 = arith.cmpi eq, %iota3A, %eq3A_2330 : vector<16xi32>
    %broadcast_in_dim3A_2332 = arith.constant 15 : i32
    %broadcast_in_dim3A_2333 = vector.broadcast %broadcast_in_dim3A_2332 : i32 to vector<16xi32>
    %reshape3A_2334 = vector.shape_cast %broadcast_in_dim3A_2333 : vector<16xi32> to vector<16x1xi32>
    %gather3A_2335 = vector.shape_cast %reshape3A_2334 : vector<16x1xi32> to vector<16xi32>
    %gather3A_2336 = tpu.dynamic_gather %get3A_27[%gather3A_2335] in [0] : vector<16xf32>, vector<16xi32> -> vector<16xf32>
    %select_n3A_2337 = arith.select %eq3A_2331, %gather3A_2336, %select_n3A_2328 : vector<16xi1>, vector<16xf32>
    %eq3A_2338 = arith.constant 13 : i32
    %eq3A_2339 = vector.broadcast %eq3A_2338 : i32 to vector<16xi32>
    %eq3A_2340 = arith.cmpi eq, %iota3A, %eq3A_2339 : vector<16xi32>
    %broadcast_in_dim3A_2341 = arith.constant 15 : i32
    %broadcast_in_dim3A_2342 = vector.broadcast %broadcast_in_dim3A_2341 : i32 to vector<16xi32>
    %reshape3A_2343 = vector.shape_cast %broadcast_in_dim3A_2342 : vector<16xi32> to vector<16x1xi32>
    %gather3A_2344 = vector.shape_cast %reshape3A_2343 : vector<16x1xi32> to vector<16xi32>
    %gather3A_2345 = tpu.dynamic_gather %get3A_29[%gather3A_2344] in [0] : vector<16xf32>, vector<16xi32> -> vector<16xf32>
    %select_n3A_2346 = arith.select %eq3A_2340, %gather3A_2345, %select_n3A_2337 : vector<16xi1>, vector<16xf32>
    %eq3A_2347 = arith.constant 14 : i32
    %eq3A_2348 = vector.broadcast %eq3A_2347 : i32 to vector<16xi32>
    %eq3A_2349 = arith.cmpi eq, %iota3A, %eq3A_2348 : vector<16xi32>
    %broadcast_in_dim3A_2350 = arith.constant 15 : i32
    %broadcast_in_dim3A_2351 = vector.broadcast %broadcast_in_dim3A_2350 : i32 to vector<16xi32>
    %reshape3A_2352 = vector.shape_cast %broadcast_in_dim3A_2351 : vector<16xi32> to vector<16x1xi32>
    %gather3A_2353 = vector.shape_cast %reshape3A_2352 : vector<16x1xi32> to vector<16xi32>
    %gather3A_2354 = tpu.dynamic_gather %get3A_31[%gather3A_2353] in [0] : vector<16xf32>, vector<16xi32> -> vector<16xf32>
    %select_n3A_2355 = arith.select %eq3A_2349, %gather3A_2354, %select_n3A_2346 : vector<16xi1>, vector<16xf32>
    %eq3A_2356 = arith.constant 15 : i32
    %eq3A_2357 = vector.broadcast %eq3A_2356 : i32 to vector<16xi32>
    %eq3A_2358 = arith.cmpi eq, %iota3A, %eq3A_2357 : vector<16xi32>
    %broadcast_in_dim3A_2359 = arith.constant 15 : i32
    %broadcast_in_dim3A_2360 = vector.broadcast %broadcast_in_dim3A_2359 : i32 to vector<16xi32>
    %reshape3A_2361 = vector.shape_cast %broadcast_in_dim3A_2360 : vector<16xi32> to vector<16x1xi32>
    %gather3A_2362 = vector.shape_cast %reshape3A_2361 : vector<16x1xi32> to vector<16xi32>
    %gather3A_2363 = tpu.dynamic_gather %get3A_33[%gather3A_2362] in [0] : vector<16xf32>, vector<16xi32> -> vector<16xf32>
    %select_n3A_2364 = arith.select %eq3A_2358, %gather3A_2363, %select_n3A_2355 : vector<16xi1>, vector<16xf32>
    %get3A_2365 = arith.constant 0 : index
    %get3A_2366 = tpu.vector_load %arg9[%get3A_2365] {strides = array<i32>} : memref<16xf32, #tpu.memory_space<vmem>>, vector<16xf32>,
    %parallel_loop3A = arith.constant 0 : i32
    %parallel_loop3A_2367 = arith.constant 20 : i32
    %parallel_loop3A_2368 = arith.constant 1 : i32
    scf.for %parallel_loop3A_2374 = %parallel_loop3A to %parallel_loop3A_2367 step %parallel_loop3A_2368  : i32 {
      %parallel_loop3A_2375 = arith.constant 16 : i32
      %parallel_loop3A_2376 = arith.muli %parallel_loop3A_2374, %parallel_loop3A_2375 : i32
      %parallel_loop3A_2377 = tpu.assume_multiple %parallel_loop3A_2376, 16 : i32
      %parallel_loop3A_2378 = arith.index_cast %parallel_loop3A_2377 : i32 to index
      %parallel_loop3A_2379 = tpu.vector_load %arg7[%parallel_loop3A_2378] {strides = array<i32>} : memref<320xf32, #tpu.memory_space<vmem>>, vector<16xf32>,
      %parallel_loop3A_2380 = arith.constant 0 : i32
      %parallel_loop3A_2381 = vector.broadcast %parallel_loop3A_2380 : i32 to vector<16xi32>
      %parallel_loop3A_2382 = vector.shape_cast %parallel_loop3A_2381 : vector<16xi32> to vector<16x1xi32>
      %parallel_loop3A_2383 = vector.shape_cast %parallel_loop3A_2382 : vector<16x1xi32> to vector<16xi32>
      %parallel_loop3A_2384 = tpu.dynamic_gather %parallel_loop3A_2379[%parallel_loop3A_2383] in [0] : vector<16xf32>, vector<16xi32> -> vector<16xf32>
      %parallel_loop3A_2385 = arith.mulf %parallel_loop3A_2384, %select_n3A_174 : vector<16xf32>
      %parallel_loop3A_2386 = arith.addf %get3A_2366, %parallel_loop3A_2385 : vector<16xf32>
      %parallel_loop3A_2387 = arith.constant 1 : i32
      %parallel_loop3A_2388 = vector.broadcast %parallel_loop3A_2387 : i32 to vector<16xi32>
      %parallel_loop3A_2389 = vector.shape_cast %parallel_loop3A_2388 : vector<16xi32> to vector<16x1xi32>
      %parallel_loop3A_2390 = vector.shape_cast %parallel_loop3A_2389 : vector<16x1xi32> to vector<16xi32>
      %parallel_loop3A_2391 = tpu.dynamic_gather %parallel_loop3A_2379[%parallel_loop3A_2390] in [0] : vector<16xf32>, vector<16xi32> -> vector<16xf32>
      %parallel_loop3A_2392 = arith.mulf %parallel_loop3A_2391, %select_n3A_320 : vector<16xf32>
      %parallel_loop3A_2393 = arith.addf %parallel_loop3A_2386, %parallel_loop3A_2392 : vector<16xf32>
      %parallel_loop3A_2394 = arith.constant 2 : i32
      %parallel_loop3A_2395 = vector.broadcast %parallel_loop3A_2394 : i32 to vector<16xi32>
      %parallel_loop3A_2396 = vector.shape_cast %parallel_loop3A_2395 : vector<16xi32> to vector<16x1xi32>
      %parallel_loop3A_2397 = vector.shape_cast %parallel_loop3A_2396 : vector<16x1xi32> to vector<16xi32>
      %parallel_loop3A_2398 = tpu.dynamic_gather %parallel_loop3A_2379[%parallel_loop3A_2397] in [0] : vector<16xf32>, vector<16xi32> -> vector<16xf32>
      %parallel_loop3A_2399 = arith.mulf %parallel_loop3A_2398, %select_n3A_466 : vector<16xf32>
      %parallel_loop3A_2400 = arith.addf %parallel_loop3A_2393, %parallel_loop3A_2399 : vector<16xf32>
      %parallel_loop3A_2401 = arith.constant 3 : i32
      %parallel_loop3A_2402 = vector.broadcast %parallel_loop3A_2401 : i32 to vector<16xi32>
      %parallel_loop3A_2403 = vector.shape_cast %parallel_loop3A_2402 : vector<16xi32> to vector<16x1xi32>
      %parallel_loop3A_2404 = vector.shape_cast %parallel_loop3A_2403 : vector<16x1xi32> to vector<16xi32>
      %parallel_loop3A_2405 = tpu.dynamic_gather %parallel_loop3A_2379[%parallel_loop3A_2404] in [0] : vector<16xf32>, vector<16xi32> -> vector<16xf32>
      %parallel_loop3A_2406 = arith.mulf %parallel_loop3A_2405, %select_n3A_612 : vector<16xf32>
      %parallel_loop3A_2407 = arith.addf %parallel_loop3A_2400, %parallel_loop3A_2406 : vector<16xf32>
      %parallel_loop3A_2408 = arith.constant 4 : i32
      %parallel_loop3A_2409 = vector.broadcast %parallel_loop3A_2408 : i32 to vector<16xi32>
      %parallel_loop3A_2410 = vector.shape_cast %parallel_loop3A_2409 : vector<16xi32> to vector<16x1xi32>
      %parallel_loop3A_2411 = vector.shape_cast %parallel_loop3A_2410 : vector<16x1xi32> to vector<16xi32>
      %parallel_loop3A_2412 = tpu.dynamic_gather %parallel_loop3A_2379[%parallel_loop3A_2411] in [0] : vector<16xf32>, vector<16xi32> -> vector<16xf32>
      %parallel_loop3A_2413 = arith.mulf %parallel_loop3A_2412, %select_n3A_758 : vector<16xf32>
      %parallel_loop3A_2414 = arith.addf %parallel_loop3A_2407, %parallel_loop3A_2413 : vector<16xf32>
      %parallel_loop3A_2415 = arith.constant 5 : i32
      %parallel_loop3A_2416 = vector.broadcast %parallel_loop3A_2415 : i32 to vector<16xi32>
      %parallel_loop3A_2417 = vector.shape_cast %parallel_loop3A_2416 : vector<16xi32> to vector<16x1xi32>
      %parallel_loop3A_2418 = vector.shape_cast %parallel_loop3A_2417 : vector<16x1xi32> to vector<16xi32>
      %parallel_loop3A_2419 = tpu.dynamic_gather %parallel_loop3A_2379[%parallel_loop3A_2418] in [0] : vector<16xf32>, vector<16xi32> -> vector<16xf32>
      %parallel_loop3A_2420 = arith.mulf %parallel_loop3A_2419, %select_n3A_904 : vector<16xf32>
      %parallel_loop3A_2421 = arith.addf %parallel_loop3A_2414, %parallel_loop3A_2420 : vector<16xf32>
      %parallel_loop3A_2422 = arith.constant 6 : i32
      %parallel_loop3A_2423 = vector.broadcast %parallel_loop3A_2422 : i32 to vector<16xi32>
      %parallel_loop3A_2424 = vector.shape_cast %parallel_loop3A_2423 : vector<16xi32> to vector<16x1xi32>
      %parallel_loop3A_2425 = vector.shape_cast %parallel_loop3A_2424 : vector<16x1xi32> to vector<16xi32>
      %parallel_loop3A_2426 = tpu.dynamic_gather %parallel_loop3A_2379[%parallel_loop3A_2425] in [0] : vector<16xf32>, vector<16xi32> -> vector<16xf32>
      %parallel_loop3A_2427 = arith.mulf %parallel_loop3A_2426, %select_n3A_1050 : vector<16xf32>
      %parallel_loop3A_2428 = arith.addf %parallel_loop3A_2421, %parallel_loop3A_2427 : vector<16xf32>
      %parallel_loop3A_2429 = arith.constant 7 : i32
      %parallel_loop3A_2430 = vector.broadcast %parallel_loop3A_2429 : i32 to vector<16xi32>
      %parallel_loop3A_2431 = vector.shape_cast %parallel_loop3A_2430 : vector<16xi32> to vector<16x1xi32>
      %parallel_loop3A_2432 = vector.shape_cast %parallel_loop3A_2431 : vector<16x1xi32> to vector<16xi32>
      %parallel_loop3A_2433 = tpu.dynamic_gather %parallel_loop3A_2379[%parallel_loop3A_2432] in [0] : vector<16xf32>, vector<16xi32> -> vector<16xf32>
      %parallel_loop3A_2434 = arith.mulf %parallel_loop3A_2433, %select_n3A_1196 : vector<16xf32>
      %parallel_loop3A_2435 = arith.addf %parallel_loop3A_2428, %parallel_loop3A_2434 : vector<16xf32>
      %parallel_loop3A_2436 = arith.constant 8 : i32
      %parallel_loop3A_2437 = vector.broadcast %parallel_loop3A_2436 : i32 to vector<16xi32>
      %parallel_loop3A_2438 = vector.shape_cast %parallel_loop3A_2437 : vector<16xi32> to vector<16x1xi32>
      %parallel_loop3A_2439 = vector.shape_cast %parallel_loop3A_2438 : vector<16x1xi32> to vector<16xi32>
      %parallel_loop3A_2440 = tpu.dynamic_gather %parallel_loop3A_2379[%parallel_loop3A_2439] in [0] : vector<16xf32>, vector<16xi32> -> vector<16xf32>
      %parallel_loop3A_2441 = arith.mulf %parallel_loop3A_2440, %select_n3A_1342 : vector<16xf32>
      %parallel_loop3A_2442 = arith.addf %parallel_loop3A_2435, %parallel_loop3A_2441 : vector<16xf32>
      %parallel_loop3A_2443 = arith.constant 9 : i32
      %parallel_loop3A_2444 = vector.broadcast %parallel_loop3A_2443 : i32 to vector<16xi32>
      %parallel_loop3A_2445 = vector.shape_cast %parallel_loop3A_2444 : vector<16xi32> to vector<16x1xi32>
      %parallel_loop3A_2446 = vector.shape_cast %parallel_loop3A_2445 : vector<16x1xi32> to vector<16xi32>
      %parallel_loop3A_2447 = tpu.dynamic_gather %parallel_loop3A_2379[%parallel_loop3A_2446] in [0] : vector<16xf32>, vector<16xi32> -> vector<16xf32>
      %parallel_loop3A_2448 = arith.mulf %parallel_loop3A_2447, %select_n3A_1488 : vector<16xf32>
      %parallel_loop3A_2449 = arith.addf %parallel_loop3A_2442, %parallel_loop3A_2448 : vector<16xf32>
      %parallel_loop3A_2450 = arith.constant 10 : i32
      %parallel_loop3A_2451 = vector.broadcast %parallel_loop3A_2450 : i32 to vector<16xi32>
      %parallel_loop3A_2452 = vector.shape_cast %parallel_loop3A_2451 : vector<16xi32> to vector<16x1xi32>
      %parallel_loop3A_2453 = vector.shape_cast %parallel_loop3A_2452 : vector<16x1xi32> to vector<16xi32>
      %parallel_loop3A_2454 = tpu.dynamic_gather %parallel_loop3A_2379[%parallel_loop3A_2453] in [0] : vector<16xf32>, vector<16xi32> -> vector<16xf32>
      %parallel_loop3A_2455 = arith.mulf %parallel_loop3A_2454, %select_n3A_1634 : vector<16xf32>
      %parallel_loop3A_2456 = arith.addf %parallel_loop3A_2449, %parallel_loop3A_2455 : vector<16xf32>
      %parallel_loop3A_2457 = arith.constant 11 : i32
      %parallel_loop3A_2458 = vector.broadcast %parallel_loop3A_2457 : i32 to vector<16xi32>
      %parallel_loop3A_2459 = vector.shape_cast %parallel_loop3A_2458 : vector<16xi32> to vector<16x1xi32>
      %parallel_loop3A_2460 = vector.shape_cast %parallel_loop3A_2459 : vector<16x1xi32> to vector<16xi32>
      %parallel_loop3A_2461 = tpu.dynamic_gather %parallel_loop3A_2379[%parallel_loop3A_2460] in [0] : vector<16xf32>, vector<16xi32> -> vector<16xf32>
      %parallel_loop3A_2462 = arith.mulf %parallel_loop3A_2461, %select_n3A_1780 : vector<16xf32>
      %parallel_loop3A_2463 = arith.addf %parallel_loop3A_2456, %parallel_loop3A_2462 : vector<16xf32>
      %parallel_loop3A_2464 = arith.constant 12 : i32
      %parallel_loop3A_2465 = vector.broadcast %parallel_loop3A_2464 : i32 to vector<16xi32>
      %parallel_loop3A_2466 = vector.shape_cast %parallel_loop3A_2465 : vector<16xi32> to vector<16x1xi32>
      %parallel_loop3A_2467 = vector.shape_cast %parallel_loop3A_2466 : vector<16x1xi32> to vector<16xi32>
      %parallel_loop3A_2468 = tpu.dynamic_gather %parallel_loop3A_2379[%parallel_loop3A_2467] in [0] : vector<16xf32>, vector<16xi32> -> vector<16xf32>
      %parallel_loop3A_2469 = arith.mulf %parallel_loop3A_2468, %select_n3A_1926 : vector<16xf32>
      %parallel_loop3A_2470 = arith.addf %parallel_loop3A_2463, %parallel_loop3A_2469 : vector<16xf32>
      %parallel_loop3A_2471 = arith.constant 13 : i32
      %parallel_loop3A_2472 = vector.broadcast %parallel_loop3A_2471 : i32 to vector<16xi32>
      %parallel_loop3A_2473 = vector.shape_cast %parallel_loop3A_2472 : vector<16xi32> to vector<16x1xi32>
      %parallel_loop3A_2474 = vector.shape_cast %parallel_loop3A_2473 : vector<16x1xi32> to vector<16xi32>
      %parallel_loop3A_2475 = tpu.dynamic_gather %parallel_loop3A_2379[%parallel_loop3A_2474] in [0] : vector<16xf32>, vector<16xi32> -> vector<16xf32>
      %parallel_loop3A_2476 = arith.mulf %parallel_loop3A_2475, %select_n3A_2072 : vector<16xf32>
      %parallel_loop3A_2477 = arith.addf %parallel_loop3A_2470, %parallel_loop3A_2476 : vector<16xf32>
      %parallel_loop3A_2478 = arith.constant 14 : i32
      %parallel_loop3A_2479 = vector.broadcast %parallel_loop3A_2478 : i32 to vector<16xi32>
      %parallel_loop3A_2480 = vector.shape_cast %parallel_loop3A_2479 : vector<16xi32> to vector<16x1xi32>
      %parallel_loop3A_2481 = vector.shape_cast %parallel_loop3A_2480 : vector<16x1xi32> to vector<16xi32>
      %parallel_loop3A_2482 = tpu.dynamic_gather %parallel_loop3A_2379[%parallel_loop3A_2481] in [0] : vector<16xf32>, vector<16xi32> -> vector<16xf32>
      %parallel_loop3A_2483 = arith.mulf %parallel_loop3A_2482, %select_n3A_2218 : vector<16xf32>
      %parallel_loop3A_2484 = arith.addf %parallel_loop3A_2477, %parallel_loop3A_2483 : vector<16xf32>
      %parallel_loop3A_2485 = arith.constant 15 : i32
      %parallel_loop3A_2486 = vector.broadcast %parallel_loop3A_2485 : i32 to vector<16xi32>
      %parallel_loop3A_2487 = vector.shape_cast %parallel_loop3A_2486 : vector<16xi32> to vector<16x1xi32>
      %parallel_loop3A_2488 = vector.shape_cast %parallel_loop3A_2487 : vector<16x1xi32> to vector<16xi32>
      %parallel_loop3A_2489 = tpu.dynamic_gather %parallel_loop3A_2379[%parallel_loop3A_2488] in [0] : vector<16xf32>, vector<16xi32> -> vector<16xf32>
      %parallel_loop3A_2490 = arith.mulf %parallel_loop3A_2489, %select_n3A_2364 : vector<16xf32>
      %parallel_loop3A_2491 = arith.addf %parallel_loop3A_2484, %parallel_loop3A_2490 : vector<16xf32>
      %parallel_loop3A_2492 = arith.mulf %parallel_loop3A_2491, %parallel_loop3A_2491 : vector<16xf32>
      %parallel_loop3A_2493 = arith.constant 1 : i32
      %parallel_loop3A_2494 = vector.broadcast %parallel_loop3A_2493 : i32 to vector<16xi32>
      %parallel_loop3A_2495 = arith.xori %iota3A, %parallel_loop3A_2494 : vector<16xi32>
      %parallel_loop3A_2496 = vector.shape_cast %parallel_loop3A_2495 : vector<16xi32> to vector<16x1xi32>
      %parallel_loop3A_2497 = vector.shape_cast %parallel_loop3A_2496 : vector<16x1xi32> to vector<16xi32>
      %parallel_loop3A_2498 = tpu.dynamic_gather %parallel_loop3A_2492[%parallel_loop3A_2497] in [0] : vector<16xf32>, vector<16xi32> -> vector<16xf32>
      %parallel_loop3A_2499 = arith.addf %parallel_loop3A_2492, %parallel_loop3A_2498 : vector<16xf32>
      %parallel_loop3A_2500 = arith.constant 2 : i32
      %parallel_loop3A_2501 = vector.broadcast %parallel_loop3A_2500 : i32 to vector<16xi32>
      %parallel_loop3A_2502 = arith.xori %iota3A, %parallel_loop3A_2501 : vector<16xi32>
      %parallel_loop3A_2503 = vector.shape_cast %parallel_loop3A_2502 : vector<16xi32> to vector<16x1xi32>
      %parallel_loop3A_2504 = vector.shape_cast %parallel_loop3A_2503 : vector<16x1xi32> to vector<16xi32>
      %parallel_loop3A_2505 = tpu.dynamic_gather %parallel_loop3A_2499[%parallel_loop3A_2504] in [0] : vector<16xf32>, vector<16xi32> -> vector<16xf32>
      %parallel_loop3A_2506 = arith.addf %parallel_loop3A_2499, %parallel_loop3A_2505 : vector<16xf32>
      %parallel_loop3A_2507 = arith.constant 4 : i32
      %parallel_loop3A_2508 = vector.broadcast %parallel_loop3A_2507 : i32 to vector<16xi32>
      %parallel_loop3A_2509 = arith.xori %iota3A, %parallel_loop3A_2508 : vector<16xi32>
      %parallel_loop3A_2510 = vector.shape_cast %parallel_loop3A_2509 : vector<16xi32> to vector<16x1xi32>
      %parallel_loop3A_2511 = vector.shape_cast %parallel_loop3A_2510 : vector<16x1xi32> to vector<16xi32>
      %parallel_loop3A_2512 = tpu.dynamic_gather %parallel_loop3A_2506[%parallel_loop3A_2511] in [0] : vector<16xf32>, vector<16xi32> -> vector<16xf32>
      %parallel_loop3A_2513 = arith.addf %parallel_loop3A_2506, %parallel_loop3A_2512 : vector<16xf32>
      %parallel_loop3A_2514 = arith.constant 8 : i32
      %parallel_loop3A_2515 = vector.broadcast %parallel_loop3A_2514 : i32 to vector<16xi32>
      %parallel_loop3A_2516 = arith.xori %iota3A, %parallel_loop3A_2515 : vector<16xi32>
      %parallel_loop3A_2517 = vector.shape_cast %parallel_loop3A_2516 : vector<16xi32> to vector<16x1xi32>
      %parallel_loop3A_2518 = vector.shape_cast %parallel_loop3A_2517 : vector<16x1xi32> to vector<16xi32>
      %parallel_loop3A_2519 = tpu.dynamic_gather %parallel_loop3A_2513[%parallel_loop3A_2518] in [0] : vector<16xf32>, vector<16xi32> -> vector<16xf32>
      %parallel_loop3A_2520 = arith.addf %parallel_loop3A_2513, %parallel_loop3A_2519 : vector<16xf32>
      %parallel_loop3A_2521 = arith.constant 1.000000e-24 : f32
      %parallel_loop3A_2522 = vector.broadcast %parallel_loop3A_2521 : f32 to vector<16xf32>
      %parallel_loop3A_2523 = arith.maximumf %parallel_loop3A_2520, %parallel_loop3A_2522 : vector<16xf32>
      %parallel_loop3A_2524 = vector.bitcast %parallel_loop3A_2523 : vector<16xf32> to vector<16xi32>
      %parallel_loop3A_2525 = arith.constant 1 : i32
      %parallel_loop3A_2526 = vector.broadcast %parallel_loop3A_2525 : i32 to vector<16xi32>
      %parallel_loop3A_2527 = arith.shrsi %parallel_loop3A_2524, %parallel_loop3A_2526 : vector<16xi32>
      %parallel_loop3A_2528 = arith.constant 1597463007 : i32
      %parallel_loop3A_2529 = vector.broadcast %parallel_loop3A_2528 : i32 to vector<16xi32>
      %parallel_loop3A_2530 = arith.subi %parallel_loop3A_2529, %parallel_loop3A_2527 : vector<16xi32>
      %parallel_loop3A_2531 = vector.bitcast %parallel_loop3A_2530 : vector<16xi32> to vector<16xf32>
      %parallel_loop3A_2532 = arith.constant 5.000000e-01 : f32
      %parallel_loop3A_2533 = vector.broadcast %parallel_loop3A_2532 : f32 to vector<16xf32>
      %parallel_loop3A_2534 = arith.mulf %parallel_loop3A_2533, %parallel_loop3A_2523 : vector<16xf32>
      %parallel_loop3A_2535 = arith.mulf %parallel_loop3A_2534, %parallel_loop3A_2531 : vector<16xf32>
      %parallel_loop3A_2536 = arith.mulf %parallel_loop3A_2535, %parallel_loop3A_2531 : vector<16xf32>
      %parallel_loop3A_2537 = arith.constant 1.500000e+00 : f32
      %parallel_loop3A_2538 = vector.broadcast %parallel_loop3A_2537 : f32 to vector<16xf32>
      %parallel_loop3A_2539 = arith.subf %parallel_loop3A_2538, %parallel_loop3A_2536 : vector<16xf32>
      %parallel_loop3A_2540 = arith.mulf %parallel_loop3A_2531, %parallel_loop3A_2539 : vector<16xf32>
      %parallel_loop3A_2541 = arith.constant 5.000000e-01 : f32
      %parallel_loop3A_2542 = vector.broadcast %parallel_loop3A_2541 : f32 to vector<16xf32>
      %parallel_loop3A_2543 = arith.mulf %parallel_loop3A_2542, %parallel_loop3A_2523 : vector<16xf32>
      %parallel_loop3A_2544 = arith.mulf %parallel_loop3A_2543, %parallel_loop3A_2540 : vector<16xf32>
      %parallel_loop3A_2545 = arith.mulf %parallel_loop3A_2544, %parallel_loop3A_2540 : vector<16xf32>
      %parallel_loop3A_2546 = arith.constant 1.500000e+00 : f32
      %parallel_loop3A_2547 = vector.broadcast %parallel_loop3A_2546 : f32 to vector<16xf32>
      %parallel_loop3A_2548 = arith.subf %parallel_loop3A_2547, %parallel_loop3A_2545 : vector<16xf32>
      %parallel_loop3A_2549 = arith.mulf %parallel_loop3A_2540, %parallel_loop3A_2548 : vector<16xf32>
      %parallel_loop3A_2550 = arith.constant 5.000000e-01 : f32
      %parallel_loop3A_2551 = vector.broadcast %parallel_loop3A_2550 : f32 to vector<16xf32>
      %parallel_loop3A_2552 = arith.mulf %parallel_loop3A_2551, %parallel_loop3A_2523 : vector<16xf32>
      %parallel_loop3A_2553 = arith.mulf %parallel_loop3A_2552, %parallel_loop3A_2549 : vector<16xf32>
      %parallel_loop3A_2554 = arith.mulf %parallel_loop3A_2553, %parallel_loop3A_2549 : vector<16xf32>
      %parallel_loop3A_2555 = arith.constant 1.500000e+00 : f32
      %parallel_loop3A_2556 = vector.broadcast %parallel_loop3A_2555 : f32 to vector<16xf32>
      %parallel_loop3A_2557 = arith.subf %parallel_loop3A_2556, %parallel_loop3A_2554 : vector<16xf32>
      %parallel_loop3A_2558 = arith.mulf %parallel_loop3A_2549, %parallel_loop3A_2557 : vector<16xf32>
      %parallel_loop3A_2559 = arith.mulf %parallel_loop3A_2491, %parallel_loop3A_2558 : vector<16xf32>
      %parallel_loop3A_2560 = arith.index_cast %parallel_loop3A_2377 : i32 to index
      %parallel_loop3A_2561 = tpu.vector_load %arg10[%parallel_loop3A_2560] {strides = array<i32>} : memref<320xf32, #tpu.memory_space<vmem>>, vector<16xf32>,
      tpu.vector_store %arg10[%parallel_loop3A_2560], %parallel_loop3A_2559 {strides = array<i32>} : memref<320xf32, #tpu.memory_space<vmem>>, vector<16xf32>,
    } {sc.loop_unroll_factor = 2 : i64, sc.parallel_access}
    %parallel_loop3A_2369 = arith.constant 0 : i32
    %parallel_loop3A_2370 = arith.constant 32 : i32
    %parallel_loop3A_2371 = arith.constant 1 : i32
    scf.for %parallel_loop3A_2374 = %parallel_loop3A_2369 to %parallel_loop3A_2370 step %parallel_loop3A_2371  : i32 {
      %parallel_loop3A_2375 = arith.constant 16 : i32
      %parallel_loop3A_2376 = arith.muli %parallel_loop3A_2374, %parallel_loop3A_2375 : i32
      %parallel_loop3A_2377 = tpu.assume_multiple %parallel_loop3A_2376, 16 : i32
      %parallel_loop3A_2378 = arith.index_cast %parallel_loop3A_2377 : i32 to index
      %parallel_loop3A_2379 = tpu.vector_load %arg11[%parallel_loop3A_2378] {strides = array<i32>} : memref<512xi32, #tpu.memory_space<vmem>>, vector<16xi32>,
      %parallel_loop3A_2380 = arith.constant 16 : i32
      %parallel_loop3A_2381 = vector.broadcast %parallel_loop3A_2380 : i32 to vector<16xi32>
      %parallel_loop3A_2382 = arith.muli %parallel_loop3A_2379, %parallel_loop3A_2381 : vector<16xi32>
      %parallel_loop3A_2383 = vector.broadcast %parallel_loop3A_2377 : i32 to vector<16xi32>
      %parallel_loop3A_2384 = arith.addi %parallel_loop3A_2383, %iota3A : vector<16xi32>
      %parallel_loop3A_2385 = arith.constant 0 : i32
      %parallel_loop3A_2386 = vector.broadcast %parallel_loop3A_2385 : i32 to vector<16xi32>
      %parallel_loop3A_2387 = arith.addi %parallel_loop3A_2382, %parallel_loop3A_2386 : vector<16xi32>
      %parallel_loop3A_2388 = tpu.vector_load_idx %arg10[%parallel_loop3A_2387] : memref<320xf32, #tpu.memory_space<vmem>>[vector<16xi32>], vector<16xf32>,
      %parallel_loop3A_2389 = arith.constant 1 : i32
      %parallel_loop3A_2390 = vector.broadcast %parallel_loop3A_2389 : i32 to vector<16xi32>
      %parallel_loop3A_2391 = arith.addi %parallel_loop3A_2382, %parallel_loop3A_2390 : vector<16xi32>
      %parallel_loop3A_2392 = tpu.vector_load_idx %arg10[%parallel_loop3A_2391] : memref<320xf32, #tpu.memory_space<vmem>>[vector<16xi32>], vector<16xf32>,
      %parallel_loop3A_2393 = arith.constant 2 : i32
      %parallel_loop3A_2394 = vector.broadcast %parallel_loop3A_2393 : i32 to vector<16xi32>
      %parallel_loop3A_2395 = arith.addi %parallel_loop3A_2382, %parallel_loop3A_2394 : vector<16xi32>
      %parallel_loop3A_2396 = tpu.vector_load_idx %arg10[%parallel_loop3A_2395] : memref<320xf32, #tpu.memory_space<vmem>>[vector<16xi32>], vector<16xf32>,
      %parallel_loop3A_2397 = arith.constant 3 : i32
      %parallel_loop3A_2398 = vector.broadcast %parallel_loop3A_2397 : i32 to vector<16xi32>
      %parallel_loop3A_2399 = arith.addi %parallel_loop3A_2382, %parallel_loop3A_2398 : vector<16xi32>
      %parallel_loop3A_2400 = tpu.vector_load_idx %arg10[%parallel_loop3A_2399] : memref<320xf32, #tpu.memory_space<vmem>>[vector<16xi32>], vector<16xf32>,
      %parallel_loop3A_2401 = arith.constant 4 : i32
      %parallel_loop3A_2402 = vector.broadcast %parallel_loop3A_2401 : i32 to vector<16xi32>
      %parallel_loop3A_2403 = arith.addi %parallel_loop3A_2382, %parallel_loop3A_2402 : vector<16xi32>
      %parallel_loop3A_2404 = tpu.vector_load_idx %arg10[%parallel_loop3A_2403] : memref<320xf32, #tpu.memory_space<vmem>>[vector<16xi32>], vector<16xf32>,
      %parallel_loop3A_2405 = arith.constant 5 : i32
      %parallel_loop3A_2406 = vector.broadcast %parallel_loop3A_2405 : i32 to vector<16xi32>
      %parallel_loop3A_2407 = arith.addi %parallel_loop3A_2382, %parallel_loop3A_2406 : vector<16xi32>
      %parallel_loop3A_2408 = tpu.vector_load_idx %arg10[%parallel_loop3A_2407] : memref<320xf32, #tpu.memory_space<vmem>>[vector<16xi32>], vector<16xf32>,
      %parallel_loop3A_2409 = arith.constant 6 : i32
      %parallel_loop3A_2410 = vector.broadcast %parallel_loop3A_2409 : i32 to vector<16xi32>
      %parallel_loop3A_2411 = arith.addi %parallel_loop3A_2382, %parallel_loop3A_2410 : vector<16xi32>
      %parallel_loop3A_2412 = tpu.vector_load_idx %arg10[%parallel_loop3A_2411] : memref<320xf32, #tpu.memory_space<vmem>>[vector<16xi32>], vector<16xf32>,
      %parallel_loop3A_2413 = arith.constant 7 : i32
      %parallel_loop3A_2414 = vector.broadcast %parallel_loop3A_2413 : i32 to vector<16xi32>
      %parallel_loop3A_2415 = arith.addi %parallel_loop3A_2382, %parallel_loop3A_2414 : vector<16xi32>
      %parallel_loop3A_2416 = tpu.vector_load_idx %arg10[%parallel_loop3A_2415] : memref<320xf32, #tpu.memory_space<vmem>>[vector<16xi32>], vector<16xf32>,
      %parallel_loop3A_2417 = arith.constant 8 : i32
      %parallel_loop3A_2418 = vector.broadcast %parallel_loop3A_2417 : i32 to vector<16xi32>
      %parallel_loop3A_2419 = arith.addi %parallel_loop3A_2382, %parallel_loop3A_2418 : vector<16xi32>
      %parallel_loop3A_2420 = tpu.vector_load_idx %arg10[%parallel_loop3A_2419] : memref<320xf32, #tpu.memory_space<vmem>>[vector<16xi32>], vector<16xf32>,
      %parallel_loop3A_2421 = arith.constant 9 : i32
      %parallel_loop3A_2422 = vector.broadcast %parallel_loop3A_2421 : i32 to vector<16xi32>
      %parallel_loop3A_2423 = arith.addi %parallel_loop3A_2382, %parallel_loop3A_2422 : vector<16xi32>
      %parallel_loop3A_2424 = tpu.vector_load_idx %arg10[%parallel_loop3A_2423] : memref<320xf32, #tpu.memory_space<vmem>>[vector<16xi32>], vector<16xf32>,
      %parallel_loop3A_2425 = arith.constant 10 : i32
      %parallel_loop3A_2426 = vector.broadcast %parallel_loop3A_2425 : i32 to vector<16xi32>
      %parallel_loop3A_2427 = arith.addi %parallel_loop3A_2382, %parallel_loop3A_2426 : vector<16xi32>
      %parallel_loop3A_2428 = tpu.vector_load_idx %arg10[%parallel_loop3A_2427] : memref<320xf32, #tpu.memory_space<vmem>>[vector<16xi32>], vector<16xf32>,
      %parallel_loop3A_2429 = arith.constant 11 : i32
      %parallel_loop3A_2430 = vector.broadcast %parallel_loop3A_2429 : i32 to vector<16xi32>
      %parallel_loop3A_2431 = arith.addi %parallel_loop3A_2382, %parallel_loop3A_2430 : vector<16xi32>
      %parallel_loop3A_2432 = tpu.vector_load_idx %arg10[%parallel_loop3A_2431] : memref<320xf32, #tpu.memory_space<vmem>>[vector<16xi32>], vector<16xf32>,
      %parallel_loop3A_2433 = arith.constant 12 : i32
      %parallel_loop3A_2434 = vector.broadcast %parallel_loop3A_2433 : i32 to vector<16xi32>
      %parallel_loop3A_2435 = arith.addi %parallel_loop3A_2382, %parallel_loop3A_2434 : vector<16xi32>
      %parallel_loop3A_2436 = tpu.vector_load_idx %arg10[%parallel_loop3A_2435] : memref<320xf32, #tpu.memory_space<vmem>>[vector<16xi32>], vector<16xf32>,
      %parallel_loop3A_2437 = arith.constant 13 : i32
      %parallel_loop3A_2438 = vector.broadcast %parallel_loop3A_2437 : i32 to vector<16xi32>
      %parallel_loop3A_2439 = arith.addi %parallel_loop3A_2382, %parallel_loop3A_2438 : vector<16xi32>
      %parallel_loop3A_2440 = tpu.vector_load_idx %arg10[%parallel_loop3A_2439] : memref<320xf32, #tpu.memory_space<vmem>>[vector<16xi32>], vector<16xf32>,
      %parallel_loop3A_2441 = arith.constant 14 : i32
      %parallel_loop3A_2442 = vector.broadcast %parallel_loop3A_2441 : i32 to vector<16xi32>
      %parallel_loop3A_2443 = arith.addi %parallel_loop3A_2382, %parallel_loop3A_2442 : vector<16xi32>
      %parallel_loop3A_2444 = tpu.vector_load_idx %arg10[%parallel_loop3A_2443] : memref<320xf32, #tpu.memory_space<vmem>>[vector<16xi32>], vector<16xf32>,
      %parallel_loop3A_2445 = arith.constant 15 : i32
      %parallel_loop3A_2446 = vector.broadcast %parallel_loop3A_2445 : i32 to vector<16xi32>
      %parallel_loop3A_2447 = arith.addi %parallel_loop3A_2382, %parallel_loop3A_2446 : vector<16xi32>
      %parallel_loop3A_2448 = tpu.vector_load_idx %arg10[%parallel_loop3A_2447] : memref<320xf32, #tpu.memory_space<vmem>>[vector<16xi32>], vector<16xf32>,
      %parallel_loop3A_2449 = arith.constant 0 : i32
      %parallel_loop3A_2450 = vector.broadcast %parallel_loop3A_2449 : i32 to vector<16xi32>
      tpu.vector_store_idx %arg12[%parallel_loop3A_2384, %parallel_loop3A_2450], %parallel_loop3A_2388 : memref<512x16xf32, #tpu.memory_space<vmem>>[vector<16xi32>, vector<16xi32>], vector<16xf32>,
      %parallel_loop3A_2451 = arith.constant 1 : i32
      %parallel_loop3A_2452 = vector.broadcast %parallel_loop3A_2451 : i32 to vector<16xi32>
      tpu.vector_store_idx %arg12[%parallel_loop3A_2384, %parallel_loop3A_2452], %parallel_loop3A_2392 : memref<512x16xf32, #tpu.memory_space<vmem>>[vector<16xi32>, vector<16xi32>], vector<16xf32>,
      %parallel_loop3A_2453 = arith.constant 2 : i32
      %parallel_loop3A_2454 = vector.broadcast %parallel_loop3A_2453 : i32 to vector<16xi32>
      tpu.vector_store_idx %arg12[%parallel_loop3A_2384, %parallel_loop3A_2454], %parallel_loop3A_2396 : memref<512x16xf32, #tpu.memory_space<vmem>>[vector<16xi32>, vector<16xi32>], vector<16xf32>,
      %parallel_loop3A_2455 = arith.constant 3 : i32
      %parallel_loop3A_2456 = vector.broadcast %parallel_loop3A_2455 : i32 to vector<16xi32>
      tpu.vector_store_idx %arg12[%parallel_loop3A_2384, %parallel_loop3A_2456], %parallel_loop3A_2400 : memref<512x16xf32, #tpu.memory_space<vmem>>[vector<16xi32>, vector<16xi32>], vector<16xf32>,
      %parallel_loop3A_2457 = arith.constant 4 : i32
      %parallel_loop3A_2458 = vector.broadcast %parallel_loop3A_2457 : i32 to vector<16xi32>
      tpu.vector_store_idx %arg12[%parallel_loop3A_2384, %parallel_loop3A_2458], %parallel_loop3A_2404 : memref<512x16xf32, #tpu.memory_space<vmem>>[vector<16xi32>, vector<16xi32>], vector<16xf32>,
      %parallel_loop3A_2459 = arith.constant 5 : i32
      %parallel_loop3A_2460 = vector.broadcast %parallel_loop3A_2459 : i32 to vector<16xi32>
      tpu.vector_store_idx %arg12[%parallel_loop3A_2384, %parallel_loop3A_2460], %parallel_loop3A_2408 : memref<512x16xf32, #tpu.memory_space<vmem>>[vector<16xi32>, vector<16xi32>], vector<16xf32>,
      %parallel_loop3A_2461 = arith.constant 6 : i32
      %parallel_loop3A_2462 = vector.broadcast %parallel_loop3A_2461 : i32 to vector<16xi32>
      tpu.vector_store_idx %arg12[%parallel_loop3A_2384, %parallel_loop3A_2462], %parallel_loop3A_2412 : memref<512x16xf32, #tpu.memory_space<vmem>>[vector<16xi32>, vector<16xi32>], vector<16xf32>,
      %parallel_loop3A_2463 = arith.constant 7 : i32
      %parallel_loop3A_2464 = vector.broadcast %parallel_loop3A_2463 : i32 to vector<16xi32>
      tpu.vector_store_idx %arg12[%parallel_loop3A_2384, %parallel_loop3A_2464], %parallel_loop3A_2416 : memref<512x16xf32, #tpu.memory_space<vmem>>[vector<16xi32>, vector<16xi32>], vector<16xf32>,
      %parallel_loop3A_2465 = arith.constant 8 : i32
      %parallel_loop3A_2466 = vector.broadcast %parallel_loop3A_2465 : i32 to vector<16xi32>
      tpu.vector_store_idx %arg12[%parallel_loop3A_2384, %parallel_loop3A_2466], %parallel_loop3A_2420 : memref<512x16xf32, #tpu.memory_space<vmem>>[vector<16xi32>, vector<16xi32>], vector<16xf32>,
      %parallel_loop3A_2467 = arith.constant 9 : i32
      %parallel_loop3A_2468 = vector.broadcast %parallel_loop3A_2467 : i32 to vector<16xi32>
      tpu.vector_store_idx %arg12[%parallel_loop3A_2384, %parallel_loop3A_2468], %parallel_loop3A_2424 : memref<512x16xf32, #tpu.memory_space<vmem>>[vector<16xi32>, vector<16xi32>], vector<16xf32>,
      %parallel_loop3A_2469 = arith.constant 10 : i32
      %parallel_loop3A_2470 = vector.broadcast %parallel_loop3A_2469 : i32 to vector<16xi32>
      tpu.vector_store_idx %arg12[%parallel_loop3A_2384, %parallel_loop3A_2470], %parallel_loop3A_2428 : memref<512x16xf32, #tpu.memory_space<vmem>>[vector<16xi32>, vector<16xi32>], vector<16xf32>,
      %parallel_loop3A_2471 = arith.constant 11 : i32
      %parallel_loop3A_2472 = vector.broadcast %parallel_loop3A_2471 : i32 to vector<16xi32>
      tpu.vector_store_idx %arg12[%parallel_loop3A_2384, %parallel_loop3A_2472], %parallel_loop3A_2432 : memref<512x16xf32, #tpu.memory_space<vmem>>[vector<16xi32>, vector<16xi32>], vector<16xf32>,
      %parallel_loop3A_2473 = arith.constant 12 : i32
      %parallel_loop3A_2474 = vector.broadcast %parallel_loop3A_2473 : i32 to vector<16xi32>
      tpu.vector_store_idx %arg12[%parallel_loop3A_2384, %parallel_loop3A_2474], %parallel_loop3A_2436 : memref<512x16xf32, #tpu.memory_space<vmem>>[vector<16xi32>, vector<16xi32>], vector<16xf32>,
      %parallel_loop3A_2475 = arith.constant 13 : i32
      %parallel_loop3A_2476 = vector.broadcast %parallel_loop3A_2475 : i32 to vector<16xi32>
      tpu.vector_store_idx %arg12[%parallel_loop3A_2384, %parallel_loop3A_2476], %parallel_loop3A_2440 : memref<512x16xf32, #tpu.memory_space<vmem>>[vector<16xi32>, vector<16xi32>], vector<16xf32>,
      %parallel_loop3A_2477 = arith.constant 14 : i32
      %parallel_loop3A_2478 = vector.broadcast %parallel_loop3A_2477 : i32 to vector<16xi32>
      tpu.vector_store_idx %arg12[%parallel_loop3A_2384, %parallel_loop3A_2478], %parallel_loop3A_2444 : memref<512x16xf32, #tpu.memory_space<vmem>>[vector<16xi32>, vector<16xi32>], vector<16xf32>,
      %parallel_loop3A_2479 = arith.constant 15 : i32
      %parallel_loop3A_2480 = vector.broadcast %parallel_loop3A_2479 : i32 to vector<16xi32>
      tpu.vector_store_idx %arg12[%parallel_loop3A_2384, %parallel_loop3A_2480], %parallel_loop3A_2448 : memref<512x16xf32, #tpu.memory_space<vmem>>[vector<16xi32>, vector<16xi32>], vector<16xf32>,
    } {sc.loop_unroll_factor = 4 : i64, sc.parallel_access}
    %mul3A_2372 = arith.constant 512 : i32
    %mul3A_2373 = arith.muli %add3A, %mul3A_2372 : i32
    "tpu.region"() ({
      %run_scoped3A = tpu.sem_alloc : memref<!tpu.dma_semaphore, #tpu.memory_space<semaphore_mem>>
      %dma_start3A = arith.constant 0 : i32
      %dma_start3A_2374 = tpu.memref_slice %arg6[%mul3A_2373, %dma_start3A] : memref<16384x16xf32, #tpu.memory_space<hbm>> -> memref<512x16xf32, #tpu.memory_space<hbm>>
      %dma_start3A_2375 = arith.constant 0 : i32
      %dma_start3A_2376 = tpu.memref_slice %arg6[%mul3A_2373, %dma_start3A_2375] : memref<16384x16xf32, #tpu.memory_space<hbm>> -> memref<512x16xf32, #tpu.memory_space<hbm>>
      tpu.enqueue_dma source(%arg12 : memref<512x16xf32, #tpu.memory_space<vmem>>) target(%dma_start3A_2376 : memref<512x16xf32, #tpu.memory_space<hbm>>) target_semaphore(%run_scoped3A : memref<!tpu.dma_semaphore, #tpu.memory_space<semaphore_mem>>)
      %dma_wait3A = arith.constant 0 : i32
      %dma_wait3A_2377 = tpu.memref_slice %arg6[%mul3A_2373, %dma_wait3A] : memref<16384x16xf32, #tpu.memory_space<hbm>> -> memref<512x16xf32, #tpu.memory_space<hbm>>
      %dma_wait3A_2378 = arith.constant 0 : i32
      %dma_wait3A_2379 = tpu.memref_slice %arg6[%mul3A_2373, %dma_wait3A_2378] : memref<16384x16xf32, #tpu.memory_space<hbm>> -> memref<512x16xf32, #tpu.memory_space<hbm>>
      tpu.wait_dma2 semaphore(%run_scoped3A : memref<!tpu.dma_semaphore, #tpu.memory_space<semaphore_mem>>) src(%arg12 : memref<512x16xf32, #tpu.memory_space<vmem>>) dst(%dma_wait3A_2379 : memref<512x16xf32, #tpu.memory_space<hbm>>)
      tpu.yield
    }) : () -> ()
    return
  }
}

</mosaic_0001>

<sc_bundles>
// kernel: kernel.3.cloned.1.call-start
scs
__scs_entry_jumppad:
0x0: {  	(pc) =	sbr.rel $0x88, $3  }
0x1: {  	(tag) =	ssettag $0x0;
	lr =	simm.s32 $0x1  }
0x2: {  	[smem:$0x3F9D] =	sst lr;
	_ =	strace $0xD0000000  }
0x3: {  	_ = 	snop  }
0x4: {  	_ = 	snop  }
0x5: {  	_ = 	snop  }
0x6: {  	_ = 	snop  }
0x7: {  	_ = 	snop  }
__scs_overlays_trampoline_lowered:
0x8: {  	[smem:$0x3FAC] =	sst s0  }
0x9: {  	[smem:$0x3FAD] =	sst s1  }
0xa: {  	[smem:$0x3FAE] =	sst s2  }
0xb: {  	[smem:$0x3FAF] =	sst s3  }
0xc: {  	[smem:$0x3FB0] =	sst s4  }
0xd: {  	[smem:$0x3FB1] =	sst s5  }
0xe: {  	[smem:$0x3FB2] =	sst s6  }
0xf: {  	[smem:$0x3FB3] =	sst s7  }
0x10: {  	[smem:$0x3FB4] =	sst s8  }
0x11: {  	[smem:$0x3FB5] =	sst s9;
	s0 =	simm.s32 @!p0 $0x0  }
0x12: {  	s1 =	sld [smem:$0x3F9B];
	s0 =	simm.s32 @p0 $0x1  }
0x13: {  	[smem:$0x3FB6] =	sst s0;
	s0 =	simm.s32 @!p1 $0x0  }
0x14: {  	s2 =	sld [smem:$0x3F9A];
	s0 =	simm.s32 @p1 $0x1  }
0x15: {  	[smem:$0x3FB7] =	sst s0;
	s0 =	simm.s32 @!p2 $0x0  }
0x16: {  	s3 =	sld [smem:$0x3FDB];
	s0 =	simm.s32 @p2 $0x1  }
0x17: {  	s4 =	simm.s32 $0x1BF5;
	[smem:$0x3FB9] =	sst s0  }
0x18: {  	s0 =	sld [smem:$0x3F9C];
	_ =	swait.ge [sflag:s4], $0x0  }
0x19: {  	s7 =	sld [smem:$0x3F9D]  }
0x1a: {  	s8 =	sadd.s32 $0xFFFFE003, lr  }
0x1b: {  	s9 =	sadd.s32 $0xFFFFFEF7, lr;
	s5 =	simm.s32 $0xFFFFFFFF;
	p2 =	slt.u32 s8, $0xFFFFF086  }
0x1c: {  	p1 =	slt.u32 s9, $0xF7A;
	s5 =	simm.s32 @!p2 $0x0  }
0x1d: {  	s5 =	simm.s32 @p1 $0x1;
	p0 =	seq.s32 s7, s2  }
0x1e: {  	s7 =	smul.u32 @!p0 $0xF7A, s2;
	p2 =	seq.s32 @!p0 s5, $0x0  }
0x1f: {  	s9 =	smul.u32 $0xF7A, s1;
	s8 =	simm.s32 @!p0 $0x1BF5;
	p2 =	por !p2, p0  }
0x20: {  	[sflag:s8] =	ssyncset.s32 @!p0 $0xFFFFF086;
	s6 =	sadd.s32 @!p0 s3, s7;
	s7 =	simm.s32 @!p0 $0x108  }
0x21: {  	s3 =	sadd.s32 s3, s9;
	s6 =	sadd.s32 @!p0 $0x88, s6;
	s7 =	simm.s32 @p2 $0x1082  }
0x22: {  	[simem:s7], [sflag:s8] =	dma.local @!p0 [hbm:s6], $0xF7A  }
0x23: {  	s9 =	sor.u32 $0xD0000000, s2;
	s6 =	simm.s32 $0x108;
	_ =	swait.ge @!p0 [sflag:s8], $0x0  }
0x24: {  	s3 =	sadd.s32 $0x88, s3;
	s6 =	simm.s32 @!p1 $0x1082;
	[sflag:s4] =	ssyncset.s32 $0xFFFFF086  }
0x25: {  	[simem:s6], [sflag:s4] =	dma.local [hbm:s3], $0xF7A  }
0x26: {  	[smem:$0x3F9D] =	sst s1;
	(tag) =	ssettag s2;
	_ =	strace s9  }
0x27: {  	s1 =	sld [smem:$0x3FAD]  }
0x28: {  	s2 =	sld [smem:$0x3FAE]  }
0x29: {  	s4 =	sld [smem:$0x3FB0]  }
0x2a: {  	p0 =	seq.s32 s5, $0x0;
	s5 =	sld [smem:$0x3FB1]  }
0x2b: {  	s6 =	sld [smem:$0x3FB2]  }
0x2c: {  	s7 =	sld [smem:$0x3FB3]  }
0x2d: {  	s3 =	simm.s32 $0x108;
	s8 =	sld [smem:$0x3FB4]  }
0x2e: {  	s3 =	simm.s32 @!p0 $0x1082;
	s9 =	sld [smem:$0x3FB5]  }
0x2f: {  	lr =	sadd.s32 s0, s3;
	s0 =	sld [smem:$0x3FAC]  }
0x30: {  	s3 =	sld [smem:$0x3FAF]  }
0x31: {  	[smem:$0x3FB8] =	sst s10  }
0x32: {  	s10 =	sld [smem:$0x3FB6];
	_ =	sdelay $0x3  }
0x33: {  	p0 =	seq.s32 s10, $0x1;
	s10 =	sld [smem:$0x3FB8];
	_ =	sdelay $0x3  }
0x34: {  	[smem:$0x3FB8] =	sst s10  }
0x35: {  	s10 =	sld [smem:$0x3FB7];
	_ =	sdelay $0x3  }
0x36: {  	p1 =	seq.s32 s10, $0x1;
	s10 =	sld [smem:$0x3FB8];
	_ =	sdelay $0x3  }
0x37: {  	[smem:$0x3FB8] =	sst s10  }
0x38: {  	s10 =	sld [smem:$0x3FB9]  }
0x39: {  	_ = 	snop;
	(pc) =	sbr.ind lr, $3  }
0x3a: {  	_ = 	snop  }
0x3b: {  	_ = 	snop  }
0x3c: {  	p2 =	seq.s32 s10, $0x1;
	s10 =	sld [smem:$0x3FB8]  }
0x3d: {  	_ =	shalt  }
0x3e: {  	_ =	shalt  }
0x3f: {  	_ =	shalt  }
0x40: {  	_ =	shalt  }
0x41: {  	_ =	shalt  }
0x42: {  	_ =	shalt  }
0x43: {  	_ =	shalt  }
0x44: {  	_ =	shalt  }
0x45: {  	_ =	shalt  }
0x46: {  	_ =	shalt  }
0x47: {  	_ =	shalt  }
0x48: {  	_ =	shalt  }
0x49: {  	_ =	shalt  }
0x4a: {  	_ =	shalt  }
0x4b: {  	_ =	shalt  }
0x4c: {  	_ =	shalt  }
0x4d: {  	_ =	shalt  }
0x4e: {  	_ =	shalt  }
0x4f: {  	_ =	shalt  }
0x50: {  	_ =	shalt  }
0x51: {  	_ =	shalt  }
0x52: {  	_ =	shalt  }
0x53: {  	_ =	shalt  }
0x54: {  	_ =	shalt  }
0x55: {  	_ =	shalt  }
0x56: {  	_ =	shalt  }
0x57: {  	_ =	shalt  }
0x58: {  	_ =	shalt  }
0x59: {  	_ =	shalt  }
0x5a: {  	_ =	shalt  }
0x5b: {  	_ =	shalt  }
0x5c: {  	_ =	shalt  }
0x5d: {  	_ =	shalt  }
0x5e: {  	_ =	shalt  }
0x5f: {  	_ =	shalt  }
0x60: {  	_ =	shalt  }
0x61: {  	_ =	shalt  }
0x62: {  	_ =	shalt  }
0x63: {  	_ =	shalt  }
0x64: {  	_ =	shalt  }
0x65: {  	_ =	shalt  }
0x66: {  	_ =	shalt  }
0x67: {  	_ =	shalt  }
0x68: {  	_ =	shalt  }
0x69: {  	_ =	shalt  }
0x6a: {  	_ =	shalt  }
0x6b: {  	_ =	shalt  }
0x6c: {  	_ =	shalt  }
0x6d: {  	_ =	shalt  }
0x6e: {  	_ =	shalt  }
0x6f: {  	_ =	shalt  }
0x70: {  	_ =	shalt  }
0x71: {  	_ =	shalt  }
0x72: {  	_ =	shalt  }
0x73: {  	_ =	shalt  }
0x74: {  	_ =	shalt  }
0x75: {  	_ =	shalt  }
0x76: {  	_ =	shalt  }
0x77: {  	_ =	shalt  }
0x78: {  	_ =	shalt  }
0x79: {  	_ =	shalt  }
0x7a: {  	_ =	shalt  }
0x7b: {  	_ =	shalt  }
0x7c: {  	_ =	shalt  }
0x7d: {  	_ =	shalt  }
0x7e: {  	_ =	shalt  }
0x7f: {  	_ =	shalt  }
0x80: {  	_ =	shalt  }
0x81: {  	_ =	shalt  }
0x82: {  	_ =	shalt  }
0x83: {  	_ =	shalt  }
0x84: {  	_ =	shalt  }
0x85: {  	_ =	shalt  }
0x86: {  	_ =	shalt  }
0x87: {  	_ =	shalt  }
.Lfunc_end0:
.L_simem_size_0:
called_computation_lowered:
.L_overlay_start_0:
0x88: {  	s2 =	sld [smem:$0x3FD9]  }
0x89: {  	s3 =	sld [smem:$0x3FFE];
	_ =	sdelay $0x1  }
0x8a: {  	s1 =	srdreg.scid  }
0x8b: {  	s0 =	sand.u32 $0x1, s1  }
0x8c: {  	s17 =	sshll.u32 s0, $0xA;
	s2 =	sadd.s32 s3, s2  }
0x8d: {  	s2 =	sadd.s32 s2, s17  }
0x8e: {  	[smem:$0x3FC4] =	sst s2  }
0x8f: {  	_ = 	snop  }
0x90: {  	s2 =	sld [smem:$0x3FC9]  }
0x91: {  	s18 =	sld [smem:$0x3FC6]  }
0x92: {  	s4 =	sld [smem:$0x3FD0];
	(tm) =	ssettm $0x1  }
0x93: {  	s5 =	sld [smem:$0x3FFB];
	_ =	sdelay $0x3  }
0x94: {  	_ =	strace s5  }
0x95: {  	s5 =	sld [smem:$0x3FFC];
	_ =	sdelay $0x3  }
0x96: {  	_ =	strace s5  }
0x97: {  	s5 =	sld [smem:$0x3FFD];
	_ =	sdelay $0x3  }
0x98: {  	_ =	strace s5  }
0x99: {  	_ =	strace $0x8FFFFFFF  }
0x9a: {  	s19 =	sld [smem:$0x3FDB];
	_ =	sdelay $0x1  }
0x9b: {  	s6 =	simm.s32 $_scs_section_size  }
0x9c: {  	s7 =	simm.s32 $_size__tile_overlayer_lowered;
	s8 =	simm.s32 $_tile_overlayer_lowered  }
0x9d: {  	s22 =	simm.s32 $0x1BFF;
	s21 =	sshll.u32 s8, $0x1;
	s5 =	sadd.s32 s6, s19  }
0x9e: {  	s9 =	simm.s32 $0x0;
	s20 =	sshll.u32 s7, $0x1;
	s7 =	sadd.s32 s21, s5  }
0x9f: {  	[timem:s9], [sflag:s22] =	dma.local [hbm:s7], s20  }
0xa0: {  	_ =	swait.ge [sflag:s22], s20  }
0xa1: {  	s6 =	ssub.s32 $0x0, s20;
	[sflag:s22] =	ssyncset.done $0x0  }
0xa2: {  	[sflag:s22] =	ssyncadd.s32 s6;
	_ =	sdelay $0x1  }
0xa3: {  	s23 =	simm.s32 $0x1B8B  }
0xa4: {  	_ =	swait.ge [sflag:s23], $0x1  }
0xa5: {  	[sflag:s23] =	ssyncset.done $0x0  }
0xa6: {  	s25 =	simm.s32 $0x1B8E;
	s24 =	sld [smem:$0x3FFE];
	[sflag:s23] =	ssyncadd.s32 $0xFFFFFFFF  }
0xa7: {  	s26 =	simm.s32 $execute0_lowered;
	[smem:$0x3FD2] =	sst s25  }
0xa8: {  	s7 =	sshll.u32 s26, $0x1;
	_ =	strace $0x80000046;
	[dreg:$0x1] =	wrdreg $0xFFFFFFFF  }
0xa9: {  	s28 =	simm.s32 $_size_execute0_lowered;
	s5 =	sadd.s32 s5, s7;
	[dreg:$0x0] =	wrdreg $0x0  }
0xaa: {  	s7 =	sshll.u32 s28, $0x1;
	[dreg:$0x2] =	wrdreg s5  }
0xab: {  	[dreg:$0x3] =	wrdreg s7  }
0xac: {  	[dreg:$0x4] =	wrdreg $0xC0  }
0xad: {  	_ =	task [dreg:s9], $0x5FFFF  }
0xae: {  	[dreg:$0x1] =	wrdreg $0xFFFFFFFF  }
0xaf: {  	[dreg:$0x0] =	wrdreg $0x60  }
0xb0: {  	[dreg:$0x2] =	wrdreg s4  }
0xb1: {  	[dreg:$0x3] =	wrdreg s24  }
0xb2: {  	[dreg:$0x4] =	wrdreg s18  }
0xb3: {  	[dreg:$0x5] =	wrdreg s2  }
0xb4: {  	[dreg:$0x6] =	wrdreg $0x9  }
0xb5: {  	_ =	task.clear_ibuf [dreg:s9], $0x7FFFF;
	_ =	strace $0x90000046  }
0xb6: {  	s29 =	simm.s32 $0x9;
	_ =	strace $0x80000048  }
0xb7: {  	_ =	swait.ge [sflag:s29], $0x1  }
0xb8: {  	[sflag:s29] =	ssyncadd.s32 $0xFFFFFFFF  }
0xb9: {  	_ =	strace $0x90000048  }
0xba: {  	_ =	sfence  }
0xbb: {  	s30 =	sld [smem:$0x0];
	_ =	sdelay $0x2  }
0xbc: {  	s31 =	sshll.u32 s1, $0xD;
	s1 =	sshrl.u32 s1, $0x2  }
0xbd: {  	s3 =	sand.u32 $0x4000, s31;
	s1 =	sadd.s32 s1, s30  }
0xbe: {  	s0 =	sor.u32 s3, s0;
	s1 =	sshll.u32 s1, $0x11  }
0xbf: {  	s0 =	sor.u32 s1, s0  }
0xc0: {  	s0 =	sadd.s32 $0x8F2B, s0  }
0xc1: {  	[sflag:s0] =	ssyncadd.remote.s32 $0x1  }
0xc2: {  	_ =	sfence.sel $0xFFFF  }
0xc3: {  	[dreg:$0x0] =	wrdreg $0xFFFFFFFF;
	(pc) =	sbr.abs _section_cstart, $3  }
0xc4: {  	[dreg:$0x1] =	wrdreg $0xFFFFFFFF  }
0xc5: {  	_ =	task.clear_ibuf [dreg:s9], $0x2FFFF;
	_ =	strace $0x9FFFFFFF  }
0xc6: {  	(tm) =	ssettm $0x7FFFFFFF  }
0xc7: {  	_ =	shalt  }
tec
execute0_lowered:
.L_overlay_start_1:
0x0: {  	(tag) =	ssettag $0x1  }
0x1: {  	v0 =	vimm.s32 $0x0;
	vm0 =	vmmov $0x1  }
0x2: {  	vm1 =	vmmov $0x3;
	vm2 =	vmmov $0x7;
	vm3 =	vmmov $0xf  }
0x3: {  	vm4 =	vmmov $0x1f;
	vm5 =	vmmov $0x3f;
	vm6 =	vmmov $0x7f  }
0x4: {  	vm7 =	vmmov $0xff;
	vm8 =	vmmov $0x1ff;
	vm9 =	vmmov $0x3ff  }
0x5: {  	vm10 =	vmmov $0x7ff;
	vm11 =	vmmov $0xfff;
	vm12 =	vmmov $0x1fff  }
0x6: {  	vm13 =	vmmov $0x3fff;
	vm14 =	vmmov $0x7fff;
	v1 =	vimm.s32 $0x1  }
0x7: {  	v2 =	vimm.s32 $0x2;
	v3 =	vimm.s32 $0x3;
	v4 =	vimm.s32 $0x4  }
0x8: {  	v5 =	vimm.s32 $0x5;
	v7 =	vimm.s32 $0xEFCDAB89;
	v8 =	vimm.s32 $0x67452301  }
0x9: {  	v6 =	vimm.s32 $0x6;
	v9 =	vimm.s32 $0x9;
	v10 =	vimm.s32 $0xA  }
0xa: {  	s0 =	rddreg [dreg:$0x0];
	v13 =	vimm.s32 $0xD;
	v17 =	vimm.s32 $0xBA98FEDC;
	v18 =	vimm.s32 $0x32107654  }
0xb: {  	s6 =	rddreg [dreg:$0x1];
	v19 =	vimm.s32 $0xFEDCBA98;
	v11 =	vunpack.c.l.s4.s8 v7;
	v12 =	vunpack.c.l.s4.s8 v8  }
0xc: {  	s1 =	rddreg [dreg:$0x2];
	v20 =	vimm.s32 $0x76543210;
	v7 =	vimm.s32 $0x7;
	v8 =	vimm.s32 $0x8  }
0xd: {  	s7 =	rddreg [dreg:$0x3];
	v17 =	vunpack.c.l.s4.s8 v17;
	v14 =	vunpack.c.0.s8.s32 v11;
	v15 =	vunpack.c.0.s8.s32 v12  }
0xe: {  	s2 =	rddreg [dreg:$0x4];
	s3 =	simm.s32 $0x0;
	s5 =	srdreg.scid;
	v18 =	vunpack.c.l.s4.s8 v18;
	v19 =	vunpack.c.l.s4.s8 v19;
	v20 =	vunpack.c.l.s4.s8 v20  }
0xf: {  	s4 =	stileid.u32;
	s12 =	simm.s32 $0x480;
	s13 =	simm.s32 $0x300;
	v16 =	vcombine.low v15, v14;
	v14 =	vimm.s32 $0xDCFE98BA;
	v15 =	vimm.s32 $0x54761032  }
0x10: {  	s14 =	simm.s32 $0x680;
	s15 =	simm.s32 $0x0;
	s8 =	sand.u32 $0x1, s5;
	v11 =	vimm.s32 $0xB;
	v14 =	vunpack.c.l.s4.s8 v14;
	v15 =	vunpack.c.l.s4.s8 v15  }
0x11: {  	[smem:$0x7FF] =	sst s3;
	s9 =	sshll.u32 s4, $0xA;
	s10 =	sshll.u32 s8, $0x9;
	v17 =	vunpack.c.0.s8.s32 v17;
	v18 =	vunpack.c.0.s8.s32 v18;
	v19 =	vunpack.c.0.s8.s32 v19  }
0x12: {  	s5 =	sadd.s32 $0x400, s6;
	s8 =	ssub.s32 $0x2, s8;
	s9 =	sor.u32 s10, s9;
	v20 =	vunpack.c.0.s8.s32 v20;
	v14 =	vunpack.c.0.s8.s32 v14;
	v15 =	vunpack.c.0.s8.s32 v15  }
0x13: {  	_ =	strace $0x80000047;
	v12 =	vimm.s32 $0xC;
	s11 =	sshrl.u32 s8, $0x1;
	s10 =	sshll.u32 s9, $0x4;
	v22 =	vcombine.low v18, v17;
	v17 =	vand.u32 $0xF, v19  }
0x14: {  	s9 =	sshrl.u32 s9, $0x3;
	s8 =	ssub.s32 s8, s11;
	s11 =	simm.s32 $0x280;
	v17 =	vcombine.low v17, v20;
	v20 =	vlaneseq.u32;
	v21 =	vcombine.low v15, v14  }
0x15: {  	s10 =	sadd.s32 s10, s6;
	s6 =	sadd.s32 s7, s9;
	s8 =	smax.u32 s8, $0x1;
	v16 =	vand.u32 $0xF, v16;
	v19 =	vand.u32 $0xF, v22;
	v20 =	vmul.u32 $0x80, v20  }
0x16: {  	s9 =	simm.s32 $0x1;
	s7 =	sadd.s32 $0x600, s10;
	s10 =	simm.s32 $0x180;
	v14 =	vimm.s32 $0xE;
	v15 =	vimm.s32 $0xF;
	v18 =	vand.u32 $0xF, v21  }
.LBB2_1:
0x17: {  	[tilespmem:s3], [sflag:$0x1] =	stream.linear.gather [hbm4b:s0+s3], $0x180, $0x38;
	[tilespmem:$0x10680] =	vst v63  }
0x18: {  	_ =	swait.ge [sflag:s9], $0x180  }
0x19: {  	[sflag:s9] =	ssyncset.done $0x0  }
0x1a: {  	[sflag:s9] =	ssyncadd.s32 $0xFFFFFE80  }
0x1b: {  	[tilespmem:s10], [sflag:$0x1] =	stream.linear.gather [hbm4b:s5+s3], $0x100, $0x38;
	[tilespmem:$0x10680] =	vst v63  }
0x1c: {  	_ =	swait.ge [sflag:s9], $0x100  }
0x1d: {  	[sflag:s9] =	ssyncset.done $0x0  }
0x1e: {  	[sflag:s9] =	ssyncadd.s32 $0xFFFFFF00  }
0x1f: {  	[tilespmem:s11], [sflag:$0x1] =	stream.linear.gather [hbm4b:s1+s3], $0x80, $0x38;
	[tilespmem:$0x10680] =	vst v63  }
0x20: {  	_ =	swait.ge [sflag:s9], $0x80  }
0x21: {  	[sflag:s9] =	ssyncset.done $0x0  }
0x22: {  	[sflag:s9] =	ssyncadd.s32 $0xFFFFFF80  }
0x23: {  	[tilespmem:s12], [sflag:$0x1] =	stream.linear.gather [hbm4b:s6+s3], $0x200, $0x38;
	[tilespmem:$0x10680] =	vst v63  }
0x24: {  	_ =	swait.ge [sflag:s9], $0x200  }
0x25: {  	[sflag:s9] =	ssyncset.done $0x0  }
0x26: {  	[sflag:s9] =	ssyncadd.s32 $0xFFFFFE00  }
0x27: {  	v34 =	vld [tilespmem:$0x180]  }
0x28: {  	v35 =	vld [tilespmem:$0x190]  }
0x29: {  	v49 =	vld [tilespmem:$0x1A0]  }
0x2a: {  	v48 =	vld [tilespmem:$0x1B0]  }
0x2b: {  	v47 =	vld [tilespmem:$0x1C0]  }
0x2c: {  	v36 =	vld [tilespmem:$0x240]  }
0x2d: {  	v46 =	vld [tilespmem:$0x1D0]  }
0x2e: {  	v38 =	vld [tilespmem:$0x250]  }
0x2f: {  	v45 =	vld [tilespmem:$0x1E0];
	v21 =	vperm.xlane v34, v0;
	v22 =	vperm.xlane v35, v0  }
0x30: {  	v44 =	vld [tilespmem:$0x1F0];
	v23 =	vperm.xlane v49, v0;
	v24 =	vperm.xlane v35, v1  }
0x31: {  	v43 =	vld [tilespmem:$0x200];
	v25 =	vperm.xlane v49, v1;
	v26 =	vperm.xlane v36, v0  }
0x32: {  	v42 =	vld [tilespmem:$0x210];
	v27 =	vperm.xlane v36, v1;
	v21 =	vsel vm0, v21, v22;
	v22 =	vperm.xlane v48, v0  }
0x33: {  	v37 =	vld [tilespmem:$0x260];
	v28 =	vperm.xlane v38, v2;
	v21 =	vsel vm1, v21, v23;
	v23 =	vperm.xlane v47, v0  }
0x34: {  	v41 =	vld [tilespmem:$0x220];
	v29 =	vperm.xlane v36, v3;
	v21 =	vsel vm2, v21, v22;
	v22 =	vperm.xlane v46, v0  }
0x35: {  	v30 =	vperm.xlane v36, v4;
	v21 =	vsel vm3, v21, v23;
	v23 =	vperm.xlane v45, v0  }
0x36: {  	v39 =	vld [tilespmem:$0x230];
	v31 =	vperm.xlane v38, v5;
	v21 =	vsel vm4, v21, v22;
	v22 =	vperm.xlane v44, v0  }
0x37: {  	v32 =	vperm.xlane v36, v6;
	v21 =	vsel vm5, v21, v23;
	v23 =	vperm.xlane v43, v0  }
0x38: {  	v61 =	vperm.xlane v37, v6;
	v21 =	vsel vm6, v21, v22;
	v22 =	vperm.xlane v42, v0  }
0x39: {  	v62 =	vperm.xlane v35, v8;
	v21 =	vsel vm7, v21, v23;
	v23 =	vperm.xlane v41, v0  }
0x3a: {  	v63 =	vperm.xlane v48, v8;
	v21 =	vsel vm8, v21, v22;
	v22 =	vperm.xlane v34, v1  }
0x3b: {  	v33 =	vperm.xlane v36, v7;
	v21 =	vsel vm9, v21, v23;
	v23 =	vperm.xlane v39, v0  }
0x3c: {  	v50 =	vperm.xlane v38, v7;
	v22 =	vsel vm0, v22, v24;
	v24 =	vperm.xlane v48, v1  }
0x3d: {  	v40 =	vld [tilespmem:$0x270];
	v21 =	vsel vm10, v21, v23;
	v22 =	vsel vm1, v22, v25;
	v23 =	vperm.xlane v47, v1  }
0x3e: {  	v25 =	vperm.xlane v38, v0;
	v22 =	vsel vm2, v22, v24;
	v24 =	vperm.xlane v46, v1  }
0x3f: {  	v21 =	vsel vm11, v21, v26;
	v22 =	vsel vm3, v22, v23;
	v23 =	vperm.xlane v45, v1  }
0x40: {  	v26 =	vperm.xlane v37, v0;
	v22 =	vsel vm4, v22, v24;
	v24 =	vperm.xlane v44, v1  }
0x41: {  	v21 =	vsel vm12, v21, v25;
	v22 =	vsel vm5, v22, v23;
	v23 =	vperm.xlane v43, v1  }
0x42: {  	v25 =	vperm.xlane v40, v0;
	v22 =	vsel vm6, v22, v24;
	v24 =	vperm.xlane v42, v1  }
0x43: {  	v21 =	vsel vm13, v21, v26;
	v22 =	vsel vm7, v22, v23;
	v23 =	vperm.xlane v41, v1  }
0x44: {  	v26 =	vperm.xlane v35, v2;
	v22 =	vsel vm8, v22, v24;
	v24 =	vperm.xlane v34, v2  }
0x45: {  	v21 =	vsel vm14, v21, v25;
	v22 =	vsel vm9, v22, v23;
	v23 =	vperm.xlane v49, v2  }
0x46: {  	v25 =	vperm.xlane v39, v1;
	v24 =	vsel vm0, v24, v26;
	v26 =	vperm.xlane v48, v2  }
0x47: {  	v51 =	vperm.xlane v37, v7;
	v23 =	vsel vm1, v24, v23;
	v24 =	vperm.xlane v47, v2  }
0x48: {  	v22 =	vsel vm10, v22, v25;
	v25 =	vperm.xlane v46, v2;
	v23 =	vsel vm2, v23, v26  }
0x49: {  	v22 =	vsel vm11, v22, v27;
	v23 =	vsel vm3, v23, v24;
	v24 =	vperm.xlane v45, v2  }
0x4a: {  	v26 =	vperm.xlane v38, v1;
	v23 =	vsel vm4, v23, v25;
	v25 =	vperm.xlane v44, v2  }
0x4b: {  	v27 =	vperm.xlane v37, v1;
	v23 =	vsel vm5, v23, v24;
	v24 =	vperm.xlane v43, v2  }
0x4c: {  	v22 =	vsel vm12, v22, v26;
	v23 =	vsel vm6, v23, v25;
	v25 =	vperm.xlane v42, v2  }
0x4d: {  	v26 =	vperm.xlane v40, v1;
	v23 =	vsel vm7, v23, v24;
	v24 =	vperm.xlane v41, v2  }
0x4e: {  	v22 =	vsel vm13, v22, v27;
	v23 =	vsel vm8, v23, v25;
	v25 =	vperm.xlane v39, v2  }
0x4f: {  	v27 =	vperm.xlane v35, v3;
	v23 =	vsel vm9, v23, v24;
	v24 =	vperm.xlane v34, v3  }
0x50: {  	v22 =	vsel vm14, v22, v26;
	v23 =	vsel vm10, v23, v25;
	v25 =	vperm.xlane v49, v3  }
0x51: {  	v26 =	vperm.xlane v36, v2;
	v24 =	vsel vm0, v24, v27;
	v27 =	vperm.xlane v48, v3  }
0x52: {  	v52 =	vperm.xlane v40, v7;
	v24 =	vsel vm1, v24, v25;
	v25 =	vperm.xlane v47, v3  }
0x53: {  	v23 =	vsel vm11, v23, v26;
	v26 =	vperm.xlane v46, v3;
	v24 =	vsel vm2, v24, v27  }
0x54: {  	v23 =	vsel vm12, v23, v28;
	v24 =	vsel vm3, v24, v25;
	v25 =	vperm.xlane v45, v3  }
0x55: {  	v27 =	vperm.xlane v37, v2;
	v24 =	vsel vm4, v24, v26;
	v26 =	vperm.xlane v44, v3  }
0x56: {  	v28 =	vperm.xlane v40, v2;
	v24 =	vsel vm5, v24, v25;
	v25 =	vperm.xlane v43, v3  }
0x57: {  	v23 =	vsel vm13, v23, v27;
	v24 =	vsel vm6, v24, v26;
	v26 =	vperm.xlane v42, v3  }
0x58: {  	v27 =	vperm.xlane v35, v4;
	v24 =	vsel vm7, v24, v25;
	v25 =	vperm.xlane v41, v3  }
0x59: {  	v23 =	vsel vm14, v23, v28;
	v24 =	vsel vm8, v24, v26;
	v26 =	vperm.xlane v34, v4  }
0x5a: {  	v28 =	vperm.xlane v49, v4;
	v24 =	vsel vm9, v24, v25;
	v25 =	vperm.xlane v39, v3  }
0x5b: {  	v53 =	vperm.xlane v35, v9;
	v26 =	vsel vm0, v26, v27;
	v27 =	vperm.xlane v48, v4  }
0x5c: {  	v24 =	vsel vm10, v24, v25;
	v25 =	vsel vm1, v26, v28;
	v26 =	vperm.xlane v47, v4  }
0x5d: {  	v28 =	vperm.xlane v38, v3;
	v25 =	vsel vm2, v25, v27;
	v27 =	vperm.xlane v46, v4  }
0x5e: {  	v24 =	vsel vm11, v24, v29;
	v25 =	vsel vm3, v25, v26;
	v26 =	vperm.xlane v45, v4  }
0x5f: {  	v29 =	vperm.xlane v37, v3;
	v25 =	vsel vm4, v25, v27;
	v27 =	vperm.xlane v44, v4  }
0x60: {  	v24 =	vsel vm12, v24, v28;
	v25 =	vsel vm5, v25, v26;
	v26 =	vperm.xlane v43, v4  }
0x61: {  	v28 =	vperm.xlane v40, v3;
	v25 =	vsel vm6, v25, v27;
	v27 =	vperm.xlane v42, v4  }
0x62: {  	v24 =	vsel vm13, v24, v29;
	v25 =	vsel vm7, v25, v26;
	v26 =	vperm.xlane v41, v4  }
0x63: {  	v29 =	vperm.xlane v35, v5;
	v25 =	vsel vm8, v25, v27;
	v27 =	vperm.xlane v34, v5  }
0x64: {  	v24 =	vsel vm14, v24, v28;
	v25 =	vsel vm9, v25, v26;
	v26 =	vperm.xlane v49, v5  }
0x65: {  	v28 =	vperm.xlane v39, v4;
	v27 =	vsel vm0, v27, v29;
	v29 =	vperm.xlane v48, v5  }
0x66: {  	v54 =	vperm.xlane v36, v8;
	v26 =	vsel vm1, v27, v26;
	v27 =	vperm.xlane v47, v5  }
0x67: {  	v25 =	vsel vm10, v25, v28;
	v28 =	vperm.xlane v46, v5;
	v26 =	vsel vm2, v26, v29  }
0x68: {  	v25 =	vsel vm11, v25, v30;
	v26 =	vsel vm3, v26, v27;
	v27 =	vperm.xlane v45, v5  }
0x69: {  	v29 =	vperm.xlane v38, v4;
	v26 =	vsel vm4, v26, v28;
	v28 =	vperm.xlane v44, v5  }
0x6a: {  	v30 =	vperm.xlane v37, v4;
	v26 =	vsel vm5, v26, v27;
	v27 =	vperm.xlane v43, v5  }
0x6b: {  	v25 =	vsel vm12, v25, v29;
	v26 =	vsel vm6, v26, v28;
	v28 =	vperm.xlane v42, v5  }
0x6c: {  	v29 =	vperm.xlane v40, v4;
	v26 =	vsel vm7, v26, v27;
	v27 =	vperm.xlane v41, v5  }
0x6d: {  	v25 =	vsel vm13, v25, v30;
	v26 =	vsel vm8, v26, v28;
	v28 =	vperm.xlane v39, v5  }
0x6e: {  	v30 =	vperm.xlane v35, v6;
	v26 =	vsel vm9, v26, v27;
	v27 =	vperm.xlane v34, v6  }
0x6f: {  	v25 =	vsel vm14, v25, v29;
	v26 =	vsel vm10, v26, v28;
	v28 =	vperm.xlane v49, v6  }
0x70: {  	v29 =	vperm.xlane v36, v5;
	v27 =	vsel vm0, v27, v30;
	v30 =	vperm.xlane v48, v6  }
0x71: {  	v55 =	vperm.xlane v48, v9;
	v27 =	vsel vm1, v27, v28;
	v28 =	vperm.xlane v47, v6  }
0x72: {  	v26 =	vsel vm11, v26, v29;
	v29 =	vperm.xlane v46, v6;
	v27 =	vsel vm2, v27, v30  }
0x73: {  	v26 =	vsel vm12, v26, v31;
	v27 =	vsel vm3, v27, v28;
	v28 =	vperm.xlane v45, v6  }
0x74: {  	v30 =	vperm.xlane v37, v5;
	v27 =	vsel vm4, v27, v29;
	v29 =	vperm.xlane v44, v6  }
0x75: {  	v31 =	vperm.xlane v40, v5;
	v27 =	vsel vm5, v27, v28;
	v28 =	vperm.xlane v43, v6  }
0x76: {  	v26 =	vsel vm13, v26, v30;
	v27 =	vsel vm6, v27, v29;
	v29 =	vperm.xlane v42, v6  }
0x77: {  	v30 =	vperm.xlane v35, v7;
	v27 =	vsel vm7, v27, v28;
	v28 =	vperm.xlane v41, v6  }
0x78: {  	v26 =	vsel vm14, v26, v31;
	v27 =	vsel vm8, v27, v29;
	v29 =	vperm.xlane v34, v7  }
0x79: {  	v31 =	vperm.xlane v49, v7;
	v27 =	vsel vm9, v27, v28;
	v28 =	vperm.xlane v39, v6  }
0x7a: {  	v56 =	vperm.xlane v46, v9;
	v29 =	vsel vm0, v29, v30;
	v30 =	vperm.xlane v48, v7  }
0x7b: {  	v27 =	vsel vm10, v27, v28;
	v28 =	vsel vm1, v29, v31;
	v29 =	vperm.xlane v47, v7  }
0x7c: {  	v57 =	vperm.xlane v37, v8;
	v28 =	vsel vm2, v28, v30;
	v30 =	vperm.xlane v46, v7  }
0x7d: {  	v58 =	vperm.xlane v44, v9;
	v28 =	vsel vm3, v28, v29;
	v29 =	vperm.xlane v45, v7  }
0x7e: {  	v59 =	vperm.xlane v40, v8;
	v28 =	vsel vm4, v28, v30;
	v30 =	vperm.xlane v44, v7  }
0x7f: {  	v31 =	vperm.xlane v38, v6;
	v28 =	vsel vm5, v28, v29;
	v29 =	vperm.xlane v43, v7  }
0x80: {  	v27 =	vsel vm11, v27, v32;
	v28 =	vsel vm6, v28, v30;
	v30 =	vperm.xlane v42, v7  }
0x81: {  	v27 =	vsel vm12, v27, v31;
	v28 =	vsel vm7, v28, v29;
	v29 =	vperm.xlane v41, v7  }
0x82: {  	v31 =	vperm.xlane v40, v6;
	v28 =	vsel vm8, v28, v30;
	v30 =	vperm.xlane v34, v8  }
0x83: {  	v27 =	vsel vm13, v27, v61;
	v28 =	vsel vm9, v28, v29;
	v29 =	vperm.xlane v49, v8  }
0x84: {  	v27 =	vsel vm14, v27, v31;
	v31 =	vperm.xlane v39, v7;
	v30 =	vsel vm0, v30, v62  }
0x85: {  	v60 =	vperm.xlane v42, v9;
	v29 =	vsel vm1, v30, v29;
	v30 =	vperm.xlane v47, v8  }
0x86: {  	v28 =	vsel vm10, v28, v31;
	v31 =	vperm.xlane v46, v8;
	v29 =	vsel vm2, v29, v63  }
0x87: {  	v61 =	vperm.xlane v34, v10;
	v29 =	vsel vm3, v29, v30;
	v30 =	vperm.xlane v45, v8  }
0x88: {  	v62 =	vperm.xlane v35, v10;
	v29 =	vsel vm4, v29, v31;
	v31 =	vperm.xlane v44, v8  }
0x89: {  	v28 =	vsel vm11, v28, v33;
	v29 =	vsel vm5, v29, v30;
	v30 =	vperm.xlane v43, v8  }
0x8a: {  	v28 =	vsel vm12, v28, v50;
	v29 =	vsel vm6, v29, v31;
	v31 =	vperm.xlane v42, v8  }
0x8b: {  	v50 =	vperm.xlane v38, v8;
	v29 =	vsel vm7, v29, v30;
	v30 =	vperm.xlane v41, v8  }
0x8c: {  	v63 =	vperm.xlane v49, v10;
	v29 =	vsel vm8, v29, v31;
	v31 =	vperm.xlane v39, v8  }
0x8d: {  	v32 =	vsel vm0, v61, v62;
	v29 =	vsel vm9, v29, v30;
	v30 =	vperm.xlane v34, v9  }
0x8e: {  	v61 =	vperm.xlane v42, v10;
	v29 =	vsel vm10, v29, v31;
	v31 =	vperm.xlane v49, v9  }
0x8f: {  	v62 =	vperm.xlane v40, v9;
	v28 =	vsel vm13, v28, v51;
	v30 =	vsel vm0, v30, v53  }
0x90: {  	v51 =	vperm.xlane v36, v9;
	v30 =	vsel vm1, v30, v31;
	v31 =	vperm.xlane v47, v9  }
0x91: {  	v28 =	vsel vm14, v28, v52;
	v52 =	vperm.xlane v36, v10;
	v30 =	vsel vm2, v30, v55  }
0x92: {  	v29 =	vsel vm11, v29, v54;
	v30 =	vsel vm3, v30, v31;
	v31 =	vperm.xlane v45, v9  }
0x93: {  	v53 =	vperm.xlane v48, v10;
	v54 =	vperm.xlane v47, v10;
	v30 =	vsel vm4, v30, v56  }
0x94: {  	v29 =	vsel vm12, v29, v50;
	v30 =	vsel vm5, v30, v31;
	v31 =	vperm.xlane v43, v9  }
0x95: {  	v29 =	vsel vm13, v29, v57;
	v55 =	vperm.xlane v46, v10;
	v30 =	vsel vm6, v30, v58  }
0x96: {  	v57 =	vperm.xlane v45, v10;
	v30 =	vsel vm7, v30, v31;
	v31 =	vperm.xlane v41, v9  }
0x97: {  	v29 =	vsel vm14, v29, v59;
	v59 =	vperm.xlane v44, v10;
	v30 =	vsel vm8, v30, v60  }
0x98: {  	v56 =	vperm.xlane v38, v9;
	v30 =	vsel vm9, v30, v31;
	v31 =	vperm.xlane v39, v9  }
0x99: {  	v58 =	vperm.xlane v37, v9;
	v60 =	vperm.xlane v43, v10  }
0x9a: {  	v30 =	vsel vm10, v30, v31;
	v31 =	vsel vm1, v32, v63;
	v63 =	vperm.xlane v41, v10  }
0x9b: {  	v30 =	vsel vm11, v30, v51;
	v31 =	vsel vm2, v31, v53;
	v53 =	vperm.xlane v38, v11  }
0x9c: {  	v31 =	vsel vm3, v31, v54;
	v30 =	vsel vm12, v30, v56;
	v54 =	vperm.xlane v34, v11  }
0x9d: {  	v56 =	vperm.xlane v49, v11;
	v31 =	vsel vm4, v31, v55;
	v30 =	vsel vm13, v30, v58  }
0x9e: {  	v55 =	vperm.xlane v35, v11;
	v58 =	vperm.xlane v48, v11;
	v31 =	vsel vm5, v31, v57  }
0x9f: {  	v30 =	vsel vm14, v30, v62;
	v57 =	vperm.xlane v39, v10;
	v62 =	vperm.xlane v38, v10  }
0xa0: {  	v31 =	vsel vm6, v31, v59;
	v33 =	vsel vm0, v54, v55;
	v59 =	vperm.xlane v47, v11  }
0xa1: {  	v54 =	vperm.xlane v36, v12;
	v55 =	vperm.xlane v35, v14;
	v31 =	vsel vm7, v31, v60  }
0xa2: {  	v32 =	vsel vm1, v33, v56;
	v60 =	vperm.xlane v46, v11;
	v56 =	vperm.xlane v37, v10  }
0xa3: {  	v31 =	vsel vm8, v31, v61;
	v32 =	vsel vm2, v32, v58;
	v61 =	vperm.xlane v45, v11  }
0xa4: {  	v58 =	vperm.xlane v42, v11;
	v31 =	vsel vm9, v31, v63;
	v32 =	vsel vm3, v32, v59  }
0xa5: {  	v63 =	vperm.xlane v44, v11;
	v59 =	vperm.xlane v41, v11;
	v31 =	vsel vm10, v31, v57  }
0xa6: {  	v32 =	vsel vm4, v32, v60;
	v57 =	vperm.xlane v43, v11;
	v60 =	vperm.xlane v40, v10  }
0xa7: {  	v31 =	vsel vm11, v31, v52;
	v32 =	vsel vm5, v32, v61;
	v61 =	vperm.xlane v39, v11  }
0xa8: {  	v31 =	vsel vm12, v31, v62;
	v32 =	vsel vm6, v32, v63;
	v62 =	vperm.xlane v34, v12  }
0xa9: {  	v63 =	vperm.xlane v35, v12;
	v31 =	vsel vm13, v31, v56;
	v32 =	vsel vm7, v32, v57  }
0xaa: {  	v56 =	vperm.xlane v49, v12;
	v57 =	vperm.xlane v36, v11;
	v32 =	vsel vm8, v32, v58  }
0xab: {  	v31 =	vsel vm14, v31, v60;
	v58 =	vperm.xlane v48, v12;
	v60 =	vperm.xlane v46, v12  }
0xac: {  	v33 =	vsel vm0, v62, v63;
	v62 =	vperm.xlane v37, v11;
	v63 =	vperm.xlane v44, v12  }
0xad: {  	v32 =	vsel vm9, v32, v59;
	v33 =	vsel vm1, v33, v56;
	v59 =	vperm.xlane v47, v12  }
0xae: {  	v56 =	vperm.xlane v40, v11;
	v32 =	vsel vm10, v32, v61;
	v33 =	vsel vm2, v33, v58  }
0xaf: {  	v61 =	vperm.xlane v45, v12;
	v58 =	vperm.xlane v42, v12;
	v32 =	vsel vm11, v32, v57  }
0xb0: {  	v33 =	vsel vm3, v33, v59;
	v57 =	vperm.xlane v43, v12;
	v59 =	vperm.xlane v41, v12  }
0xb1: {  	v32 =	vsel vm12, v32, v53;
	v33 =	vsel vm4, v33, v60;
	v60 =	vperm.xlane v34, v13  }
0xb2: {  	v33 =	vsel vm5, v33, v61;
	v32 =	vsel vm13, v32, v62;
	v61 =	vperm.xlane v35, v13  }
0xb3: {  	v62 =	vperm.xlane v39, v12;
	v33 =	vsel vm6, v33, v63;
	v32 =	vsel vm14, v32, v56  }
0xb4: {  	v63 =	vperm.xlane v49, v13;
	v33 =	vsel vm7, v33, v57;
	v57 =	vperm.xlane v48, v13  }
0xb5: {  	v51 =	vsel vm0, v60, v61;
	v60 =	vperm.xlane v46, v13;
	v61 =	vperm.xlane v38, v12  }
0xb6: {  	v33 =	vsel vm8, v33, v58;
	v58 =	vsel vm1, v51, v63;
	v63 =	vperm.xlane v37, v12  }
0xb7: {  	v33 =	vsel vm9, v33, v59;
	v59 =	vperm.xlane v47, v13;
	v50 =	vsel vm2, v58, v57  }
0xb8: {  	v57 =	vperm.xlane v44, v13;
	v58 =	vperm.xlane v43, v13;
	v33 =	vsel vm10, v33, v62  }
0xb9: {  	v62 =	vperm.xlane v45, v13;
	v33 =	vsel vm11, v33, v54;
	v50 =	vsel vm3, v50, v59  }
0xba: {  	s16 =	simm.s32 $0x10;
	v59 =	vperm.xlane v42, v13;
	v54 =	vperm.xlane v40, v13;
	v50 =	vsel vm4, v50, v60  }
0xbb: {  	v56 =	vld [tilespmem:s16+$0x0];
	v33 =	vsel vm12, v33, v61;
	v60 =	vperm.xlane v40, v12;
	v61 =	vperm.xlane v41, v13  }
0xbc: {  	v50 =	vsel vm5, v50, v62;
	v33 =	vsel vm13, v33, v63;
	v62 =	vperm.xlane v39, v13  }
0xbd: {  	v63 =	vperm.xlane v36, v13;
	v50 =	vsel vm6, v50, v57;
	v57 =	vperm.xlane v34, v14  }
0xbe: {  	v33 =	vsel vm14, v33, v60;
	v60 =	vperm.xlane v38, v13;
	v50 =	vsel vm7, v50, v58  }
0xbf: {  	v58 =	vperm.xlane v49, v14;
	v49 =	vperm.xlane v49, v15;
	v50 =	vsel vm8, v50, v59  }
0xc0: {  	v51 =	vsel vm0, v57, v55;
	v59 =	vperm.xlane v48, v14;
	v57 =	vperm.xlane v56, v0  }
0xc1: {  	v48 =	vperm.xlane v48, v15;
	v55 =	vperm.xlane v56, v6;
	v50 =	vsel vm9, v50, v61  }
0xc2: {  	v51 =	vsel vm1, v51, v58;
	v61 =	vperm.xlane v47, v14;
	v58 =	vperm.xlane v56, v1  }
0xc3: {  	v47 =	vperm.xlane v47, v15;
	v50 =	vsel vm10, v50, v62;
	v62 =	vperm.xlane v37, v13  }
0xc4: {  	v51 =	vsel vm2, v51, v59;
	v57 =	vmul.f32 v57, v21;
	v59 =	vperm.xlane v41, v14  }
0xc5: {  	v41 =	vperm.xlane v41, v15;
	v50 =	vsel vm11, v50, v63;
	v63 =	vperm.xlane v46, v14  }
0xc6: {  	v51 =	vsel vm3, v51, v61;
	v61 =	vperm.xlane v44, v14;
	v53 =	vmul.f32 v58, v22  }
0xc7: {  	v46 =	vperm.xlane v46, v15;
	v44 =	vperm.xlane v44, v15  }
0xc8: {  	v50 =	vsel vm12, v50, v60;
	v60 =	vperm.xlane v45, v14;
	v45 =	vperm.xlane v45, v15  }
0xc9: {  	v50 =	vsel vm13, v50, v62;
	v51 =	vsel vm4, v51, v63;
	v62 =	vperm.xlane v43, v14  }
0xca: {  	v63 =	vperm.xlane v42, v14;
	v51 =	vsel vm5, v51, v60;
	v60 =	vperm.xlane v34, v15;
	v34 =	vld [tilespmem:$0x280]  }
0xcb: {  	v43 =	vperm.xlane v43, v15;
	v51 =	vsel vm6, v51, v61;
	v61 =	vperm.xlane v35, v15  }
0xcc: {  	v42 =	vperm.xlane v42, v15;
	v35 =	vsel vm14, v50, v54;
	v51 =	vsel vm7, v51, v62  }
0xcd: {  	v62 =	vsel vm8, v51, v63;
	v63 =	vsel vm0, v60, v61;
	v60 =	vperm.xlane v56, v2  }
0xce: {  	v49 =	vsel vm1, v63, v49;
	v50 =	vsel vm9, v62, v59;
	v62 =	vperm.xlane v56, v3  }
0xcf: {  	v63 =	vperm.xlane v39, v14;
	v59 =	vperm.xlane v56, v4;
	v52 =	vadd.f32 v57, v34  }
0xd0: {  	v39 =	vperm.xlane v39, v15;
	v48 =	vsel vm2, v49, v48;
	v51 =	vmul.f32 v60, v23  }
0xd1: {  	v49 =	vperm.xlane v56, v12;
	v47 =	vsel vm3, v48, v47;
	v61 =	vadd.f32 v53, v52  }
0xd2: {  	v58 =	vmul.f32 v62, v24;
	v50 =	vsel vm10, v50, v63;
	v62 =	vperm.xlane v56, v5  }
0xd3: {  	v63 =	vperm.xlane v36, v14;
	v46 =	vsel vm4, v47, v46;
	v57 =	vadd.f32 v51, v61  }
0xd4: {  	v36 =	vperm.xlane v36, v15;
	v45 =	vsel vm5, v46, v45;
	v54 =	vmul.f32 v62, v26  }
0xd5: {  	v61 =	vmul.f32 v59, v25;
	v44 =	vsel vm6, v45, v44;
	v60 =	vadd.f32 v58, v57  }
0xd6: {  	v59 =	vmul.f32 v55, v27;
	v55 =	vperm.xlane v37, v14;
	v43 =	vsel vm7, v44, v43  }
0xd7: {  	v37 =	vperm.xlane v37, v15;
	v42 =	vsel vm8, v43, v42;
	v53 =	vadd.f32 v61, v60  }
0xd8: {  	v57 =	vsel vm11, v50, v63;
	v41 =	vsel vm9, v42, v41;
	v60 =	vperm.xlane v56, v7  }
0xd9: {  	v61 =	vperm.xlane v38, v14;
	v39 =	vsel vm10, v41, v39;
	v58 =	vadd.f32 v54, v53  }
0xda: {  	v50 =	vperm.xlane v56, v8;
	v41 =	vld [tilespmem:s16+$0xFFFFFFF0];
	v38 =	vperm.xlane v38, v15;
	v39 =	vsel vm11, v39, v36  }
0xdb: {  	v63 =	vmul.f32 v60, v28;
	v51 =	vsel vm12, v57, v61;
	v62 =	vadd.f32 v59, v58  }
0xdc: {  	v53 =	vmul.f32 v50, v29;
	v54 =	vperm.xlane v56, v9;
	v60 =	vsel vm13, v51, v55  }
0xdd: {  	v51 =	vmul.f32 v49, v33;
	v59 =	vperm.xlane v56, v10;
	v52 =	vadd.f32 v63, v62  }
0xde: {  	v38 =	vsel vm12, v39, v38;
	v58 =	vmul.f32 v54, v30;
	v62 =	vperm.xlane v56, v11  }
0xdf: {  	v54 =	vperm.xlane v41, v0;
	v61 =	vmul.f32 v59, v31;
	v57 =	vadd.f32 v53, v52  }
0xe0: {  	v37 =	vsel vm13, v38, v37;
	v63 =	vperm.xlane v40, v14;
	v48 =	vmul.f32 v62, v32  }
0xe1: {  	v52 =	vperm.xlane v56, v13;
	v53 =	vperm.xlane v40, v15;
	v42 =	vadd.f32 v58, v57  }
0xe2: {  	v36 =	vsel vm14, v60, v63;
	v40 =	vmul.f32 v54, v21;
	v60 =	vperm.xlane v56, v15  }
0xe3: {  	v55 =	vmul.f32 v52, v35;
	v57 =	vperm.xlane v56, v14;
	v42 =	vadd.f32 v61, v42  }
0xe4: {  	s28 =	simm.s32 $0x30;
	v37 =	vsel vm14, v37, v53;
	v58 =	vperm.xlane v41, v1;
	v52 =	vperm.xlane v41, v5  }
0xe5: {  	v45 =	vld [tilespmem:s28+$0x0];
	v62 =	vmul.f32 v60, v37;
	v60 =	vperm.xlane v41, v8;
	v50 =	vadd.f32 v48, v42  }
0xe6: {  	v40 =	vadd.f32 v40, v34;
	v38 =	vmul.f32 v58, v22;
	v61 =	vperm.xlane v41, v2  }
0xe7: {  	v59 =	vmul.f32 v57, v36;
	v57 =	vperm.xlane v41, v6;
	v39 =	vadd.f32 v51, v50  }
0xe8: {  	v40 =	vadd.f32 v38, v40;
	v63 =	vmul.f32 v61, v23;
	v48 =	vperm.xlane v41, v3  }
0xe9: {  	v58 =	vperm.xlane v41, v7;
	v44 =	vmul.f32 v60, v29;
	v39 =	vadd.f32 v55, v39  }
0xea: {  	v60 =	vperm.xlane v45, v3;
	v49 =	vadd.f32 v63, v40;
	v50 =	vmul.f32 v48, v24  }
0xeb: {  	v51 =	vperm.xlane v41, v4;
	v40 =	vmul.f32 v57, v27;
	v39 =	vadd.f32 v59, v39  }
0xec: {  	v63 =	vperm.xlane v45, v0;
	v57 =	vperm.xlane v41, v11  }
0xed: {  	v55 =	vmul.f32 v52, v26;
	v52 =	vperm.xlane v41, v10;
	v38 =	vadd.f32 v62, v39  }
0xee: {  	v54 =	vmul.f32 v51, v25;
	v59 =	vmul.f32 v58, v28;
	v39 =	vadd.f32 v50, v49  }
0xef: {  	v48 =	vmul.f32 v52, v31;
	v53 =	vmul.f32 v38, v38  }
0xf0: {  	v52 =	vperm.xlane v45, v4;
	v62 =	vperm.xlane v41, v9;
	v39 =	vadd.f32 v54, v39  }
0xf1: {  	v54 =	vperm.xlane v45, v1;
	v56 =	vperm.xlane v53, v16  }
0xf2: {  	v50 =	vmul.f32 v57, v32;
	v57 =	vperm.xlane v41, v13;
	v39 =	vadd.f32 v55, v39  }
0xf3: {  	v47 =	vmul.f32 v54, v22;
	v43 =	vadd.f32 v53, v56;
	v53 =	vmul.f32 v63, v21  }
0xf4: {  	v39 =	vadd.f32 v40, v39;
	v40 =	vmul.f32 v62, v30;
	v56 =	vperm.xlane v45, v2  }
0xf5: {  	v63 =	vmul.f32 v60, v24;
	v61 =	vperm.xlane v43, v18  }
0xf6: {  	v60 =	vperm.xlane v41, v14;
	v39 =	vadd.f32 v59, v39;
	v46 =	vadd.f32 v53, v34  }
0xf7: {  	v59 =	vmul.f32 v56, v23;
	v56 =	vperm.xlane v45, v5;
	v43 =	vadd.f32 v43, v61  }
0xf8: {  	v58 =	vadd.f32 v47, v46;
	v61 =	vperm.xlane v41, v12;
	v47 =	vmul.f32 v57, v35  }
0xf9: {  	v41 =	vperm.xlane v41, v15;
	v55 =	vperm.xlane v43, v19  }
0xfa: {  	v39 =	vadd.f32 v44, v39;
	v57 =	vperm.xlane v45, v9;
	v44 =	vmul.f32 v61, v33  }
0xfb: {  	v41 =	vmul.f32 v41, v37;
	v42 =	vadd.f32 v43, v55;
	v43 =	vadd.f32 v59, v58  }
0xfc: {  	v39 =	vadd.f32 v40, v39;
	v55 =	vmul.f32 v52, v25;
	v58 =	vmul.f32 v56, v26;
	v52 =	vld [tilespmem:s28+$0xFFFFFFF0]  }
0xfd: {  	v59 =	vperm.xlane v45, v6;
	v62 =	vperm.xlane v42, v17;
	v54 =	vadd.f32 v63, v43  }
0xfe: {  	v39 =	vadd.f32 v48, v39;
	v48 =	vmul.f32 v60, v36;
	v63 =	vperm.xlane v45, v7  }
0xff: {  	v53 =	vadd.f32 v42, v62;
	v42 =	vadd.f32 v55, v54;
	v62 =	vmul.f32 v59, v27  }
0x100: {  	v39 =	vadd.f32 v50, v39;
	v54 =	vperm.xlane v45, v8;
	v59 =	vperm.xlane v45, v10  }
0x101: {  	v60 =	vperm.xlane v52, v0;
	v40 =	vmax.f32 v53, $1.000000020e-24;
	v42 =	vadd.f32 v58, v42  }
0x102: {  	v53 =	vmul.f32 v63, v28;
	v61 =	vshra.s32 v40, $0x1;
	v40 =	vmul.f32 $5.000000000e-01, v40  }
0x103: {  	v56 =	vmul.f32 v54, v29;
	v51 =	vsub.s32 $0x5F3759DF, v61;
	v42 =	vadd.f32 v62, v42  }
0x104: {  	v39 =	vadd.f32 v44, v39;
	v58 =	vmul.f32 v57, v30;
	v55 =	vmul.f32 v51, v40  }
0x105: {  	v63 =	vperm.xlane v45, v11;
	v54 =	vmul.f32 v60, v21;
	v42 =	vadd.f32 v53, v42  }
0x106: {  	v47 =	vadd.f32 v47, v39;
	v60 =	vperm.xlane v52, v2;
	v49 =	vmul.f32 v51, v55  }
0x107: {  	v61 =	vperm.xlane v52, v1;
	v62 =	vmul.f32 v59, v31;
	v42 =	vadd.f32 v56, v42  }
0x108: {  	v59 =	vperm.xlane v45, v13;
	v50 =	vmul.f32 v60, v23;
	v49 =	vsub.f32 $1.500000000e+00, v49  }
0x109: {  	v57 =	vmul.f32 v61, v22;
	v55 =	vmul.f32 v63, v32;
	v42 =	vadd.f32 v58, v42  }
0x10a: {  	v44 =	vadd.f32 v54, v34;
	v63 =	vperm.xlane v52, v3;
	v49 =	vmul.f32 v51, v49  }
0x10b: {  	v61 =	vmul.f32 v59, v35;
	v56 =	vperm.xlane v45, v12;
	v42 =	vadd.f32 v62, v42  }
0x10c: {  	v44 =	vadd.f32 v57, v44;
	v57 =	vmul.f32 v63, v24;
	v51 =	vmul.f32 v49, v40  }
0x10d: {  	v58 =	vmul.f32 v56, v33;
	v62 =	vperm.xlane v45, v14;
	v42 =	vadd.f32 v55, v42  }
0x10e: {  	v44 =	vadd.f32 v50, v44;
	v45 =	vperm.xlane v45, v15;
	v51 =	vmul.f32 v51, v49  }
0x10f: {  	v50 =	vperm.xlane v52, v6;
	v56 =	vmul.f32 v62, v36;
	v42 =	vadd.f32 v58, v42  }
0x110: {  	v59 =	vmul.f32 v45, v37;
	v58 =	vperm.xlane v52, v4;
	v51 =	vsub.f32 $1.500000000e+00, v51  }
0x111: {  	v55 =	vmul.f32 v50, v27;
	v42 =	vadd.f32 v61, v42;
	v61 =	vperm.xlane v52, v5  }
0x112: {  	v44 =	vadd.f32 v57, v44;
	v60 =	vmul.f32 v58, v25;
	v49 =	vmul.f32 v51, v49  }
0x113: {  	v51 =	vadd.f32 v48, v47;
	v42 =	vadd.f32 v56, v42;
	v63 =	vmul.f32 v61, v26  }
0x114: {  	v62 =	vadd.f32 v60, v44;
	v56 =	vperm.xlane v52, v7;
	v61 =	vperm.xlane v52, v8  }
0x115: {  	v40 =	vmul.f32 v49, v40;
	v57 =	vadd.f32 v41, v51;
	v39 =	vadd.f32 v59, v42  }
0x116: {  	v42 =	vadd.f32 v63, v62;
	v60 =	vmul.f32 v56, v28;
	v62 =	vperm.xlane v52, v9  }
0x117: {  	v63 =	vmul.f32 v61, v29;
	v61 =	vperm.xlane v52, v14  }
0x118: {  	v53 =	vmul.f32 v40, v49;
	v46 =	vmul.f32 v57, v57  }
0x119: {  	v40 =	vperm.xlane v52, v15;
	v54 =	vmul.f32 v39, v39  }
0x11a: {  	v42 =	vadd.f32 v55, v42;
	v47 =	vmul.f32 v62, v30;
	v55 =	vperm.xlane v52, v11  }
0x11b: {  	v50 =	vmul.f32 v61, v36;
	v58 =	vsub.f32 $1.500000000e+00, v53;
	v53 =	vperm.xlane v52, v10  }
0x11c: {  	s29 =	simm.s32 $0x50;
	[tilespmem:$0x1FFF0] =	vst v57;
	v59 =	vperm.xlane v54, v16;
	v42 =	vadd.f32 v60, v42;
	v60 =	vperm.xlane v52, v13  }
0x11d: {  	v41 =	vmul.f32 v58, v49;
	v56 =	vmul.f32 v53, v31;
	v49 =	vld [tilespmem:s29+$0x0]  }
0x11e: {  	v58 =	vperm.xlane v52, v12;
	v45 =	vadd.f32 v54, v59;
	v59 =	vmul.f32 v55, v32  }
0x11f: {  	v43 =	vadd.f32 v63, v42;
	v62 =	vmul.f32 v60, v35;
	v63 =	vperm.xlane v46, v16  }
0x120: {  	v42 =	vmul.f32 v41, v38;
	v54 =	vperm.xlane v45, v18  }
0x121: {  	v44 =	vmul.f32 v58, v33;
	v43 =	vadd.f32 v47, v43;
	v52 =	vadd.f32 v46, v63  }
0x122: {  	v51 =	vld [tilespmem:s29+$0xFFFFFFF0];
	v57 =	vadd.f32 v45, v54;
	v54 =	vmul.f32 v40, v37;
	v55 =	vperm.xlane v49, v0  }
0x123: {  	v38 =	vadd.f32 v56, v43;
	v56 =	vperm.xlane v52, v18;
	v58 =	vperm.xlane v49, v1  }
0x124: {  	v63 =	vperm.xlane v49, v3;
	v48 =	vperm.xlane v57, v19  }
0x125: {  	v38 =	vadd.f32 v59, v38;
	v59 =	vperm.xlane v49, v2;
	v61 =	vmul.f32 v58, v22  }
0x126: {  	v43 =	vadd.f32 v52, v56;
	v40 =	vmul.f32 v63, v24;
	v56 =	vperm.xlane v49, v4  }
0x127: {  	v63 =	vperm.xlane v51, v1;
	v41 =	vadd.f32 v57, v48;
	v57 =	vmul.f32 v55, v21  }
0x128: {  	v38 =	vadd.f32 v44, v38;
	v48 =	vperm.xlane v43, v19;
	v44 =	vmul.f32 v59, v23  }
0x129: {  	v58 =	vmul.f32 v56, v25;
	v53 =	vperm.xlane v41, v17;
	v60 =	vadd.f32 v57, v34  }
0x12a: {  	v59 =	vperm.xlane v49, v5;
	v55 =	vperm.xlane v51, v10;
	v38 =	vadd.f32 v62, v38  }
0x12b: {  	v41 =	vadd.f32 v41, v53;
	v45 =	vadd.f32 v61, v60;
	v60 =	vperm.xlane v51, v0  }
0x12c: {  	v38 =	vadd.f32 v50, v38;
	v61 =	vmul.f32 v59, v26;
	v59 =	vmul.f32 v63, v22  }
0x12d: {  	v63 =	vperm.xlane v51, v2;
	v41 =	vmax.f32 v41, $1.000000020e-24;
	v44 =	vadd.f32 v44, v45  }
0x12e: {  	v38 =	vadd.f32 v54, v38;
	v62 =	vshra.s32 v41, $0x1;
	v41 =	vmul.f32 $5.000000000e-01, v41  }
0x12f: {  	v53 =	vmul.f32 v60, v21;
	v47 =	vsub.s32 $0x5F3759DF, v62;
	v44 =	vadd.f32 v40, v44  }
0x130: {  	v62 =	vperm.xlane v49, v6;
	v57 =	vmul.f32 v47, v41  }
0x131: {  	v50 =	vmul.f32 v38, v38;
	v44 =	vadd.f32 v58, v44;
	v58 =	vperm.xlane v49, v7  }
0x132: {  	v43 =	vadd.f32 v43, v48;
	v52 =	vmul.f32 v47, v57;
	v57 =	vmul.f32 v62, v27  }
0x133: {  	v62 =	vadd.f32 v53, v34;
	v53 =	vmul.f32 v63, v23;
	v63 =	vperm.xlane v49, v11  }
0x134: {  	v44 =	vadd.f32 v61, v44;
	v60 =	vmul.f32 v58, v28;
	v61 =	vperm.xlane v49, v8  }
0x135: {  	v58 =	vperm.xlane v49, v9;
	v48 =	vadd.f32 v59, v62;
	v59 =	vperm.xlane v51, v3  }
0x136: {  	v52 =	vsub.f32 $1.500000000e+00, v52;
	v56 =	vmul.f32 v63, v32;
	v63 =	vperm.xlane v49, v14  }
0x137: {  	v44 =	vadd.f32 v57, v44;
	v57 =	vmul.f32 v61, v29;
	v61 =	vperm.xlane v49, v10  }
0x138: {  	v47 =	vmul.f32 v47, v52;
	v52 =	vmul.f32 v59, v24;
	v48 =	vadd.f32 v53, v48  }
0x139: {  	v53 =	vperm.xlane v51, v9;
	v44 =	vadd.f32 v60, v44;
	v62 =	vmul.f32 v61, v31  }
0x13a: {  	v61 =	vperm.xlane v51, v5;
	v40 =	vmul.f32 v47, v41  }
0x13b: {  	v60 =	vmul.f32 v58, v30;
	v44 =	vadd.f32 v57, v44;
	v57 =	vperm.xlane v49, v12  }
0x13c: {  	v48 =	vadd.f32 v52, v48;
	v52 =	vmul.f32 v61, v26;
	v54 =	vmul.f32 v40, v47  }
0x13d: {  	v61 =	vperm.xlane v43, v17;
	v40 =	vperm.xlane v51, v4  }
0x13e: {  	v44 =	vadd.f32 v60, v44;
	v59 =	vmul.f32 v57, v33;
	v54 =	vsub.f32 $1.500000000e+00, v54  }
0x13f: {  	v60 =	vperm.xlane v49, v13;
	v57 =	vmul.f32 v63, v36;
	v43 =	vadd.f32 v43, v61  }
0x140: {  	v61 =	vperm.xlane v51, v13;
	v44 =	vadd.f32 v62, v44;
	v47 =	vmul.f32 v54, v47  }
0x141: {  	v58 =	vmul.f32 v40, v25;
	v62 =	vmul.f32 v60, v35  }
0x142: {  	v60 =	vperm.xlane v51, v7;
	v44 =	vadd.f32 v56, v44;
	v41 =	vmul.f32 v47, v41  }
0x143: {  	v48 =	vadd.f32 v58, v48;
	v58 =	vperm.xlane v49, v15;
	v56 =	vperm.xlane v51, v6  }
0x144: {  	v63 =	vmul.f32 v60, v28;
	v44 =	vadd.f32 v59, v44;
	v41 =	vmul.f32 v41, v47  }
0x145: {  	v60 =	vperm.xlane v51, v12;
	v48 =	vadd.f32 v52, v48;
	v46 =	vmul.f32 v58, v37  }
0x146: {  	v59 =	vmul.f32 v56, v27;
	v44 =	vadd.f32 v62, v44;
	v41 =	vsub.f32 $1.500000000e+00, v41  }
0x147: {  	v58 =	vmul.f32 v55, v31;
	v62 =	vperm.xlane v51, v8  }
0x148: {  	v48 =	vadd.f32 v59, v48;
	v45 =	vadd.f32 v57, v44;
	v41 =	vmul.f32 v41, v47  }
0x149: {  	v43 =	vmax.f32 v43, $1.000000020e-24;
	v52 =	vmul.f32 v60, v33;
	v54 =	vmul.f32 v62, v29  }
0x14a: {  	v44 =	vmul.f32 v41, v39;
	v41 =	vadd.f32 v46, v45;
	v39 =	vadd.f32 v63, v48  }
0x14b: {  	v57 =	vperm.xlane v51, v11;
	v62 =	vshra.s32 v43, $0x1;
	v43 =	vmul.f32 $5.000000000e-01, v43  }
0x14c: {  	s30 =	simm.s32 $0x70;
	v45 =	vmul.f32 v53, v30;
	v56 =	vmul.f32 v41, v41;
	v39 =	vadd.f32 v54, v39  }
0x14d: {  	v49 =	vmul.f32 v57, v32;
	v63 =	vperm.xlane v51, v14;
	v48 =	vsub.s32 $0x5F3759DF, v62;
	v54 =	vld [tilespmem:s30+$0x0]  }
0x14e: {  	v51 =	vperm.xlane v51, v15;
	v59 =	vperm.xlane v56, v16;
	v39 =	vadd.f32 v45, v39  }
0x14f: {  	v60 =	vmul.f32 v48, v43;
	v45 =	vmul.f32 v61, v35  }
0x150: {  	v47 =	vadd.f32 v56, v59;
	v39 =	vadd.f32 v58, v39;
	v58 =	vperm.xlane v50, v16  }
0x151: {  	v59 =	vmul.f32 v63, v36;
	v56 =	vmul.f32 v48, v60  }
0x152: {  	v63 =	vperm.xlane v54, v0;
	v57 =	vperm.xlane v47, v18  }
0x153: {  	v60 =	vperm.xlane v54, v2;
	v39 =	vadd.f32 v49, v39;
	v50 =	vadd.f32 v50, v58  }
0x154: {  	v40 =	vperm.xlane v54, v6;
	v49 =	vmul.f32 v51, v37;
	v46 =	vadd.f32 v47, v57  }
0x155: {  	v58 =	vperm.xlane v54, v1;
	v39 =	vadd.f32 v52, v39;
	v62 =	vperm.xlane v50, v18  }
0x156: {  	v57 =	vmul.f32 v63, v21;
	v61 =	vperm.xlane v46, v19  }
0x157: {  	v52 =	vmul.f32 v58, v22;
	v39 =	vadd.f32 v45, v39;
	v50 =	vadd.f32 v50, v62  }
0x158: {  	v63 =	vmul.f32 v60, v23;
	v51 =	vadd.f32 v57, v34;
	v46 =	vadd.f32 v46, v61  }
0x159: {  	v45 =	vsub.f32 $1.500000000e+00, v56;
	v56 =	vperm.xlane v54, v3;
	v39 =	vadd.f32 v59, v39  }
0x15a: {  	v61 =	vperm.xlane v50, v19;
	v59 =	vperm.xlane v46, v17  }
0x15b: {  	v62 =	vadd.f32 v52, v51;
	v48 =	vmul.f32 v48, v45;
	v39 =	vadd.f32 v49, v39  }
0x15c: {  	v58 =	vmul.f32 v56, v24;
	v50 =	vadd.f32 v50, v61;
	v46 =	vadd.f32 v46, v59  }
0x15d: {  	v47 =	vadd.f32 v63, v62;
	v62 =	vperm.xlane v54, v5;
	v59 =	vperm.xlane v54, v4  }
0x15e: {  	v52 =	vmul.f32 v39, v39;
	v55 =	vperm.xlane v50, v17;
	v57 =	vmax.f32 v46, $1.000000020e-24;
	v46 =	vld [tilespmem:s30+$0xFFFFFFF0]  }
0x15f: {  	v47 =	vadd.f32 v58, v47;
	v63 =	vmul.f32 v62, v26;
	v61 =	vmul.f32 v59, v25  }
0x160: {  	v62 =	vperm.xlane v54, v7;
	v60 =	vshra.s32 v57, $0x1;
	v45 =	vmul.f32 $5.000000000e-01, v57  }
0x161: {  	v53 =	vsub.s32 $0x5F3759DF, v60;
	v47 =	vadd.f32 v61, v47;
	v61 =	vmul.f32 v40, v27  }
0x162: {  	v40 =	vperm.xlane v54, v8;
	v60 =	vmul.f32 v53, v45  }
0x163: {  	v47 =	vadd.f32 v63, v47;
	v63 =	vmul.f32 v62, v28;
	v56 =	vperm.xlane v46, v0  }
0x164: {  	v58 =	vperm.xlane v46, v1;
	v57 =	vmul.f32 v53, v60  }
0x165: {  	v60 =	vmul.f32 v40, v29;
	v62 =	vperm.xlane v46, v2;
	v47 =	vadd.f32 v61, v47  }
0x166: {  	v40 =	vperm.xlane v54, v10;
	v59 =	vperm.xlane v46, v4  }
0x167: {  	v61 =	vperm.xlane v54, v9;
	v57 =	vsub.f32 $1.500000000e+00, v57;
	v47 =	vadd.f32 v63, v47  }
0x168: {  	v56 =	vmul.f32 v56, v21;
	v58 =	vmul.f32 v58, v22  }
0x169: {  	v63 =	vmul.f32 v61, v30;
	v53 =	vmul.f32 v53, v57;
	v47 =	vadd.f32 v60, v47  }
0x16a: {  	v50 =	vadd.f32 v50, v55;
	v55 =	vmul.f32 v62, v23;
	v61 =	vperm.xlane v54, v11  }
0x16b: {  	v60 =	vmul.f32 v40, v31;
	v57 =	vmul.f32 v53, v45;
	v47 =	vadd.f32 v63, v47  }
0x16c: {  	v62 =	vperm.xlane v46, v3;
	v56 =	vadd.f32 v56, v34;
	v40 =	vperm.xlane v54, v12  }
0x16d: {  	v63 =	vmul.f32 v61, v32;
	v57 =	vmul.f32 v57, v53;
	v47 =	vadd.f32 v60, v47  }
0x16e: {  	v56 =	vadd.f32 v58, v56;
	v58 =	vmul.f32 v62, v24;
	v61 =	vperm.xlane v54, v13  }
0x16f: {  	v60 =	vmul.f32 v40, v33;
	v57 =	vsub.f32 $1.500000000e+00, v57;
	v47 =	vadd.f32 v63, v47  }
0x170: {  	v55 =	vadd.f32 v55, v56;
	v56 =	vmul.f32 v59, v25;
	v62 =	vmul.f32 v61, v35  }
0x171: {  	v63 =	vperm.xlane v54, v14;
	v53 =	vmul.f32 v57, v53;
	v47 =	vadd.f32 v60, v47  }
0x172: {  	v40 =	vperm.xlane v46, v5;
	v61 =	vperm.xlane v54, v15;
	v55 =	vadd.f32 v58, v55  }
0x173: {  	v60 =	vmul.f32 v63, v36;
	v45 =	vmul.f32 v53, v45;
	v47 =	vadd.f32 v62, v47  }
0x174: {  	v63 =	vmul.f32 v40, v26;
	v40 =	vperm.xlane v46, v6;
	v62 =	vadd.f32 v56, v55  }
0x175: {  	v45 =	vmul.f32 v45, v53;
	v47 =	vadd.f32 v60, v47;
	v60 =	vmul.f32 v61, v37  }
0x176: {  	v61 =	vadd.f32 v63, v62;
	v62 =	vmul.f32 v40, v27;
	v63 =	vperm.xlane v46, v7  }
0x177: {  	v56 =	vmul.f32 v48, v43;
	v40 =	vsub.f32 $1.500000000e+00, v45;
	v45 =	vadd.f32 v60, v47  }
0x178: {  	v59 =	vadd.f32 v62, v61;
	v60 =	vmul.f32 v63, v28;
	v61 =	vperm.xlane v46, v8  }
0x179: {  	v50 =	vmax.f32 v50, $1.000000020e-24;
	v62 =	vperm.xlane v46, v9;
	v54 =	vmul.f32 v45, v45  }
0x17a: {  	v53 =	vmul.f32 v40, v53;
	v47 =	vadd.f32 v60, v59;
	v63 =	vmul.f32 v61, v29  }
0x17b: {  	v51 =	vshra.s32 v50, $0x1;
	v40 =	vperm.xlane v46, v10;
	v60 =	vperm.xlane v54, v16  }
0x17c: {  	v55 =	vmul.f32 v62, v30;
	v61 =	vperm.xlane v46, v11;
	v49 =	vadd.f32 v63, v47  }
0x17d: {  	v62 =	vperm.xlane v46, v12;
	v47 =	vmul.f32 v53, v41;
	v53 =	vadd.f32 v54, v60  }
0x17e: {  	v41 =	vmul.f32 v40, v31;
	v63 =	vmul.f32 v61, v32;
	v49 =	vadd.f32 v55, v49  }
0x17f: {  	v51 =	vsub.s32 $0x5F3759DF, v51;
	v61 =	vperm.xlane v46, v14;
	v58 =	vperm.xlane v53, v18  }
0x180: {  	v60 =	vperm.xlane v46, v13;
	v54 =	vmul.f32 v62, v33;
	v41 =	vadd.f32 v41, v49  }
0x181: {  	v62 =	vperm.xlane v52, v16;
	v46 =	vperm.xlane v46, v15;
	v53 =	vadd.f32 v53, v58  }
0x182: {  	v57 =	vadd.f32 v63, v41;
	v41 =	vmul.f32 $5.000000000e-01, v50;
	v63 =	vmul.f32 v56, v48  }
0x183: {  	s31 =	simm.s32 $0x90;
	v49 =	vmul.f32 v60, v35;
	v52 =	vadd.f32 v52, v62;
	v40 =	vperm.xlane v53, v19  }
0x184: {  	v54 =	vadd.f32 v54, v57;
	v60 =	vmul.f32 v51, v41;
	v50 =	vsub.f32 $1.500000000e+00, v63;
	v57 =	vld [tilespmem:s31+$0x0]  }
0x185: {  	v61 =	vmul.f32 v61, v36;
	v62 =	vperm.xlane v52, v18;
	v53 =	vadd.f32 v53, v40  }
0x186: {  	v54 =	vadd.f32 v49, v54;
	v63 =	vmul.f32 v51, v60;
	v49 =	vmul.f32 v50, v48  }
0x187: {  	v46 =	vmul.f32 v46, v37;
	v50 =	vadd.f32 v52, v62;
	v40 =	vperm.xlane v53, v17  }
0x188: {  	v61 =	vadd.f32 v61, v54;
	v62 =	vsub.f32 $1.500000000e+00, v63;
	v63 =	vmul.f32 v49, v43  }
0x189: {  	v56 =	vperm.xlane v50, v19;
	v60 =	vperm.xlane v57, v0;
	v53 =	vadd.f32 v53, v40  }
0x18a: {  	v43 =	vadd.f32 v46, v61;
	v48 =	vmul.f32 v51, v62;
	v46 =	vmul.f32 v63, v49  }
0x18b: {  	v58 =	vld [tilespmem:s31+$0xFFFFFFF0];
	v62 =	vperm.xlane v57, v1;
	v61 =	vmul.f32 v60, v21;
	v53 =	vmax.f32 v53, $1.000000020e-24  }
0x18c: {  	v40 =	vperm.xlane v57, v2;
	v63 =	vshra.s32 v53, $0x1;
	v53 =	vmul.f32 $5.000000000e-01, v53  }
0x18d: {  	v52 =	vmul.f32 v62, v22;
	v51 =	vadd.f32 v61, v34;
	v55 =	vsub.s32 $0x5F3759DF, v63  }
0x18e: {  	v54 =	vperm.xlane v57, v7;
	v60 =	vmul.f32 v55, v53  }
0x18f: {  	v51 =	vadd.f32 v52, v51;
	v52 =	vmul.f32 v40, v23;
	v40 =	vperm.xlane v57, v3  }
0x190: {  	v50 =	vadd.f32 v50, v56;
	v62 =	vperm.xlane v58, v0;
	v60 =	vmul.f32 v55, v60  }
0x191: {  	v51 =	vadd.f32 v52, v51;
	v52 =	vmul.f32 v40, v24;
	v40 =	vperm.xlane v57, v4  }
0x192: {  	v63 =	vperm.xlane v58, v1;
	v62 =	vmul.f32 v62, v21;
	v60 =	vsub.f32 $1.500000000e+00, v60  }
0x193: {  	v51 =	vadd.f32 v52, v51;
	v52 =	vmul.f32 v40, v25;
	v40 =	vperm.xlane v57, v5  }
0x194: {  	v56 =	vmul.f32 v63, v22;
	v62 =	vadd.f32 v62, v34;
	v55 =	vmul.f32 v55, v60  }
0x195: {  	v51 =	vadd.f32 v52, v51;
	v52 =	vmul.f32 v40, v26;
	v40 =	vperm.xlane v57, v6  }
0x196: {  	v59 =	vmul.f32 v43, v43;
	v56 =	vadd.f32 v56, v62;
	v60 =	vmul.f32 v55, v53  }
0x197: {  	v62 =	vperm.xlane v57, v11;
	v51 =	vadd.f32 v52, v51;
	v52 =	vmul.f32 v40, v27  }
0x198: {  	v40 =	vperm.xlane v58, v2;
	v60 =	vmul.f32 v60, v55  }
0x199: {  	v51 =	vadd.f32 v52, v51;
	v52 =	vmul.f32 v54, v28;
	v54 =	vperm.xlane v57, v8  }
0x19a: {  	v63 =	vmul.f32 v40, v23;
	v40 =	vperm.xlane v58, v3  }
0x19b: {  	v51 =	vadd.f32 v52, v51;
	v52 =	vmul.f32 v54, v29;
	v54 =	vperm.xlane v57, v9  }
0x19c: {  	v60 =	vsub.f32 $1.500000000e+00, v60;
	v56 =	vadd.f32 v63, v56;
	v40 =	vmul.f32 v40, v24  }
0x19d: {  	v51 =	vadd.f32 v52, v51;
	v52 =	vmul.f32 v54, v30;
	v54 =	vperm.xlane v57, v10  }
0x19e: {  	v55 =	vmul.f32 v60, v55;
	v60 =	vperm.xlane v58, v4;
	v40 =	vadd.f32 v40, v56  }
0x19f: {  	v56 =	vperm.xlane v58, v5;
	v51 =	vadd.f32 v52, v51;
	v63 =	vmul.f32 v54, v31  }
0x1a0: {  	v60 =	vmul.f32 v60, v25;
	v53 =	vmul.f32 v55, v53  }
0x1a1: {  	v52 =	vmul.f32 v62, v32;
	v54 =	vperm.xlane v57, v12;
	v51 =	vadd.f32 v63, v51  }
0x1a2: {  	v40 =	vadd.f32 v60, v40;
	v53 =	vmul.f32 v53, v55;
	v60 =	vperm.xlane v58, v6  }
0x1a3: {  	v51 =	vadd.f32 v52, v51;
	v52 =	vmul.f32 v54, v33;
	v54 =	vperm.xlane v57, v13  }
0x1a4: {  	v56 =	vmul.f32 v56, v26;
	v62 =	vperm.xlane v57, v14;
	v53 =	vsub.f32 $1.500000000e+00, v53  }
0x1a5: {  	v60 =	vmul.f32 v60, v27;
	v51 =	vadd.f32 v52, v51;
	v63 =	vmul.f32 v54, v35  }
0x1a6: {  	v40 =	vadd.f32 v56, v40;
	v53 =	vmul.f32 v53, v55;
	v55 =	vperm.xlane v58, v7  }
0x1a7: {  	v56 =	vperm.xlane v50, v17;
	v51 =	vadd.f32 v63, v51;
	v63 =	vmul.f32 v62, v36  }
0x1a8: {  	v62 =	vperm.xlane v57, v15;
	v55 =	vmul.f32 v55, v28  }
0x1a9: {  	v40 =	vadd.f32 v60, v40;
	v57 =	vperm.xlane v58, v8;
	v60 =	vmul.f32 v53, v45  }
0x1aa: {  	v51 =	vadd.f32 v63, v51;
	v52 =	vmul.f32 v62, v37;
	v63 =	vperm.xlane v58, v9  }
0x1ab: {  	v40 =	vadd.f32 v55, v40;
	v54 =	vmul.f32 v57, v29;
	v57 =	vperm.xlane v58, v10  }
0x1ac: {  	v45 =	vadd.f32 v52, v51;
	v62 =	vmul.f32 v63, v30;
	v63 =	vperm.xlane v58, v11  }
0x1ad: {  	v51 =	vsub.f32 $1.500000000e+00, v46;
	v46 =	vmul.f32 v57, v31;
	v57 =	vperm.xlane v58, v12  }
0x1ae: {  	v61 =	vmul.f32 v48, v41;
	v40 =	vadd.f32 v54, v40;
	v54 =	vmul.f32 v45, v45  }
0x1af: {  	v50 =	vadd.f32 v50, v56;
	v53 =	vmul.f32 v63, v32;
	v55 =	vmul.f32 v57, v33  }
0x1b0: {  	v40 =	vadd.f32 v62, v40;
	v62 =	vperm.xlane v58, v13;
	v63 =	vperm.xlane v58, v14  }
0x1b1: {  	s17 =	simm.s32 $0x310;
	v50 =	vmax.f32 v50, $1.000000020e-24;
	v58 =	vperm.xlane v58, v15;
	v52 =	vperm.xlane v54, v16  }
0x1b2: {  	s16 =	simm.s32 $0x330;
	[tilespmem:s17+$0x0] =	vst v42;
	v40 =	vadd.f32 v46, v40;
	v56 =	vmul.f32 v62, v35;
	v62 =	vperm.xlane v59, v16  }
0x1b3: {  	s19 =	simm.s32 $0x350;
	[tilespmem:s16+$0x0] =	vst v44;
	v57 =	vadd.f32 v54, v52;
	v54 =	vmul.f32 v63, v36;
	v63 =	vmul.f32 v61, v48  }
0x1b4: {  	[tilespmem:s19+$0x0] =	vst v47;
	v52 =	vshra.s32 v50, $0x1;
	v40 =	vadd.f32 v53, v40  }
0x1b5: {  	v53 =	vmul.f32 v58, v37;
	v58 =	vadd.f32 v59, v62;
	v59 =	vsub.f32 $1.500000000e+00, v63;
	v63 =	vld [tilespmem:$0x1FFF0]  }
0x1b6: {  	v46 =	vsub.s32 $0x5F3759DF, v52;
	v52 =	vmul.f32 $5.000000000e-01, v50  }
0x1b7: {  	v62 =	vperm.xlane v57, v18  }
0x1b8: {  	v51 =	vmul.f32 v51, v49;
	v40 =	vadd.f32 v55, v40;
	v61 =	vmul.f32 v46, v52  }
0x1b9: {  	v50 =	vadd.f32 v57, v62;
	v62 =	vperm.xlane v58, v18  }
0x1ba: {  	s18 =	simm.s32 $0x370;
	v57 =	vadd.f32 v56, v40;
	v49 =	vmul.f32 v46, v61;
	v47 =	vmul.f32 v51, v63  }
0x1bb: {  	s20 =	simm.s32 $0x8;
	s21 =	simm.s32 $0xB0;
	[tilespmem:s18+$0x0] =	vst v60;
	v40 =	vmul.f32 v59, v48;
	v56 =	vperm.xlane v50, v19;
	v55 =	vadd.f32 v58, v62  }
.LBB2_2:
0x1bc: {  	v51 =	vld [tilespmem:s21+$0x0];
	s20 =	sadd.s32 $0x2, s20;
	v44 =	vadd.f32 v54, v57;
	v48 =	vsub.f32 $1.500000000e+00, v49;
	[tilespmem:s17+$0xFFFFFFF0] =	vst v47;
	v42 =	vmov v43;
	s17 =	smov.u32 s16;
	s16 =	smov.u32 s19  }
0x1bd: {  	s19 =	smov.u32 s18;
	v47 =	vld [tilespmem:s21+$0xFFFFFFF0];
	p0 =	slt.u32 s20, $0x12;
	v50 =	vadd.f32 v50, v56;
	v49 =	vperm.xlane v55, v19;
	v54 =	vmul.f32 v40, v41;
	v41 =	vmovc v52  }
0x1be: {  	v43 =	vadd.f32 v53, v44;
	v44 =	vmul.f32 v46, v48  }
0x1bf: {  	v46 =	vperm.xlane v50, v17;
	v52 =	vadd.f32 v55, v49;
	v53 =	vmul.f32 v54, v40  }
0x1c0: {  	v48 =	vmul.f32 v43, v43;
	v49 =	vmul.f32 v44, v41  }
0x1c1: {  	v54 =	vperm.xlane v51, v0;
	v46 =	vadd.f32 v50, v46;
	v55 =	vperm.xlane v52, v17  }
0x1c2: {  	v50 =	vsub.f32 $1.500000000e+00, v53;
	v56 =	vperm.xlane v47, v0;
	v57 =	vperm.xlane v47, v1  }
0x1c3: {  	v53 =	vmul.f32 v54, v21;
	v54 =	vperm.xlane v51, v1;
	v46 =	vmax.f32 v46, $1.000000020e-24  }
0x1c4: {  	v58 =	vperm.xlane v51, v2;
	v59 =	vshra.s32 v46, $0x1;
	v60 =	vmul.f32 $5.000000000e-01, v46  }
0x1c5: {  	v46 =	vadd.f32 v53, v34;
	v53 =	vmul.f32 v54, v22;
	v54 =	vsub.s32 $0x5F3759DF, v59  }
0x1c6: {  	v52 =	vadd.f32 v52, v55;
	v56 =	vmul.f32 v56, v21;
	v59 =	vmul.f32 v54, v60  }
0x1c7: {  	v55 =	vperm.xlane v51, v3;
	v46 =	vadd.f32 v53, v46;
	v53 =	vmul.f32 v58, v23  }
0x1c8: {  	v57 =	vmul.f32 v57, v22;
	v56 =	vadd.f32 v56, v34;
	v58 =	vmul.f32 v54, v59  }
0x1c9: {  	v46 =	vadd.f32 v53, v46;
	v53 =	vmul.f32 v55, v24;
	v55 =	vperm.xlane v51, v4  }
0x1ca: {  	v56 =	vadd.f32 v57, v56;
	v57 =	vperm.xlane v47, v2;
	v58 =	vsub.f32 $1.500000000e+00, v58  }
0x1cb: {  	v46 =	vadd.f32 v53, v46;
	v53 =	vmul.f32 v55, v25;
	v55 =	vperm.xlane v51, v5  }
0x1cc: {  	v52 =	vmax.f32 v52, $1.000000020e-24;
	v57 =	vmul.f32 v57, v23;
	v54 =	vmul.f32 v54, v58  }
0x1cd: {  	v46 =	vadd.f32 v53, v46;
	v53 =	vmul.f32 v55, v26;
	v55 =	vperm.xlane v51, v6  }
0x1ce: {  	v56 =	vadd.f32 v57, v56;
	v57 =	vperm.xlane v47, v3;
	v58 =	vmul.f32 v54, v60  }
0x1cf: {  	v46 =	vadd.f32 v53, v46;
	v53 =	vmul.f32 v55, v27;
	v55 =	vperm.xlane v51, v7  }
0x1d0: {  	v59 =	vshra.s32 v52, $0x1;
	v57 =	vmul.f32 v57, v24;
	v58 =	vmul.f32 v58, v54  }
0x1d1: {  	v46 =	vadd.f32 v53, v46;
	v53 =	vmul.f32 v55, v28;
	v55 =	vperm.xlane v51, v8  }
0x1d2: {  	v56 =	vadd.f32 v57, v56;
	v57 =	vperm.xlane v47, v4;
	v58 =	vsub.f32 $1.500000000e+00, v58  }
0x1d3: {  	v61 =	vperm.xlane v51, v9;
	v53 =	vadd.f32 v53, v46;
	v55 =	vmul.f32 v55, v29  }
0x1d4: {  	v57 =	vmul.f32 v57, v25;
	v46 =	vsub.s32 $0x5F3759DF, v59;
	v54 =	vmul.f32 v58, v54  }
0x1d5: {  	v58 =	vperm.xlane v51, v10;
	v53 =	vadd.f32 v55, v53;
	v55 =	vmul.f32 v61, v30  }
0x1d6: {  	v56 =	vadd.f32 v57, v56;
	v57 =	vperm.xlane v47, v5;
	v59 =	vmul.f32 v54, v60  }
0x1d7: {  	v53 =	vadd.f32 v55, v53;
	v55 =	vmul.f32 v58, v31;
	v58 =	vperm.xlane v51, v11  }
0x1d8: {  	v57 =	vmul.f32 v57, v26;
	v59 =	vmul.f32 v59, v54  }
0x1d9: {  	v53 =	vadd.f32 v55, v53;
	v55 =	vmul.f32 v58, v32;
	v58 =	vperm.xlane v51, v12  }
0x1da: {  	v56 =	vadd.f32 v57, v56;
	v57 =	vperm.xlane v47, v6;
	v59 =	vsub.f32 $1.500000000e+00, v59  }
0x1db: {  	v53 =	vadd.f32 v55, v53;
	v55 =	vmul.f32 v58, v33;
	v58 =	vperm.xlane v51, v13  }
0x1dc: {  	v57 =	vmul.f32 v57, v27;
	v54 =	vmul.f32 v59, v54  }
0x1dd: {  	v53 =	vadd.f32 v55, v53;
	v55 =	vmul.f32 v58, v35;
	v58 =	vperm.xlane v51, v14  }
0x1de: {  	v56 =	vadd.f32 v57, v56;
	v57 =	vperm.xlane v47, v7;
	v45 =	vmul.f32 v54, v45  }
0x1df: {  	s18 =	sadd.s32 $0x20, s18;
	v51 =	vperm.xlane v51, v15;
	v53 =	vadd.f32 v55, v53;
	v54 =	vmul.f32 v58, v36  }
0x1e0: {  	v55 =	vmul.f32 v57, v28;
	v57 =	vperm.xlane v47, v8;
	[tilespmem:s18+$0x0] =	vst v45  }
0x1e1: {  	v51 =	vmul.f32 v51, v37;
	v45 =	vperm.xlane v47, v9;
	v53 =	vadd.f32 v54, v53  }
0x1e2: {  	v54 =	vadd.f32 v55, v56;
	v55 =	vmul.f32 v57, v29;
	v56 =	vperm.xlane v47, v10  }
0x1e3: {  	v58 =	vperm.xlane v47, v11;
	v57 =	vmul.f32 v45, v30;
	v45 =	vadd.f32 v51, v53  }
0x1e4: {  	v51 =	vadd.f32 v55, v54;
	v53 =	vmul.f32 v56, v31;
	v54 =	vperm.xlane v47, v12  }
0x1e5: {  	v55 =	vmul.f32 v58, v32;
	v56 =	vmul.f32 v45, v45  }
0x1e6: {  	v51 =	vadd.f32 v57, v51;
	v57 =	vmul.f32 v54, v33;
	v54 =	vperm.xlane v47, v13  }
0x1e7: {  	v58 =	vperm.xlane v47, v14;
	v59 =	vperm.xlane v56, v16  }
0x1e8: {  	v47 =	vperm.xlane v47, v15;
	v51 =	vadd.f32 v53, v51;
	v60 =	vmul.f32 v54, v35  }
0x1e9: {  	v54 =	vmul.f32 v58, v36;
	v58 =	vperm.xlane v48, v16;
	v56 =	vadd.f32 v56, v59  }
0x1ea: {  	v52 =	vmul.f32 $5.000000000e-01, v52;
	v53 =	vmul.f32 v47, v37;
	v51 =	vadd.f32 v55, v51  }
.Ltmp0:
0x1eb: {  	v49 =	vmul.f32 v49, v44;
	v48 =	vadd.f32 v48, v58;
	v47 =	vperm.xlane v56, v18;
	(pc) =	sbr.rel @p0 .LBB2_2-.Ltmp0, $4  }
0x1ec: {  	v40 =	vmul.f32 v50, v40;
	v55 =	vmul.f32 v46, v52;
	v51 =	vadd.f32 v57, v51  }
0x1ed: {  	v59 =	vsub.f32 $1.500000000e+00, v49;
	v58 =	vperm.xlane v48, v18;
	v50 =	vadd.f32 v56, v47  }
0x1ee: {  	v49 =	vmul.f32 v46, v55;
	v57 =	vadd.f32 v60, v51;
	v47 =	vmul.f32 v40, v38;
	v38 =	vmovc v39  }
0x1ef: {  	s21 =	sadd.s32 $0x20, s21;
	v55 =	vadd.f32 v48, v58;
	v40 =	vmul.f32 v59, v44;
	v39 =	vmovc v42;
	v56 =	vperm.xlane v50, v19  }
0x1f0: {  	v21 =	vadd.f32 v54, v57;
	_ =	sdelay $0x1  }
0x1f1: {  	v21 =	vadd.f32 v53, v21;
	_ =	sdelay $0x1  }
0x1f2: {  	v22 =	vmul.f32 v21, v21;
	_ =	sdelay $0x1  }
0x1f3: {  	v23 =	vperm.xlane v22, v16;
	_ =	sdelay $0x1  }
0x1f4: {  	v22 =	vadd.f32 v22, v23;
	_ =	sdelay $0x1  }
0x1f5: {  	v23 =	vperm.xlane v22, v18;
	_ =	sdelay $0x1  }
0x1f6: {  	v24 =	vadd.f32 v50, v56;
	v22 =	vadd.f32 v22, v23  }
0x1f7: {  	v23 =	vperm.xlane v55, v19  }
0x1f8: {  	v25 =	vperm.xlane v24, v17;
	v26 =	vperm.xlane v22, v19  }
0x1f9: {  	v23 =	vadd.f32 v55, v23  }
0x1fa: {  	v24 =	vadd.f32 v24, v25;
	v22 =	vadd.f32 v22, v26  }
0x1fb: {  	v37 =	vperm.xlane v23, v17  }
0x1fc: {  	v24 =	vmax.f32 v24, $1.000000020e-24;
	v26 =	vperm.xlane v22, v17  }
0x1fd: {  	v27 =	vshra.s32 v24, $0x1;
	v24 =	vmul.f32 $5.000000000e-01, v24;
	v23 =	vadd.f32 v23, v37  }
0x1fe: {  	v42 =	vsub.s32 $0x5F3759DF, v27;
	v22 =	vadd.f32 v22, v26  }
0x1ff: {  	v44 =	vmul.f32 v42, v24;
	v23 =	vmax.f32 v23, $1.000000020e-24  }
0x200: {  	v48 =	vshra.s32 v23, $0x1;
	v23 =	vmul.f32 $5.000000000e-01, v23;
	v22 =	vmax.f32 v22, $1.000000020e-24  }
0x201: {  	v27 =	vsub.s32 $0x5F3759DF, v48;
	v28 =	vshra.s32 v22, $0x1;
	v22 =	vmul.f32 $5.000000000e-01, v22  }
0x202: {  	v26 =	vmul.f32 v42, v44;
	v29 =	vmul.f32 v27, v23;
	v28 =	vsub.s32 $0x5F3759DF, v28  }
0x203: {  	v30 =	vmul.f32 v28, v22  }
0x204: {  	v26 =	vsub.f32 $1.500000000e+00, v26;
	v29 =	vmul.f32 v27, v29  }
0x205: {  	v31 =	vsub.f32 $1.500000000e+00, v49;
	v30 =	vmul.f32 v28, v30  }
0x206: {  	v25 =	vmul.f32 v42, v26;
	v50 =	vsub.f32 $1.500000000e+00, v29  }
0x207: {  	v51 =	vmul.f32 v46, v31;
	v30 =	vsub.f32 $1.500000000e+00, v30  }
0x208: {  	v53 =	vmul.f32 v25, v24;
	v26 =	vmul.f32 v27, v50  }
0x209: {  	v54 =	vmul.f32 v51, v52;
	v28 =	vmul.f32 v28, v30  }
0x20a: {  	v55 =	vmul.f32 v53, v25;
	v56 =	vmul.f32 v26, v23  }
0x20b: {  	v27 =	vmul.f32 v54, v51;
	v32 =	vmul.f32 v28, v22  }
0x20c: {  	v30 =	vsub.f32 $1.500000000e+00, v55;
	v31 =	vmul.f32 v56, v26  }
0x20d: {  	v59 =	vmul.f32 v40, v41;
	v27 =	vsub.f32 $1.500000000e+00, v27;
	v32 =	vmul.f32 v32, v28  }
0x20e: {  	v25 =	vmul.f32 v30, v25;
	v57 =	vsub.f32 $1.500000000e+00, v31  }
0x20f: {  	v29 =	vmul.f32 v59, v40;
	v27 =	vmul.f32 v27, v51;
	v58 =	vsub.f32 $1.500000000e+00, v32  }
0x210: {  	v24 =	vmul.f32 v25, v24;
	v26 =	vmul.f32 v57, v26  }
0x211: {  	v60 =	vmul.f32 v27, v52;
	v28 =	vmul.f32 v58, v28  }
0x212: {  	v24 =	vmul.f32 v24, v25;
	v23 =	vmul.f32 v26, v23  }
0x213: {  	v29 =	vsub.f32 $1.500000000e+00, v29;
	v30 =	vmul.f32 v60, v27;
	v22 =	vmul.f32 v28, v22  }
0x214: {  	v24 =	vsub.f32 $1.500000000e+00, v24;
	v23 =	vmul.f32 v23, v26  }
0x215: {  	v29 =	vmul.f32 v29, v40;
	v61 =	vsub.f32 $1.500000000e+00, v30;
	v22 =	vmul.f32 v22, v28  }
0x216: {  	v24 =	vmul.f32 v24, v25;
	v23 =	vsub.f32 $1.500000000e+00, v23  }
0x217: {  	v62 =	vmul.f32 v29, v38;
	v25 =	vmul.f32 v61, v27;
	v22 =	vsub.f32 $1.500000000e+00, v22  }
0x218: {  	[tilespmem:s17+$0xFFFFFFF0] =	vst v47;
	v24 =	vmul.f32 v24, v45;
	v23 =	vmul.f32 v23, v26  }
0x219: {  	s20 =	sadd.s32 $0x20, s18;
	[tilespmem:s16+$0xFFFFFFF0] =	vst v62;
	v63 =	vmul.f32 v25, v39;
	v22 =	vmul.f32 v22, v28  }
0x21a: {  	[tilespmem:s20+$0x0] =	vst v24;
	v23 =	vmul.f32 v23, v43  }
0x21b: {  	[tilespmem:s19+$0xFFFFFFF0] =	vst v63;
	v21 =	vmul.f32 v22, v21  }
0x21c: {  	[tilespmem:s18+$0xFFFFFFF0] =	vst v23  }
0x21d: {  	s17 =	simm.s32 $0x0;
	s16 =	simm.s32 $0xFFFFFFFC;
	s18 =	simm.s32 $0x4A0;
	[tilespmem:s20+$0xFFFFFFF0] =	vst v21  }
.LBB2_4:
0x21e: {  	v21 =	vld [tilespmem:s18+$0xFFFFFFE0]  }
0x21f: {  	v34 =	vld [tilespmem:s18+$0xFFFFFFF0];
	_ =	sdelay $0x3  }
0x220: {  	v21 =	vshll.u32 v21, $0x4  }
0x221: {  	v34 =	vshll.u32 v34, $0x4  }
0x222: {  	v22 =	vor.u32 $0x1, v21  }
0x223: {  	v23 =	vor.u32 $0x2, v21  }
0x224: {  	v50 =	vld [tilespmem:s18+$0x0];
	v24 =	vor.u32 $0x3, v21  }
0x225: {  	v25 =	vor.u32 $0x4, v21;
	v26 =	vld.idx.msk [tilespmem:v21+s13+$0x0], $0xffff  }
0x226: {  	v27 =	vor.u32 $0x5, v21;
	v46 =	vld.idx.msk [tilespmem:v34+s13+$0x0], $0xffff  }
0x227: {  	v28 =	vor.u32 $0x6, v21;
	v22 =	vld.idx.msk [tilespmem:v22+s13+$0x0], $0xffff  }
0x228: {  	v29 =	vor.u32 $0x7, v21;
	v23 =	vld.idx.msk [tilespmem:v23+s13+$0x0], $0xffff  }
0x229: {  	v30 =	vor.u32 $0x8, v21;
	v24 =	vld.idx.msk [tilespmem:v24+s13+$0x0], $0xffff  }
0x22a: {  	v31 =	vor.u32 $0x9, v21;
	v25 =	vld.idx.msk [tilespmem:v25+s13+$0x0], $0xffff  }
0x22b: {  	v32 =	vor.u32 $0xA, v21;
	v27 =	vld.idx.msk [tilespmem:v27+s13+$0x0], $0xffff  }
0x22c: {  	v33 =	vor.u32 $0xB, v21;
	v28 =	vld.idx.msk [tilespmem:v28+s13+$0x0], $0xffff  }
0x22d: {  	v35 =	vor.u32 $0xC, v21;
	v29 =	vld.idx.msk [tilespmem:v29+s13+$0x0], $0xffff  }
0x22e: {  	v38 =	vmov s17;
	v36 =	vor.u32 $0xD, v21;
	v30 =	vld.idx.msk [tilespmem:v30+s13+$0x0], $0xffff  }
0x22f: {  	v38 =	vshll.u32 v38, $0x7;
	v37 =	vor.u32 $0xE, v21;
	v31 =	vld.idx.msk [tilespmem:v31+s13+$0x0], $0xffff  }
0x230: {  	v38 =	vor.u32 v20, v38;
	v21 =	vor.u32 $0xF, v21;
	v32 =	vld.idx.msk [tilespmem:v32+s13+$0x0], $0xffff  }
0x231: {  	v41 =	vor.u32 $0x1, v38;
	v39 =	vor.u32 $0x1, v34;
	v33 =	vld.idx.msk [tilespmem:v33+s13+$0x0], $0xffff  }
0x232: {  	v43 =	vor.u32 $0x2, v38;
	v40 =	vor.u32 $0x2, v34;
	v35 =	vld.idx.msk [tilespmem:v35+s13+$0x0], $0xffff  }
0x233: {  	v45 =	vor.u32 $0x3, v38;
	v42 =	vor.u32 $0x3, v34;
	v36 =	vld.idx.msk [tilespmem:v36+s13+$0x0], $0xffff  }
0x234: {  	v48 =	vor.u32 $0x4, v38;
	v44 =	vor.u32 $0x4, v34;
	v37 =	vld.idx.msk [tilespmem:v37+s13+$0x0], $0xffff  }
0x235: {  	v54 =	vor.u32 $0x5, v38;
	v47 =	vor.u32 $0x5, v34;
	v21 =	vld.idx.msk [tilespmem:v21+s13+$0x0], $0xffff;
	[tilespmem:v38+s14+$0x0] =	vst.idx.msk $0xffff, v26  }
0x236: {  	v49 =	vor.u32 $0x6, v34;
	v39 =	vld.idx.msk [tilespmem:v39+s13+$0x0], $0xffff;
	[tilespmem:v41+s14+$0x0] =	vst.idx.msk $0xffff, v22;
	v22 =	vor.u32 $0x6, v38  }
0x237: {  	v60 =	vor.u32 $0xA, v34;
	v40 =	vld.idx.msk [tilespmem:v40+s13+$0x0], $0xffff;
	[tilespmem:v43+s14+$0x0] =	vst.idx.msk $0xffff, v23;
	v23 =	vor.u32 $0x7, v38  }
0x238: {  	v57 =	vor.u32 $0x8, v38;
	v55 =	vor.u32 $0x7, v34;
	v41 =	vld.idx.msk [tilespmem:v42+s13+$0x0], $0xffff;
	[tilespmem:v45+s14+$0x0] =	vst.idx.msk $0xffff, v24  }
0x239: {  	v59 =	vor.u32 $0x9, v38;
	v56 =	vor.u32 $0x8, v34;
	v43 =	vld.idx.msk [tilespmem:v44+s13+$0x0], $0xffff;
	[tilespmem:v48+s14+$0x0] =	vst.idx.msk $0xffff, v25  }
0x23a: {  	v61 =	vor.u32 $0xA, v38;
	v62 =	vor.u32 $0xB, v34;
	v45 =	vld.idx.msk [tilespmem:v47+s13+$0x0], $0xffff;
	[tilespmem:v54+s14+$0x0] =	vst.idx.msk $0xffff, v27  }
0x23b: {  	v58 =	vor.u32 $0x9, v34;
	v48 =	vld.idx.msk [tilespmem:v49+s13+$0x0], $0xffff;
	[tilespmem:v22+s14+$0x0] =	vst.idx.msk $0xffff, v28;
	v22 =	vor.u32 $0xB, v38  }
0x23c: {  	v53 =	vor.u32 $0xD, v38;
	v49 =	vld.idx.msk [tilespmem:v60+s13+$0x0], $0xffff;
	v54 =	vor.u32 $0xE, v34;
	[tilespmem:v23+s14+$0x0] =	vst.idx.msk $0xffff, v29;
	v23 =	vor.u32 $0xC, v38  }
0x23d: {  	s19 =	sadd.s32 $0x10, s17;
	v63 =	vor.u32 $0xC, v34;
	v52 =	vor.u32 $0xD, v34;
	v34 =	vor.u32 $0xF, v34;
	v28 =	vld.idx.msk [tilespmem:v55+s13+$0x0], $0xffff;
	[tilespmem:v57+s14+$0x0] =	vst.idx.msk $0xffff, v30  }
0x23e: {  	v55 =	vor.u32 $0xE, v38;
	v29 =	vld.idx.msk [tilespmem:v56+s13+$0x0], $0xffff;
	v56 =	vmov s19;
	[tilespmem:v59+s14+$0x0] =	vst.idx.msk $0xffff, v31  }
0x23f: {  	v27 =	vld.idx.msk [tilespmem:v62+s13+$0x0], $0xffff;
	v57 =	vor.u32 $0xF, v38;
	v31 =	vshll.u32 v56, $0x7;
	[tilespmem:v61+s14+$0x0] =	vst.idx.msk $0xffff, v32  }
0x240: {  	v30 =	vld.idx.msk [tilespmem:v58+s13+$0x0], $0xffff;
	v32 =	vshll.u32 v50, $0x4;
	v31 =	vor.u32 v20, v31;
	[tilespmem:v22+s14+$0x0] =	vst.idx.msk $0xffff, v33  }
0x241: {  	v24 =	vld.idx.msk [tilespmem:v54+s13+$0x0], $0xffff;
	v58 =	vor.u32 $0x1, v32;
	v59 =	vor.u32 $0x1, v31;
	[tilespmem:v23+s14+$0x0] =	vst.idx.msk $0xffff, v35  }
0x242: {  	v25 =	vld.idx.msk [tilespmem:v34+s13+$0x0], $0xffff;
	v60 =	vor.u32 $0x2, v32;
	v61 =	vor.u32 $0x2, v31;
	[tilespmem:v53+s14+$0x0] =	vst.idx.msk $0xffff, v36  }
0x243: {  	v22 =	vld.idx.msk [tilespmem:v63+s13+$0x0], $0xffff;
	v62 =	vor.u32 $0x3, v32;
	v63 =	vor.u32 $0x3, v31;
	[tilespmem:v55+s14+$0x0] =	vst.idx.msk $0xffff, v37  }
0x244: {  	v50 =	vor.u32 $0x4, v32;
	v23 =	vld.idx.msk [tilespmem:v52+s13+$0x0], $0xffff;
	[tilespmem:v57+s14+$0x0] =	vst.idx.msk $0xffff, v21;
	v21 =	vor.u32 $0x4, v31  }
0x245: {  	v51 =	vor.u32 $0x5, v32;
	v52 =	vor.u32 $0x5, v31;
	v26 =	vld.idx.msk [tilespmem:v32+s13+$0x0], $0xffff;
	[tilespmem:v31+s14+$0x0] =	vst.idx.msk $0xffff, v46  }
0x246: {  	v54 =	vor.u32 $0x6, v31;
	v53 =	vor.u32 $0x6, v32;
	v33 =	vld.idx.msk [tilespmem:v58+s13+$0x0], $0xffff;
	[tilespmem:v59+s14+$0x0] =	vst.idx.msk $0xffff, v39  }
0x247: {  	v55 =	vor.u32 $0x7, v31;
	v38 =	vld.idx.msk [tilespmem:v60+s13+$0x0], $0xffff;
	[tilespmem:v61+s14+$0x0] =	vst.idx.msk $0xffff, v40  }
0x248: {  	v56 =	vor.u32 $0x7, v32;
	v57 =	vor.u32 $0x8, v31;
	v39 =	vld.idx.msk [tilespmem:v62+s13+$0x0], $0xffff;
	[tilespmem:v63+s14+$0x0] =	vst.idx.msk $0xffff, v41  }
0x249: {  	v37 =	vld.idx.msk [tilespmem:v50+s13+$0x0], $0xffff;
	v58 =	vor.u32 $0x8, v32;
	[tilespmem:v21+s14+$0x0] =	vst.idx.msk $0xffff, v43;
	v21 =	vor.u32 $0x9, v31  }
0x24a: {  	v42 =	vld.idx.msk [tilespmem:v51+s13+$0x0], $0xffff;
	v59 =	vor.u32 $0x9, v32;
	v60 =	vor.u32 $0xA, v31;
	[tilespmem:v52+s14+$0x0] =	vst.idx.msk $0xffff, v45  }
0x24b: {  	v62 =	vor.u32 $0xB, v31;
	v61 =	vor.u32 $0xA, v32;
	v45 =	vld.idx.msk [tilespmem:v53+s13+$0x0], $0xffff;
	[tilespmem:v54+s14+$0x0] =	vst.idx.msk $0xffff, v48  }
0x24c: {  	v63 =	vor.u32 $0xB, v32;
	v52 =	vld [tilespmem:s18+$0x10];
	v53 =	vor.u32 $0xC, v31;
	[tilespmem:v55+s14+$0x0] =	vst.idx.msk $0xffff, v28  }
0x24d: {  	s30 =	sadd.s32 $0x20, s17;
	v36 =	vld.idx.msk [tilespmem:v56+s13+$0x0], $0xffff;
	v54 =	vor.u32 $0xC, v32;
	v55 =	vor.u32 $0xD, v31;
	[tilespmem:v57+s14+$0x0] =	vst.idx.msk $0xffff, v29  }
0x24e: {  	v56 =	vor.u32 $0xD, v32;
	v34 =	vld.idx.msk [tilespmem:v58+s13+$0x0], $0xffff;
	v57 =	vmov s30;
	[tilespmem:v21+s14+$0x0] =	vst.idx.msk $0xffff, v30;
	v21 =	vor.u32 $0xE, v31  }
0x24f: {  	v50 =	vor.u32 $0xE, v32;
	v43 =	vld.idx.msk [tilespmem:v59+s13+$0x0], $0xffff;
	v31 =	vor.u32 $0xF, v31;
	v30 =	vshll.u32 v57, $0x7;
	[tilespmem:v60+s14+$0x0] =	vst.idx.msk $0xffff, v49  }
0x250: {  	v44 =	vld.idx.msk [tilespmem:v61+s13+$0x0], $0xffff;
	v32 =	vor.u32 $0xF, v32;
	v30 =	vor.u32 v20, v30;
	[tilespmem:v62+s14+$0x0] =	vst.idx.msk $0xffff, v27  }
0x251: {  	v35 =	vshll.u32 v52, $0x4;
	v27 =	vld.idx.msk [tilespmem:v63+s13+$0x0], $0xffff;
	v58 =	vor.u32 $0x1, v30;
	[tilespmem:v53+s14+$0x0] =	vst.idx.msk $0xffff, v22  }
0x252: {  	v59 =	vor.u32 $0x1, v35;
	v60 =	vor.u32 $0x2, v30;
	v22 =	vld.idx.msk [tilespmem:v54+s13+$0x0], $0xffff;
	[tilespmem:v55+s14+$0x0] =	vst.idx.msk $0xffff, v23  }
0x253: {  	v61 =	vor.u32 $0x2, v35;
	v62 =	vor.u32 $0x3, v30;
	v23 =	vld.idx.msk [tilespmem:v56+s13+$0x0], $0xffff;
	[tilespmem:v21+s14+$0x0] =	vst.idx.msk $0xffff, v24  }
0x254: {  	v52 =	vor.u32 $0x4, v30;
	v53 =	vor.u32 $0x4, v35;
	v21 =	vld.idx.msk [tilespmem:v50+s13+$0x0], $0xffff;
	[tilespmem:v31+s14+$0x0] =	vst.idx.msk $0xffff, v25  }
0x255: {  	v63 =	vor.u32 $0x3, v35;
	v54 =	vor.u32 $0x5, v30;
	v25 =	vld.idx.msk [tilespmem:v32+s13+$0x0], $0xffff;
	[tilespmem:v30+s14+$0x0] =	vst.idx.msk $0xffff, v26  }
0x256: {  	v55 =	vor.u32 $0x6, v30;
	v56 =	vor.u32 $0x6, v35;
	v47 =	vld.idx.msk [tilespmem:v35+s13+$0x0], $0xffff;
	[tilespmem:v58+s14+$0x0] =	vst.idx.msk $0xffff, v33  }
0x257: {  	v48 =	vor.u32 $0x5, v35;
	v57 =	vor.u32 $0x7, v30;
	v33 =	vld.idx.msk [tilespmem:v59+s13+$0x0], $0xffff;
	[tilespmem:v60+s14+$0x0] =	vst.idx.msk $0xffff, v38  }
0x258: {  	v58 =	vor.u32 $0x7, v35;
	v59 =	vor.u32 $0x8, v30;
	v38 =	vld.idx.msk [tilespmem:v61+s13+$0x0], $0xffff;
	[tilespmem:v62+s14+$0x0] =	vst.idx.msk $0xffff, v39  }
0x259: {  	v60 =	vor.u32 $0x8, v35;
	v61 =	vor.u32 $0x9, v30;
	v32 =	vld.idx.msk [tilespmem:v53+s13+$0x0], $0xffff;
	[tilespmem:v52+s14+$0x0] =	vst.idx.msk $0xffff, v37  }
0x25a: {  	v39 =	vld.idx.msk [tilespmem:v63+s13+$0x0], $0xffff;
	v62 =	vor.u32 $0x9, v35;
	v63 =	vor.u32 $0xA, v30;
	[tilespmem:v54+s14+$0x0] =	vst.idx.msk $0xffff, v42  }
0x25b: {  	v53 =	vor.u32 $0xB, v30;
	v40 =	vld.idx.msk [tilespmem:v56+s13+$0x0], $0xffff;
	v52 =	vor.u32 $0xA, v35;
	[tilespmem:v55+s14+$0x0] =	vst.idx.msk $0xffff, v45  }
0x25c: {  	v42 =	vld.idx.msk [tilespmem:v48+s13+$0x0], $0xffff;
	v54 =	vor.u32 $0xB, v35;
	v55 =	vor.u32 $0xC, v30;
	[tilespmem:v57+s14+$0x0] =	vst.idx.msk $0xffff, v36  }
0x25d: {  	s31 =	sadd.s32 $0x30, s17;
	v56 =	vor.u32 $0xC, v35;
	v36 =	vld.idx.msk [tilespmem:v58+s13+$0x0], $0xffff;
	v57 =	vor.u32 $0xD, v30;
	[tilespmem:v59+s14+$0x0] =	vst.idx.msk $0xffff, v34  }
0x25e: {  	v58 =	vor.u32 $0xD, v35;
	v34 =	vld.idx.msk [tilespmem:v60+s13+$0x0], $0xffff;
	v59 =	vor.u32 $0xE, v30;
	v60 =	vmov s31;
	[tilespmem:v61+s14+$0x0] =	vst.idx.msk $0xffff, v43  }
0x25f: {  	v37 =	vld.idx.msk [tilespmem:v62+s13+$0x0], $0xffff;
	v62 =	vor.u32 $0xF, v30;
	v61 =	vor.u32 $0xE, v35;
	[tilespmem:v63+s14+$0x0] =	vst.idx.msk $0xffff, v44;
	v63 =	vshll.u32 v60, $0x7  }
0x260: {  	v43 =	vld.idx.msk [tilespmem:v52+s13+$0x0], $0xffff;
	v35 =	vor.u32 $0xF, v35;
	[tilespmem:v53+s14+$0x0] =	vst.idx.msk $0xffff, v27;
	v48 =	vor.u32 v20, v63  }
0x261: {  	v45 =	vld.idx.msk [tilespmem:v54+s13+$0x0], $0xffff;
	[tilespmem:v55+s14+$0x0] =	vst.idx.msk $0xffff, v22;
	v50 =	vor.u32 $0x1, v48  }
0x262: {  	v22 =	vld.idx.msk [tilespmem:v56+s13+$0x0], $0xffff;
	v51 =	vor.u32 $0x2, v48;
	[tilespmem:v57+s14+$0x0] =	vst.idx.msk $0xffff, v23  }
0x263: {  	v30 =	vor.u32 $0x3, v48;
	v23 =	vld.idx.msk [tilespmem:v58+s13+$0x0], $0xffff;
	[tilespmem:v59+s14+$0x0] =	vst.idx.msk $0xffff, v21  }
0x264: {  	v53 =	vor.u32 $0x4, v48;
	v21 =	vld.idx.msk [tilespmem:v61+s13+$0x0], $0xffff;
	[tilespmem:v62+s14+$0x0] =	vst.idx.msk $0xffff, v25  }
0x265: {  	v54 =	vor.u32 $0x5, v48;
	v52 =	vld.idx.msk [tilespmem:v35+s13+$0x0], $0xffff;
	[tilespmem:v48+s14+$0x0] =	vst.idx.msk $0xffff, v47  }
0x266: {  	v55 =	vor.u32 $0x6, v48;
	[tilespmem:v50+s14+$0x0] =	vst.idx.msk $0xffff, v33  }
0x267: {  	v56 =	vor.u32 $0x7, v48;
	[tilespmem:v51+s14+$0x0] =	vst.idx.msk $0xffff, v38  }
0x268: {  	v57 =	vor.u32 $0x8, v48;
	[tilespmem:v30+s14+$0x0] =	vst.idx.msk $0xffff, v39  }
0x269: {  	v58 =	vor.u32 $0x9, v48;
	[tilespmem:v53+s14+$0x0] =	vst.idx.msk $0xffff, v32  }
0x26a: {  	v59 =	vor.u32 $0xA, v48;
	[tilespmem:v54+s14+$0x0] =	vst.idx.msk $0xffff, v42  }
0x26b: {  	v60 =	vor.u32 $0xB, v48;
	[tilespmem:v55+s14+$0x0] =	vst.idx.msk $0xffff, v40  }
0x26c: {  	v61 =	vor.u32 $0xC, v48;
	[tilespmem:v56+s14+$0x0] =	vst.idx.msk $0xffff, v36  }
0x26d: {  	v62 =	vor.u32 $0xD, v48;
	[tilespmem:v57+s14+$0x0] =	vst.idx.msk $0xffff, v34  }
0x26e: {  	s16 =	sadd.s32 $0x4, s16;
	v63 =	vor.u32 $0xE, v48;
	[tilespmem:v58+s14+$0x0] =	vst.idx.msk $0xffff, v37  }
0x26f: {  	p0 =	slt.u32 s16, $0x1C;
	v28 =	vor.u32 $0xF, v48;
	[tilespmem:v59+s14+$0x0] =	vst.idx.msk $0xffff, v43  }
.Ltmp1:
0x270: {  	[tilespmem:v60+s14+$0x0] =	vst.idx.msk $0xffff, v45;
	(pc) =	sbr.rel @p0 .LBB2_4-.Ltmp1, $4  }
0x271: {  	[tilespmem:v61+s14+$0x0] =	vst.idx.msk $0xffff, v22  }
0x272: {  	[tilespmem:v62+s14+$0x0] =	vst.idx.msk $0xffff, v23  }
0x273: {  	[tilespmem:v63+s14+$0x0] =	vst.idx.msk $0xffff, v21  }
0x274: {  	s17 =	sadd.s32 $0x40, s17;
	s18 =	sadd.s32 $0x40, s18;
	[tilespmem:v28+s14+$0x0] =	vst.idx.msk $0xffff, v52  }
0x275: {  	s15 =	sadd.s32 $0x1, s15  }
0x276: {  	p0 =	sne.s32 s15, s8  }
.Ltmp2:
0x277: {  	_ = 	snop;
	(pc) =	sbr.rel @p0 .LBB2_1-.Ltmp2, $4  }
0x278: {  	[hbm4b:s7+s3] =	stream.linear.scatter [tilespmem:s14], [sflag:$0x1], $0x10000, $0x38;
	[tilespmem:$0x10680] =	vst v63  }
0x279: {  	_ =	swait.ge [sflag:s9], $0x10000  }
0x27a: {  	[sflag:s9] =	ssyncset.done $0x0  }
0x27b: {  	[sflag:s9] =	ssyncadd.s32 $0xFFFF0000  }
0x27c: {  	_ =	sfence.sel $0x180000  }
0x27d: {  	[bflag:$0x0] =	sbarrier.arrive $0xFFFF  }
0x27e: {  	p0 =	sne.s32 s4, $0x0;
	_ =	strace $0x90000047  }
0x27f: {  	s0 =	sadd.s32 @!p0 $0x100000, s2;
	[bflag:$0x2] =	sbarrier.arrive $0xFFFF  }
0x280: {  	[sflag:s0] =	ssyncadd.tile.s32 @!p0 $0x1;
	_ =	shalt  }
.Lfunc_end2:
_tile_overlayer_lowered:
.L_overlay_start_2:
0x281: {  	(tag) =	ssettag $0x2  }
0x282: {  	s0 =	rddreg [dreg:$0x0];
	s2 =	stileid.u32  }
0x283: {  	s1 =	rddreg [dreg:$0x1];
	p0 =	sne.s32 s2, $0x0  }
0x284: {  	s3 =	rddreg [dreg:$0x2];
	[bflag:$0x3] =	sbarrier.arrive $0xFFFF;
	s2 =	simm.s32 @!p0 $0x1C01  }
0x285: {  	[timem:s3], [sflag:s2] =	dma.local @!p0 [hbm:s0], s1  }
0x286: {  	s0 =	simm.s32 @!p0 $0x1  }
0x287: {  	_ =	swait.ge @!p0 [sflag:s0], s1  }
0x288: {  	s1 =	ssub.s32 @!p0 $0x0, s1;
	[sflag:s0] =	ssyncset.done @!p0 $0x0  }
0x289: {  	[sflag:s0] =	ssyncadd.s32 @!p0 s1  }
0x28a: {  	[bflag:$0x3] =	sbarrier.arrive $0xFFFF  }
0x28b: {  	_ =	shalt  }

</sc_bundles>
